<compile_context>
chip_gen: v7x
topology: tpu7x:2x2x1
jax: 0.10.2.dev20260603
libtpu: 0.0.44.dev20260713+nightly
codegen_flags: <defaults>
</compile_context>

<pallas_src>
import functools

import jax
import jax.numpy as jnp
from jax import lax
from jax.experimental import pallas as pl
from jax.experimental.pallas import tpu as pltpu
from jax.experimental.pallas import tpu_sc as plsc

_VOCAB = 100000
_EMB = 32
_NCAT = 20
_NCONT = 6
_NFEAT = _NCAT + _NCONT

_NW = 32
_CH = 64
_KG = _CH * _NCAT // 128
_KC = _CH * _NCONT // 128
_PB = 32


def _prep_body(x_ref, out_ref):
    t = x_ref.shape[1]
    offs = lax.broadcasted_iota(jnp.int32, (t, _NCAT), 1) * _VOCAB
    for bb in range(_PB):
        cat = x_ref[bb, :, 0:_NCAT].astype(jnp.int32) + offs
        out_ref[pl.ds(bb * t, t), 0:_NCAT] = lax.bitcast_convert_type(
            cat, jnp.float32)
        out_ref[pl.ds(bb * t, t), _NCAT:_NFEAT] = x_ref[bb, :, _NCAT:_NFEAT]


def _build_sc(bt):
    pos_per_w = bt // _NW
    n_chunks = pos_per_w // _CH
    n_pairs = n_chunks // 2
    mesh = plsc.VectorSubcoreMesh(core_axis_name="c", subcore_axis_name="s")

    buf = lambda: [
        pltpu.VMEM((_CH, 32), jnp.float32),
        pltpu.VMEM((_CH * _NCAT,), jnp.int32),
        pltpu.VMEM((_CH * _NCAT,), jnp.int32),
        pltpu.VMEM((_CH * _NCONT,), jnp.int32),
        pltpu.VMEM((_CH * _NCAT, _EMB), jnp.float32),
        pltpu.VMEM((_CH * _NCONT, _EMB), jnp.float32),
        pltpu.SemaphoreType.DMA,
        pltpu.SemaphoreType.DMA,
    ]

    @functools.partial(
        pl.kernel,
        mesh=mesh,
        compiler_params=pltpu.CompilerParams(
            use_tc_tiling_on_sc=False, needs_layout_passes=False),
        out_type=jax.ShapeDtypeStruct((bt * _NFEAT, _EMB), jnp.float32),
        scratch_types=buf() + buf() + [
            pltpu.VMEM((_NCONT * _EMB,), jnp.float32),
            pltpu.VMEM((_NCONT * _EMB,), jnp.float32),
            pltpu.SemaphoreType.DMA,
        ],
    )
    def k(xmix_hbm, table_hbm, wc_hbm, bc_hbm, out_hbm,
          xv0, idxv0, dstv0, cdstv0, rows0, contv0, ssem0, xsem0,
          xv1, idxv1, dstv1, cdstv1, rows1, contv1, ssem1, xsem1,
          wcv, bcv, gsem):
        wid = lax.axis_index("s") * 2 + lax.axis_index("c")
        pltpu.sync_copy(wc_hbm, wcv)
        pltpu.sync_copy(bc_hbm, bcv)
        base_pos = wid * pos_per_w
        iota16 = lax.broadcasted_iota(jnp.int32, (16,), 0)
        bufs = [(xv0, idxv0, dstv0, cdstv0, rows0, contv0, ssem0, xsem0),
                (xv1, idxv1, dstv1, cdstv1, rows1, contv1, ssem1, xsem1)]

        def xfetch(c, b):
            xv, xsem = bufs[b][0], bufs[b][7]
            p0 = base_pos + c * _CH
            pltpu.async_copy(xmix_hbm.at[pl.ds(p0, _CH), :], xv, xsem)

        xfetch(0, 0)
        xfetch(1, 1)

        def do_chunk(c, b, warm):
            xv, idxv, dstv, cdstv, rows, contv, ssem, xsem = bufs[b]
            p0 = base_pos + c * _CH
            o0 = p0 * _NFEAT
            pltpu.make_async_copy(
                xmix_hbm.at[pl.ds(p0, _CH), :], xv, xsem).wait()
            if warm:
                pltpu.make_async_copy(rows, out_hbm.at[dstv], ssem).wait()
                pltpu.make_async_copy(contv, out_hbm.at[cdstv], ssem).wait()

            def blk_body(blk, _):
                i = iota16 + blk * 16
                d = (i.astype(jnp.float32) * (1.0 / _NCAT)).astype(jnp.int32)
                m = i - d * _NCAT
                gi = plsc.load_gather(xv, [d, m])
                idxv[pl.ds(blk * 16, 16)] = plsc.bitcast(gi, jnp.int32)
                dstv[pl.ds(blk * 16, 16)] = o0 + i + (_NFEAT - _NCAT) * d
                return 0

            lax.fori_loop(0, _CH * _NCAT // 16, blk_body, 0)

            def cblk_body(blk, _):
                r = iota16 + blk * 16
                d = (r.astype(jnp.float32) * (1.0 / _NCONT)).astype(jnp.int32)
                cdstv[pl.ds(blk * 16, 16)] = o0 + _NCAT + r + _NCAT * d
                return 0

            lax.fori_loop(0, _CH * _NCONT // 16, cblk_body, 0)

            gh = pltpu.async_copy(table_hbm.at[idxv], rows, gsem)

            wv = [[wcv[pl.ds(f * _EMB + h * 16, 16)] for h in range(2)]
                  for f in range(_NCONT)]
            bv = [[bcv[pl.ds(f * _EMB + h * 16, 16)] for h in range(2)]
                  for f in range(_NCONT)]

            def q_body(q, _):
                v = xv[q, pl.ds(16, 16)]
                for f in range(_NCONT):
                    xs = v[4 + f]
                    for h in range(2):
                        pre = wv[f][h] * xs + bv[f][h]
                        contv[q * _NCONT + f, pl.ds(h * 16, 16)] = (
                            pre / (1.0 + jnp.exp(-pre)))
                return 0

            lax.fori_loop(0, _CH, q_body, 0)

            gh.wait()
            pltpu.async_copy(rows, out_hbm.at[dstv], ssem)
            pltpu.async_copy(contv, out_hbm.at[cdstv], ssem)
            cn = jnp.minimum(c + 2, n_chunks - 1)
            pn = base_pos + cn * _CH
            pltpu.async_copy(xmix_hbm.at[pl.ds(pn, _CH), :], xv, xsem)

        do_chunk(0, 0, False)
        do_chunk(1, 1, False)

        def pair_body(k_, carry):
            do_chunk(2 * k_, 0, True)
            do_chunk(2 * k_ + 1, 1, True)
            return carry

        lax.fori_loop(1, n_pairs, pair_body, 0)
        do_chunk(n_chunks - 1, 0, True)

        for b in range(2):
            xv, idxv, dstv, cdstv, rows, contv, ssem, xsem = bufs[b]
            pltpu.make_async_copy(rows, out_hbm.at[dstv], ssem).wait()
            pltpu.make_async_copy(contv, out_hbm.at[cdstv], ssem).wait()
            pltpu.make_async_copy(
                xmix_hbm.at[pl.ds(base_pos, _CH), :], xv, xsem).wait()

    return k


def kernel(x, tables, Wc, bc):
    B, T, _ = x.shape
    ncat, vocab, emb = tables.shape
    bt = B * T
    table2d = tables.reshape(ncat * vocab, emb)

    xmix = pl.pallas_call(
        _prep_body,
        grid=(B // _PB,),
        in_specs=[pl.BlockSpec((_PB, T, _NFEAT), lambda b: (b, 0, 0))],
        out_specs=pl.BlockSpec((_PB * T, 32), lambda b: (b, 0)),
        out_shape=jax.ShapeDtypeStruct((bt, 32), jnp.float32),
    )(x)

    staging = _build_sc(bt)(xmix, table2d, Wc.reshape(-1), bc.reshape(-1))
    return staging.reshape(B, T, _NFEAT, emb)

# --- scband reference (transcript-rebuilt; emitter-appended) ---
"""Pipeline reference for scband-feature-projector-27968827031921 (READ-ONLY COPY).

The authoritative reference and input builder live on the scoring server;
editing this copy changes nothing except your own understanding.
"""

import jax, jax.numpy as jnp
import numpy as np

VOCAB = 100000
EMB = 32
NCAT = 20
NFEAT = 26
B = 1024
T = 50


def setup_inputs(seed: int = 0) -> dict:
    key = jax.random.key(seed)
    k1, k2, k3, k4 = jax.random.split(key, 4)
    # x holds integer-valued floats; categorical columns (0..19) are cast to int32 in forward
    x = jax.random.randint(k1, (B, T, NFEAT), 0, VOCAB).astype(jnp.float32)
    # one embedding table per categorical feature, stacked: [NCAT, VOCAB, EMB]
    tables = jax.random.normal(k2, (NCAT, VOCAB, EMB), dtype=jnp.float32) * 0.02
    # padding_idx=0 in torch nn.Embedding -> row 0 is zeros
    tables = tables.at[:, 0, :].set(0.0)
    # Linear(1, EMB) per continuous feature: weight [EMB, 1] -> stacked [6, EMB], bias [6, EMB]
    Wc = jax.random.normal(k3, (NFEAT - NCAT, EMB), dtype=jnp.float32) * 0.5
    bc = jax.random.normal(k4, (NFEAT - NCAT, EMB), dtype=jnp.float32) * 0.1
    return {"x": x, "tables": tables, "Wc": Wc, "bc": bc}


def reference(x, tables, Wc, bc):
    # TokenEmbedding: gather per categorical feature index
    idx = x[:, :, :NCAT].astype(jnp.int32)  # [B, T, NCAT]
    cat_outs = [jnp.take(tables[j], idx[:, :, j], axis=0) for j in range(NCAT)]  # each [B, T, EMB]
    # Continuous projections: SiLU(Linear(1 -> EMB))
    cont_outs = []
    for j, i in enumerate(range(NCAT, NFEAT)):
        pre = x[:, :, i, None] * Wc[j][None, None, :] + bc[j][None, None, :]
        cont_outs.append(jax.nn.silu(pre))
    out = jnp.stack(cat_outs + cont_outs, axis=2)  # [B, T, NFEAT, EMB]
    return out

if __name__ == "__main__":
    import jax
    _d = setup_inputs()
    print(jax.jit(kernel)(*tuple(_d.values())))

</pallas_src>

<mosaic_0001>
#map = affine_map<(d0, d1) -> (0, 0)>
#map1 = affine_map<(d0, d1) -> (0)>
module attributes {stable_mosaic.version = 14 : i64} {
  func.func @k(%arg0: i32, %arg1: i32, %arg2: memref<51200x32xf32, #tpu.memory_space<hbm>>, %arg3: memref<2000000x32xf32, #tpu.memory_space<hbm>>, %arg4: memref<192xf32, #tpu.memory_space<hbm>>, %arg5: memref<192xf32, #tpu.memory_space<hbm>>, %arg6: memref<1331200x32xf32, #tpu.memory_space<hbm>>, %arg7: memref<64x32xf32, #tpu.memory_space<vmem>>, %arg8: memref<1280xi32, #tpu.memory_space<vmem>>, %arg9: memref<1280xi32, #tpu.memory_space<vmem>>, %arg10: memref<384xi32, #tpu.memory_space<vmem>>, %arg11: memref<1280x32xf32, #tpu.memory_space<vmem>>, %arg12: memref<384x32xf32, #tpu.memory_space<vmem>>, %arg13: memref<!tpu.dma_semaphore, #tpu.memory_space<semaphore_mem>>, %arg14: memref<!tpu.dma_semaphore, #tpu.memory_space<semaphore_mem>>, %arg15: memref<64x32xf32, #tpu.memory_space<vmem>>, %arg16: memref<1280xi32, #tpu.memory_space<vmem>>, %arg17: memref<1280xi32, #tpu.memory_space<vmem>>, %arg18: memref<384xi32, #tpu.memory_space<vmem>>, %arg19: memref<1280x32xf32, #tpu.memory_space<vmem>>, %arg20: memref<384x32xf32, #tpu.memory_space<vmem>>, %arg21: memref<!tpu.dma_semaphore, #tpu.memory_space<semaphore_mem>>, %arg22: memref<!tpu.dma_semaphore, #tpu.memory_space<semaphore_mem>>, %arg23: memref<192xf32, #tpu.memory_space<vmem>>, %arg24: memref<192xf32, #tpu.memory_space<vmem>>, %arg25: memref<!tpu.dma_semaphore, #tpu.memory_space<semaphore_mem>>) attributes {dimension_semantics = [#tpu.dimension_semantics<core_parallel>, #tpu.dimension_semantics<subcore_parallel>], iteration_bounds = array<i64: 2, 16>, scalar_prefetch = 0 : i64, scratch_operands = 19 : i64, tpu.core_type = #tpu.core_type<sc_vector_subcore>, window_params = [{transform_indices = #map}, {transform_indices = #map}, {transform_indices = #map1}, {transform_indices = #map1}, {transform_indices = #map}]} {
    %mul3A = arith.constant 2 : i32
    %mul3A_0 = arith.muli %arg1, %mul3A : i32
    %add3A = arith.addi %mul3A_0, %arg0 : i32
    "tpu.region"() ({
      %run_scoped3A = tpu.sem_alloc : memref<!tpu.dma_semaphore, #tpu.memory_space<semaphore_mem>>
      tpu.enqueue_dma source(%arg4 : memref<192xf32, #tpu.memory_space<hbm>>) target(%arg23 : memref<192xf32, #tpu.memory_space<vmem>>) target_semaphore(%run_scoped3A : memref<!tpu.dma_semaphore, #tpu.memory_space<semaphore_mem>>)
      tpu.wait_dma2 semaphore(%run_scoped3A : memref<!tpu.dma_semaphore, #tpu.memory_space<semaphore_mem>>) src(%arg4 : memref<192xf32, #tpu.memory_space<hbm>>) dst(%arg23 : memref<192xf32, #tpu.memory_space<vmem>>)
      tpu.yield
    }) : () -> ()
    "tpu.region"() ({
      %run_scoped3A = tpu.sem_alloc : memref<!tpu.dma_semaphore, #tpu.memory_space<semaphore_mem>>
      tpu.enqueue_dma source(%arg5 : memref<192xf32, #tpu.memory_space<hbm>>) target(%arg24 : memref<192xf32, #tpu.memory_space<vmem>>) target_semaphore(%run_scoped3A : memref<!tpu.dma_semaphore, #tpu.memory_space<semaphore_mem>>)
      tpu.wait_dma2 semaphore(%run_scoped3A : memref<!tpu.dma_semaphore, #tpu.memory_space<semaphore_mem>>) src(%arg5 : memref<192xf32, #tpu.memory_space<hbm>>) dst(%arg24 : memref<192xf32, #tpu.memory_space<vmem>>)
      tpu.yield
    }) : () -> ()
    %mul3A_1 = arith.constant 1600 : i32
    %mul3A_2 = arith.muli %add3A, %mul3A_1 : i32
    %iota3A = tpu.iota {dimensions = array<i32: 0>} : vector<16xi32>
    %add3A_3 = arith.constant 0 : i32
    %add3A_4 = arith.addi %mul3A_2, %add3A_3 : i32
    %dma_start3A = arith.constant 0 : i32
    %dma_start3A_5 = tpu.memref_slice %arg2[%add3A_4, %dma_start3A] : memref<51200x32xf32, #tpu.memory_space<hbm>> -> memref<64x32xf32, #tpu.memory_space<hbm>>
    %dma_start3A_6 = arith.constant 0 : i32
    %dma_start3A_7 = tpu.memref_slice %arg2[%add3A_4, %dma_start3A_6] : memref<51200x32xf32, #tpu.memory_space<hbm>> -> memref<64x32xf32, #tpu.memory_space<hbm>>
    tpu.enqueue_dma source(%dma_start3A_7 : memref<64x32xf32, #tpu.memory_space<hbm>>) target(%arg7 : memref<64x32xf32, #tpu.memory_space<vmem>>) target_semaphore(%arg14 : memref<!tpu.dma_semaphore, #tpu.memory_space<semaphore_mem>>)
    %add3A_8 = arith.constant 64 : i32
    %add3A_9 = arith.addi %mul3A_2, %add3A_8 : i32
    %dma_start3A_10 = arith.constant 0 : i32
    %dma_start3A_11 = tpu.memref_slice %arg2[%add3A_9, %dma_start3A_10] : memref<51200x32xf32, #tpu.memory_space<hbm>> -> memref<64x32xf32, #tpu.memory_space<hbm>>
    %dma_start3A_12 = arith.constant 0 : i32
    %dma_start3A_13 = tpu.memref_slice %arg2[%add3A_9, %dma_start3A_12] : memref<51200x32xf32, #tpu.memory_space<hbm>> -> memref<64x32xf32, #tpu.memory_space<hbm>>
    tpu.enqueue_dma source(%dma_start3A_13 : memref<64x32xf32, #tpu.memory_space<hbm>>) target(%arg15 : memref<64x32xf32, #tpu.memory_space<vmem>>) target_semaphore(%arg22 : memref<!tpu.dma_semaphore, #tpu.memory_space<semaphore_mem>>)
    %add3A_14 = arith.constant 0 : i32
    %add3A_15 = arith.addi %mul3A_2, %add3A_14 : i32
    %mul3A_16 = arith.constant 26 : i32
    %mul3A_17 = arith.muli %add3A_15, %mul3A_16 : i32
    %dma_wait3A = arith.constant 0 : i32
    %dma_wait3A_18 = tpu.memref_slice %arg2[%add3A_15, %dma_wait3A] : memref<51200x32xf32, #tpu.memory_space<hbm>> -> memref<64x32xf32, #tpu.memory_space<hbm>>
    %dma_wait3A_19 = arith.constant 0 : i32
    %dma_wait3A_20 = tpu.memref_slice %arg2[%add3A_15, %dma_wait3A_19] : memref<51200x32xf32, #tpu.memory_space<hbm>> -> memref<64x32xf32, #tpu.memory_space<hbm>>
    tpu.wait_dma2 semaphore(%arg14 : memref<!tpu.dma_semaphore, #tpu.memory_space<semaphore_mem>>) src(%dma_wait3A_20 : memref<64x32xf32, #tpu.memory_space<hbm>>) dst(%arg7 : memref<64x32xf32, #tpu.memory_space<vmem>>)
    %scan3A = arith.constant 0 : i32
    %scan3A_21 = arith.constant 0 : i32
    %scan3A_22 = arith.constant 80 : i32
    %scan3A_23 = arith.addi %scan3A_21, %scan3A_22 : i32
    %scan3A_24 = arith.constant 1 : i32
    %scan3A_25 = scf.for %scan3A_339 = %scan3A_21 to %scan3A_23 step %scan3A_24 iter_args(%scan3A_340 = %scan3A) -> (i32)  : i32 {
      %mul3A_341 = arith.constant 16 : i32
      %mul3A_342 = arith.muli %scan3A_339, %mul3A_341 : i32
      %add3A_343 = vector.broadcast %mul3A_342 : i32 to vector<16xi32>
      %add3A_344 = arith.addi %iota3A, %add3A_343 : vector<16xi32>
      %convert_element_type3A = arith.sitofp %add3A_344 : vector<16xi32> to vector<16xf32>
      %mul3A_345 = arith.constant 5.000000e-02 : f32
      %mul3A_346 = vector.broadcast %mul3A_345 : f32 to vector<16xf32>
      %mul3A_347 = arith.mulf %convert_element_type3A, %mul3A_346 : vector<16xf32>
      %convert_element_type3A_348 = arith.fptosi %mul3A_347 : vector<16xf32> to vector<16xi32>
      %mul3A_349 = arith.constant 20 : i32
      %mul3A_350 = vector.broadcast %mul3A_349 : i32 to vector<16xi32>
      %mul3A_351 = arith.muli %convert_element_type3A_348, %mul3A_350 : vector<16xi32>
      %sub3A = arith.subi %add3A_344, %mul3A_351 : vector<16xi32>
      %gather3A = tpu.vector_load_idx %arg7[%convert_element_type3A_348, %sub3A] : memref<64x32xf32, #tpu.memory_space<vmem>>[vector<16xi32>, vector<16xi32>], vector<16xf32>,
      %bitcast3A = vector.bitcast %gather3A : vector<16xf32> to vector<16xi32>
      %mul3A_352 = arith.constant 16 : i32
      %mul3A_353 = arith.muli %scan3A_339, %mul3A_352 : i32
      %swap3A = arith.index_cast %mul3A_353 : i32 to index
      %swap3A_354 = tpu.vector_load %arg8[%swap3A] {strides = array<i32>} : memref<1280xi32, #tpu.memory_space<vmem>>, vector<16xi32>,
      tpu.vector_store %arg8[%swap3A], %bitcast3A {strides = array<i32>} : memref<1280xi32, #tpu.memory_space<vmem>>, vector<16xi32>,
      %add3A_355 = vector.broadcast %mul3A_17 : i32 to vector<16xi32>
      %add3A_356 = arith.addi %add3A_355, %add3A_344 : vector<16xi32>
      %mul3A_357 = arith.constant 6 : i32
      %mul3A_358 = vector.broadcast %mul3A_357 : i32 to vector<16xi32>
      %mul3A_359 = arith.muli %mul3A_358, %convert_element_type3A_348 : vector<16xi32>
      %add3A_360 = arith.addi %add3A_356, %mul3A_359 : vector<16xi32>
      %mul3A_361 = arith.constant 16 : i32
      %mul3A_362 = arith.muli %scan3A_339, %mul3A_361 : i32
      %swap3A_363 = arith.index_cast %mul3A_362 : i32 to index
      %swap3A_364 = tpu.vector_load %arg9[%swap3A_363] {strides = array<i32>} : memref<1280xi32, #tpu.memory_space<vmem>>, vector<16xi32>,
      tpu.vector_store %arg9[%swap3A_363], %add3A_360 {strides = array<i32>} : memref<1280xi32, #tpu.memory_space<vmem>>, vector<16xi32>,
      %scan3A_365 = arith.constant 0 : i32
      scf.yield %scan3A_365 : i32
    }
    %scan3A_26 = arith.constant 80 : i32
    %scan3A_27 = arith.constant 0 : i32
    %scan3A_28 = arith.constant 0 : i32
    %scan3A_29 = arith.constant 24 : i32
    %scan3A_30 = arith.addi %scan3A_28, %scan3A_29 : i32
    %scan3A_31 = arith.constant 1 : i32
    %scan3A_32 = scf.for %scan3A_339 = %scan3A_28 to %scan3A_30 step %scan3A_31 iter_args(%scan3A_340 = %scan3A_27) -> (i32)  : i32 {
      %mul3A_341 = arith.constant 16 : i32
      %mul3A_342 = arith.muli %scan3A_339, %mul3A_341 : i32
      %add3A_343 = vector.broadcast %mul3A_342 : i32 to vector<16xi32>
      %add3A_344 = arith.addi %iota3A, %add3A_343 : vector<16xi32>
      %convert_element_type3A = arith.sitofp %add3A_344 : vector<16xi32> to vector<16xf32>
      %mul3A_345 = arith.constant 0.166666672 : f32
      %mul3A_346 = vector.broadcast %mul3A_345 : f32 to vector<16xf32>
      %mul3A_347 = arith.mulf %convert_element_type3A, %mul3A_346 : vector<16xf32>
      %convert_element_type3A_348 = arith.fptosi %mul3A_347 : vector<16xf32> to vector<16xi32>
      %add3A_349 = arith.constant 20 : i32
      %add3A_350 = arith.addi %mul3A_17, %add3A_349 : i32
      %add3A_351 = vector.broadcast %add3A_350 : i32 to vector<16xi32>
      %add3A_352 = arith.addi %add3A_351, %add3A_344 : vector<16xi32>
      %mul3A_353 = arith.constant 20 : i32
      %mul3A_354 = vector.broadcast %mul3A_353 : i32 to vector<16xi32>
      %mul3A_355 = arith.muli %mul3A_354, %convert_element_type3A_348 : vector<16xi32>
      %add3A_356 = arith.addi %add3A_352, %mul3A_355 : vector<16xi32>
      %mul3A_357 = arith.constant 16 : i32
      %mul3A_358 = arith.muli %scan3A_339, %mul3A_357 : i32
      %swap3A = arith.index_cast %mul3A_358 : i32 to index
      %swap3A_359 = tpu.vector_load %arg10[%swap3A] {strides = array<i32>} : memref<384xi32, #tpu.memory_space<vmem>>, vector<16xi32>,
      tpu.vector_store %arg10[%swap3A], %add3A_356 {strides = array<i32>} : memref<384xi32, #tpu.memory_space<vmem>>, vector<16xi32>,
      %scan3A_360 = arith.constant 0 : i32
      scf.yield %scan3A_360 : i32
    }
    %scan3A_33 = arith.constant 24 : i32
    %dma_start3A_34 = arith.constant 0 : i32
    %dma_start3A_35 = arith.constant 0 : i32
    %dma_start3A_36 = tpu.memref_slice %arg3[%dma_start3A_34, %dma_start3A_35] : memref<2000000x32xf32, #tpu.memory_space<hbm>> -> memref<2000000x32xf32, #tpu.memory_space<hbm>>
    tpu.enqueue_indirect_dma source(%dma_start3A_36 : memref<2000000x32xf32, #tpu.memory_space<hbm>>) target(%arg11 : memref<1280x32xf32, #tpu.memory_space<vmem>>) offsets(%arg8 : memref<1280xi32, #tpu.memory_space<vmem>>) semaphore(%arg25 : memref<!tpu.dma_semaphore, #tpu.memory_space<semaphore_mem>>)
    %get3A = arith.constant 0 : index
    %get3A_37 = tpu.vector_load %arg23[%get3A] {strides = array<i32>} : memref<192xf32, #tpu.memory_space<vmem>>, vector<16xf32>,
    %get3A_38 = arith.constant 16 : index
    %get3A_39 = tpu.vector_load %arg23[%get3A_38] {strides = array<i32>} : memref<192xf32, #tpu.memory_space<vmem>>, vector<16xf32>,
    %get3A_40 = arith.constant 32 : index
    %get3A_41 = tpu.vector_load %arg23[%get3A_40] {strides = array<i32>} : memref<192xf32, #tpu.memory_space<vmem>>, vector<16xf32>,
    %get3A_42 = arith.constant 48 : index
    %get3A_43 = tpu.vector_load %arg23[%get3A_42] {strides = array<i32>} : memref<192xf32, #tpu.memory_space<vmem>>, vector<16xf32>,
    %get3A_44 = arith.constant 64 : index
    %get3A_45 = tpu.vector_load %arg23[%get3A_44] {strides = array<i32>} : memref<192xf32, #tpu.memory_space<vmem>>, vector<16xf32>,
    %get3A_46 = arith.constant 80 : index
    %get3A_47 = tpu.vector_load %arg23[%get3A_46] {strides = array<i32>} : memref<192xf32, #tpu.memory_space<vmem>>, vector<16xf32>,
    %get3A_48 = arith.constant 96 : index
    %get3A_49 = tpu.vector_load %arg23[%get3A_48] {strides = array<i32>} : memref<192xf32, #tpu.memory_space<vmem>>, vector<16xf32>,
    %get3A_50 = arith.constant 112 : index
    %get3A_51 = tpu.vector_load %arg23[%get3A_50] {strides = array<i32>} : memref<192xf32, #tpu.memory_space<vmem>>, vector<16xf32>,
    %get3A_52 = arith.constant 128 : index
    %get3A_53 = tpu.vector_load %arg23[%get3A_52] {strides = array<i32>} : memref<192xf32, #tpu.memory_space<vmem>>, vector<16xf32>,
    %get3A_54 = arith.constant 144 : index
    %get3A_55 = tpu.vector_load %arg23[%get3A_54] {strides = array<i32>} : memref<192xf32, #tpu.memory_space<vmem>>, vector<16xf32>,
    %get3A_56 = arith.constant 160 : index
    %get3A_57 = tpu.vector_load %arg23[%get3A_56] {strides = array<i32>} : memref<192xf32, #tpu.memory_space<vmem>>, vector<16xf32>,
    %get3A_58 = arith.constant 176 : index
    %get3A_59 = tpu.vector_load %arg23[%get3A_58] {strides = array<i32>} : memref<192xf32, #tpu.memory_space<vmem>>, vector<16xf32>,
    %get3A_60 = arith.constant 0 : index
    %get3A_61 = tpu.vector_load %arg24[%get3A_60] {strides = array<i32>} : memref<192xf32, #tpu.memory_space<vmem>>, vector<16xf32>,
    %get3A_62 = arith.constant 16 : index
    %get3A_63 = tpu.vector_load %arg24[%get3A_62] {strides = array<i32>} : memref<192xf32, #tpu.memory_space<vmem>>, vector<16xf32>,
    %get3A_64 = arith.constant 32 : index
    %get3A_65 = tpu.vector_load %arg24[%get3A_64] {strides = array<i32>} : memref<192xf32, #tpu.memory_space<vmem>>, vector<16xf32>,
    %get3A_66 = arith.constant 48 : index
    %get3A_67 = tpu.vector_load %arg24[%get3A_66] {strides = array<i32>} : memref<192xf32, #tpu.memory_space<vmem>>, vector<16xf32>,
    %get3A_68 = arith.constant 64 : index
    %get3A_69 = tpu.vector_load %arg24[%get3A_68] {strides = array<i32>} : memref<192xf32, #tpu.memory_space<vmem>>, vector<16xf32>,
    %get3A_70 = arith.constant 80 : index
    %get3A_71 = tpu.vector_load %arg24[%get3A_70] {strides = array<i32>} : memref<192xf32, #tpu.memory_space<vmem>>, vector<16xf32>,
    %get3A_72 = arith.constant 96 : index
    %get3A_73 = tpu.vector_load %arg24[%get3A_72] {strides = array<i32>} : memref<192xf32, #tpu.memory_space<vmem>>, vector<16xf32>,
    %get3A_74 = arith.constant 112 : index
    %get3A_75 = tpu.vector_load %arg24[%get3A_74] {strides = array<i32>} : memref<192xf32, #tpu.memory_space<vmem>>, vector<16xf32>,
    %get3A_76 = arith.constant 128 : index
    %get3A_77 = tpu.vector_load %arg24[%get3A_76] {strides = array<i32>} : memref<192xf32, #tpu.memory_space<vmem>>, vector<16xf32>,
    %get3A_78 = arith.constant 144 : index
    %get3A_79 = tpu.vector_load %arg24[%get3A_78] {strides = array<i32>} : memref<192xf32, #tpu.memory_space<vmem>>, vector<16xf32>,
    %get3A_80 = arith.constant 160 : index
    %get3A_81 = tpu.vector_load %arg24[%get3A_80] {strides = array<i32>} : memref<192xf32, #tpu.memory_space<vmem>>, vector<16xf32>,
    %get3A_82 = arith.constant 176 : index
    %get3A_83 = tpu.vector_load %arg24[%get3A_82] {strides = array<i32>} : memref<192xf32, #tpu.memory_space<vmem>>, vector<16xf32>,
    %scan3A_84 = arith.constant 0 : i32
    %scan3A_85 = arith.constant 0 : i32
    %scan3A_86 = arith.constant 64 : i32
    %scan3A_87 = arith.addi %scan3A_85, %scan3A_86 : i32
    %scan3A_88 = arith.constant 1 : i32
    %scan3A_89 = scf.for %scan3A_339 = %scan3A_85 to %scan3A_87 step %scan3A_88 iter_args(%scan3A_340 = %scan3A_84) -> (i32)  : i32 {
      %get3A_341 = arith.index_cast %scan3A_339 : i32 to index
      %get3A_342 = arith.constant 16 : index
      %get3A_343 = tpu.vector_load %arg7[%get3A_341, %get3A_342] {strides = array<i32>} : memref<64x32xf32, #tpu.memory_space<vmem>>, vector<16xf32>,
      %slice3A = vector.extract_strided_slice %get3A_343 {offsets = [4], sizes = [1], strides = [1]} : vector<16xf32> to vector<1xf32>
      %squeeze3A = vector.extract %slice3A[0] : f32 from vector<1xf32>
      %mul3A_344 = vector.broadcast %squeeze3A : f32 to vector<16xf32>
      %mul3A_345 = arith.mulf %get3A_37, %mul3A_344 : vector<16xf32>
      %add3A_346 = arith.addf %mul3A_345, %get3A_61 : vector<16xf32>
      %neg3A = arith.constant 0.000000e+00 : f32
      %neg3A_347 = vector.broadcast %neg3A : f32 to vector<16xf32>
      %neg3A_348 = arith.subf %neg3A_347, %add3A_346 : vector<16xf32>
      %exp3A = math.exp %neg3A_348 : vector<16xf32>
      %add3A_349 = arith.constant 1.000000e+00 : f32
      %add3A_350 = vector.broadcast %add3A_349 : f32 to vector<16xf32>
      %add3A_351 = arith.addf %add3A_350, %exp3A : vector<16xf32>
      %div3A = arith.divf %add3A_346, %add3A_351 : vector<16xf32>
      %mul3A_352 = arith.constant 6 : i32
      %mul3A_353 = arith.muli %scan3A_339, %mul3A_352 : i32
      %add3A_354 = arith.constant 0 : i32
      %add3A_355 = arith.addi %mul3A_353, %add3A_354 : i32
      %swap3A = arith.index_cast %add3A_355 : i32 to index
      %swap3A_356 = arith.constant 0 : index
      %swap3A_357 = tpu.vector_load %arg12[%swap3A, %swap3A_356] {strides = array<i32>} : memref<384x32xf32, #tpu.memory_space<vmem>>, vector<16xf32>,
      tpu.vector_store %arg12[%swap3A, %swap3A_356], %div3A {strides = array<i32>} : memref<384x32xf32, #tpu.memory_space<vmem>>, vector<16xf32>,
      %mul3A_358 = vector.broadcast %squeeze3A : f32 to vector<16xf32>
      %mul3A_359 = arith.mulf %get3A_39, %mul3A_358 : vector<16xf32>
      %add3A_360 = arith.addf %mul3A_359, %get3A_63 : vector<16xf32>
      %neg3A_361 = arith.constant 0.000000e+00 : f32
      %neg3A_362 = vector.broadcast %neg3A_361 : f32 to vector<16xf32>
      %neg3A_363 = arith.subf %neg3A_362, %add3A_360 : vector<16xf32>
      %exp3A_364 = math.exp %neg3A_363 : vector<16xf32>
      %add3A_365 = arith.constant 1.000000e+00 : f32
      %add3A_366 = vector.broadcast %add3A_365 : f32 to vector<16xf32>
      %add3A_367 = arith.addf %add3A_366, %exp3A_364 : vector<16xf32>
      %div3A_368 = arith.divf %add3A_360, %add3A_367 : vector<16xf32>
      %mul3A_369 = arith.constant 6 : i32
      %mul3A_370 = arith.muli %scan3A_339, %mul3A_369 : i32
      %add3A_371 = arith.constant 0 : i32
      %add3A_372 = arith.addi %mul3A_370, %add3A_371 : i32
      %swap3A_373 = arith.index_cast %add3A_372 : i32 to index
      %swap3A_374 = arith.constant 16 : index
      %swap3A_375 = tpu.vector_load %arg12[%swap3A_373, %swap3A_374] {strides = array<i32>} : memref<384x32xf32, #tpu.memory_space<vmem>>, vector<16xf32>,
      tpu.vector_store %arg12[%swap3A_373, %swap3A_374], %div3A_368 {strides = array<i32>} : memref<384x32xf32, #tpu.memory_space<vmem>>, vector<16xf32>,
      %slice3A_376 = vector.extract_strided_slice %get3A_343 {offsets = [5], sizes = [1], strides = [1]} : vector<16xf32> to vector<1xf32>
      %squeeze3A_377 = vector.extract %slice3A_376[0] : f32 from vector<1xf32>
      %mul3A_378 = vector.broadcast %squeeze3A_377 : f32 to vector<16xf32>
      %mul3A_379 = arith.mulf %get3A_41, %mul3A_378 : vector<16xf32>
      %add3A_380 = arith.addf %mul3A_379, %get3A_65 : vector<16xf32>
      %neg3A_381 = arith.constant 0.000000e+00 : f32
      %neg3A_382 = vector.broadcast %neg3A_381 : f32 to vector<16xf32>
      %neg3A_383 = arith.subf %neg3A_382, %add3A_380 : vector<16xf32>
      %exp3A_384 = math.exp %neg3A_383 : vector<16xf32>
      %add3A_385 = arith.constant 1.000000e+00 : f32
      %add3A_386 = vector.broadcast %add3A_385 : f32 to vector<16xf32>
      %add3A_387 = arith.addf %add3A_386, %exp3A_384 : vector<16xf32>
      %div3A_388 = arith.divf %add3A_380, %add3A_387 : vector<16xf32>
      %mul3A_389 = arith.constant 6 : i32
      %mul3A_390 = arith.muli %scan3A_339, %mul3A_389 : i32
      %add3A_391 = arith.constant 1 : i32
      %add3A_392 = arith.addi %mul3A_390, %add3A_391 : i32
      %swap3A_393 = arith.index_cast %add3A_392 : i32 to index
      %swap3A_394 = arith.constant 0 : index
      %swap3A_395 = tpu.vector_load %arg12[%swap3A_393, %swap3A_394] {strides = array<i32>} : memref<384x32xf32, #tpu.memory_space<vmem>>, vector<16xf32>,
      tpu.vector_store %arg12[%swap3A_393, %swap3A_394], %div3A_388 {strides = array<i32>} : memref<384x32xf32, #tpu.memory_space<vmem>>, vector<16xf32>,
      %mul3A_396 = vector.broadcast %squeeze3A_377 : f32 to vector<16xf32>
      %mul3A_397 = arith.mulf %get3A_43, %mul3A_396 : vector<16xf32>
      %add3A_398 = arith.addf %mul3A_397, %get3A_67 : vector<16xf32>
      %neg3A_399 = arith.constant 0.000000e+00 : f32
      %neg3A_400 = vector.broadcast %neg3A_399 : f32 to vector<16xf32>
      %neg3A_401 = arith.subf %neg3A_400, %add3A_398 : vector<16xf32>
      %exp3A_402 = math.exp %neg3A_401 : vector<16xf32>
      %add3A_403 = arith.constant 1.000000e+00 : f32
      %add3A_404 = vector.broadcast %add3A_403 : f32 to vector<16xf32>
      %add3A_405 = arith.addf %add3A_404, %exp3A_402 : vector<16xf32>
      %div3A_406 = arith.divf %add3A_398, %add3A_405 : vector<16xf32>
      %mul3A_407 = arith.constant 6 : i32
      %mul3A_408 = arith.muli %scan3A_339, %mul3A_407 : i32
      %add3A_409 = arith.constant 1 : i32
      %add3A_410 = arith.addi %mul3A_408, %add3A_409 : i32
      %swap3A_411 = arith.index_cast %add3A_410 : i32 to index
      %swap3A_412 = arith.constant 16 : index
      %swap3A_413 = tpu.vector_load %arg12[%swap3A_411, %swap3A_412] {strides = array<i32>} : memref<384x32xf32, #tpu.memory_space<vmem>>, vector<16xf32>,
      tpu.vector_store %arg12[%swap3A_411, %swap3A_412], %div3A_406 {strides = array<i32>} : memref<384x32xf32, #tpu.memory_space<vmem>>, vector<16xf32>,
      %slice3A_414 = vector.extract_strided_slice %get3A_343 {offsets = [6], sizes = [1], strides = [1]} : vector<16xf32> to vector<1xf32>
      %squeeze3A_415 = vector.extract %slice3A_414[0] : f32 from vector<1xf32>
      %mul3A_416 = vector.broadcast %squeeze3A_415 : f32 to vector<16xf32>
      %mul3A_417 = arith.mulf %get3A_45, %mul3A_416 : vector<16xf32>
      %add3A_418 = arith.addf %mul3A_417, %get3A_69 : vector<16xf32>
      %neg3A_419 = arith.constant 0.000000e+00 : f32
      %neg3A_420 = vector.broadcast %neg3A_419 : f32 to vector<16xf32>
      %neg3A_421 = arith.subf %neg3A_420, %add3A_418 : vector<16xf32>
      %exp3A_422 = math.exp %neg3A_421 : vector<16xf32>
      %add3A_423 = arith.constant 1.000000e+00 : f32
      %add3A_424 = vector.broadcast %add3A_423 : f32 to vector<16xf32>
      %add3A_425 = arith.addf %add3A_424, %exp3A_422 : vector<16xf32>
      %div3A_426 = arith.divf %add3A_418, %add3A_425 : vector<16xf32>
      %mul3A_427 = arith.constant 6 : i32
      %mul3A_428 = arith.muli %scan3A_339, %mul3A_427 : i32
      %add3A_429 = arith.constant 2 : i32
      %add3A_430 = arith.addi %mul3A_428, %add3A_429 : i32
      %swap3A_431 = arith.index_cast %add3A_430 : i32 to index
      %swap3A_432 = arith.constant 0 : index
      %swap3A_433 = tpu.vector_load %arg12[%swap3A_431, %swap3A_432] {strides = array<i32>} : memref<384x32xf32, #tpu.memory_space<vmem>>, vector<16xf32>,
      tpu.vector_store %arg12[%swap3A_431, %swap3A_432], %div3A_426 {strides = array<i32>} : memref<384x32xf32, #tpu.memory_space<vmem>>, vector<16xf32>,
      %mul3A_434 = vector.broadcast %squeeze3A_415 : f32 to vector<16xf32>
      %mul3A_435 = arith.mulf %get3A_47, %mul3A_434 : vector<16xf32>
      %add3A_436 = arith.addf %mul3A_435, %get3A_71 : vector<16xf32>
      %neg3A_437 = arith.constant 0.000000e+00 : f32
      %neg3A_438 = vector.broadcast %neg3A_437 : f32 to vector<16xf32>
      %neg3A_439 = arith.subf %neg3A_438, %add3A_436 : vector<16xf32>
      %exp3A_440 = math.exp %neg3A_439 : vector<16xf32>
      %add3A_441 = arith.constant 1.000000e+00 : f32
      %add3A_442 = vector.broadcast %add3A_441 : f32 to vector<16xf32>
      %add3A_443 = arith.addf %add3A_442, %exp3A_440 : vector<16xf32>
      %div3A_444 = arith.divf %add3A_436, %add3A_443 : vector<16xf32>
      %mul3A_445 = arith.constant 6 : i32
      %mul3A_446 = arith.muli %scan3A_339, %mul3A_445 : i32
      %add3A_447 = arith.constant 2 : i32
      %add3A_448 = arith.addi %mul3A_446, %add3A_447 : i32
      %swap3A_449 = arith.index_cast %add3A_448 : i32 to index
      %swap3A_450 = arith.constant 16 : index
      %swap3A_451 = tpu.vector_load %arg12[%swap3A_449, %swap3A_450] {strides = array<i32>} : memref<384x32xf32, #tpu.memory_space<vmem>>, vector<16xf32>,
      tpu.vector_store %arg12[%swap3A_449, %swap3A_450], %div3A_444 {strides = array<i32>} : memref<384x32xf32, #tpu.memory_space<vmem>>, vector<16xf32>,
      %slice3A_452 = vector.extract_strided_slice %get3A_343 {offsets = [7], sizes = [1], strides = [1]} : vector<16xf32> to vector<1xf32>
      %squeeze3A_453 = vector.extract %slice3A_452[0] : f32 from vector<1xf32>
      %mul3A_454 = vector.broadcast %squeeze3A_453 : f32 to vector<16xf32>
      %mul3A_455 = arith.mulf %get3A_49, %mul3A_454 : vector<16xf32>
      %add3A_456 = arith.addf %mul3A_455, %get3A_73 : vector<16xf32>
      %neg3A_457 = arith.constant 0.000000e+00 : f32
      %neg3A_458 = vector.broadcast %neg3A_457 : f32 to vector<16xf32>
      %neg3A_459 = arith.subf %neg3A_458, %add3A_456 : vector<16xf32>
      %exp3A_460 = math.exp %neg3A_459 : vector<16xf32>
      %add3A_461 = arith.constant 1.000000e+00 : f32
      %add3A_462 = vector.broadcast %add3A_461 : f32 to vector<16xf32>
      %add3A_463 = arith.addf %add3A_462, %exp3A_460 : vector<16xf32>
      %div3A_464 = arith.divf %add3A_456, %add3A_463 : vector<16xf32>
      %mul3A_465 = arith.constant 6 : i32
      %mul3A_466 = arith.muli %scan3A_339, %mul3A_465 : i32
      %add3A_467 = arith.constant 3 : i32
      %add3A_468 = arith.addi %mul3A_466, %add3A_467 : i32
      %swap3A_469 = arith.index_cast %add3A_468 : i32 to index
      %swap3A_470 = arith.constant 0 : index
      %swap3A_471 = tpu.vector_load %arg12[%swap3A_469, %swap3A_470] {strides = array<i32>} : memref<384x32xf32, #tpu.memory_space<vmem>>, vector<16xf32>,
      tpu.vector_store %arg12[%swap3A_469, %swap3A_470], %div3A_464 {strides = array<i32>} : memref<384x32xf32, #tpu.memory_space<vmem>>, vector<16xf32>,
      %mul3A_472 = vector.broadcast %squeeze3A_453 : f32 to vector<16xf32>
      %mul3A_473 = arith.mulf %get3A_51, %mul3A_472 : vector<16xf32>
      %add3A_474 = arith.addf %mul3A_473, %get3A_75 : vector<16xf32>
      %neg3A_475 = arith.constant 0.000000e+00 : f32
      %neg3A_476 = vector.broadcast %neg3A_475 : f32 to vector<16xf32>
      %neg3A_477 = arith.subf %neg3A_476, %add3A_474 : vector<16xf32>
      %exp3A_478 = math.exp %neg3A_477 : vector<16xf32>
      %add3A_479 = arith.constant 1.000000e+00 : f32
      %add3A_480 = vector.broadcast %add3A_479 : f32 to vector<16xf32>
      %add3A_481 = arith.addf %add3A_480, %exp3A_478 : vector<16xf32>
      %div3A_482 = arith.divf %add3A_474, %add3A_481 : vector<16xf32>
      %mul3A_483 = arith.constant 6 : i32
      %mul3A_484 = arith.muli %scan3A_339, %mul3A_483 : i32
      %add3A_485 = arith.constant 3 : i32
      %add3A_486 = arith.addi %mul3A_484, %add3A_485 : i32
      %swap3A_487 = arith.index_cast %add3A_486 : i32 to index
      %swap3A_488 = arith.constant 16 : index
      %swap3A_489 = tpu.vector_load %arg12[%swap3A_487, %swap3A_488] {strides = array<i32>} : memref<384x32xf32, #tpu.memory_space<vmem>>, vector<16xf32>,
      tpu.vector_store %arg12[%swap3A_487, %swap3A_488], %div3A_482 {strides = array<i32>} : memref<384x32xf32, #tpu.memory_space<vmem>>, vector<16xf32>,
      %slice3A_490 = vector.extract_strided_slice %get3A_343 {offsets = [8], sizes = [1], strides = [1]} : vector<16xf32> to vector<1xf32>
      %squeeze3A_491 = vector.extract %slice3A_490[0] : f32 from vector<1xf32>
      %mul3A_492 = vector.broadcast %squeeze3A_491 : f32 to vector<16xf32>
      %mul3A_493 = arith.mulf %get3A_53, %mul3A_492 : vector<16xf32>
      %add3A_494 = arith.addf %mul3A_493, %get3A_77 : vector<16xf32>
      %neg3A_495 = arith.constant 0.000000e+00 : f32
      %neg3A_496 = vector.broadcast %neg3A_495 : f32 to vector<16xf32>
      %neg3A_497 = arith.subf %neg3A_496, %add3A_494 : vector<16xf32>
      %exp3A_498 = math.exp %neg3A_497 : vector<16xf32>
      %add3A_499 = arith.constant 1.000000e+00 : f32
      %add3A_500 = vector.broadcast %add3A_499 : f32 to vector<16xf32>
      %add3A_501 = arith.addf %add3A_500, %exp3A_498 : vector<16xf32>
      %div3A_502 = arith.divf %add3A_494, %add3A_501 : vector<16xf32>
      %mul3A_503 = arith.constant 6 : i32
      %mul3A_504 = arith.muli %scan3A_339, %mul3A_503 : i32
      %add3A_505 = arith.constant 4 : i32
      %add3A_506 = arith.addi %mul3A_504, %add3A_505 : i32
      %swap3A_507 = arith.index_cast %add3A_506 : i32 to index
      %swap3A_508 = arith.constant 0 : index
      %swap3A_509 = tpu.vector_load %arg12[%swap3A_507, %swap3A_508] {strides = array<i32>} : memref<384x32xf32, #tpu.memory_space<vmem>>, vector<16xf32>,
      tpu.vector_store %arg12[%swap3A_507, %swap3A_508], %div3A_502 {strides = array<i32>} : memref<384x32xf32, #tpu.memory_space<vmem>>, vector<16xf32>,
      %mul3A_510 = vector.broadcast %squeeze3A_491 : f32 to vector<16xf32>
      %mul3A_511 = arith.mulf %get3A_55, %mul3A_510 : vector<16xf32>
      %add3A_512 = arith.addf %mul3A_511, %get3A_79 : vector<16xf32>
      %neg3A_513 = arith.constant 0.000000e+00 : f32
      %neg3A_514 = vector.broadcast %neg3A_513 : f32 to vector<16xf32>
      %neg3A_515 = arith.subf %neg3A_514, %add3A_512 : vector<16xf32>
      %exp3A_516 = math.exp %neg3A_515 : vector<16xf32>
      %add3A_517 = arith.constant 1.000000e+00 : f32
      %add3A_518 = vector.broadcast %add3A_517 : f32 to vector<16xf32>
      %add3A_519 = arith.addf %add3A_518, %exp3A_516 : vector<16xf32>
      %div3A_520 = arith.divf %add3A_512, %add3A_519 : vector<16xf32>
      %mul3A_521 = arith.constant 6 : i32
      %mul3A_522 = arith.muli %scan3A_339, %mul3A_521 : i32
      %add3A_523 = arith.constant 4 : i32
      %add3A_524 = arith.addi %mul3A_522, %add3A_523 : i32
      %swap3A_525 = arith.index_cast %add3A_524 : i32 to index
      %swap3A_526 = arith.constant 16 : index
      %swap3A_527 = tpu.vector_load %arg12[%swap3A_525, %swap3A_526] {strides = array<i32>} : memref<384x32xf32, #tpu.memory_space<vmem>>, vector<16xf32>,
      tpu.vector_store %arg12[%swap3A_525, %swap3A_526], %div3A_520 {strides = array<i32>} : memref<384x32xf32, #tpu.memory_space<vmem>>, vector<16xf32>,
      %slice3A_528 = vector.extract_strided_slice %get3A_343 {offsets = [9], sizes = [1], strides = [1]} : vector<16xf32> to vector<1xf32>
      %squeeze3A_529 = vector.extract %slice3A_528[0] : f32 from vector<1xf32>
      %mul3A_530 = vector.broadcast %squeeze3A_529 : f32 to vector<16xf32>
      %mul3A_531 = arith.mulf %get3A_57, %mul3A_530 : vector<16xf32>
      %add3A_532 = arith.addf %mul3A_531, %get3A_81 : vector<16xf32>
      %neg3A_533 = arith.constant 0.000000e+00 : f32
      %neg3A_534 = vector.broadcast %neg3A_533 : f32 to vector<16xf32>
      %neg3A_535 = arith.subf %neg3A_534, %add3A_532 : vector<16xf32>
      %exp3A_536 = math.exp %neg3A_535 : vector<16xf32>
      %add3A_537 = arith.constant 1.000000e+00 : f32
      %add3A_538 = vector.broadcast %add3A_537 : f32 to vector<16xf32>
      %add3A_539 = arith.addf %add3A_538, %exp3A_536 : vector<16xf32>
      %div3A_540 = arith.divf %add3A_532, %add3A_539 : vector<16xf32>
      %mul3A_541 = arith.constant 6 : i32
      %mul3A_542 = arith.muli %scan3A_339, %mul3A_541 : i32
      %add3A_543 = arith.constant 5 : i32
      %add3A_544 = arith.addi %mul3A_542, %add3A_543 : i32
      %swap3A_545 = arith.index_cast %add3A_544 : i32 to index
      %swap3A_546 = arith.constant 0 : index
      %swap3A_547 = tpu.vector_load %arg12[%swap3A_545, %swap3A_546] {strides = array<i32>} : memref<384x32xf32, #tpu.memory_space<vmem>>, vector<16xf32>,
      tpu.vector_store %arg12[%swap3A_545, %swap3A_546], %div3A_540 {strides = array<i32>} : memref<384x32xf32, #tpu.memory_space<vmem>>, vector<16xf32>,
      %mul3A_548 = vector.broadcast %squeeze3A_529 : f32 to vector<16xf32>
      %mul3A_549 = arith.mulf %get3A_59, %mul3A_548 : vector<16xf32>
      %add3A_550 = arith.addf %mul3A_549, %get3A_83 : vector<16xf32>
      %neg3A_551 = arith.constant 0.000000e+00 : f32
      %neg3A_552 = vector.broadcast %neg3A_551 : f32 to vector<16xf32>
      %neg3A_553 = arith.subf %neg3A_552, %add3A_550 : vector<16xf32>
      %exp3A_554 = math.exp %neg3A_553 : vector<16xf32>
      %add3A_555 = arith.constant 1.000000e+00 : f32
      %add3A_556 = vector.broadcast %add3A_555 : f32 to vector<16xf32>
      %add3A_557 = arith.addf %add3A_556, %exp3A_554 : vector<16xf32>
      %div3A_558 = arith.divf %add3A_550, %add3A_557 : vector<16xf32>
      %mul3A_559 = arith.constant 6 : i32
      %mul3A_560 = arith.muli %scan3A_339, %mul3A_559 : i32
      %add3A_561 = arith.constant 5 : i32
      %add3A_562 = arith.addi %mul3A_560, %add3A_561 : i32
      %swap3A_563 = arith.index_cast %add3A_562 : i32 to index
      %swap3A_564 = arith.constant 16 : index
      %swap3A_565 = tpu.vector_load %arg12[%swap3A_563, %swap3A_564] {strides = array<i32>} : memref<384x32xf32, #tpu.memory_space<vmem>>, vector<16xf32>,
      tpu.vector_store %arg12[%swap3A_563, %swap3A_564], %div3A_558 {strides = array<i32>} : memref<384x32xf32, #tpu.memory_space<vmem>>, vector<16xf32>,
      %scan3A_566 = arith.constant 0 : i32
      scf.yield %scan3A_566 : i32
    }
    %scan3A_90 = arith.constant 64 : i32
    %dma_wait3A_91 = arith.constant 0 : i32
    %dma_wait3A_92 = arith.constant 0 : i32
    %dma_wait3A_93 = tpu.memref_slice %arg3[%dma_wait3A_91, %dma_wait3A_92] : memref<2000000x32xf32, #tpu.memory_space<hbm>> -> memref<2000000x32xf32, #tpu.memory_space<hbm>>
    tpu.wait_indirect_dma semaphore(%arg25 : memref<!tpu.dma_semaphore, #tpu.memory_space<semaphore_mem>>) src(%dma_wait3A_93 : memref<2000000x32xf32, #tpu.memory_space<hbm>>) dst(%arg11 : memref<1280x32xf32, #tpu.memory_space<vmem>>)
    %dma_start3A_94 = arith.constant 0 : i32
    %dma_start3A_95 = arith.constant 0 : i32
    %dma_start3A_96 = tpu.memref_slice %arg6[%dma_start3A_94, %dma_start3A_95] : memref<1331200x32xf32, #tpu.memory_space<hbm>> -> memref<1331200x32xf32, #tpu.memory_space<hbm>>
    tpu.enqueue_indirect_dma source(%arg11 : memref<1280x32xf32, #tpu.memory_space<vmem>>) target(%dma_start3A_96 : memref<1331200x32xf32, #tpu.memory_space<hbm>>) offsets(%arg9 : memref<1280xi32, #tpu.memory_space<vmem>>) semaphore(%arg13 : memref<!tpu.dma_semaphore, #tpu.memory_space<semaphore_mem>>)
    %dma_start3A_97 = arith.constant 0 : i32
    %dma_start3A_98 = arith.constant 0 : i32
    %dma_start3A_99 = tpu.memref_slice %arg6[%dma_start3A_97, %dma_start3A_98] : memref<1331200x32xf32, #tpu.memory_space<hbm>> -> memref<1331200x32xf32, #tpu.memory_space<hbm>>
    tpu.enqueue_indirect_dma source(%arg12 : memref<384x32xf32, #tpu.memory_space<vmem>>) target(%dma_start3A_99 : memref<1331200x32xf32, #tpu.memory_space<hbm>>) offsets(%arg10 : memref<384xi32, #tpu.memory_space<vmem>>) semaphore(%arg13 : memref<!tpu.dma_semaphore, #tpu.memory_space<semaphore_mem>>)
    %min3A = arith.constant 2 : i32
    %min3A_100 = arith.constant 24 : i32
    %min3A_101 = arith.minsi %min3A, %min3A_100 : i32
    %mul3A_102 = arith.constant 64 : i32
    %mul3A_103 = arith.muli %min3A_101, %mul3A_102 : i32
    %add3A_104 = arith.addi %mul3A_2, %mul3A_103 : i32
    %dma_start3A_105 = arith.constant 0 : i32
    %dma_start3A_106 = tpu.memref_slice %arg2[%add3A_104, %dma_start3A_105] : memref<51200x32xf32, #tpu.memory_space<hbm>> -> memref<64x32xf32, #tpu.memory_space<hbm>>
    %dma_start3A_107 = arith.constant 0 : i32
    %dma_start3A_108 = tpu.memref_slice %arg2[%add3A_104, %dma_start3A_107] : memref<51200x32xf32, #tpu.memory_space<hbm>> -> memref<64x32xf32, #tpu.memory_space<hbm>>
    tpu.enqueue_dma source(%dma_start3A_108 : memref<64x32xf32, #tpu.memory_space<hbm>>) target(%arg7 : memref<64x32xf32, #tpu.memory_space<vmem>>) target_semaphore(%arg14 : memref<!tpu.dma_semaphore, #tpu.memory_space<semaphore_mem>>)
    %add3A_109 = arith.constant 64 : i32
    %add3A_110 = arith.addi %mul3A_2, %add3A_109 : i32
    %mul3A_111 = arith.constant 26 : i32
    %mul3A_112 = arith.muli %add3A_110, %mul3A_111 : i32
    %dma_wait3A_113 = arith.constant 0 : i32
    %dma_wait3A_114 = tpu.memref_slice %arg2[%add3A_110, %dma_wait3A_113] : memref<51200x32xf32, #tpu.memory_space<hbm>> -> memref<64x32xf32, #tpu.memory_space<hbm>>
    %dma_wait3A_115 = arith.constant 0 : i32
    %dma_wait3A_116 = tpu.memref_slice %arg2[%add3A_110, %dma_wait3A_115] : memref<51200x32xf32, #tpu.memory_space<hbm>> -> memref<64x32xf32, #tpu.memory_space<hbm>>
    tpu.wait_dma2 semaphore(%arg22 : memref<!tpu.dma_semaphore, #tpu.memory_space<semaphore_mem>>) src(%dma_wait3A_116 : memref<64x32xf32, #tpu.memory_space<hbm>>) dst(%arg15 : memref<64x32xf32, #tpu.memory_space<vmem>>)
    %scan3A_117 = arith.constant 0 : i32
    %scan3A_118 = arith.constant 0 : i32
    %scan3A_119 = arith.constant 80 : i32
    %scan3A_120 = arith.addi %scan3A_118, %scan3A_119 : i32
    %scan3A_121 = arith.constant 1 : i32
    %scan3A_122 = scf.for %scan3A_339 = %scan3A_118 to %scan3A_120 step %scan3A_121 iter_args(%scan3A_340 = %scan3A_117) -> (i32)  : i32 {
      %mul3A_341 = arith.constant 16 : i32
      %mul3A_342 = arith.muli %scan3A_339, %mul3A_341 : i32
      %add3A_343 = vector.broadcast %mul3A_342 : i32 to vector<16xi32>
      %add3A_344 = arith.addi %iota3A, %add3A_343 : vector<16xi32>
      %convert_element_type3A = arith.sitofp %add3A_344 : vector<16xi32> to vector<16xf32>
      %mul3A_345 = arith.constant 5.000000e-02 : f32
      %mul3A_346 = vector.broadcast %mul3A_345 : f32 to vector<16xf32>
      %mul3A_347 = arith.mulf %convert_element_type3A, %mul3A_346 : vector<16xf32>
      %convert_element_type3A_348 = arith.fptosi %mul3A_347 : vector<16xf32> to vector<16xi32>
      %mul3A_349 = arith.constant 20 : i32
      %mul3A_350 = vector.broadcast %mul3A_349 : i32 to vector<16xi32>
      %mul3A_351 = arith.muli %convert_element_type3A_348, %mul3A_350 : vector<16xi32>
      %sub3A = arith.subi %add3A_344, %mul3A_351 : vector<16xi32>
      %gather3A = tpu.vector_load_idx %arg15[%convert_element_type3A_348, %sub3A] : memref<64x32xf32, #tpu.memory_space<vmem>>[vector<16xi32>, vector<16xi32>], vector<16xf32>,
      %bitcast3A = vector.bitcast %gather3A : vector<16xf32> to vector<16xi32>
      %mul3A_352 = arith.constant 16 : i32
      %mul3A_353 = arith.muli %scan3A_339, %mul3A_352 : i32
      %swap3A = arith.index_cast %mul3A_353 : i32 to index
      %swap3A_354 = tpu.vector_load %arg16[%swap3A] {strides = array<i32>} : memref<1280xi32, #tpu.memory_space<vmem>>, vector<16xi32>,
      tpu.vector_store %arg16[%swap3A], %bitcast3A {strides = array<i32>} : memref<1280xi32, #tpu.memory_space<vmem>>, vector<16xi32>,
      %add3A_355 = vector.broadcast %mul3A_112 : i32 to vector<16xi32>
      %add3A_356 = arith.addi %add3A_355, %add3A_344 : vector<16xi32>
      %mul3A_357 = arith.constant 6 : i32
      %mul3A_358 = vector.broadcast %mul3A_357 : i32 to vector<16xi32>
      %mul3A_359 = arith.muli %mul3A_358, %convert_element_type3A_348 : vector<16xi32>
      %add3A_360 = arith.addi %add3A_356, %mul3A_359 : vector<16xi32>
      %mul3A_361 = arith.constant 16 : i32
      %mul3A_362 = arith.muli %scan3A_339, %mul3A_361 : i32
      %swap3A_363 = arith.index_cast %mul3A_362 : i32 to index
      %swap3A_364 = tpu.vector_load %arg17[%swap3A_363] {strides = array<i32>} : memref<1280xi32, #tpu.memory_space<vmem>>, vector<16xi32>,
      tpu.vector_store %arg17[%swap3A_363], %add3A_360 {strides = array<i32>} : memref<1280xi32, #tpu.memory_space<vmem>>, vector<16xi32>,
      %scan3A_365 = arith.constant 0 : i32
      scf.yield %scan3A_365 : i32
    }
    %scan3A_123 = arith.constant 80 : i32
    %scan3A_124 = arith.constant 0 : i32
    %scan3A_125 = arith.constant 0 : i32
    %scan3A_126 = arith.constant 24 : i32
    %scan3A_127 = arith.addi %scan3A_125, %scan3A_126 : i32
    %scan3A_128 = arith.constant 1 : i32
    %scan3A_129 = scf.for %scan3A_339 = %scan3A_125 to %scan3A_127 step %scan3A_128 iter_args(%scan3A_340 = %scan3A_124) -> (i32)  : i32 {
      %mul3A_341 = arith.constant 16 : i32
      %mul3A_342 = arith.muli %scan3A_339, %mul3A_341 : i32
      %add3A_343 = vector.broadcast %mul3A_342 : i32 to vector<16xi32>
      %add3A_344 = arith.addi %iota3A, %add3A_343 : vector<16xi32>
      %convert_element_type3A = arith.sitofp %add3A_344 : vector<16xi32> to vector<16xf32>
      %mul3A_345 = arith.constant 0.166666672 : f32
      %mul3A_346 = vector.broadcast %mul3A_345 : f32 to vector<16xf32>
      %mul3A_347 = arith.mulf %convert_element_type3A, %mul3A_346 : vector<16xf32>
      %convert_element_type3A_348 = arith.fptosi %mul3A_347 : vector<16xf32> to vector<16xi32>
      %add3A_349 = arith.constant 20 : i32
      %add3A_350 = arith.addi %mul3A_112, %add3A_349 : i32
      %add3A_351 = vector.broadcast %add3A_350 : i32 to vector<16xi32>
      %add3A_352 = arith.addi %add3A_351, %add3A_344 : vector<16xi32>
      %mul3A_353 = arith.constant 20 : i32
      %mul3A_354 = vector.broadcast %mul3A_353 : i32 to vector<16xi32>
      %mul3A_355 = arith.muli %mul3A_354, %convert_element_type3A_348 : vector<16xi32>
      %add3A_356 = arith.addi %add3A_352, %mul3A_355 : vector<16xi32>
      %mul3A_357 = arith.constant 16 : i32
      %mul3A_358 = arith.muli %scan3A_339, %mul3A_357 : i32
      %swap3A = arith.index_cast %mul3A_358 : i32 to index
      %swap3A_359 = tpu.vector_load %arg18[%swap3A] {strides = array<i32>} : memref<384xi32, #tpu.memory_space<vmem>>, vector<16xi32>,
      tpu.vector_store %arg18[%swap3A], %add3A_356 {strides = array<i32>} : memref<384xi32, #tpu.memory_space<vmem>>, vector<16xi32>,
      %scan3A_360 = arith.constant 0 : i32
      scf.yield %scan3A_360 : i32
    }
    %scan3A_130 = arith.constant 24 : i32
    %dma_start3A_131 = arith.constant 0 : i32
    %dma_start3A_132 = arith.constant 0 : i32
    %dma_start3A_133 = tpu.memref_slice %arg3[%dma_start3A_131, %dma_start3A_132] : memref<2000000x32xf32, #tpu.memory_space<hbm>> -> memref<2000000x32xf32, #tpu.memory_space<hbm>>
    tpu.enqueue_indirect_dma source(%dma_start3A_133 : memref<2000000x32xf32, #tpu.memory_space<hbm>>) target(%arg19 : memref<1280x32xf32, #tpu.memory_space<vmem>>) offsets(%arg16 : memref<1280xi32, #tpu.memory_space<vmem>>) semaphore(%arg25 : memref<!tpu.dma_semaphore, #tpu.memory_space<semaphore_mem>>)
    %get3A_134 = arith.constant 0 : index
    %get3A_135 = tpu.vector_load %arg23[%get3A_134] {strides = array<i32>} : memref<192xf32, #tpu.memory_space<vmem>>, vector<16xf32>,
    %get3A_136 = arith.constant 16 : index
    %get3A_137 = tpu.vector_load %arg23[%get3A_136] {strides = array<i32>} : memref<192xf32, #tpu.memory_space<vmem>>, vector<16xf32>,
    %get3A_138 = arith.constant 32 : index
    %get3A_139 = tpu.vector_load %arg23[%get3A_138] {strides = array<i32>} : memref<192xf32, #tpu.memory_space<vmem>>, vector<16xf32>,
    %get3A_140 = arith.constant 48 : index
    %get3A_141 = tpu.vector_load %arg23[%get3A_140] {strides = array<i32>} : memref<192xf32, #tpu.memory_space<vmem>>, vector<16xf32>,
    %get3A_142 = arith.constant 64 : index
    %get3A_143 = tpu.vector_load %arg23[%get3A_142] {strides = array<i32>} : memref<192xf32, #tpu.memory_space<vmem>>, vector<16xf32>,
    %get3A_144 = arith.constant 80 : index
    %get3A_145 = tpu.vector_load %arg23[%get3A_144] {strides = array<i32>} : memref<192xf32, #tpu.memory_space<vmem>>, vector<16xf32>,
    %get3A_146 = arith.constant 96 : index
    %get3A_147 = tpu.vector_load %arg23[%get3A_146] {strides = array<i32>} : memref<192xf32, #tpu.memory_space<vmem>>, vector<16xf32>,
    %get3A_148 = arith.constant 112 : index
    %get3A_149 = tpu.vector_load %arg23[%get3A_148] {strides = array<i32>} : memref<192xf32, #tpu.memory_space<vmem>>, vector<16xf32>,
    %get3A_150 = arith.constant 128 : index
    %get3A_151 = tpu.vector_load %arg23[%get3A_150] {strides = array<i32>} : memref<192xf32, #tpu.memory_space<vmem>>, vector<16xf32>,
    %get3A_152 = arith.constant 144 : index
    %get3A_153 = tpu.vector_load %arg23[%get3A_152] {strides = array<i32>} : memref<192xf32, #tpu.memory_space<vmem>>, vector<16xf32>,
    %get3A_154 = arith.constant 160 : index
    %get3A_155 = tpu.vector_load %arg23[%get3A_154] {strides = array<i32>} : memref<192xf32, #tpu.memory_space<vmem>>, vector<16xf32>,
    %get3A_156 = arith.constant 176 : index
    %get3A_157 = tpu.vector_load %arg23[%get3A_156] {strides = array<i32>} : memref<192xf32, #tpu.memory_space<vmem>>, vector<16xf32>,
    %get3A_158 = arith.constant 0 : index
    %get3A_159 = tpu.vector_load %arg24[%get3A_158] {strides = array<i32>} : memref<192xf32, #tpu.memory_space<vmem>>, vector<16xf32>,
    %get3A_160 = arith.constant 16 : index
    %get3A_161 = tpu.vector_load %arg24[%get3A_160] {strides = array<i32>} : memref<192xf32, #tpu.memory_space<vmem>>, vector<16xf32>,
    %get3A_162 = arith.constant 32 : index
    %get3A_163 = tpu.vector_load %arg24[%get3A_162] {strides = array<i32>} : memref<192xf32, #tpu.memory_space<vmem>>, vector<16xf32>,
    %get3A_164 = arith.constant 48 : index
    %get3A_165 = tpu.vector_load %arg24[%get3A_164] {strides = array<i32>} : memref<192xf32, #tpu.memory_space<vmem>>, vector<16xf32>,
    %get3A_166 = arith.constant 64 : index
    %get3A_167 = tpu.vector_load %arg24[%get3A_166] {strides = array<i32>} : memref<192xf32, #tpu.memory_space<vmem>>, vector<16xf32>,
    %get3A_168 = arith.constant 80 : index
    %get3A_169 = tpu.vector_load %arg24[%get3A_168] {strides = array<i32>} : memref<192xf32, #tpu.memory_space<vmem>>, vector<16xf32>,
    %get3A_170 = arith.constant 96 : index
    %get3A_171 = tpu.vector_load %arg24[%get3A_170] {strides = array<i32>} : memref<192xf32, #tpu.memory_space<vmem>>, vector<16xf32>,
    %get3A_172 = arith.constant 112 : index
    %get3A_173 = tpu.vector_load %arg24[%get3A_172] {strides = array<i32>} : memref<192xf32, #tpu.memory_space<vmem>>, vector<16xf32>,
    %get3A_174 = arith.constant 128 : index
    %get3A_175 = tpu.vector_load %arg24[%get3A_174] {strides = array<i32>} : memref<192xf32, #tpu.memory_space<vmem>>, vector<16xf32>,
    %get3A_176 = arith.constant 144 : index
    %get3A_177 = tpu.vector_load %arg24[%get3A_176] {strides = array<i32>} : memref<192xf32, #tpu.memory_space<vmem>>, vector<16xf32>,
    %get3A_178 = arith.constant 160 : index
    %get3A_179 = tpu.vector_load %arg24[%get3A_178] {strides = array<i32>} : memref<192xf32, #tpu.memory_space<vmem>>, vector<16xf32>,
    %get3A_180 = arith.constant 176 : index
    %get3A_181 = tpu.vector_load %arg24[%get3A_180] {strides = array<i32>} : memref<192xf32, #tpu.memory_space<vmem>>, vector<16xf32>,
    %scan3A_182 = arith.constant 0 : i32
    %scan3A_183 = arith.constant 0 : i32
    %scan3A_184 = arith.constant 64 : i32
    %scan3A_185 = arith.addi %scan3A_183, %scan3A_184 : i32
    %scan3A_186 = arith.constant 1 : i32
    %scan3A_187 = scf.for %scan3A_339 = %scan3A_183 to %scan3A_185 step %scan3A_186 iter_args(%scan3A_340 = %scan3A_182) -> (i32)  : i32 {
      %get3A_341 = arith.index_cast %scan3A_339 : i32 to index
      %get3A_342 = arith.constant 16 : index
      %get3A_343 = tpu.vector_load %arg15[%get3A_341, %get3A_342] {strides = array<i32>} : memref<64x32xf32, #tpu.memory_space<vmem>>, vector<16xf32>,
      %slice3A = vector.extract_strided_slice %get3A_343 {offsets = [4], sizes = [1], strides = [1]} : vector<16xf32> to vector<1xf32>
      %squeeze3A = vector.extract %slice3A[0] : f32 from vector<1xf32>
      %mul3A_344 = vector.broadcast %squeeze3A : f32 to vector<16xf32>
      %mul3A_345 = arith.mulf %get3A_135, %mul3A_344 : vector<16xf32>
      %add3A_346 = arith.addf %mul3A_345, %get3A_159 : vector<16xf32>
      %neg3A = arith.constant 0.000000e+00 : f32
      %neg3A_347 = vector.broadcast %neg3A : f32 to vector<16xf32>
      %neg3A_348 = arith.subf %neg3A_347, %add3A_346 : vector<16xf32>
      %exp3A = math.exp %neg3A_348 : vector<16xf32>
      %add3A_349 = arith.constant 1.000000e+00 : f32
      %add3A_350 = vector.broadcast %add3A_349 : f32 to vector<16xf32>
      %add3A_351 = arith.addf %add3A_350, %exp3A : vector<16xf32>
      %div3A = arith.divf %add3A_346, %add3A_351 : vector<16xf32>
      %mul3A_352 = arith.constant 6 : i32
      %mul3A_353 = arith.muli %scan3A_339, %mul3A_352 : i32
      %add3A_354 = arith.constant 0 : i32
      %add3A_355 = arith.addi %mul3A_353, %add3A_354 : i32
      %swap3A = arith.index_cast %add3A_355 : i32 to index
      %swap3A_356 = arith.constant 0 : index
      %swap3A_357 = tpu.vector_load %arg20[%swap3A, %swap3A_356] {strides = array<i32>} : memref<384x32xf32, #tpu.memory_space<vmem>>, vector<16xf32>,
      tpu.vector_store %arg20[%swap3A, %swap3A_356], %div3A {strides = array<i32>} : memref<384x32xf32, #tpu.memory_space<vmem>>, vector<16xf32>,
      %mul3A_358 = vector.broadcast %squeeze3A : f32 to vector<16xf32>
      %mul3A_359 = arith.mulf %get3A_137, %mul3A_358 : vector<16xf32>
      %add3A_360 = arith.addf %mul3A_359, %get3A_161 : vector<16xf32>
      %neg3A_361 = arith.constant 0.000000e+00 : f32
      %neg3A_362 = vector.broadcast %neg3A_361 : f32 to vector<16xf32>
      %neg3A_363 = arith.subf %neg3A_362, %add3A_360 : vector<16xf32>
      %exp3A_364 = math.exp %neg3A_363 : vector<16xf32>
      %add3A_365 = arith.constant 1.000000e+00 : f32
      %add3A_366 = vector.broadcast %add3A_365 : f32 to vector<16xf32>
      %add3A_367 = arith.addf %add3A_366, %exp3A_364 : vector<16xf32>
      %div3A_368 = arith.divf %add3A_360, %add3A_367 : vector<16xf32>
      %mul3A_369 = arith.constant 6 : i32
      %mul3A_370 = arith.muli %scan3A_339, %mul3A_369 : i32
      %add3A_371 = arith.constant 0 : i32
      %add3A_372 = arith.addi %mul3A_370, %add3A_371 : i32
      %swap3A_373 = arith.index_cast %add3A_372 : i32 to index
      %swap3A_374 = arith.constant 16 : index
      %swap3A_375 = tpu.vector_load %arg20[%swap3A_373, %swap3A_374] {strides = array<i32>} : memref<384x32xf32, #tpu.memory_space<vmem>>, vector<16xf32>,
      tpu.vector_store %arg20[%swap3A_373, %swap3A_374], %div3A_368 {strides = array<i32>} : memref<384x32xf32, #tpu.memory_space<vmem>>, vector<16xf32>,
      %slice3A_376 = vector.extract_strided_slice %get3A_343 {offsets = [5], sizes = [1], strides = [1]} : vector<16xf32> to vector<1xf32>
      %squeeze3A_377 = vector.extract %slice3A_376[0] : f32 from vector<1xf32>
      %mul3A_378 = vector.broadcast %squeeze3A_377 : f32 to vector<16xf32>
      %mul3A_379 = arith.mulf %get3A_139, %mul3A_378 : vector<16xf32>
      %add3A_380 = arith.addf %mul3A_379, %get3A_163 : vector<16xf32>
      %neg3A_381 = arith.constant 0.000000e+00 : f32
      %neg3A_382 = vector.broadcast %neg3A_381 : f32 to vector<16xf32>
      %neg3A_383 = arith.subf %neg3A_382, %add3A_380 : vector<16xf32>
      %exp3A_384 = math.exp %neg3A_383 : vector<16xf32>
      %add3A_385 = arith.constant 1.000000e+00 : f32
      %add3A_386 = vector.broadcast %add3A_385 : f32 to vector<16xf32>
      %add3A_387 = arith.addf %add3A_386, %exp3A_384 : vector<16xf32>
      %div3A_388 = arith.divf %add3A_380, %add3A_387 : vector<16xf32>
      %mul3A_389 = arith.constant 6 : i32
      %mul3A_390 = arith.muli %scan3A_339, %mul3A_389 : i32
      %add3A_391 = arith.constant 1 : i32
      %add3A_392 = arith.addi %mul3A_390, %add3A_391 : i32
      %swap3A_393 = arith.index_cast %add3A_392 : i32 to index
      %swap3A_394 = arith.constant 0 : index
      %swap3A_395 = tpu.vector_load %arg20[%swap3A_393, %swap3A_394] {strides = array<i32>} : memref<384x32xf32, #tpu.memory_space<vmem>>, vector<16xf32>,
      tpu.vector_store %arg20[%swap3A_393, %swap3A_394], %div3A_388 {strides = array<i32>} : memref<384x32xf32, #tpu.memory_space<vmem>>, vector<16xf32>,
      %mul3A_396 = vector.broadcast %squeeze3A_377 : f32 to vector<16xf32>
      %mul3A_397 = arith.mulf %get3A_141, %mul3A_396 : vector<16xf32>
      %add3A_398 = arith.addf %mul3A_397, %get3A_165 : vector<16xf32>
      %neg3A_399 = arith.constant 0.000000e+00 : f32
      %neg3A_400 = vector.broadcast %neg3A_399 : f32 to vector<16xf32>
      %neg3A_401 = arith.subf %neg3A_400, %add3A_398 : vector<16xf32>
      %exp3A_402 = math.exp %neg3A_401 : vector<16xf32>
      %add3A_403 = arith.constant 1.000000e+00 : f32
      %add3A_404 = vector.broadcast %add3A_403 : f32 to vector<16xf32>
      %add3A_405 = arith.addf %add3A_404, %exp3A_402 : vector<16xf32>
      %div3A_406 = arith.divf %add3A_398, %add3A_405 : vector<16xf32>
      %mul3A_407 = arith.constant 6 : i32
      %mul3A_408 = arith.muli %scan3A_339, %mul3A_407 : i32
      %add3A_409 = arith.constant 1 : i32
      %add3A_410 = arith.addi %mul3A_408, %add3A_409 : i32
      %swap3A_411 = arith.index_cast %add3A_410 : i32 to index
      %swap3A_412 = arith.constant 16 : index
      %swap3A_413 = tpu.vector_load %arg20[%swap3A_411, %swap3A_412] {strides = array<i32>} : memref<384x32xf32, #tpu.memory_space<vmem>>, vector<16xf32>,
      tpu.vector_store %arg20[%swap3A_411, %swap3A_412], %div3A_406 {strides = array<i32>} : memref<384x32xf32, #tpu.memory_space<vmem>>, vector<16xf32>,
      %slice3A_414 = vector.extract_strided_slice %get3A_343 {offsets = [6], sizes = [1], strides = [1]} : vector<16xf32> to vector<1xf32>
      %squeeze3A_415 = vector.extract %slice3A_414[0] : f32 from vector<1xf32>
      %mul3A_416 = vector.broadcast %squeeze3A_415 : f32 to vector<16xf32>
      %mul3A_417 = arith.mulf %get3A_143, %mul3A_416 : vector<16xf32>
      %add3A_418 = arith.addf %mul3A_417, %get3A_167 : vector<16xf32>
      %neg3A_419 = arith.constant 0.000000e+00 : f32
      %neg3A_420 = vector.broadcast %neg3A_419 : f32 to vector<16xf32>
      %neg3A_421 = arith.subf %neg3A_420, %add3A_418 : vector<16xf32>
      %exp3A_422 = math.exp %neg3A_421 : vector<16xf32>
      %add3A_423 = arith.constant 1.000000e+00 : f32
      %add3A_424 = vector.broadcast %add3A_423 : f32 to vector<16xf32>
      %add3A_425 = arith.addf %add3A_424, %exp3A_422 : vector<16xf32>
      %div3A_426 = arith.divf %add3A_418, %add3A_425 : vector<16xf32>
      %mul3A_427 = arith.constant 6 : i32
      %mul3A_428 = arith.muli %scan3A_339, %mul3A_427 : i32
      %add3A_429 = arith.constant 2 : i32
      %add3A_430 = arith.addi %mul3A_428, %add3A_429 : i32
      %swap3A_431 = arith.index_cast %add3A_430 : i32 to index
      %swap3A_432 = arith.constant 0 : index
      %swap3A_433 = tpu.vector_load %arg20[%swap3A_431, %swap3A_432] {strides = array<i32>} : memref<384x32xf32, #tpu.memory_space<vmem>>, vector<16xf32>,
      tpu.vector_store %arg20[%swap3A_431, %swap3A_432], %div3A_426 {strides = array<i32>} : memref<384x32xf32, #tpu.memory_space<vmem>>, vector<16xf32>,
      %mul3A_434 = vector.broadcast %squeeze3A_415 : f32 to vector<16xf32>
      %mul3A_435 = arith.mulf %get3A_145, %mul3A_434 : vector<16xf32>
      %add3A_436 = arith.addf %mul3A_435, %get3A_169 : vector<16xf32>
      %neg3A_437 = arith.constant 0.000000e+00 : f32
      %neg3A_438 = vector.broadcast %neg3A_437 : f32 to vector<16xf32>
      %neg3A_439 = arith.subf %neg3A_438, %add3A_436 : vector<16xf32>
      %exp3A_440 = math.exp %neg3A_439 : vector<16xf32>
      %add3A_441 = arith.constant 1.000000e+00 : f32
      %add3A_442 = vector.broadcast %add3A_441 : f32 to vector<16xf32>
      %add3A_443 = arith.addf %add3A_442, %exp3A_440 : vector<16xf32>
      %div3A_444 = arith.divf %add3A_436, %add3A_443 : vector<16xf32>
      %mul3A_445 = arith.constant 6 : i32
      %mul3A_446 = arith.muli %scan3A_339, %mul3A_445 : i32
      %add3A_447 = arith.constant 2 : i32
      %add3A_448 = arith.addi %mul3A_446, %add3A_447 : i32
      %swap3A_449 = arith.index_cast %add3A_448 : i32 to index
      %swap3A_450 = arith.constant 16 : index
      %swap3A_451 = tpu.vector_load %arg20[%swap3A_449, %swap3A_450] {strides = array<i32>} : memref<384x32xf32, #tpu.memory_space<vmem>>, vector<16xf32>,
      tpu.vector_store %arg20[%swap3A_449, %swap3A_450], %div3A_444 {strides = array<i32>} : memref<384x32xf32, #tpu.memory_space<vmem>>, vector<16xf32>,
      %slice3A_452 = vector.extract_strided_slice %get3A_343 {offsets = [7], sizes = [1], strides = [1]} : vector<16xf32> to vector<1xf32>
      %squeeze3A_453 = vector.extract %slice3A_452[0] : f32 from vector<1xf32>
      %mul3A_454 = vector.broadcast %squeeze3A_453 : f32 to vector<16xf32>
      %mul3A_455 = arith.mulf %get3A_147, %mul3A_454 : vector<16xf32>
      %add3A_456 = arith.addf %mul3A_455, %get3A_171 : vector<16xf32>
      %neg3A_457 = arith.constant 0.000000e+00 : f32
      %neg3A_458 = vector.broadcast %neg3A_457 : f32 to vector<16xf32>
      %neg3A_459 = arith.subf %neg3A_458, %add3A_456 : vector<16xf32>
      %exp3A_460 = math.exp %neg3A_459 : vector<16xf32>
      %add3A_461 = arith.constant 1.000000e+00 : f32
      %add3A_462 = vector.broadcast %add3A_461 : f32 to vector<16xf32>
      %add3A_463 = arith.addf %add3A_462, %exp3A_460 : vector<16xf32>
      %div3A_464 = arith.divf %add3A_456, %add3A_463 : vector<16xf32>
      %mul3A_465 = arith.constant 6 : i32
      %mul3A_466 = arith.muli %scan3A_339, %mul3A_465 : i32
      %add3A_467 = arith.constant 3 : i32
      %add3A_468 = arith.addi %mul3A_466, %add3A_467 : i32
      %swap3A_469 = arith.index_cast %add3A_468 : i32 to index
      %swap3A_470 = arith.constant 0 : index
      %swap3A_471 = tpu.vector_load %arg20[%swap3A_469, %swap3A_470] {strides = array<i32>} : memref<384x32xf32, #tpu.memory_space<vmem>>, vector<16xf32>,
      tpu.vector_store %arg20[%swap3A_469, %swap3A_470], %div3A_464 {strides = array<i32>} : memref<384x32xf32, #tpu.memory_space<vmem>>, vector<16xf32>,
      %mul3A_472 = vector.broadcast %squeeze3A_453 : f32 to vector<16xf32>
      %mul3A_473 = arith.mulf %get3A_149, %mul3A_472 : vector<16xf32>
      %add3A_474 = arith.addf %mul3A_473, %get3A_173 : vector<16xf32>
      %neg3A_475 = arith.constant 0.000000e+00 : f32
      %neg3A_476 = vector.broadcast %neg3A_475 : f32 to vector<16xf32>
      %neg3A_477 = arith.subf %neg3A_476, %add3A_474 : vector<16xf32>
      %exp3A_478 = math.exp %neg3A_477 : vector<16xf32>
      %add3A_479 = arith.constant 1.000000e+00 : f32
      %add3A_480 = vector.broadcast %add3A_479 : f32 to vector<16xf32>
      %add3A_481 = arith.addf %add3A_480, %exp3A_478 : vector<16xf32>
      %div3A_482 = arith.divf %add3A_474, %add3A_481 : vector<16xf32>
      %mul3A_483 = arith.constant 6 : i32
      %mul3A_484 = arith.muli %scan3A_339, %mul3A_483 : i32
      %add3A_485 = arith.constant 3 : i32
      %add3A_486 = arith.addi %mul3A_484, %add3A_485 : i32
      %swap3A_487 = arith.index_cast %add3A_486 : i32 to index
      %swap3A_488 = arith.constant 16 : index
      %swap3A_489 = tpu.vector_load %arg20[%swap3A_487, %swap3A_488] {strides = array<i32>} : memref<384x32xf32, #tpu.memory_space<vmem>>, vector<16xf32>,
      tpu.vector_store %arg20[%swap3A_487, %swap3A_488], %div3A_482 {strides = array<i32>} : memref<384x32xf32, #tpu.memory_space<vmem>>, vector<16xf32>,
      %slice3A_490 = vector.extract_strided_slice %get3A_343 {offsets = [8], sizes = [1], strides = [1]} : vector<16xf32> to vector<1xf32>
      %squeeze3A_491 = vector.extract %slice3A_490[0] : f32 from vector<1xf32>
      %mul3A_492 = vector.broadcast %squeeze3A_491 : f32 to vector<16xf32>
      %mul3A_493 = arith.mulf %get3A_151, %mul3A_492 : vector<16xf32>
      %add3A_494 = arith.addf %mul3A_493, %get3A_175 : vector<16xf32>
      %neg3A_495 = arith.constant 0.000000e+00 : f32
      %neg3A_496 = vector.broadcast %neg3A_495 : f32 to vector<16xf32>
      %neg3A_497 = arith.subf %neg3A_496, %add3A_494 : vector<16xf32>
      %exp3A_498 = math.exp %neg3A_497 : vector<16xf32>
      %add3A_499 = arith.constant 1.000000e+00 : f32
      %add3A_500 = vector.broadcast %add3A_499 : f32 to vector<16xf32>
      %add3A_501 = arith.addf %add3A_500, %exp3A_498 : vector<16xf32>
      %div3A_502 = arith.divf %add3A_494, %add3A_501 : vector<16xf32>
      %mul3A_503 = arith.constant 6 : i32
      %mul3A_504 = arith.muli %scan3A_339, %mul3A_503 : i32
      %add3A_505 = arith.constant 4 : i32
      %add3A_506 = arith.addi %mul3A_504, %add3A_505 : i32
      %swap3A_507 = arith.index_cast %add3A_506 : i32 to index
      %swap3A_508 = arith.constant 0 : index
      %swap3A_509 = tpu.vector_load %arg20[%swap3A_507, %swap3A_508] {strides = array<i32>} : memref<384x32xf32, #tpu.memory_space<vmem>>, vector<16xf32>,
      tpu.vector_store %arg20[%swap3A_507, %swap3A_508], %div3A_502 {strides = array<i32>} : memref<384x32xf32, #tpu.memory_space<vmem>>, vector<16xf32>,
      %mul3A_510 = vector.broadcast %squeeze3A_491 : f32 to vector<16xf32>
      %mul3A_511 = arith.mulf %get3A_153, %mul3A_510 : vector<16xf32>
      %add3A_512 = arith.addf %mul3A_511, %get3A_177 : vector<16xf32>
      %neg3A_513 = arith.constant 0.000000e+00 : f32
      %neg3A_514 = vector.broadcast %neg3A_513 : f32 to vector<16xf32>
      %neg3A_515 = arith.subf %neg3A_514, %add3A_512 : vector<16xf32>
      %exp3A_516 = math.exp %neg3A_515 : vector<16xf32>
      %add3A_517 = arith.constant 1.000000e+00 : f32
      %add3A_518 = vector.broadcast %add3A_517 : f32 to vector<16xf32>
      %add3A_519 = arith.addf %add3A_518, %exp3A_516 : vector<16xf32>
      %div3A_520 = arith.divf %add3A_512, %add3A_519 : vector<16xf32>
      %mul3A_521 = arith.constant 6 : i32
      %mul3A_522 = arith.muli %scan3A_339, %mul3A_521 : i32
      %add3A_523 = arith.constant 4 : i32
      %add3A_524 = arith.addi %mul3A_522, %add3A_523 : i32
      %swap3A_525 = arith.index_cast %add3A_524 : i32 to index
      %swap3A_526 = arith.constant 16 : index
      %swap3A_527 = tpu.vector_load %arg20[%swap3A_525, %swap3A_526] {strides = array<i32>} : memref<384x32xf32, #tpu.memory_space<vmem>>, vector<16xf32>,
      tpu.vector_store %arg20[%swap3A_525, %swap3A_526], %div3A_520 {strides = array<i32>} : memref<384x32xf32, #tpu.memory_space<vmem>>, vector<16xf32>,
      %slice3A_528 = vector.extract_strided_slice %get3A_343 {offsets = [9], sizes = [1], strides = [1]} : vector<16xf32> to vector<1xf32>
      %squeeze3A_529 = vector.extract %slice3A_528[0] : f32 from vector<1xf32>
      %mul3A_530 = vector.broadcast %squeeze3A_529 : f32 to vector<16xf32>
      %mul3A_531 = arith.mulf %get3A_155, %mul3A_530 : vector<16xf32>
      %add3A_532 = arith.addf %mul3A_531, %get3A_179 : vector<16xf32>
      %neg3A_533 = arith.constant 0.000000e+00 : f32
      %neg3A_534 = vector.broadcast %neg3A_533 : f32 to vector<16xf32>
      %neg3A_535 = arith.subf %neg3A_534, %add3A_532 : vector<16xf32>
      %exp3A_536 = math.exp %neg3A_535 : vector<16xf32>
      %add3A_537 = arith.constant 1.000000e+00 : f32
      %add3A_538 = vector.broadcast %add3A_537 : f32 to vector<16xf32>
      %add3A_539 = arith.addf %add3A_538, %exp3A_536 : vector<16xf32>
      %div3A_540 = arith.divf %add3A_532, %add3A_539 : vector<16xf32>
      %mul3A_541 = arith.constant 6 : i32
      %mul3A_542 = arith.muli %scan3A_339, %mul3A_541 : i32
      %add3A_543 = arith.constant 5 : i32
      %add3A_544 = arith.addi %mul3A_542, %add3A_543 : i32
      %swap3A_545 = arith.index_cast %add3A_544 : i32 to index
      %swap3A_546 = arith.constant 0 : index
      %swap3A_547 = tpu.vector_load %arg20[%swap3A_545, %swap3A_546] {strides = array<i32>} : memref<384x32xf32, #tpu.memory_space<vmem>>, vector<16xf32>,
      tpu.vector_store %arg20[%swap3A_545, %swap3A_546], %div3A_540 {strides = array<i32>} : memref<384x32xf32, #tpu.memory_space<vmem>>, vector<16xf32>,
      %mul3A_548 = vector.broadcast %squeeze3A_529 : f32 to vector<16xf32>
      %mul3A_549 = arith.mulf %get3A_157, %mul3A_548 : vector<16xf32>
      %add3A_550 = arith.addf %mul3A_549, %get3A_181 : vector<16xf32>
      %neg3A_551 = arith.constant 0.000000e+00 : f32
      %neg3A_552 = vector.broadcast %neg3A_551 : f32 to vector<16xf32>
      %neg3A_553 = arith.subf %neg3A_552, %add3A_550 : vector<16xf32>
      %exp3A_554 = math.exp %neg3A_553 : vector<16xf32>
      %add3A_555 = arith.constant 1.000000e+00 : f32
      %add3A_556 = vector.broadcast %add3A_555 : f32 to vector<16xf32>
      %add3A_557 = arith.addf %add3A_556, %exp3A_554 : vector<16xf32>
      %div3A_558 = arith.divf %add3A_550, %add3A_557 : vector<16xf32>
      %mul3A_559 = arith.constant 6 : i32
      %mul3A_560 = arith.muli %scan3A_339, %mul3A_559 : i32
      %add3A_561 = arith.constant 5 : i32
      %add3A_562 = arith.addi %mul3A_560, %add3A_561 : i32
      %swap3A_563 = arith.index_cast %add3A_562 : i32 to index
      %swap3A_564 = arith.constant 16 : index
      %swap3A_565 = tpu.vector_load %arg20[%swap3A_563, %swap3A_564] {strides = array<i32>} : memref<384x32xf32, #tpu.memory_space<vmem>>, vector<16xf32>,
      tpu.vector_store %arg20[%swap3A_563, %swap3A_564], %div3A_558 {strides = array<i32>} : memref<384x32xf32, #tpu.memory_space<vmem>>, vector<16xf32>,
      %scan3A_566 = arith.constant 0 : i32
      scf.yield %scan3A_566 : i32
    }
    %scan3A_188 = arith.constant 64 : i32
    %dma_wait3A_189 = arith.constant 0 : i32
    %dma_wait3A_190 = arith.constant 0 : i32
    %dma_wait3A_191 = tpu.memref_slice %arg3[%dma_wait3A_189, %dma_wait3A_190] : memref<2000000x32xf32, #tpu.memory_space<hbm>> -> memref<2000000x32xf32, #tpu.memory_space<hbm>>
    tpu.wait_indirect_dma semaphore(%arg25 : memref<!tpu.dma_semaphore, #tpu.memory_space<semaphore_mem>>) src(%dma_wait3A_191 : memref<2000000x32xf32, #tpu.memory_space<hbm>>) dst(%arg19 : memref<1280x32xf32, #tpu.memory_space<vmem>>)
    %dma_start3A_192 = arith.constant 0 : i32
    %dma_start3A_193 = arith.constant 0 : i32
    %dma_start3A_194 = tpu.memref_slice %arg6[%dma_start3A_192, %dma_start3A_193] : memref<1331200x32xf32, #tpu.memory_space<hbm>> -> memref<1331200x32xf32, #tpu.memory_space<hbm>>
    tpu.enqueue_indirect_dma source(%arg19 : memref<1280x32xf32, #tpu.memory_space<vmem>>) target(%dma_start3A_194 : memref<1331200x32xf32, #tpu.memory_space<hbm>>) offsets(%arg17 : memref<1280xi32, #tpu.memory_space<vmem>>) semaphore(%arg21 : memref<!tpu.dma_semaphore, #tpu.memory_space<semaphore_mem>>)
    %dma_start3A_195 = arith.constant 0 : i32
    %dma_start3A_196 = arith.constant 0 : i32
    %dma_start3A_197 = tpu.memref_slice %arg6[%dma_start3A_195, %dma_start3A_196] : memref<1331200x32xf32, #tpu.memory_space<hbm>> -> memref<1331200x32xf32, #tpu.memory_space<hbm>>
    tpu.enqueue_indirect_dma source(%arg20 : memref<384x32xf32, #tpu.memory_space<vmem>>) target(%dma_start3A_197 : memref<1331200x32xf32, #tpu.memory_space<hbm>>) offsets(%arg18 : memref<384xi32, #tpu.memory_space<vmem>>) semaphore(%arg21 : memref<!tpu.dma_semaphore, #tpu.memory_space<semaphore_mem>>)
    %min3A_198 = arith.constant 3 : i32
    %min3A_199 = arith.constant 24 : i32
    %min3A_200 = arith.minsi %min3A_198, %min3A_199 : i32
    %mul3A_201 = arith.constant 64 : i32
    %mul3A_202 = arith.muli %min3A_200, %mul3A_201 : i32
    %add3A_203 = arith.addi %mul3A_2, %mul3A_202 : i32
    %dma_start3A_204 = arith.constant 0 : i32
    %dma_start3A_205 = tpu.memref_slice %arg2[%add3A_203, %dma_start3A_204] : memref<51200x32xf32, #tpu.memory_space<hbm>> -> memref<64x32xf32, #tpu.memory_space<hbm>>
    %dma_start3A_206 = arith.constant 0 : i32
    %dma_start3A_207 = tpu.memref_slice %arg2[%add3A_203, %dma_start3A_206] : memref<51200x32xf32, #tpu.memory_space<hbm>> -> memref<64x32xf32, #tpu.memory_space<hbm>>
    tpu.enqueue_dma source(%dma_start3A_207 : memref<64x32xf32, #tpu.memory_space<hbm>>) target(%arg15 : memref<64x32xf32, #tpu.memory_space<vmem>>) target_semaphore(%arg22 : memref<!tpu.dma_semaphore, #tpu.memory_space<semaphore_mem>>)
    %scan3A_208 = arith.constant 0 : i32
    %scan3A_209 = arith.constant 1 : i32
    %scan3A_210 = arith.constant 11 : i32
    %scan3A_211 = arith.addi %scan3A_209, %scan3A_210 : i32
    %scan3A_212 = arith.constant 1 : i32
    scf.for %scan3A_339 = %scan3A_209 to %scan3A_211 step %scan3A_212  : i32 {
      %mul3A_340 = arith.constant 2 : i32
      %mul3A_341 = arith.muli %mul3A_340, %scan3A_339 : i32
      %mul3A_342 = arith.constant 64 : i32
      %mul3A_343 = arith.muli %mul3A_341, %mul3A_342 : i32
      %add3A_344 = arith.addi %mul3A_2, %mul3A_343 : i32
      %mul3A_345 = arith.constant 26 : i32
      %mul3A_346 = arith.muli %add3A_344, %mul3A_345 : i32
      %dma_wait3A_347 = arith.constant 0 : i32
      %dma_wait3A_348 = tpu.memref_slice %arg2[%add3A_344, %dma_wait3A_347] : memref<51200x32xf32, #tpu.memory_space<hbm>> -> memref<64x32xf32, #tpu.memory_space<hbm>>
      %dma_wait3A_349 = arith.constant 0 : i32
      %dma_wait3A_350 = tpu.memref_slice %arg2[%add3A_344, %dma_wait3A_349] : memref<51200x32xf32, #tpu.memory_space<hbm>> -> memref<64x32xf32, #tpu.memory_space<hbm>>
      tpu.wait_dma2 semaphore(%arg14 : memref<!tpu.dma_semaphore, #tpu.memory_space<semaphore_mem>>) src(%dma_wait3A_350 : memref<64x32xf32, #tpu.memory_space<hbm>>) dst(%arg7 : memref<64x32xf32, #tpu.memory_space<vmem>>)
      %dma_wait3A_351 = arith.constant 0 : i32
      %dma_wait3A_352 = arith.constant 0 : i32
      %dma_wait3A_353 = tpu.memref_slice %arg6[%dma_wait3A_351, %dma_wait3A_352] : memref<1331200x32xf32, #tpu.memory_space<hbm>> -> memref<1331200x32xf32, #tpu.memory_space<hbm>>
      tpu.wait_indirect_dma semaphore(%arg13 : memref<!tpu.dma_semaphore, #tpu.memory_space<semaphore_mem>>) src(%arg11 : memref<1280x32xf32, #tpu.memory_space<vmem>>) dst(%dma_wait3A_353 : memref<1331200x32xf32, #tpu.memory_space<hbm>>)
      %dma_wait3A_354 = arith.constant 0 : i32
      %dma_wait3A_355 = arith.constant 0 : i32
      %dma_wait3A_356 = tpu.memref_slice %arg6[%dma_wait3A_354, %dma_wait3A_355] : memref<1331200x32xf32, #tpu.memory_space<hbm>> -> memref<1331200x32xf32, #tpu.memory_space<hbm>>
      tpu.wait_indirect_dma semaphore(%arg13 : memref<!tpu.dma_semaphore, #tpu.memory_space<semaphore_mem>>) src(%arg12 : memref<384x32xf32, #tpu.memory_space<vmem>>) dst(%dma_wait3A_356 : memref<1331200x32xf32, #tpu.memory_space<hbm>>)
      %scan3A_357 = arith.constant 0 : i32
      %scan3A_358 = arith.constant 0 : i32
      %scan3A_359 = arith.constant 80 : i32
      %scan3A_360 = arith.addi %scan3A_358, %scan3A_359 : i32
      %scan3A_361 = arith.constant 1 : i32
      %scan3A_362 = scf.for %scan3A_560 = %scan3A_358 to %scan3A_360 step %scan3A_361 iter_args(%scan3A_561 = %scan3A_357) -> (i32)  : i32 {
        %mul3A_562 = arith.constant 16 : i32
        %mul3A_563 = arith.muli %scan3A_560, %mul3A_562 : i32
        %add3A_564 = vector.broadcast %mul3A_563 : i32 to vector<16xi32>
        %add3A_565 = arith.addi %iota3A, %add3A_564 : vector<16xi32>
        %convert_element_type3A = arith.sitofp %add3A_565 : vector<16xi32> to vector<16xf32>
        %mul3A_566 = arith.constant 5.000000e-02 : f32
        %mul3A_567 = vector.broadcast %mul3A_566 : f32 to vector<16xf32>
        %mul3A_568 = arith.mulf %convert_element_type3A, %mul3A_567 : vector<16xf32>
        %convert_element_type3A_569 = arith.fptosi %mul3A_568 : vector<16xf32> to vector<16xi32>
        %mul3A_570 = arith.constant 20 : i32
        %mul3A_571 = vector.broadcast %mul3A_570 : i32 to vector<16xi32>
        %mul3A_572 = arith.muli %convert_element_type3A_569, %mul3A_571 : vector<16xi32>
        %sub3A = arith.subi %add3A_565, %mul3A_572 : vector<16xi32>
        %gather3A = tpu.vector_load_idx %arg7[%convert_element_type3A_569, %sub3A] : memref<64x32xf32, #tpu.memory_space<vmem>>[vector<16xi32>, vector<16xi32>], vector<16xf32>,
        %bitcast3A = vector.bitcast %gather3A : vector<16xf32> to vector<16xi32>
        %mul3A_573 = arith.constant 16 : i32
        %mul3A_574 = arith.muli %scan3A_560, %mul3A_573 : i32
        %swap3A = arith.index_cast %mul3A_574 : i32 to index
        %swap3A_575 = tpu.vector_load %arg8[%swap3A] {strides = array<i32>} : memref<1280xi32, #tpu.memory_space<vmem>>, vector<16xi32>,
        tpu.vector_store %arg8[%swap3A], %bitcast3A {strides = array<i32>} : memref<1280xi32, #tpu.memory_space<vmem>>, vector<16xi32>,
        %add3A_576 = vector.broadcast %mul3A_346 : i32 to vector<16xi32>
        %add3A_577 = arith.addi %add3A_576, %add3A_565 : vector<16xi32>
        %mul3A_578 = arith.constant 6 : i32
        %mul3A_579 = vector.broadcast %mul3A_578 : i32 to vector<16xi32>
        %mul3A_580 = arith.muli %mul3A_579, %convert_element_type3A_569 : vector<16xi32>
        %add3A_581 = arith.addi %add3A_577, %mul3A_580 : vector<16xi32>
        %mul3A_582 = arith.constant 16 : i32
        %mul3A_583 = arith.muli %scan3A_560, %mul3A_582 : i32
        %swap3A_584 = arith.index_cast %mul3A_583 : i32 to index
        %swap3A_585 = tpu.vector_load %arg9[%swap3A_584] {strides = array<i32>} : memref<1280xi32, #tpu.memory_space<vmem>>, vector<16xi32>,
        tpu.vector_store %arg9[%swap3A_584], %add3A_581 {strides = array<i32>} : memref<1280xi32, #tpu.memory_space<vmem>>, vector<16xi32>,
        %scan3A_586 = arith.constant 0 : i32
        scf.yield %scan3A_586 : i32
      }
      %scan3A_363 = arith.constant 80 : i32
      %scan3A_364 = arith.constant 0 : i32
      %scan3A_365 = arith.constant 0 : i32
      %scan3A_366 = arith.constant 24 : i32
      %scan3A_367 = arith.addi %scan3A_365, %scan3A_366 : i32
      %scan3A_368 = arith.constant 1 : i32
      %scan3A_369 = scf.for %scan3A_560 = %scan3A_365 to %scan3A_367 step %scan3A_368 iter_args(%scan3A_561 = %scan3A_364) -> (i32)  : i32 {
        %mul3A_562 = arith.constant 16 : i32
        %mul3A_563 = arith.muli %scan3A_560, %mul3A_562 : i32
        %add3A_564 = vector.broadcast %mul3A_563 : i32 to vector<16xi32>
        %add3A_565 = arith.addi %iota3A, %add3A_564 : vector<16xi32>
        %convert_element_type3A = arith.sitofp %add3A_565 : vector<16xi32> to vector<16xf32>
        %mul3A_566 = arith.constant 0.166666672 : f32
        %mul3A_567 = vector.broadcast %mul3A_566 : f32 to vector<16xf32>
        %mul3A_568 = arith.mulf %convert_element_type3A, %mul3A_567 : vector<16xf32>
        %convert_element_type3A_569 = arith.fptosi %mul3A_568 : vector<16xf32> to vector<16xi32>
        %add3A_570 = arith.constant 20 : i32
        %add3A_571 = arith.addi %mul3A_346, %add3A_570 : i32
        %add3A_572 = vector.broadcast %add3A_571 : i32 to vector<16xi32>
        %add3A_573 = arith.addi %add3A_572, %add3A_565 : vector<16xi32>
        %mul3A_574 = arith.constant 20 : i32
        %mul3A_575 = vector.broadcast %mul3A_574 : i32 to vector<16xi32>
        %mul3A_576 = arith.muli %mul3A_575, %convert_element_type3A_569 : vector<16xi32>
        %add3A_577 = arith.addi %add3A_573, %mul3A_576 : vector<16xi32>
        %mul3A_578 = arith.constant 16 : i32
        %mul3A_579 = arith.muli %scan3A_560, %mul3A_578 : i32
        %swap3A = arith.index_cast %mul3A_579 : i32 to index
        %swap3A_580 = tpu.vector_load %arg10[%swap3A] {strides = array<i32>} : memref<384xi32, #tpu.memory_space<vmem>>, vector<16xi32>,
        tpu.vector_store %arg10[%swap3A], %add3A_577 {strides = array<i32>} : memref<384xi32, #tpu.memory_space<vmem>>, vector<16xi32>,
        %scan3A_581 = arith.constant 0 : i32
        scf.yield %scan3A_581 : i32
      }
      %scan3A_370 = arith.constant 24 : i32
      %dma_start3A_371 = arith.constant 0 : i32
      %dma_start3A_372 = arith.constant 0 : i32
      %dma_start3A_373 = tpu.memref_slice %arg3[%dma_start3A_371, %dma_start3A_372] : memref<2000000x32xf32, #tpu.memory_space<hbm>> -> memref<2000000x32xf32, #tpu.memory_space<hbm>>
      tpu.enqueue_indirect_dma source(%dma_start3A_373 : memref<2000000x32xf32, #tpu.memory_space<hbm>>) target(%arg11 : memref<1280x32xf32, #tpu.memory_space<vmem>>) offsets(%arg8 : memref<1280xi32, #tpu.memory_space<vmem>>) semaphore(%arg25 : memref<!tpu.dma_semaphore, #tpu.memory_space<semaphore_mem>>)
      %get3A_374 = arith.constant 0 : index
      %get3A_375 = tpu.vector_load %arg23[%get3A_374] {strides = array<i32>} : memref<192xf32, #tpu.memory_space<vmem>>, vector<16xf32>,
      %get3A_376 = arith.constant 16 : index
      %get3A_377 = tpu.vector_load %arg23[%get3A_376] {strides = array<i32>} : memref<192xf32, #tpu.memory_space<vmem>>, vector<16xf32>,
      %get3A_378 = arith.constant 32 : index
      %get3A_379 = tpu.vector_load %arg23[%get3A_378] {strides = array<i32>} : memref<192xf32, #tpu.memory_space<vmem>>, vector<16xf32>,
      %get3A_380 = arith.constant 48 : index
      %get3A_381 = tpu.vector_load %arg23[%get3A_380] {strides = array<i32>} : memref<192xf32, #tpu.memory_space<vmem>>, vector<16xf32>,
      %get3A_382 = arith.constant 64 : index
      %get3A_383 = tpu.vector_load %arg23[%get3A_382] {strides = array<i32>} : memref<192xf32, #tpu.memory_space<vmem>>, vector<16xf32>,
      %get3A_384 = arith.constant 80 : index
      %get3A_385 = tpu.vector_load %arg23[%get3A_384] {strides = array<i32>} : memref<192xf32, #tpu.memory_space<vmem>>, vector<16xf32>,
      %get3A_386 = arith.constant 96 : index
      %get3A_387 = tpu.vector_load %arg23[%get3A_386] {strides = array<i32>} : memref<192xf32, #tpu.memory_space<vmem>>, vector<16xf32>,
      %get3A_388 = arith.constant 112 : index
      %get3A_389 = tpu.vector_load %arg23[%get3A_388] {strides = array<i32>} : memref<192xf32, #tpu.memory_space<vmem>>, vector<16xf32>,
      %get3A_390 = arith.constant 128 : index
      %get3A_391 = tpu.vector_load %arg23[%get3A_390] {strides = array<i32>} : memref<192xf32, #tpu.memory_space<vmem>>, vector<16xf32>,
      %get3A_392 = arith.constant 144 : index
      %get3A_393 = tpu.vector_load %arg23[%get3A_392] {strides = array<i32>} : memref<192xf32, #tpu.memory_space<vmem>>, vector<16xf32>,
      %get3A_394 = arith.constant 160 : index
      %get3A_395 = tpu.vector_load %arg23[%get3A_394] {strides = array<i32>} : memref<192xf32, #tpu.memory_space<vmem>>, vector<16xf32>,
      %get3A_396 = arith.constant 176 : index
      %get3A_397 = tpu.vector_load %arg23[%get3A_396] {strides = array<i32>} : memref<192xf32, #tpu.memory_space<vmem>>, vector<16xf32>,
      %get3A_398 = arith.constant 0 : index
      %get3A_399 = tpu.vector_load %arg24[%get3A_398] {strides = array<i32>} : memref<192xf32, #tpu.memory_space<vmem>>, vector<16xf32>,
      %get3A_400 = arith.constant 16 : index
      %get3A_401 = tpu.vector_load %arg24[%get3A_400] {strides = array<i32>} : memref<192xf32, #tpu.memory_space<vmem>>, vector<16xf32>,
      %get3A_402 = arith.constant 32 : index
      %get3A_403 = tpu.vector_load %arg24[%get3A_402] {strides = array<i32>} : memref<192xf32, #tpu.memory_space<vmem>>, vector<16xf32>,
      %get3A_404 = arith.constant 48 : index
      %get3A_405 = tpu.vector_load %arg24[%get3A_404] {strides = array<i32>} : memref<192xf32, #tpu.memory_space<vmem>>, vector<16xf32>,
      %get3A_406 = arith.constant 64 : index
      %get3A_407 = tpu.vector_load %arg24[%get3A_406] {strides = array<i32>} : memref<192xf32, #tpu.memory_space<vmem>>, vector<16xf32>,
      %get3A_408 = arith.constant 80 : index
      %get3A_409 = tpu.vector_load %arg24[%get3A_408] {strides = array<i32>} : memref<192xf32, #tpu.memory_space<vmem>>, vector<16xf32>,
      %get3A_410 = arith.constant 96 : index
      %get3A_411 = tpu.vector_load %arg24[%get3A_410] {strides = array<i32>} : memref<192xf32, #tpu.memory_space<vmem>>, vector<16xf32>,
      %get3A_412 = arith.constant 112 : index
      %get3A_413 = tpu.vector_load %arg24[%get3A_412] {strides = array<i32>} : memref<192xf32, #tpu.memory_space<vmem>>, vector<16xf32>,
      %get3A_414 = arith.constant 128 : index
      %get3A_415 = tpu.vector_load %arg24[%get3A_414] {strides = array<i32>} : memref<192xf32, #tpu.memory_space<vmem>>, vector<16xf32>,
      %get3A_416 = arith.constant 144 : index
      %get3A_417 = tpu.vector_load %arg24[%get3A_416] {strides = array<i32>} : memref<192xf32, #tpu.memory_space<vmem>>, vector<16xf32>,
      %get3A_418 = arith.constant 160 : index
      %get3A_419 = tpu.vector_load %arg24[%get3A_418] {strides = array<i32>} : memref<192xf32, #tpu.memory_space<vmem>>, vector<16xf32>,
      %get3A_420 = arith.constant 176 : index
      %get3A_421 = tpu.vector_load %arg24[%get3A_420] {strides = array<i32>} : memref<192xf32, #tpu.memory_space<vmem>>, vector<16xf32>,
      %scan3A_422 = arith.constant 0 : i32
      %scan3A_423 = arith.constant 0 : i32
      %scan3A_424 = arith.constant 64 : i32
      %scan3A_425 = arith.addi %scan3A_423, %scan3A_424 : i32
      %scan3A_426 = arith.constant 1 : i32
      %scan3A_427 = scf.for %scan3A_560 = %scan3A_423 to %scan3A_425 step %scan3A_426 iter_args(%scan3A_561 = %scan3A_422) -> (i32)  : i32 {
        %get3A_562 = arith.index_cast %scan3A_560 : i32 to index
        %get3A_563 = arith.constant 16 : index
        %get3A_564 = tpu.vector_load %arg7[%get3A_562, %get3A_563] {strides = array<i32>} : memref<64x32xf32, #tpu.memory_space<vmem>>, vector<16xf32>,
        %slice3A = vector.extract_strided_slice %get3A_564 {offsets = [4], sizes = [1], strides = [1]} : vector<16xf32> to vector<1xf32>
        %squeeze3A = vector.extract %slice3A[0] : f32 from vector<1xf32>
        %mul3A_565 = vector.broadcast %squeeze3A : f32 to vector<16xf32>
        %mul3A_566 = arith.mulf %get3A_375, %mul3A_565 : vector<16xf32>
        %add3A_567 = arith.addf %mul3A_566, %get3A_399 : vector<16xf32>
        %neg3A = arith.constant 0.000000e+00 : f32
        %neg3A_568 = vector.broadcast %neg3A : f32 to vector<16xf32>
        %neg3A_569 = arith.subf %neg3A_568, %add3A_567 : vector<16xf32>
        %exp3A = math.exp %neg3A_569 : vector<16xf32>
        %add3A_570 = arith.constant 1.000000e+00 : f32
        %add3A_571 = vector.broadcast %add3A_570 : f32 to vector<16xf32>
        %add3A_572 = arith.addf %add3A_571, %exp3A : vector<16xf32>
        %div3A = arith.divf %add3A_567, %add3A_572 : vector<16xf32>
        %mul3A_573 = arith.constant 6 : i32
        %mul3A_574 = arith.muli %scan3A_560, %mul3A_573 : i32
        %add3A_575 = arith.constant 0 : i32
        %add3A_576 = arith.addi %mul3A_574, %add3A_575 : i32
        %swap3A = arith.index_cast %add3A_576 : i32 to index
        %swap3A_577 = arith.constant 0 : index
        %swap3A_578 = tpu.vector_load %arg12[%swap3A, %swap3A_577] {strides = array<i32>} : memref<384x32xf32, #tpu.memory_space<vmem>>, vector<16xf32>,
        tpu.vector_store %arg12[%swap3A, %swap3A_577], %div3A {strides = array<i32>} : memref<384x32xf32, #tpu.memory_space<vmem>>, vector<16xf32>,
        %mul3A_579 = vector.broadcast %squeeze3A : f32 to vector<16xf32>
        %mul3A_580 = arith.mulf %get3A_377, %mul3A_579 : vector<16xf32>
        %add3A_581 = arith.addf %mul3A_580, %get3A_401 : vector<16xf32>
        %neg3A_582 = arith.constant 0.000000e+00 : f32
        %neg3A_583 = vector.broadcast %neg3A_582 : f32 to vector<16xf32>
        %neg3A_584 = arith.subf %neg3A_583, %add3A_581 : vector<16xf32>
        %exp3A_585 = math.exp %neg3A_584 : vector<16xf32>
        %add3A_586 = arith.constant 1.000000e+00 : f32
        %add3A_587 = vector.broadcast %add3A_586 : f32 to vector<16xf32>
        %add3A_588 = arith.addf %add3A_587, %exp3A_585 : vector<16xf32>
        %div3A_589 = arith.divf %add3A_581, %add3A_588 : vector<16xf32>
        %mul3A_590 = arith.constant 6 : i32
        %mul3A_591 = arith.muli %scan3A_560, %mul3A_590 : i32
        %add3A_592 = arith.constant 0 : i32
        %add3A_593 = arith.addi %mul3A_591, %add3A_592 : i32
        %swap3A_594 = arith.index_cast %add3A_593 : i32 to index
        %swap3A_595 = arith.constant 16 : index
        %swap3A_596 = tpu.vector_load %arg12[%swap3A_594, %swap3A_595] {strides = array<i32>} : memref<384x32xf32, #tpu.memory_space<vmem>>, vector<16xf32>,
        tpu.vector_store %arg12[%swap3A_594, %swap3A_595], %div3A_589 {strides = array<i32>} : memref<384x32xf32, #tpu.memory_space<vmem>>, vector<16xf32>,
        %slice3A_597 = vector.extract_strided_slice %get3A_564 {offsets = [5], sizes = [1], strides = [1]} : vector<16xf32> to vector<1xf32>
        %squeeze3A_598 = vector.extract %slice3A_597[0] : f32 from vector<1xf32>
        %mul3A_599 = vector.broadcast %squeeze3A_598 : f32 to vector<16xf32>
        %mul3A_600 = arith.mulf %get3A_379, %mul3A_599 : vector<16xf32>
        %add3A_601 = arith.addf %mul3A_600, %get3A_403 : vector<16xf32>
        %neg3A_602 = arith.constant 0.000000e+00 : f32
        %neg3A_603 = vector.broadcast %neg3A_602 : f32 to vector<16xf32>
        %neg3A_604 = arith.subf %neg3A_603, %add3A_601 : vector<16xf32>
        %exp3A_605 = math.exp %neg3A_604 : vector<16xf32>
        %add3A_606 = arith.constant 1.000000e+00 : f32
        %add3A_607 = vector.broadcast %add3A_606 : f32 to vector<16xf32>
        %add3A_608 = arith.addf %add3A_607, %exp3A_605 : vector<16xf32>
        %div3A_609 = arith.divf %add3A_601, %add3A_608 : vector<16xf32>
        %mul3A_610 = arith.constant 6 : i32
        %mul3A_611 = arith.muli %scan3A_560, %mul3A_610 : i32
        %add3A_612 = arith.constant 1 : i32
        %add3A_613 = arith.addi %mul3A_611, %add3A_612 : i32
        %swap3A_614 = arith.index_cast %add3A_613 : i32 to index
        %swap3A_615 = arith.constant 0 : index
        %swap3A_616 = tpu.vector_load %arg12[%swap3A_614, %swap3A_615] {strides = array<i32>} : memref<384x32xf32, #tpu.memory_space<vmem>>, vector<16xf32>,
        tpu.vector_store %arg12[%swap3A_614, %swap3A_615], %div3A_609 {strides = array<i32>} : memref<384x32xf32, #tpu.memory_space<vmem>>, vector<16xf32>,
        %mul3A_617 = vector.broadcast %squeeze3A_598 : f32 to vector<16xf32>
        %mul3A_618 = arith.mulf %get3A_381, %mul3A_617 : vector<16xf32>
        %add3A_619 = arith.addf %mul3A_618, %get3A_405 : vector<16xf32>
        %neg3A_620 = arith.constant 0.000000e+00 : f32
        %neg3A_621 = vector.broadcast %neg3A_620 : f32 to vector<16xf32>
        %neg3A_622 = arith.subf %neg3A_621, %add3A_619 : vector<16xf32>
        %exp3A_623 = math.exp %neg3A_622 : vector<16xf32>
        %add3A_624 = arith.constant 1.000000e+00 : f32
        %add3A_625 = vector.broadcast %add3A_624 : f32 to vector<16xf32>
        %add3A_626 = arith.addf %add3A_625, %exp3A_623 : vector<16xf32>
        %div3A_627 = arith.divf %add3A_619, %add3A_626 : vector<16xf32>
        %mul3A_628 = arith.constant 6 : i32
        %mul3A_629 = arith.muli %scan3A_560, %mul3A_628 : i32
        %add3A_630 = arith.constant 1 : i32
        %add3A_631 = arith.addi %mul3A_629, %add3A_630 : i32
        %swap3A_632 = arith.index_cast %add3A_631 : i32 to index
        %swap3A_633 = arith.constant 16 : index
        %swap3A_634 = tpu.vector_load %arg12[%swap3A_632, %swap3A_633] {strides = array<i32>} : memref<384x32xf32, #tpu.memory_space<vmem>>, vector<16xf32>,
        tpu.vector_store %arg12[%swap3A_632, %swap3A_633], %div3A_627 {strides = array<i32>} : memref<384x32xf32, #tpu.memory_space<vmem>>, vector<16xf32>,
        %slice3A_635 = vector.extract_strided_slice %get3A_564 {offsets = [6], sizes = [1], strides = [1]} : vector<16xf32> to vector<1xf32>
        %squeeze3A_636 = vector.extract %slice3A_635[0] : f32 from vector<1xf32>
        %mul3A_637 = vector.broadcast %squeeze3A_636 : f32 to vector<16xf32>
        %mul3A_638 = arith.mulf %get3A_383, %mul3A_637 : vector<16xf32>
        %add3A_639 = arith.addf %mul3A_638, %get3A_407 : vector<16xf32>
        %neg3A_640 = arith.constant 0.000000e+00 : f32
        %neg3A_641 = vector.broadcast %neg3A_640 : f32 to vector<16xf32>
        %neg3A_642 = arith.subf %neg3A_641, %add3A_639 : vector<16xf32>
        %exp3A_643 = math.exp %neg3A_642 : vector<16xf32>
        %add3A_644 = arith.constant 1.000000e+00 : f32
        %add3A_645 = vector.broadcast %add3A_644 : f32 to vector<16xf32>
        %add3A_646 = arith.addf %add3A_645, %exp3A_643 : vector<16xf32>
        %div3A_647 = arith.divf %add3A_639, %add3A_646 : vector<16xf32>
        %mul3A_648 = arith.constant 6 : i32
        %mul3A_649 = arith.muli %scan3A_560, %mul3A_648 : i32
        %add3A_650 = arith.constant 2 : i32
        %add3A_651 = arith.addi %mul3A_649, %add3A_650 : i32
        %swap3A_652 = arith.index_cast %add3A_651 : i32 to index
        %swap3A_653 = arith.constant 0 : index
        %swap3A_654 = tpu.vector_load %arg12[%swap3A_652, %swap3A_653] {strides = array<i32>} : memref<384x32xf32, #tpu.memory_space<vmem>>, vector<16xf32>,
        tpu.vector_store %arg12[%swap3A_652, %swap3A_653], %div3A_647 {strides = array<i32>} : memref<384x32xf32, #tpu.memory_space<vmem>>, vector<16xf32>,
        %mul3A_655 = vector.broadcast %squeeze3A_636 : f32 to vector<16xf32>
        %mul3A_656 = arith.mulf %get3A_385, %mul3A_655 : vector<16xf32>
        %add3A_657 = arith.addf %mul3A_656, %get3A_409 : vector<16xf32>
        %neg3A_658 = arith.constant 0.000000e+00 : f32
        %neg3A_659 = vector.broadcast %neg3A_658 : f32 to vector<16xf32>
        %neg3A_660 = arith.subf %neg3A_659, %add3A_657 : vector<16xf32>
        %exp3A_661 = math.exp %neg3A_660 : vector<16xf32>
        %add3A_662 = arith.constant 1.000000e+00 : f32
        %add3A_663 = vector.broadcast %add3A_662 : f32 to vector<16xf32>
        %add3A_664 = arith.addf %add3A_663, %exp3A_661 : vector<16xf32>
        %div3A_665 = arith.divf %add3A_657, %add3A_664 : vector<16xf32>
        %mul3A_666 = arith.constant 6 : i32
        %mul3A_667 = arith.muli %scan3A_560, %mul3A_666 : i32
        %add3A_668 = arith.constant 2 : i32
        %add3A_669 = arith.addi %mul3A_667, %add3A_668 : i32
        %swap3A_670 = arith.index_cast %add3A_669 : i32 to index
        %swap3A_671 = arith.constant 16 : index
        %swap3A_672 = tpu.vector_load %arg12[%swap3A_670, %swap3A_671] {strides = array<i32>} : memref<384x32xf32, #tpu.memory_space<vmem>>, vector<16xf32>,
        tpu.vector_store %arg12[%swap3A_670, %swap3A_671], %div3A_665 {strides = array<i32>} : memref<384x32xf32, #tpu.memory_space<vmem>>, vector<16xf32>,
        %slice3A_673 = vector.extract_strided_slice %get3A_564 {offsets = [7], sizes = [1], strides = [1]} : vector<16xf32> to vector<1xf32>
        %squeeze3A_674 = vector.extract %slice3A_673[0] : f32 from vector<1xf32>
        %mul3A_675 = vector.broadcast %squeeze3A_674 : f32 to vector<16xf32>
        %mul3A_676 = arith.mulf %get3A_387, %mul3A_675 : vector<16xf32>
        %add3A_677 = arith.addf %mul3A_676, %get3A_411 : vector<16xf32>
        %neg3A_678 = arith.constant 0.000000e+00 : f32
        %neg3A_679 = vector.broadcast %neg3A_678 : f32 to vector<16xf32>
        %neg3A_680 = arith.subf %neg3A_679, %add3A_677 : vector<16xf32>
        %exp3A_681 = math.exp %neg3A_680 : vector<16xf32>
        %add3A_682 = arith.constant 1.000000e+00 : f32
        %add3A_683 = vector.broadcast %add3A_682 : f32 to vector<16xf32>
        %add3A_684 = arith.addf %add3A_683, %exp3A_681 : vector<16xf32>
        %div3A_685 = arith.divf %add3A_677, %add3A_684 : vector<16xf32>
        %mul3A_686 = arith.constant 6 : i32
        %mul3A_687 = arith.muli %scan3A_560, %mul3A_686 : i32
        %add3A_688 = arith.constant 3 : i32
        %add3A_689 = arith.addi %mul3A_687, %add3A_688 : i32
        %swap3A_690 = arith.index_cast %add3A_689 : i32 to index
        %swap3A_691 = arith.constant 0 : index
        %swap3A_692 = tpu.vector_load %arg12[%swap3A_690, %swap3A_691] {strides = array<i32>} : memref<384x32xf32, #tpu.memory_space<vmem>>, vector<16xf32>,
        tpu.vector_store %arg12[%swap3A_690, %swap3A_691], %div3A_685 {strides = array<i32>} : memref<384x32xf32, #tpu.memory_space<vmem>>, vector<16xf32>,
        %mul3A_693 = vector.broadcast %squeeze3A_674 : f32 to vector<16xf32>
        %mul3A_694 = arith.mulf %get3A_389, %mul3A_693 : vector<16xf32>
        %add3A_695 = arith.addf %mul3A_694, %get3A_413 : vector<16xf32>
        %neg3A_696 = arith.constant 0.000000e+00 : f32
        %neg3A_697 = vector.broadcast %neg3A_696 : f32 to vector<16xf32>
        %neg3A_698 = arith.subf %neg3A_697, %add3A_695 : vector<16xf32>
        %exp3A_699 = math.exp %neg3A_698 : vector<16xf32>
        %add3A_700 = arith.constant 1.000000e+00 : f32
        %add3A_701 = vector.broadcast %add3A_700 : f32 to vector<16xf32>
        %add3A_702 = arith.addf %add3A_701, %exp3A_699 : vector<16xf32>
        %div3A_703 = arith.divf %add3A_695, %add3A_702 : vector<16xf32>
        %mul3A_704 = arith.constant 6 : i32
        %mul3A_705 = arith.muli %scan3A_560, %mul3A_704 : i32
        %add3A_706 = arith.constant 3 : i32
        %add3A_707 = arith.addi %mul3A_705, %add3A_706 : i32
        %swap3A_708 = arith.index_cast %add3A_707 : i32 to index
        %swap3A_709 = arith.constant 16 : index
        %swap3A_710 = tpu.vector_load %arg12[%swap3A_708, %swap3A_709] {strides = array<i32>} : memref<384x32xf32, #tpu.memory_space<vmem>>, vector<16xf32>,
        tpu.vector_store %arg12[%swap3A_708, %swap3A_709], %div3A_703 {strides = array<i32>} : memref<384x32xf32, #tpu.memory_space<vmem>>, vector<16xf32>,
        %slice3A_711 = vector.extract_strided_slice %get3A_564 {offsets = [8], sizes = [1], strides = [1]} : vector<16xf32> to vector<1xf32>
        %squeeze3A_712 = vector.extract %slice3A_711[0] : f32 from vector<1xf32>
        %mul3A_713 = vector.broadcast %squeeze3A_712 : f32 to vector<16xf32>
        %mul3A_714 = arith.mulf %get3A_391, %mul3A_713 : vector<16xf32>
        %add3A_715 = arith.addf %mul3A_714, %get3A_415 : vector<16xf32>
        %neg3A_716 = arith.constant 0.000000e+00 : f32
        %neg3A_717 = vector.broadcast %neg3A_716 : f32 to vector<16xf32>
        %neg3A_718 = arith.subf %neg3A_717, %add3A_715 : vector<16xf32>
        %exp3A_719 = math.exp %neg3A_718 : vector<16xf32>
        %add3A_720 = arith.constant 1.000000e+00 : f32
        %add3A_721 = vector.broadcast %add3A_720 : f32 to vector<16xf32>
        %add3A_722 = arith.addf %add3A_721, %exp3A_719 : vector<16xf32>
        %div3A_723 = arith.divf %add3A_715, %add3A_722 : vector<16xf32>
        %mul3A_724 = arith.constant 6 : i32
        %mul3A_725 = arith.muli %scan3A_560, %mul3A_724 : i32
        %add3A_726 = arith.constant 4 : i32
        %add3A_727 = arith.addi %mul3A_725, %add3A_726 : i32
        %swap3A_728 = arith.index_cast %add3A_727 : i32 to index
        %swap3A_729 = arith.constant 0 : index
        %swap3A_730 = tpu.vector_load %arg12[%swap3A_728, %swap3A_729] {strides = array<i32>} : memref<384x32xf32, #tpu.memory_space<vmem>>, vector<16xf32>,
        tpu.vector_store %arg12[%swap3A_728, %swap3A_729], %div3A_723 {strides = array<i32>} : memref<384x32xf32, #tpu.memory_space<vmem>>, vector<16xf32>,
        %mul3A_731 = vector.broadcast %squeeze3A_712 : f32 to vector<16xf32>
        %mul3A_732 = arith.mulf %get3A_393, %mul3A_731 : vector<16xf32>
        %add3A_733 = arith.addf %mul3A_732, %get3A_417 : vector<16xf32>
        %neg3A_734 = arith.constant 0.000000e+00 : f32
        %neg3A_735 = vector.broadcast %neg3A_734 : f32 to vector<16xf32>
        %neg3A_736 = arith.subf %neg3A_735, %add3A_733 : vector<16xf32>
        %exp3A_737 = math.exp %neg3A_736 : vector<16xf32>
        %add3A_738 = arith.constant 1.000000e+00 : f32
        %add3A_739 = vector.broadcast %add3A_738 : f32 to vector<16xf32>
        %add3A_740 = arith.addf %add3A_739, %exp3A_737 : vector<16xf32>
        %div3A_741 = arith.divf %add3A_733, %add3A_740 : vector<16xf32>
        %mul3A_742 = arith.constant 6 : i32
        %mul3A_743 = arith.muli %scan3A_560, %mul3A_742 : i32
        %add3A_744 = arith.constant 4 : i32
        %add3A_745 = arith.addi %mul3A_743, %add3A_744 : i32
        %swap3A_746 = arith.index_cast %add3A_745 : i32 to index
        %swap3A_747 = arith.constant 16 : index
        %swap3A_748 = tpu.vector_load %arg12[%swap3A_746, %swap3A_747] {strides = array<i32>} : memref<384x32xf32, #tpu.memory_space<vmem>>, vector<16xf32>,
        tpu.vector_store %arg12[%swap3A_746, %swap3A_747], %div3A_741 {strides = array<i32>} : memref<384x32xf32, #tpu.memory_space<vmem>>, vector<16xf32>,
        %slice3A_749 = vector.extract_strided_slice %get3A_564 {offsets = [9], sizes = [1], strides = [1]} : vector<16xf32> to vector<1xf32>
        %squeeze3A_750 = vector.extract %slice3A_749[0] : f32 from vector<1xf32>
        %mul3A_751 = vector.broadcast %squeeze3A_750 : f32 to vector<16xf32>
        %mul3A_752 = arith.mulf %get3A_395, %mul3A_751 : vector<16xf32>
        %add3A_753 = arith.addf %mul3A_752, %get3A_419 : vector<16xf32>
        %neg3A_754 = arith.constant 0.000000e+00 : f32
        %neg3A_755 = vector.broadcast %neg3A_754 : f32 to vector<16xf32>
        %neg3A_756 = arith.subf %neg3A_755, %add3A_753 : vector<16xf32>
        %exp3A_757 = math.exp %neg3A_756 : vector<16xf32>
        %add3A_758 = arith.constant 1.000000e+00 : f32
        %add3A_759 = vector.broadcast %add3A_758 : f32 to vector<16xf32>
        %add3A_760 = arith.addf %add3A_759, %exp3A_757 : vector<16xf32>
        %div3A_761 = arith.divf %add3A_753, %add3A_760 : vector<16xf32>
        %mul3A_762 = arith.constant 6 : i32
        %mul3A_763 = arith.muli %scan3A_560, %mul3A_762 : i32
        %add3A_764 = arith.constant 5 : i32
        %add3A_765 = arith.addi %mul3A_763, %add3A_764 : i32
        %swap3A_766 = arith.index_cast %add3A_765 : i32 to index
        %swap3A_767 = arith.constant 0 : index
        %swap3A_768 = tpu.vector_load %arg12[%swap3A_766, %swap3A_767] {strides = array<i32>} : memref<384x32xf32, #tpu.memory_space<vmem>>, vector<16xf32>,
        tpu.vector_store %arg12[%swap3A_766, %swap3A_767], %div3A_761 {strides = array<i32>} : memref<384x32xf32, #tpu.memory_space<vmem>>, vector<16xf32>,
        %mul3A_769 = vector.broadcast %squeeze3A_750 : f32 to vector<16xf32>
        %mul3A_770 = arith.mulf %get3A_397, %mul3A_769 : vector<16xf32>
        %add3A_771 = arith.addf %mul3A_770, %get3A_421 : vector<16xf32>
        %neg3A_772 = arith.constant 0.000000e+00 : f32
        %neg3A_773 = vector.broadcast %neg3A_772 : f32 to vector<16xf32>
        %neg3A_774 = arith.subf %neg3A_773, %add3A_771 : vector<16xf32>
        %exp3A_775 = math.exp %neg3A_774 : vector<16xf32>
        %add3A_776 = arith.constant 1.000000e+00 : f32
        %add3A_777 = vector.broadcast %add3A_776 : f32 to vector<16xf32>
        %add3A_778 = arith.addf %add3A_777, %exp3A_775 : vector<16xf32>
        %div3A_779 = arith.divf %add3A_771, %add3A_778 : vector<16xf32>
        %mul3A_780 = arith.constant 6 : i32
        %mul3A_781 = arith.muli %scan3A_560, %mul3A_780 : i32
        %add3A_782 = arith.constant 5 : i32
        %add3A_783 = arith.addi %mul3A_781, %add3A_782 : i32
        %swap3A_784 = arith.index_cast %add3A_783 : i32 to index
        %swap3A_785 = arith.constant 16 : index
        %swap3A_786 = tpu.vector_load %arg12[%swap3A_784, %swap3A_785] {strides = array<i32>} : memref<384x32xf32, #tpu.memory_space<vmem>>, vector<16xf32>,
        tpu.vector_store %arg12[%swap3A_784, %swap3A_785], %div3A_779 {strides = array<i32>} : memref<384x32xf32, #tpu.memory_space<vmem>>, vector<16xf32>,
        %scan3A_787 = arith.constant 0 : i32
        scf.yield %scan3A_787 : i32
      }
      %scan3A_428 = arith.constant 64 : i32
      %dma_wait3A_429 = arith.constant 0 : i32
      %dma_wait3A_430 = arith.constant 0 : i32
      %dma_wait3A_431 = tpu.memref_slice %arg3[%dma_wait3A_429, %dma_wait3A_430] : memref<2000000x32xf32, #tpu.memory_space<hbm>> -> memref<2000000x32xf32, #tpu.memory_space<hbm>>
      tpu.wait_indirect_dma semaphore(%arg25 : memref<!tpu.dma_semaphore, #tpu.memory_space<semaphore_mem>>) src(%dma_wait3A_431 : memref<2000000x32xf32, #tpu.memory_space<hbm>>) dst(%arg11 : memref<1280x32xf32, #tpu.memory_space<vmem>>)
      %dma_start3A_432 = arith.constant 0 : i32
      %dma_start3A_433 = arith.constant 0 : i32
      %dma_start3A_434 = tpu.memref_slice %arg6[%dma_start3A_432, %dma_start3A_433] : memref<1331200x32xf32, #tpu.memory_space<hbm>> -> memref<1331200x32xf32, #tpu.memory_space<hbm>>
      tpu.enqueue_indirect_dma source(%arg11 : memref<1280x32xf32, #tpu.memory_space<vmem>>) target(%dma_start3A_434 : memref<1331200x32xf32, #tpu.memory_space<hbm>>) offsets(%arg9 : memref<1280xi32, #tpu.memory_space<vmem>>) semaphore(%arg13 : memref<!tpu.dma_semaphore, #tpu.memory_space<semaphore_mem>>)
      %dma_start3A_435 = arith.constant 0 : i32
      %dma_start3A_436 = arith.constant 0 : i32
      %dma_start3A_437 = tpu.memref_slice %arg6[%dma_start3A_435, %dma_start3A_436] : memref<1331200x32xf32, #tpu.memory_space<hbm>> -> memref<1331200x32xf32, #tpu.memory_space<hbm>>
      tpu.enqueue_indirect_dma source(%arg12 : memref<384x32xf32, #tpu.memory_space<vmem>>) target(%dma_start3A_437 : memref<1331200x32xf32, #tpu.memory_space<hbm>>) offsets(%arg10 : memref<384xi32, #tpu.memory_space<vmem>>) semaphore(%arg13 : memref<!tpu.dma_semaphore, #tpu.memory_space<semaphore_mem>>)
      %add3A_438 = arith.constant 2 : i32
      %add3A_439 = arith.addi %mul3A_341, %add3A_438 : i32
      %min3A_440 = arith.constant 24 : i32
      %min3A_441 = arith.minsi %add3A_439, %min3A_440 : i32
      %mul3A_442 = arith.constant 64 : i32
      %mul3A_443 = arith.muli %min3A_441, %mul3A_442 : i32
      %add3A_444 = arith.addi %mul3A_2, %mul3A_443 : i32
      %dma_start3A_445 = arith.constant 0 : i32
      %dma_start3A_446 = tpu.memref_slice %arg2[%add3A_444, %dma_start3A_445] : memref<51200x32xf32, #tpu.memory_space<hbm>> -> memref<64x32xf32, #tpu.memory_space<hbm>>
      %dma_start3A_447 = arith.constant 0 : i32
      %dma_start3A_448 = tpu.memref_slice %arg2[%add3A_444, %dma_start3A_447] : memref<51200x32xf32, #tpu.memory_space<hbm>> -> memref<64x32xf32, #tpu.memory_space<hbm>>
      tpu.enqueue_dma source(%dma_start3A_448 : memref<64x32xf32, #tpu.memory_space<hbm>>) target(%arg7 : memref<64x32xf32, #tpu.memory_space<vmem>>) target_semaphore(%arg14 : memref<!tpu.dma_semaphore, #tpu.memory_space<semaphore_mem>>)
      %mul3A_449 = arith.constant 2 : i32
      %mul3A_450 = arith.muli %mul3A_449, %scan3A_339 : i32
      %add3A_451 = arith.constant 1 : i32
      %add3A_452 = arith.addi %mul3A_450, %add3A_451 : i32
      %mul3A_453 = arith.constant 64 : i32
      %mul3A_454 = arith.muli %add3A_452, %mul3A_453 : i32
      %add3A_455 = arith.addi %mul3A_2, %mul3A_454 : i32
      %mul3A_456 = arith.constant 26 : i32
      %mul3A_457 = arith.muli %add3A_455, %mul3A_456 : i32
      %dma_wait3A_458 = arith.constant 0 : i32
      %dma_wait3A_459 = tpu.memref_slice %arg2[%add3A_455, %dma_wait3A_458] : memref<51200x32xf32, #tpu.memory_space<hbm>> -> memref<64x32xf32, #tpu.memory_space<hbm>>
      %dma_wait3A_460 = arith.constant 0 : i32
      %dma_wait3A_461 = tpu.memref_slice %arg2[%add3A_455, %dma_wait3A_460] : memref<51200x32xf32, #tpu.memory_space<hbm>> -> memref<64x32xf32, #tpu.memory_space<hbm>>
      tpu.wait_dma2 semaphore(%arg22 : memref<!tpu.dma_semaphore, #tpu.memory_space<semaphore_mem>>) src(%dma_wait3A_461 : memref<64x32xf32, #tpu.memory_space<hbm>>) dst(%arg15 : memref<64x32xf32, #tpu.memory_space<vmem>>)
      %dma_wait3A_462 = arith.constant 0 : i32
      %dma_wait3A_463 = arith.constant 0 : i32
      %dma_wait3A_464 = tpu.memref_slice %arg6[%dma_wait3A_462, %dma_wait3A_463] : memref<1331200x32xf32, #tpu.memory_space<hbm>> -> memref<1331200x32xf32, #tpu.memory_space<hbm>>
      tpu.wait_indirect_dma semaphore(%arg21 : memref<!tpu.dma_semaphore, #tpu.memory_space<semaphore_mem>>) src(%arg19 : memref<1280x32xf32, #tpu.memory_space<vmem>>) dst(%dma_wait3A_464 : memref<1331200x32xf32, #tpu.memory_space<hbm>>)
      %dma_wait3A_465 = arith.constant 0 : i32
      %dma_wait3A_466 = arith.constant 0 : i32
      %dma_wait3A_467 = tpu.memref_slice %arg6[%dma_wait3A_465, %dma_wait3A_466] : memref<1331200x32xf32, #tpu.memory_space<hbm>> -> memref<1331200x32xf32, #tpu.memory_space<hbm>>
      tpu.wait_indirect_dma semaphore(%arg21 : memref<!tpu.dma_semaphore, #tpu.memory_space<semaphore_mem>>) src(%arg20 : memref<384x32xf32, #tpu.memory_space<vmem>>) dst(%dma_wait3A_467 : memref<1331200x32xf32, #tpu.memory_space<hbm>>)
      %scan3A_468 = arith.constant 0 : i32
      %scan3A_469 = arith.constant 0 : i32
      %scan3A_470 = arith.constant 80 : i32
      %scan3A_471 = arith.addi %scan3A_469, %scan3A_470 : i32
      %scan3A_472 = arith.constant 1 : i32
      %scan3A_473 = scf.for %scan3A_560 = %scan3A_469 to %scan3A_471 step %scan3A_472 iter_args(%scan3A_561 = %scan3A_468) -> (i32)  : i32 {
        %mul3A_562 = arith.constant 16 : i32
        %mul3A_563 = arith.muli %scan3A_560, %mul3A_562 : i32
        %add3A_564 = vector.broadcast %mul3A_563 : i32 to vector<16xi32>
        %add3A_565 = arith.addi %iota3A, %add3A_564 : vector<16xi32>
        %convert_element_type3A = arith.sitofp %add3A_565 : vector<16xi32> to vector<16xf32>
        %mul3A_566 = arith.constant 5.000000e-02 : f32
        %mul3A_567 = vector.broadcast %mul3A_566 : f32 to vector<16xf32>
        %mul3A_568 = arith.mulf %convert_element_type3A, %mul3A_567 : vector<16xf32>
        %convert_element_type3A_569 = arith.fptosi %mul3A_568 : vector<16xf32> to vector<16xi32>
        %mul3A_570 = arith.constant 20 : i32
        %mul3A_571 = vector.broadcast %mul3A_570 : i32 to vector<16xi32>
        %mul3A_572 = arith.muli %convert_element_type3A_569, %mul3A_571 : vector<16xi32>
        %sub3A = arith.subi %add3A_565, %mul3A_572 : vector<16xi32>
        %gather3A = tpu.vector_load_idx %arg15[%convert_element_type3A_569, %sub3A] : memref<64x32xf32, #tpu.memory_space<vmem>>[vector<16xi32>, vector<16xi32>], vector<16xf32>,
        %bitcast3A = vector.bitcast %gather3A : vector<16xf32> to vector<16xi32>
        %mul3A_573 = arith.constant 16 : i32
        %mul3A_574 = arith.muli %scan3A_560, %mul3A_573 : i32
        %swap3A = arith.index_cast %mul3A_574 : i32 to index
        %swap3A_575 = tpu.vector_load %arg16[%swap3A] {strides = array<i32>} : memref<1280xi32, #tpu.memory_space<vmem>>, vector<16xi32>,
        tpu.vector_store %arg16[%swap3A], %bitcast3A {strides = array<i32>} : memref<1280xi32, #tpu.memory_space<vmem>>, vector<16xi32>,
        %add3A_576 = vector.broadcast %mul3A_457 : i32 to vector<16xi32>
        %add3A_577 = arith.addi %add3A_576, %add3A_565 : vector<16xi32>
        %mul3A_578 = arith.constant 6 : i32
        %mul3A_579 = vector.broadcast %mul3A_578 : i32 to vector<16xi32>
        %mul3A_580 = arith.muli %mul3A_579, %convert_element_type3A_569 : vector<16xi32>
        %add3A_581 = arith.addi %add3A_577, %mul3A_580 : vector<16xi32>
        %mul3A_582 = arith.constant 16 : i32
        %mul3A_583 = arith.muli %scan3A_560, %mul3A_582 : i32
        %swap3A_584 = arith.index_cast %mul3A_583 : i32 to index
        %swap3A_585 = tpu.vector_load %arg17[%swap3A_584] {strides = array<i32>} : memref<1280xi32, #tpu.memory_space<vmem>>, vector<16xi32>,
        tpu.vector_store %arg17[%swap3A_584], %add3A_581 {strides = array<i32>} : memref<1280xi32, #tpu.memory_space<vmem>>, vector<16xi32>,
        %scan3A_586 = arith.constant 0 : i32
        scf.yield %scan3A_586 : i32
      }
      %scan3A_474 = arith.constant 80 : i32
      %scan3A_475 = arith.constant 0 : i32
      %scan3A_476 = arith.constant 0 : i32
      %scan3A_477 = arith.constant 24 : i32
      %scan3A_478 = arith.addi %scan3A_476, %scan3A_477 : i32
      %scan3A_479 = arith.constant 1 : i32
      %scan3A_480 = scf.for %scan3A_560 = %scan3A_476 to %scan3A_478 step %scan3A_479 iter_args(%scan3A_561 = %scan3A_475) -> (i32)  : i32 {
        %mul3A_562 = arith.constant 16 : i32
        %mul3A_563 = arith.muli %scan3A_560, %mul3A_562 : i32
        %add3A_564 = vector.broadcast %mul3A_563 : i32 to vector<16xi32>
        %add3A_565 = arith.addi %iota3A, %add3A_564 : vector<16xi32>
        %convert_element_type3A = arith.sitofp %add3A_565 : vector<16xi32> to vector<16xf32>
        %mul3A_566 = arith.constant 0.166666672 : f32
        %mul3A_567 = vector.broadcast %mul3A_566 : f32 to vector<16xf32>
        %mul3A_568 = arith.mulf %convert_element_type3A, %mul3A_567 : vector<16xf32>
        %convert_element_type3A_569 = arith.fptosi %mul3A_568 : vector<16xf32> to vector<16xi32>
        %add3A_570 = arith.constant 20 : i32
        %add3A_571 = arith.addi %mul3A_457, %add3A_570 : i32
        %add3A_572 = vector.broadcast %add3A_571 : i32 to vector<16xi32>
        %add3A_573 = arith.addi %add3A_572, %add3A_565 : vector<16xi32>
        %mul3A_574 = arith.constant 20 : i32
        %mul3A_575 = vector.broadcast %mul3A_574 : i32 to vector<16xi32>
        %mul3A_576 = arith.muli %mul3A_575, %convert_element_type3A_569 : vector<16xi32>
        %add3A_577 = arith.addi %add3A_573, %mul3A_576 : vector<16xi32>
        %mul3A_578 = arith.constant 16 : i32
        %mul3A_579 = arith.muli %scan3A_560, %mul3A_578 : i32
        %swap3A = arith.index_cast %mul3A_579 : i32 to index
        %swap3A_580 = tpu.vector_load %arg18[%swap3A] {strides = array<i32>} : memref<384xi32, #tpu.memory_space<vmem>>, vector<16xi32>,
        tpu.vector_store %arg18[%swap3A], %add3A_577 {strides = array<i32>} : memref<384xi32, #tpu.memory_space<vmem>>, vector<16xi32>,
        %scan3A_581 = arith.constant 0 : i32
        scf.yield %scan3A_581 : i32
      }
      %scan3A_481 = arith.constant 24 : i32
      %dma_start3A_482 = arith.constant 0 : i32
      %dma_start3A_483 = arith.constant 0 : i32
      %dma_start3A_484 = tpu.memref_slice %arg3[%dma_start3A_482, %dma_start3A_483] : memref<2000000x32xf32, #tpu.memory_space<hbm>> -> memref<2000000x32xf32, #tpu.memory_space<hbm>>
      tpu.enqueue_indirect_dma source(%dma_start3A_484 : memref<2000000x32xf32, #tpu.memory_space<hbm>>) target(%arg19 : memref<1280x32xf32, #tpu.memory_space<vmem>>) offsets(%arg16 : memref<1280xi32, #tpu.memory_space<vmem>>) semaphore(%arg25 : memref<!tpu.dma_semaphore, #tpu.memory_space<semaphore_mem>>)
      %get3A_485 = arith.constant 0 : index
      %get3A_486 = tpu.vector_load %arg23[%get3A_485] {strides = array<i32>} : memref<192xf32, #tpu.memory_space<vmem>>, vector<16xf32>,
      %get3A_487 = arith.constant 16 : index
      %get3A_488 = tpu.vector_load %arg23[%get3A_487] {strides = array<i32>} : memref<192xf32, #tpu.memory_space<vmem>>, vector<16xf32>,
      %get3A_489 = arith.constant 32 : index
      %get3A_490 = tpu.vector_load %arg23[%get3A_489] {strides = array<i32>} : memref<192xf32, #tpu.memory_space<vmem>>, vector<16xf32>,
      %get3A_491 = arith.constant 48 : index
      %get3A_492 = tpu.vector_load %arg23[%get3A_491] {strides = array<i32>} : memref<192xf32, #tpu.memory_space<vmem>>, vector<16xf32>,
      %get3A_493 = arith.constant 64 : index
      %get3A_494 = tpu.vector_load %arg23[%get3A_493] {strides = array<i32>} : memref<192xf32, #tpu.memory_space<vmem>>, vector<16xf32>,
      %get3A_495 = arith.constant 80 : index
      %get3A_496 = tpu.vector_load %arg23[%get3A_495] {strides = array<i32>} : memref<192xf32, #tpu.memory_space<vmem>>, vector<16xf32>,
      %get3A_497 = arith.constant 96 : index
      %get3A_498 = tpu.vector_load %arg23[%get3A_497] {strides = array<i32>} : memref<192xf32, #tpu.memory_space<vmem>>, vector<16xf32>,
      %get3A_499 = arith.constant 112 : index
      %get3A_500 = tpu.vector_load %arg23[%get3A_499] {strides = array<i32>} : memref<192xf32, #tpu.memory_space<vmem>>, vector<16xf32>,
      %get3A_501 = arith.constant 128 : index
      %get3A_502 = tpu.vector_load %arg23[%get3A_501] {strides = array<i32>} : memref<192xf32, #tpu.memory_space<vmem>>, vector<16xf32>,
      %get3A_503 = arith.constant 144 : index
      %get3A_504 = tpu.vector_load %arg23[%get3A_503] {strides = array<i32>} : memref<192xf32, #tpu.memory_space<vmem>>, vector<16xf32>,
      %get3A_505 = arith.constant 160 : index
      %get3A_506 = tpu.vector_load %arg23[%get3A_505] {strides = array<i32>} : memref<192xf32, #tpu.memory_space<vmem>>, vector<16xf32>,
      %get3A_507 = arith.constant 176 : index
      %get3A_508 = tpu.vector_load %arg23[%get3A_507] {strides = array<i32>} : memref<192xf32, #tpu.memory_space<vmem>>, vector<16xf32>,
      %get3A_509 = arith.constant 0 : index
      %get3A_510 = tpu.vector_load %arg24[%get3A_509] {strides = array<i32>} : memref<192xf32, #tpu.memory_space<vmem>>, vector<16xf32>,
      %get3A_511 = arith.constant 16 : index
      %get3A_512 = tpu.vector_load %arg24[%get3A_511] {strides = array<i32>} : memref<192xf32, #tpu.memory_space<vmem>>, vector<16xf32>,
      %get3A_513 = arith.constant 32 : index
      %get3A_514 = tpu.vector_load %arg24[%get3A_513] {strides = array<i32>} : memref<192xf32, #tpu.memory_space<vmem>>, vector<16xf32>,
      %get3A_515 = arith.constant 48 : index
      %get3A_516 = tpu.vector_load %arg24[%get3A_515] {strides = array<i32>} : memref<192xf32, #tpu.memory_space<vmem>>, vector<16xf32>,
      %get3A_517 = arith.constant 64 : index
      %get3A_518 = tpu.vector_load %arg24[%get3A_517] {strides = array<i32>} : memref<192xf32, #tpu.memory_space<vmem>>, vector<16xf32>,
      %get3A_519 = arith.constant 80 : index
      %get3A_520 = tpu.vector_load %arg24[%get3A_519] {strides = array<i32>} : memref<192xf32, #tpu.memory_space<vmem>>, vector<16xf32>,
      %get3A_521 = arith.constant 96 : index
      %get3A_522 = tpu.vector_load %arg24[%get3A_521] {strides = array<i32>} : memref<192xf32, #tpu.memory_space<vmem>>, vector<16xf32>,
      %get3A_523 = arith.constant 112 : index
      %get3A_524 = tpu.vector_load %arg24[%get3A_523] {strides = array<i32>} : memref<192xf32, #tpu.memory_space<vmem>>, vector<16xf32>,
      %get3A_525 = arith.constant 128 : index
      %get3A_526 = tpu.vector_load %arg24[%get3A_525] {strides = array<i32>} : memref<192xf32, #tpu.memory_space<vmem>>, vector<16xf32>,
      %get3A_527 = arith.constant 144 : index
      %get3A_528 = tpu.vector_load %arg24[%get3A_527] {strides = array<i32>} : memref<192xf32, #tpu.memory_space<vmem>>, vector<16xf32>,
      %get3A_529 = arith.constant 160 : index
      %get3A_530 = tpu.vector_load %arg24[%get3A_529] {strides = array<i32>} : memref<192xf32, #tpu.memory_space<vmem>>, vector<16xf32>,
      %get3A_531 = arith.constant 176 : index
      %get3A_532 = tpu.vector_load %arg24[%get3A_531] {strides = array<i32>} : memref<192xf32, #tpu.memory_space<vmem>>, vector<16xf32>,
      %scan3A_533 = arith.constant 0 : i32
      %scan3A_534 = arith.constant 0 : i32
      %scan3A_535 = arith.constant 64 : i32
      %scan3A_536 = arith.addi %scan3A_534, %scan3A_535 : i32
      %scan3A_537 = arith.constant 1 : i32
      %scan3A_538 = scf.for %scan3A_560 = %scan3A_534 to %scan3A_536 step %scan3A_537 iter_args(%scan3A_561 = %scan3A_533) -> (i32)  : i32 {
        %get3A_562 = arith.index_cast %scan3A_560 : i32 to index
        %get3A_563 = arith.constant 16 : index
        %get3A_564 = tpu.vector_load %arg15[%get3A_562, %get3A_563] {strides = array<i32>} : memref<64x32xf32, #tpu.memory_space<vmem>>, vector<16xf32>,
        %slice3A = vector.extract_strided_slice %get3A_564 {offsets = [4], sizes = [1], strides = [1]} : vector<16xf32> to vector<1xf32>
        %squeeze3A = vector.extract %slice3A[0] : f32 from vector<1xf32>
        %mul3A_565 = vector.broadcast %squeeze3A : f32 to vector<16xf32>
        %mul3A_566 = arith.mulf %get3A_486, %mul3A_565 : vector<16xf32>
        %add3A_567 = arith.addf %mul3A_566, %get3A_510 : vector<16xf32>
        %neg3A = arith.constant 0.000000e+00 : f32
        %neg3A_568 = vector.broadcast %neg3A : f32 to vector<16xf32>
        %neg3A_569 = arith.subf %neg3A_568, %add3A_567 : vector<16xf32>
        %exp3A = math.exp %neg3A_569 : vector<16xf32>
        %add3A_570 = arith.constant 1.000000e+00 : f32
        %add3A_571 = vector.broadcast %add3A_570 : f32 to vector<16xf32>
        %add3A_572 = arith.addf %add3A_571, %exp3A : vector<16xf32>
        %div3A = arith.divf %add3A_567, %add3A_572 : vector<16xf32>
        %mul3A_573 = arith.constant 6 : i32
        %mul3A_574 = arith.muli %scan3A_560, %mul3A_573 : i32
        %add3A_575 = arith.constant 0 : i32
        %add3A_576 = arith.addi %mul3A_574, %add3A_575 : i32
        %swap3A = arith.index_cast %add3A_576 : i32 to index
        %swap3A_577 = arith.constant 0 : index
        %swap3A_578 = tpu.vector_load %arg20[%swap3A, %swap3A_577] {strides = array<i32>} : memref<384x32xf32, #tpu.memory_space<vmem>>, vector<16xf32>,
        tpu.vector_store %arg20[%swap3A, %swap3A_577], %div3A {strides = array<i32>} : memref<384x32xf32, #tpu.memory_space<vmem>>, vector<16xf32>,
        %mul3A_579 = vector.broadcast %squeeze3A : f32 to vector<16xf32>
        %mul3A_580 = arith.mulf %get3A_488, %mul3A_579 : vector<16xf32>
        %add3A_581 = arith.addf %mul3A_580, %get3A_512 : vector<16xf32>
        %neg3A_582 = arith.constant 0.000000e+00 : f32
        %neg3A_583 = vector.broadcast %neg3A_582 : f32 to vector<16xf32>
        %neg3A_584 = arith.subf %neg3A_583, %add3A_581 : vector<16xf32>
        %exp3A_585 = math.exp %neg3A_584 : vector<16xf32>
        %add3A_586 = arith.constant 1.000000e+00 : f32
        %add3A_587 = vector.broadcast %add3A_586 : f32 to vector<16xf32>
        %add3A_588 = arith.addf %add3A_587, %exp3A_585 : vector<16xf32>
        %div3A_589 = arith.divf %add3A_581, %add3A_588 : vector<16xf32>
        %mul3A_590 = arith.constant 6 : i32
        %mul3A_591 = arith.muli %scan3A_560, %mul3A_590 : i32
        %add3A_592 = arith.constant 0 : i32
        %add3A_593 = arith.addi %mul3A_591, %add3A_592 : i32
        %swap3A_594 = arith.index_cast %add3A_593 : i32 to index
        %swap3A_595 = arith.constant 16 : index
        %swap3A_596 = tpu.vector_load %arg20[%swap3A_594, %swap3A_595] {strides = array<i32>} : memref<384x32xf32, #tpu.memory_space<vmem>>, vector<16xf32>,
        tpu.vector_store %arg20[%swap3A_594, %swap3A_595], %div3A_589 {strides = array<i32>} : memref<384x32xf32, #tpu.memory_space<vmem>>, vector<16xf32>,
        %slice3A_597 = vector.extract_strided_slice %get3A_564 {offsets = [5], sizes = [1], strides = [1]} : vector<16xf32> to vector<1xf32>
        %squeeze3A_598 = vector.extract %slice3A_597[0] : f32 from vector<1xf32>
        %mul3A_599 = vector.broadcast %squeeze3A_598 : f32 to vector<16xf32>
        %mul3A_600 = arith.mulf %get3A_490, %mul3A_599 : vector<16xf32>
        %add3A_601 = arith.addf %mul3A_600, %get3A_514 : vector<16xf32>
        %neg3A_602 = arith.constant 0.000000e+00 : f32
        %neg3A_603 = vector.broadcast %neg3A_602 : f32 to vector<16xf32>
        %neg3A_604 = arith.subf %neg3A_603, %add3A_601 : vector<16xf32>
        %exp3A_605 = math.exp %neg3A_604 : vector<16xf32>
        %add3A_606 = arith.constant 1.000000e+00 : f32
        %add3A_607 = vector.broadcast %add3A_606 : f32 to vector<16xf32>
        %add3A_608 = arith.addf %add3A_607, %exp3A_605 : vector<16xf32>
        %div3A_609 = arith.divf %add3A_601, %add3A_608 : vector<16xf32>
        %mul3A_610 = arith.constant 6 : i32
        %mul3A_611 = arith.muli %scan3A_560, %mul3A_610 : i32
        %add3A_612 = arith.constant 1 : i32
        %add3A_613 = arith.addi %mul3A_611, %add3A_612 : i32
        %swap3A_614 = arith.index_cast %add3A_613 : i32 to index
        %swap3A_615 = arith.constant 0 : index
        %swap3A_616 = tpu.vector_load %arg20[%swap3A_614, %swap3A_615] {strides = array<i32>} : memref<384x32xf32, #tpu.memory_space<vmem>>, vector<16xf32>,
        tpu.vector_store %arg20[%swap3A_614, %swap3A_615], %div3A_609 {strides = array<i32>} : memref<384x32xf32, #tpu.memory_space<vmem>>, vector<16xf32>,
        %mul3A_617 = vector.broadcast %squeeze3A_598 : f32 to vector<16xf32>
        %mul3A_618 = arith.mulf %get3A_492, %mul3A_617 : vector<16xf32>
        %add3A_619 = arith.addf %mul3A_618, %get3A_516 : vector<16xf32>
        %neg3A_620 = arith.constant 0.000000e+00 : f32
        %neg3A_621 = vector.broadcast %neg3A_620 : f32 to vector<16xf32>
        %neg3A_622 = arith.subf %neg3A_621, %add3A_619 : vector<16xf32>
        %exp3A_623 = math.exp %neg3A_622 : vector<16xf32>
        %add3A_624 = arith.constant 1.000000e+00 : f32
        %add3A_625 = vector.broadcast %add3A_624 : f32 to vector<16xf32>
        %add3A_626 = arith.addf %add3A_625, %exp3A_623 : vector<16xf32>
        %div3A_627 = arith.divf %add3A_619, %add3A_626 : vector<16xf32>
        %mul3A_628 = arith.constant 6 : i32
        %mul3A_629 = arith.muli %scan3A_560, %mul3A_628 : i32
        %add3A_630 = arith.constant 1 : i32
        %add3A_631 = arith.addi %mul3A_629, %add3A_630 : i32
        %swap3A_632 = arith.index_cast %add3A_631 : i32 to index
        %swap3A_633 = arith.constant 16 : index
        %swap3A_634 = tpu.vector_load %arg20[%swap3A_632, %swap3A_633] {strides = array<i32>} : memref<384x32xf32, #tpu.memory_space<vmem>>, vector<16xf32>,
        tpu.vector_store %arg20[%swap3A_632, %swap3A_633], %div3A_627 {strides = array<i32>} : memref<384x32xf32, #tpu.memory_space<vmem>>, vector<16xf32>,
        %slice3A_635 = vector.extract_strided_slice %get3A_564 {offsets = [6], sizes = [1], strides = [1]} : vector<16xf32> to vector<1xf32>
        %squeeze3A_636 = vector.extract %slice3A_635[0] : f32 from vector<1xf32>
        %mul3A_637 = vector.broadcast %squeeze3A_636 : f32 to vector<16xf32>
        %mul3A_638 = arith.mulf %get3A_494, %mul3A_637 : vector<16xf32>
        %add3A_639 = arith.addf %mul3A_638, %get3A_518 : vector<16xf32>
        %neg3A_640 = arith.constant 0.000000e+00 : f32
        %neg3A_641 = vector.broadcast %neg3A_640 : f32 to vector<16xf32>
        %neg3A_642 = arith.subf %neg3A_641, %add3A_639 : vector<16xf32>
        %exp3A_643 = math.exp %neg3A_642 : vector<16xf32>
        %add3A_644 = arith.constant 1.000000e+00 : f32
        %add3A_645 = vector.broadcast %add3A_644 : f32 to vector<16xf32>
        %add3A_646 = arith.addf %add3A_645, %exp3A_643 : vector<16xf32>
        %div3A_647 = arith.divf %add3A_639, %add3A_646 : vector<16xf32>
        %mul3A_648 = arith.constant 6 : i32
        %mul3A_649 = arith.muli %scan3A_560, %mul3A_648 : i32
        %add3A_650 = arith.constant 2 : i32
        %add3A_651 = arith.addi %mul3A_649, %add3A_650 : i32
        %swap3A_652 = arith.index_cast %add3A_651 : i32 to index
        %swap3A_653 = arith.constant 0 : index
        %swap3A_654 = tpu.vector_load %arg20[%swap3A_652, %swap3A_653] {strides = array<i32>} : memref<384x32xf32, #tpu.memory_space<vmem>>, vector<16xf32>,
        tpu.vector_store %arg20[%swap3A_652, %swap3A_653], %div3A_647 {strides = array<i32>} : memref<384x32xf32, #tpu.memory_space<vmem>>, vector<16xf32>,
        %mul3A_655 = vector.broadcast %squeeze3A_636 : f32 to vector<16xf32>
        %mul3A_656 = arith.mulf %get3A_496, %mul3A_655 : vector<16xf32>
        %add3A_657 = arith.addf %mul3A_656, %get3A_520 : vector<16xf32>
        %neg3A_658 = arith.constant 0.000000e+00 : f32
        %neg3A_659 = vector.broadcast %neg3A_658 : f32 to vector<16xf32>
        %neg3A_660 = arith.subf %neg3A_659, %add3A_657 : vector<16xf32>
        %exp3A_661 = math.exp %neg3A_660 : vector<16xf32>
        %add3A_662 = arith.constant 1.000000e+00 : f32
        %add3A_663 = vector.broadcast %add3A_662 : f32 to vector<16xf32>
        %add3A_664 = arith.addf %add3A_663, %exp3A_661 : vector<16xf32>
        %div3A_665 = arith.divf %add3A_657, %add3A_664 : vector<16xf32>
        %mul3A_666 = arith.constant 6 : i32
        %mul3A_667 = arith.muli %scan3A_560, %mul3A_666 : i32
        %add3A_668 = arith.constant 2 : i32
        %add3A_669 = arith.addi %mul3A_667, %add3A_668 : i32
        %swap3A_670 = arith.index_cast %add3A_669 : i32 to index
        %swap3A_671 = arith.constant 16 : index
        %swap3A_672 = tpu.vector_load %arg20[%swap3A_670, %swap3A_671] {strides = array<i32>} : memref<384x32xf32, #tpu.memory_space<vmem>>, vector<16xf32>,
        tpu.vector_store %arg20[%swap3A_670, %swap3A_671], %div3A_665 {strides = array<i32>} : memref<384x32xf32, #tpu.memory_space<vmem>>, vector<16xf32>,
        %slice3A_673 = vector.extract_strided_slice %get3A_564 {offsets = [7], sizes = [1], strides = [1]} : vector<16xf32> to vector<1xf32>
        %squeeze3A_674 = vector.extract %slice3A_673[0] : f32 from vector<1xf32>
        %mul3A_675 = vector.broadcast %squeeze3A_674 : f32 to vector<16xf32>
        %mul3A_676 = arith.mulf %get3A_498, %mul3A_675 : vector<16xf32>
        %add3A_677 = arith.addf %mul3A_676, %get3A_522 : vector<16xf32>
        %neg3A_678 = arith.constant 0.000000e+00 : f32
        %neg3A_679 = vector.broadcast %neg3A_678 : f32 to vector<16xf32>
        %neg3A_680 = arith.subf %neg3A_679, %add3A_677 : vector<16xf32>
        %exp3A_681 = math.exp %neg3A_680 : vector<16xf32>
        %add3A_682 = arith.constant 1.000000e+00 : f32
        %add3A_683 = vector.broadcast %add3A_682 : f32 to vector<16xf32>
        %add3A_684 = arith.addf %add3A_683, %exp3A_681 : vector<16xf32>
        %div3A_685 = arith.divf %add3A_677, %add3A_684 : vector<16xf32>
        %mul3A_686 = arith.constant 6 : i32
        %mul3A_687 = arith.muli %scan3A_560, %mul3A_686 : i32
        %add3A_688 = arith.constant 3 : i32
        %add3A_689 = arith.addi %mul3A_687, %add3A_688 : i32
        %swap3A_690 = arith.index_cast %add3A_689 : i32 to index
        %swap3A_691 = arith.constant 0 : index
        %swap3A_692 = tpu.vector_load %arg20[%swap3A_690, %swap3A_691] {strides = array<i32>} : memref<384x32xf32, #tpu.memory_space<vmem>>, vector<16xf32>,
        tpu.vector_store %arg20[%swap3A_690, %swap3A_691], %div3A_685 {strides = array<i32>} : memref<384x32xf32, #tpu.memory_space<vmem>>, vector<16xf32>,
        %mul3A_693 = vector.broadcast %squeeze3A_674 : f32 to vector<16xf32>
        %mul3A_694 = arith.mulf %get3A_500, %mul3A_693 : vector<16xf32>
        %add3A_695 = arith.addf %mul3A_694, %get3A_524 : vector<16xf32>
        %neg3A_696 = arith.constant 0.000000e+00 : f32
        %neg3A_697 = vector.broadcast %neg3A_696 : f32 to vector<16xf32>
        %neg3A_698 = arith.subf %neg3A_697, %add3A_695 : vector<16xf32>
        %exp3A_699 = math.exp %neg3A_698 : vector<16xf32>
        %add3A_700 = arith.constant 1.000000e+00 : f32
        %add3A_701 = vector.broadcast %add3A_700 : f32 to vector<16xf32>
        %add3A_702 = arith.addf %add3A_701, %exp3A_699 : vector<16xf32>
        %div3A_703 = arith.divf %add3A_695, %add3A_702 : vector<16xf32>
        %mul3A_704 = arith.constant 6 : i32
        %mul3A_705 = arith.muli %scan3A_560, %mul3A_704 : i32
        %add3A_706 = arith.constant 3 : i32
        %add3A_707 = arith.addi %mul3A_705, %add3A_706 : i32
        %swap3A_708 = arith.index_cast %add3A_707 : i32 to index
        %swap3A_709 = arith.constant 16 : index
        %swap3A_710 = tpu.vector_load %arg20[%swap3A_708, %swap3A_709] {strides = array<i32>} : memref<384x32xf32, #tpu.memory_space<vmem>>, vector<16xf32>,
        tpu.vector_store %arg20[%swap3A_708, %swap3A_709], %div3A_703 {strides = array<i32>} : memref<384x32xf32, #tpu.memory_space<vmem>>, vector<16xf32>,
        %slice3A_711 = vector.extract_strided_slice %get3A_564 {offsets = [8], sizes = [1], strides = [1]} : vector<16xf32> to vector<1xf32>
        %squeeze3A_712 = vector.extract %slice3A_711[0] : f32 from vector<1xf32>
        %mul3A_713 = vector.broadcast %squeeze3A_712 : f32 to vector<16xf32>
        %mul3A_714 = arith.mulf %get3A_502, %mul3A_713 : vector<16xf32>
        %add3A_715 = arith.addf %mul3A_714, %get3A_526 : vector<16xf32>
        %neg3A_716 = arith.constant 0.000000e+00 : f32
        %neg3A_717 = vector.broadcast %neg3A_716 : f32 to vector<16xf32>
        %neg3A_718 = arith.subf %neg3A_717, %add3A_715 : vector<16xf32>
        %exp3A_719 = math.exp %neg3A_718 : vector<16xf32>
        %add3A_720 = arith.constant 1.000000e+00 : f32
        %add3A_721 = vector.broadcast %add3A_720 : f32 to vector<16xf32>
        %add3A_722 = arith.addf %add3A_721, %exp3A_719 : vector<16xf32>
        %div3A_723 = arith.divf %add3A_715, %add3A_722 : vector<16xf32>
        %mul3A_724 = arith.constant 6 : i32
        %mul3A_725 = arith.muli %scan3A_560, %mul3A_724 : i32
        %add3A_726 = arith.constant 4 : i32
        %add3A_727 = arith.addi %mul3A_725, %add3A_726 : i32
        %swap3A_728 = arith.index_cast %add3A_727 : i32 to index
        %swap3A_729 = arith.constant 0 : index
        %swap3A_730 = tpu.vector_load %arg20[%swap3A_728, %swap3A_729] {strides = array<i32>} : memref<384x32xf32, #tpu.memory_space<vmem>>, vector<16xf32>,
        tpu.vector_store %arg20[%swap3A_728, %swap3A_729], %div3A_723 {strides = array<i32>} : memref<384x32xf32, #tpu.memory_space<vmem>>, vector<16xf32>,
        %mul3A_731 = vector.broadcast %squeeze3A_712 : f32 to vector<16xf32>
        %mul3A_732 = arith.mulf %get3A_504, %mul3A_731 : vector<16xf32>
        %add3A_733 = arith.addf %mul3A_732, %get3A_528 : vector<16xf32>
        %neg3A_734 = arith.constant 0.000000e+00 : f32
        %neg3A_735 = vector.broadcast %neg3A_734 : f32 to vector<16xf32>
        %neg3A_736 = arith.subf %neg3A_735, %add3A_733 : vector<16xf32>
        %exp3A_737 = math.exp %neg3A_736 : vector<16xf32>
        %add3A_738 = arith.constant 1.000000e+00 : f32
        %add3A_739 = vector.broadcast %add3A_738 : f32 to vector<16xf32>
        %add3A_740 = arith.addf %add3A_739, %exp3A_737 : vector<16xf32>
        %div3A_741 = arith.divf %add3A_733, %add3A_740 : vector<16xf32>
        %mul3A_742 = arith.constant 6 : i32
        %mul3A_743 = arith.muli %scan3A_560, %mul3A_742 : i32
        %add3A_744 = arith.constant 4 : i32
        %add3A_745 = arith.addi %mul3A_743, %add3A_744 : i32
        %swap3A_746 = arith.index_cast %add3A_745 : i32 to index
        %swap3A_747 = arith.constant 16 : index
        %swap3A_748 = tpu.vector_load %arg20[%swap3A_746, %swap3A_747] {strides = array<i32>} : memref<384x32xf32, #tpu.memory_space<vmem>>, vector<16xf32>,
        tpu.vector_store %arg20[%swap3A_746, %swap3A_747], %div3A_741 {strides = array<i32>} : memref<384x32xf32, #tpu.memory_space<vmem>>, vector<16xf32>,
        %slice3A_749 = vector.extract_strided_slice %get3A_564 {offsets = [9], sizes = [1], strides = [1]} : vector<16xf32> to vector<1xf32>
        %squeeze3A_750 = vector.extract %slice3A_749[0] : f32 from vector<1xf32>
        %mul3A_751 = vector.broadcast %squeeze3A_750 : f32 to vector<16xf32>
        %mul3A_752 = arith.mulf %get3A_506, %mul3A_751 : vector<16xf32>
        %add3A_753 = arith.addf %mul3A_752, %get3A_530 : vector<16xf32>
        %neg3A_754 = arith.constant 0.000000e+00 : f32
        %neg3A_755 = vector.broadcast %neg3A_754 : f32 to vector<16xf32>
        %neg3A_756 = arith.subf %neg3A_755, %add3A_753 : vector<16xf32>
        %exp3A_757 = math.exp %neg3A_756 : vector<16xf32>
        %add3A_758 = arith.constant 1.000000e+00 : f32
        %add3A_759 = vector.broadcast %add3A_758 : f32 to vector<16xf32>
        %add3A_760 = arith.addf %add3A_759, %exp3A_757 : vector<16xf32>
        %div3A_761 = arith.divf %add3A_753, %add3A_760 : vector<16xf32>
        %mul3A_762 = arith.constant 6 : i32
        %mul3A_763 = arith.muli %scan3A_560, %mul3A_762 : i32
        %add3A_764 = arith.constant 5 : i32
        %add3A_765 = arith.addi %mul3A_763, %add3A_764 : i32
        %swap3A_766 = arith.index_cast %add3A_765 : i32 to index
        %swap3A_767 = arith.constant 0 : index
        %swap3A_768 = tpu.vector_load %arg20[%swap3A_766, %swap3A_767] {strides = array<i32>} : memref<384x32xf32, #tpu.memory_space<vmem>>, vector<16xf32>,
        tpu.vector_store %arg20[%swap3A_766, %swap3A_767], %div3A_761 {strides = array<i32>} : memref<384x32xf32, #tpu.memory_space<vmem>>, vector<16xf32>,
        %mul3A_769 = vector.broadcast %squeeze3A_750 : f32 to vector<16xf32>
        %mul3A_770 = arith.mulf %get3A_508, %mul3A_769 : vector<16xf32>
        %add3A_771 = arith.addf %mul3A_770, %get3A_532 : vector<16xf32>
        %neg3A_772 = arith.constant 0.000000e+00 : f32
        %neg3A_773 = vector.broadcast %neg3A_772 : f32 to vector<16xf32>
        %neg3A_774 = arith.subf %neg3A_773, %add3A_771 : vector<16xf32>
        %exp3A_775 = math.exp %neg3A_774 : vector<16xf32>
        %add3A_776 = arith.constant 1.000000e+00 : f32
        %add3A_777 = vector.broadcast %add3A_776 : f32 to vector<16xf32>
        %add3A_778 = arith.addf %add3A_777, %exp3A_775 : vector<16xf32>
        %div3A_779 = arith.divf %add3A_771, %add3A_778 : vector<16xf32>
        %mul3A_780 = arith.constant 6 : i32
        %mul3A_781 = arith.muli %scan3A_560, %mul3A_780 : i32
        %add3A_782 = arith.constant 5 : i32
        %add3A_783 = arith.addi %mul3A_781, %add3A_782 : i32
        %swap3A_784 = arith.index_cast %add3A_783 : i32 to index
        %swap3A_785 = arith.constant 16 : index
        %swap3A_786 = tpu.vector_load %arg20[%swap3A_784, %swap3A_785] {strides = array<i32>} : memref<384x32xf32, #tpu.memory_space<vmem>>, vector<16xf32>,
        tpu.vector_store %arg20[%swap3A_784, %swap3A_785], %div3A_779 {strides = array<i32>} : memref<384x32xf32, #tpu.memory_space<vmem>>, vector<16xf32>,
        %scan3A_787 = arith.constant 0 : i32
        scf.yield %scan3A_787 : i32
      }
      %scan3A_539 = arith.constant 64 : i32
      %dma_wait3A_540 = arith.constant 0 : i32
      %dma_wait3A_541 = arith.constant 0 : i32
      %dma_wait3A_542 = tpu.memref_slice %arg3[%dma_wait3A_540, %dma_wait3A_541] : memref<2000000x32xf32, #tpu.memory_space<hbm>> -> memref<2000000x32xf32, #tpu.memory_space<hbm>>
      tpu.wait_indirect_dma semaphore(%arg25 : memref<!tpu.dma_semaphore, #tpu.memory_space<semaphore_mem>>) src(%dma_wait3A_542 : memref<2000000x32xf32, #tpu.memory_space<hbm>>) dst(%arg19 : memref<1280x32xf32, #tpu.memory_space<vmem>>)
      %dma_start3A_543 = arith.constant 0 : i32
      %dma_start3A_544 = arith.constant 0 : i32
      %dma_start3A_545 = tpu.memref_slice %arg6[%dma_start3A_543, %dma_start3A_544] : memref<1331200x32xf32, #tpu.memory_space<hbm>> -> memref<1331200x32xf32, #tpu.memory_space<hbm>>
      tpu.enqueue_indirect_dma source(%arg19 : memref<1280x32xf32, #tpu.memory_space<vmem>>) target(%dma_start3A_545 : memref<1331200x32xf32, #tpu.memory_space<hbm>>) offsets(%arg17 : memref<1280xi32, #tpu.memory_space<vmem>>) semaphore(%arg21 : memref<!tpu.dma_semaphore, #tpu.memory_space<semaphore_mem>>)
      %dma_start3A_546 = arith.constant 0 : i32
      %dma_start3A_547 = arith.constant 0 : i32
      %dma_start3A_548 = tpu.memref_slice %arg6[%dma_start3A_546, %dma_start3A_547] : memref<1331200x32xf32, #tpu.memory_space<hbm>> -> memref<1331200x32xf32, #tpu.memory_space<hbm>>
      tpu.enqueue_indirect_dma source(%arg20 : memref<384x32xf32, #tpu.memory_space<vmem>>) target(%dma_start3A_548 : memref<1331200x32xf32, #tpu.memory_space<hbm>>) offsets(%arg18 : memref<384xi32, #tpu.memory_space<vmem>>) semaphore(%arg21 : memref<!tpu.dma_semaphore, #tpu.memory_space<semaphore_mem>>)
      %add3A_549 = arith.constant 2 : i32
      %add3A_550 = arith.addi %add3A_452, %add3A_549 : i32
      %min3A_551 = arith.constant 24 : i32
      %min3A_552 = arith.minsi %add3A_550, %min3A_551 : i32
      %mul3A_553 = arith.constant 64 : i32
      %mul3A_554 = arith.muli %min3A_552, %mul3A_553 : i32
      %add3A_555 = arith.addi %mul3A_2, %mul3A_554 : i32
      %dma_start3A_556 = arith.constant 0 : i32
      %dma_start3A_557 = tpu.memref_slice %arg2[%add3A_555, %dma_start3A_556] : memref<51200x32xf32, #tpu.memory_space<hbm>> -> memref<64x32xf32, #tpu.memory_space<hbm>>
      %dma_start3A_558 = arith.constant 0 : i32
      %dma_start3A_559 = tpu.memref_slice %arg2[%add3A_555, %dma_start3A_558] : memref<51200x32xf32, #tpu.memory_space<hbm>> -> memref<64x32xf32, #tpu.memory_space<hbm>>
      tpu.enqueue_dma source(%dma_start3A_559 : memref<64x32xf32, #tpu.memory_space<hbm>>) target(%arg15 : memref<64x32xf32, #tpu.memory_space<vmem>>) target_semaphore(%arg22 : memref<!tpu.dma_semaphore, #tpu.memory_space<semaphore_mem>>)
    }
    %scan3A_213 = arith.constant 11 : i32
    %add3A_214 = arith.constant 1536 : i32
    %add3A_215 = arith.addi %mul3A_2, %add3A_214 : i32
    %mul3A_216 = arith.constant 26 : i32
    %mul3A_217 = arith.muli %add3A_215, %mul3A_216 : i32
    %dma_wait3A_218 = arith.constant 0 : i32
    %dma_wait3A_219 = tpu.memref_slice %arg2[%add3A_215, %dma_wait3A_218] : memref<51200x32xf32, #tpu.memory_space<hbm>> -> memref<64x32xf32, #tpu.memory_space<hbm>>
    %dma_wait3A_220 = arith.constant 0 : i32
    %dma_wait3A_221 = tpu.memref_slice %arg2[%add3A_215, %dma_wait3A_220] : memref<51200x32xf32, #tpu.memory_space<hbm>> -> memref<64x32xf32, #tpu.memory_space<hbm>>
    tpu.wait_dma2 semaphore(%arg14 : memref<!tpu.dma_semaphore, #tpu.memory_space<semaphore_mem>>) src(%dma_wait3A_221 : memref<64x32xf32, #tpu.memory_space<hbm>>) dst(%arg7 : memref<64x32xf32, #tpu.memory_space<vmem>>)
    %dma_wait3A_222 = arith.constant 0 : i32
    %dma_wait3A_223 = arith.constant 0 : i32
    %dma_wait3A_224 = tpu.memref_slice %arg6[%dma_wait3A_222, %dma_wait3A_223] : memref<1331200x32xf32, #tpu.memory_space<hbm>> -> memref<1331200x32xf32, #tpu.memory_space<hbm>>
    tpu.wait_indirect_dma semaphore(%arg13 : memref<!tpu.dma_semaphore, #tpu.memory_space<semaphore_mem>>) src(%arg11 : memref<1280x32xf32, #tpu.memory_space<vmem>>) dst(%dma_wait3A_224 : memref<1331200x32xf32, #tpu.memory_space<hbm>>)
    %dma_wait3A_225 = arith.constant 0 : i32
    %dma_wait3A_226 = arith.constant 0 : i32
    %dma_wait3A_227 = tpu.memref_slice %arg6[%dma_wait3A_225, %dma_wait3A_226] : memref<1331200x32xf32, #tpu.memory_space<hbm>> -> memref<1331200x32xf32, #tpu.memory_space<hbm>>
    tpu.wait_indirect_dma semaphore(%arg13 : memref<!tpu.dma_semaphore, #tpu.memory_space<semaphore_mem>>) src(%arg12 : memref<384x32xf32, #tpu.memory_space<vmem>>) dst(%dma_wait3A_227 : memref<1331200x32xf32, #tpu.memory_space<hbm>>)
    %scan3A_228 = arith.constant 0 : i32
    %scan3A_229 = arith.constant 0 : i32
    %scan3A_230 = arith.constant 80 : i32
    %scan3A_231 = arith.addi %scan3A_229, %scan3A_230 : i32
    %scan3A_232 = arith.constant 1 : i32
    %scan3A_233 = scf.for %scan3A_339 = %scan3A_229 to %scan3A_231 step %scan3A_232 iter_args(%scan3A_340 = %scan3A_228) -> (i32)  : i32 {
      %mul3A_341 = arith.constant 16 : i32
      %mul3A_342 = arith.muli %scan3A_339, %mul3A_341 : i32
      %add3A_343 = vector.broadcast %mul3A_342 : i32 to vector<16xi32>
      %add3A_344 = arith.addi %iota3A, %add3A_343 : vector<16xi32>
      %convert_element_type3A = arith.sitofp %add3A_344 : vector<16xi32> to vector<16xf32>
      %mul3A_345 = arith.constant 5.000000e-02 : f32
      %mul3A_346 = vector.broadcast %mul3A_345 : f32 to vector<16xf32>
      %mul3A_347 = arith.mulf %convert_element_type3A, %mul3A_346 : vector<16xf32>
      %convert_element_type3A_348 = arith.fptosi %mul3A_347 : vector<16xf32> to vector<16xi32>
      %mul3A_349 = arith.constant 20 : i32
      %mul3A_350 = vector.broadcast %mul3A_349 : i32 to vector<16xi32>
      %mul3A_351 = arith.muli %convert_element_type3A_348, %mul3A_350 : vector<16xi32>
      %sub3A = arith.subi %add3A_344, %mul3A_351 : vector<16xi32>
      %gather3A = tpu.vector_load_idx %arg7[%convert_element_type3A_348, %sub3A] : memref<64x32xf32, #tpu.memory_space<vmem>>[vector<16xi32>, vector<16xi32>], vector<16xf32>,
      %bitcast3A = vector.bitcast %gather3A : vector<16xf32> to vector<16xi32>
      %mul3A_352 = arith.constant 16 : i32
      %mul3A_353 = arith.muli %scan3A_339, %mul3A_352 : i32
      %swap3A = arith.index_cast %mul3A_353 : i32 to index
      %swap3A_354 = tpu.vector_load %arg8[%swap3A] {strides = array<i32>} : memref<1280xi32, #tpu.memory_space<vmem>>, vector<16xi32>,
      tpu.vector_store %arg8[%swap3A], %bitcast3A {strides = array<i32>} : memref<1280xi32, #tpu.memory_space<vmem>>, vector<16xi32>,
      %add3A_355 = vector.broadcast %mul3A_217 : i32 to vector<16xi32>
      %add3A_356 = arith.addi %add3A_355, %add3A_344 : vector<16xi32>
      %mul3A_357 = arith.constant 6 : i32
      %mul3A_358 = vector.broadcast %mul3A_357 : i32 to vector<16xi32>
      %mul3A_359 = arith.muli %mul3A_358, %convert_element_type3A_348 : vector<16xi32>
      %add3A_360 = arith.addi %add3A_356, %mul3A_359 : vector<16xi32>
      %mul3A_361 = arith.constant 16 : i32
      %mul3A_362 = arith.muli %scan3A_339, %mul3A_361 : i32
      %swap3A_363 = arith.index_cast %mul3A_362 : i32 to index
      %swap3A_364 = tpu.vector_load %arg9[%swap3A_363] {strides = array<i32>} : memref<1280xi32, #tpu.memory_space<vmem>>, vector<16xi32>,
      tpu.vector_store %arg9[%swap3A_363], %add3A_360 {strides = array<i32>} : memref<1280xi32, #tpu.memory_space<vmem>>, vector<16xi32>,
      %scan3A_365 = arith.constant 0 : i32
      scf.yield %scan3A_365 : i32
    }
    %scan3A_234 = arith.constant 80 : i32
    %scan3A_235 = arith.constant 0 : i32
    %scan3A_236 = arith.constant 0 : i32
    %scan3A_237 = arith.constant 24 : i32
    %scan3A_238 = arith.addi %scan3A_236, %scan3A_237 : i32
    %scan3A_239 = arith.constant 1 : i32
    %scan3A_240 = scf.for %scan3A_339 = %scan3A_236 to %scan3A_238 step %scan3A_239 iter_args(%scan3A_340 = %scan3A_235) -> (i32)  : i32 {
      %mul3A_341 = arith.constant 16 : i32
      %mul3A_342 = arith.muli %scan3A_339, %mul3A_341 : i32
      %add3A_343 = vector.broadcast %mul3A_342 : i32 to vector<16xi32>
      %add3A_344 = arith.addi %iota3A, %add3A_343 : vector<16xi32>
      %convert_element_type3A = arith.sitofp %add3A_344 : vector<16xi32> to vector<16xf32>
      %mul3A_345 = arith.constant 0.166666672 : f32
      %mul3A_346 = vector.broadcast %mul3A_345 : f32 to vector<16xf32>
      %mul3A_347 = arith.mulf %convert_element_type3A, %mul3A_346 : vector<16xf32>
      %convert_element_type3A_348 = arith.fptosi %mul3A_347 : vector<16xf32> to vector<16xi32>
      %add3A_349 = arith.constant 20 : i32
      %add3A_350 = arith.addi %mul3A_217, %add3A_349 : i32
      %add3A_351 = vector.broadcast %add3A_350 : i32 to vector<16xi32>
      %add3A_352 = arith.addi %add3A_351, %add3A_344 : vector<16xi32>
      %mul3A_353 = arith.constant 20 : i32
      %mul3A_354 = vector.broadcast %mul3A_353 : i32 to vector<16xi32>
      %mul3A_355 = arith.muli %mul3A_354, %convert_element_type3A_348 : vector<16xi32>
      %add3A_356 = arith.addi %add3A_352, %mul3A_355 : vector<16xi32>
      %mul3A_357 = arith.constant 16 : i32
      %mul3A_358 = arith.muli %scan3A_339, %mul3A_357 : i32
      %swap3A = arith.index_cast %mul3A_358 : i32 to index
      %swap3A_359 = tpu.vector_load %arg10[%swap3A] {strides = array<i32>} : memref<384xi32, #tpu.memory_space<vmem>>, vector<16xi32>,
      tpu.vector_store %arg10[%swap3A], %add3A_356 {strides = array<i32>} : memref<384xi32, #tpu.memory_space<vmem>>, vector<16xi32>,
      %scan3A_360 = arith.constant 0 : i32
      scf.yield %scan3A_360 : i32
    }
    %scan3A_241 = arith.constant 24 : i32
    %dma_start3A_242 = arith.constant 0 : i32
    %dma_start3A_243 = arith.constant 0 : i32
    %dma_start3A_244 = tpu.memref_slice %arg3[%dma_start3A_242, %dma_start3A_243] : memref<2000000x32xf32, #tpu.memory_space<hbm>> -> memref<2000000x32xf32, #tpu.memory_space<hbm>>
    tpu.enqueue_indirect_dma source(%dma_start3A_244 : memref<2000000x32xf32, #tpu.memory_space<hbm>>) target(%arg11 : memref<1280x32xf32, #tpu.memory_space<vmem>>) offsets(%arg8 : memref<1280xi32, #tpu.memory_space<vmem>>) semaphore(%arg25 : memref<!tpu.dma_semaphore, #tpu.memory_space<semaphore_mem>>)
    %get3A_245 = arith.constant 0 : index
    %get3A_246 = tpu.vector_load %arg23[%get3A_245] {strides = array<i32>} : memref<192xf32, #tpu.memory_space<vmem>>, vector<16xf32>,
    %get3A_247 = arith.constant 16 : index
    %get3A_248 = tpu.vector_load %arg23[%get3A_247] {strides = array<i32>} : memref<192xf32, #tpu.memory_space<vmem>>, vector<16xf32>,
    %get3A_249 = arith.constant 32 : index
    %get3A_250 = tpu.vector_load %arg23[%get3A_249] {strides = array<i32>} : memref<192xf32, #tpu.memory_space<vmem>>, vector<16xf32>,
    %get3A_251 = arith.constant 48 : index
    %get3A_252 = tpu.vector_load %arg23[%get3A_251] {strides = array<i32>} : memref<192xf32, #tpu.memory_space<vmem>>, vector<16xf32>,
    %get3A_253 = arith.constant 64 : index
    %get3A_254 = tpu.vector_load %arg23[%get3A_253] {strides = array<i32>} : memref<192xf32, #tpu.memory_space<vmem>>, vector<16xf32>,
    %get3A_255 = arith.constant 80 : index
    %get3A_256 = tpu.vector_load %arg23[%get3A_255] {strides = array<i32>} : memref<192xf32, #tpu.memory_space<vmem>>, vector<16xf32>,
    %get3A_257 = arith.constant 96 : index
    %get3A_258 = tpu.vector_load %arg23[%get3A_257] {strides = array<i32>} : memref<192xf32, #tpu.memory_space<vmem>>, vector<16xf32>,
    %get3A_259 = arith.constant 112 : index
    %get3A_260 = tpu.vector_load %arg23[%get3A_259] {strides = array<i32>} : memref<192xf32, #tpu.memory_space<vmem>>, vector<16xf32>,
    %get3A_261 = arith.constant 128 : index
    %get3A_262 = tpu.vector_load %arg23[%get3A_261] {strides = array<i32>} : memref<192xf32, #tpu.memory_space<vmem>>, vector<16xf32>,
    %get3A_263 = arith.constant 144 : index
    %get3A_264 = tpu.vector_load %arg23[%get3A_263] {strides = array<i32>} : memref<192xf32, #tpu.memory_space<vmem>>, vector<16xf32>,
    %get3A_265 = arith.constant 160 : index
    %get3A_266 = tpu.vector_load %arg23[%get3A_265] {strides = array<i32>} : memref<192xf32, #tpu.memory_space<vmem>>, vector<16xf32>,
    %get3A_267 = arith.constant 176 : index
    %get3A_268 = tpu.vector_load %arg23[%get3A_267] {strides = array<i32>} : memref<192xf32, #tpu.memory_space<vmem>>, vector<16xf32>,
    %get3A_269 = arith.constant 0 : index
    %get3A_270 = tpu.vector_load %arg24[%get3A_269] {strides = array<i32>} : memref<192xf32, #tpu.memory_space<vmem>>, vector<16xf32>,
    %get3A_271 = arith.constant 16 : index
    %get3A_272 = tpu.vector_load %arg24[%get3A_271] {strides = array<i32>} : memref<192xf32, #tpu.memory_space<vmem>>, vector<16xf32>,
    %get3A_273 = arith.constant 32 : index
    %get3A_274 = tpu.vector_load %arg24[%get3A_273] {strides = array<i32>} : memref<192xf32, #tpu.memory_space<vmem>>, vector<16xf32>,
    %get3A_275 = arith.constant 48 : index
    %get3A_276 = tpu.vector_load %arg24[%get3A_275] {strides = array<i32>} : memref<192xf32, #tpu.memory_space<vmem>>, vector<16xf32>,
    %get3A_277 = arith.constant 64 : index
    %get3A_278 = tpu.vector_load %arg24[%get3A_277] {strides = array<i32>} : memref<192xf32, #tpu.memory_space<vmem>>, vector<16xf32>,
    %get3A_279 = arith.constant 80 : index
    %get3A_280 = tpu.vector_load %arg24[%get3A_279] {strides = array<i32>} : memref<192xf32, #tpu.memory_space<vmem>>, vector<16xf32>,
    %get3A_281 = arith.constant 96 : index
    %get3A_282 = tpu.vector_load %arg24[%get3A_281] {strides = array<i32>} : memref<192xf32, #tpu.memory_space<vmem>>, vector<16xf32>,
    %get3A_283 = arith.constant 112 : index
    %get3A_284 = tpu.vector_load %arg24[%get3A_283] {strides = array<i32>} : memref<192xf32, #tpu.memory_space<vmem>>, vector<16xf32>,
    %get3A_285 = arith.constant 128 : index
    %get3A_286 = tpu.vector_load %arg24[%get3A_285] {strides = array<i32>} : memref<192xf32, #tpu.memory_space<vmem>>, vector<16xf32>,
    %get3A_287 = arith.constant 144 : index
    %get3A_288 = tpu.vector_load %arg24[%get3A_287] {strides = array<i32>} : memref<192xf32, #tpu.memory_space<vmem>>, vector<16xf32>,
    %get3A_289 = arith.constant 160 : index
    %get3A_290 = tpu.vector_load %arg24[%get3A_289] {strides = array<i32>} : memref<192xf32, #tpu.memory_space<vmem>>, vector<16xf32>,
    %get3A_291 = arith.constant 176 : index
    %get3A_292 = tpu.vector_load %arg24[%get3A_291] {strides = array<i32>} : memref<192xf32, #tpu.memory_space<vmem>>, vector<16xf32>,
    %scan3A_293 = arith.constant 0 : i32
    %scan3A_294 = arith.constant 0 : i32
    %scan3A_295 = arith.constant 64 : i32
    %scan3A_296 = arith.addi %scan3A_294, %scan3A_295 : i32
    %scan3A_297 = arith.constant 1 : i32
    %scan3A_298 = scf.for %scan3A_339 = %scan3A_294 to %scan3A_296 step %scan3A_297 iter_args(%scan3A_340 = %scan3A_293) -> (i32)  : i32 {
      %get3A_341 = arith.index_cast %scan3A_339 : i32 to index
      %get3A_342 = arith.constant 16 : index
      %get3A_343 = tpu.vector_load %arg7[%get3A_341, %get3A_342] {strides = array<i32>} : memref<64x32xf32, #tpu.memory_space<vmem>>, vector<16xf32>,
      %slice3A = vector.extract_strided_slice %get3A_343 {offsets = [4], sizes = [1], strides = [1]} : vector<16xf32> to vector<1xf32>
      %squeeze3A = vector.extract %slice3A[0] : f32 from vector<1xf32>
      %mul3A_344 = vector.broadcast %squeeze3A : f32 to vector<16xf32>
      %mul3A_345 = arith.mulf %get3A_246, %mul3A_344 : vector<16xf32>
      %add3A_346 = arith.addf %mul3A_345, %get3A_270 : vector<16xf32>
      %neg3A = arith.constant 0.000000e+00 : f32
      %neg3A_347 = vector.broadcast %neg3A : f32 to vector<16xf32>
      %neg3A_348 = arith.subf %neg3A_347, %add3A_346 : vector<16xf32>
      %exp3A = math.exp %neg3A_348 : vector<16xf32>
      %add3A_349 = arith.constant 1.000000e+00 : f32
      %add3A_350 = vector.broadcast %add3A_349 : f32 to vector<16xf32>
      %add3A_351 = arith.addf %add3A_350, %exp3A : vector<16xf32>
      %div3A = arith.divf %add3A_346, %add3A_351 : vector<16xf32>
      %mul3A_352 = arith.constant 6 : i32
      %mul3A_353 = arith.muli %scan3A_339, %mul3A_352 : i32
      %add3A_354 = arith.constant 0 : i32
      %add3A_355 = arith.addi %mul3A_353, %add3A_354 : i32
      %swap3A = arith.index_cast %add3A_355 : i32 to index
      %swap3A_356 = arith.constant 0 : index
      %swap3A_357 = tpu.vector_load %arg12[%swap3A, %swap3A_356] {strides = array<i32>} : memref<384x32xf32, #tpu.memory_space<vmem>>, vector<16xf32>,
      tpu.vector_store %arg12[%swap3A, %swap3A_356], %div3A {strides = array<i32>} : memref<384x32xf32, #tpu.memory_space<vmem>>, vector<16xf32>,
      %mul3A_358 = vector.broadcast %squeeze3A : f32 to vector<16xf32>
      %mul3A_359 = arith.mulf %get3A_248, %mul3A_358 : vector<16xf32>
      %add3A_360 = arith.addf %mul3A_359, %get3A_272 : vector<16xf32>
      %neg3A_361 = arith.constant 0.000000e+00 : f32
      %neg3A_362 = vector.broadcast %neg3A_361 : f32 to vector<16xf32>
      %neg3A_363 = arith.subf %neg3A_362, %add3A_360 : vector<16xf32>
      %exp3A_364 = math.exp %neg3A_363 : vector<16xf32>
      %add3A_365 = arith.constant 1.000000e+00 : f32
      %add3A_366 = vector.broadcast %add3A_365 : f32 to vector<16xf32>
      %add3A_367 = arith.addf %add3A_366, %exp3A_364 : vector<16xf32>
      %div3A_368 = arith.divf %add3A_360, %add3A_367 : vector<16xf32>
      %mul3A_369 = arith.constant 6 : i32
      %mul3A_370 = arith.muli %scan3A_339, %mul3A_369 : i32
      %add3A_371 = arith.constant 0 : i32
      %add3A_372 = arith.addi %mul3A_370, %add3A_371 : i32
      %swap3A_373 = arith.index_cast %add3A_372 : i32 to index
      %swap3A_374 = arith.constant 16 : index
      %swap3A_375 = tpu.vector_load %arg12[%swap3A_373, %swap3A_374] {strides = array<i32>} : memref<384x32xf32, #tpu.memory_space<vmem>>, vector<16xf32>,
      tpu.vector_store %arg12[%swap3A_373, %swap3A_374], %div3A_368 {strides = array<i32>} : memref<384x32xf32, #tpu.memory_space<vmem>>, vector<16xf32>,
      %slice3A_376 = vector.extract_strided_slice %get3A_343 {offsets = [5], sizes = [1], strides = [1]} : vector<16xf32> to vector<1xf32>
      %squeeze3A_377 = vector.extract %slice3A_376[0] : f32 from vector<1xf32>
      %mul3A_378 = vector.broadcast %squeeze3A_377 : f32 to vector<16xf32>
      %mul3A_379 = arith.mulf %get3A_250, %mul3A_378 : vector<16xf32>
      %add3A_380 = arith.addf %mul3A_379, %get3A_274 : vector<16xf32>
      %neg3A_381 = arith.constant 0.000000e+00 : f32
      %neg3A_382 = vector.broadcast %neg3A_381 : f32 to vector<16xf32>
      %neg3A_383 = arith.subf %neg3A_382, %add3A_380 : vector<16xf32>
      %exp3A_384 = math.exp %neg3A_383 : vector<16xf32>
      %add3A_385 = arith.constant 1.000000e+00 : f32
      %add3A_386 = vector.broadcast %add3A_385 : f32 to vector<16xf32>
      %add3A_387 = arith.addf %add3A_386, %exp3A_384 : vector<16xf32>
      %div3A_388 = arith.divf %add3A_380, %add3A_387 : vector<16xf32>
      %mul3A_389 = arith.constant 6 : i32
      %mul3A_390 = arith.muli %scan3A_339, %mul3A_389 : i32
      %add3A_391 = arith.constant 1 : i32
      %add3A_392 = arith.addi %mul3A_390, %add3A_391 : i32
      %swap3A_393 = arith.index_cast %add3A_392 : i32 to index
      %swap3A_394 = arith.constant 0 : index
      %swap3A_395 = tpu.vector_load %arg12[%swap3A_393, %swap3A_394] {strides = array<i32>} : memref<384x32xf32, #tpu.memory_space<vmem>>, vector<16xf32>,
      tpu.vector_store %arg12[%swap3A_393, %swap3A_394], %div3A_388 {strides = array<i32>} : memref<384x32xf32, #tpu.memory_space<vmem>>, vector<16xf32>,
      %mul3A_396 = vector.broadcast %squeeze3A_377 : f32 to vector<16xf32>
      %mul3A_397 = arith.mulf %get3A_252, %mul3A_396 : vector<16xf32>
      %add3A_398 = arith.addf %mul3A_397, %get3A_276 : vector<16xf32>
      %neg3A_399 = arith.constant 0.000000e+00 : f32
      %neg3A_400 = vector.broadcast %neg3A_399 : f32 to vector<16xf32>
      %neg3A_401 = arith.subf %neg3A_400, %add3A_398 : vector<16xf32>
      %exp3A_402 = math.exp %neg3A_401 : vector<16xf32>
      %add3A_403 = arith.constant 1.000000e+00 : f32
      %add3A_404 = vector.broadcast %add3A_403 : f32 to vector<16xf32>
      %add3A_405 = arith.addf %add3A_404, %exp3A_402 : vector<16xf32>
      %div3A_406 = arith.divf %add3A_398, %add3A_405 : vector<16xf32>
      %mul3A_407 = arith.constant 6 : i32
      %mul3A_408 = arith.muli %scan3A_339, %mul3A_407 : i32
      %add3A_409 = arith.constant 1 : i32
      %add3A_410 = arith.addi %mul3A_408, %add3A_409 : i32
      %swap3A_411 = arith.index_cast %add3A_410 : i32 to index
      %swap3A_412 = arith.constant 16 : index
      %swap3A_413 = tpu.vector_load %arg12[%swap3A_411, %swap3A_412] {strides = array<i32>} : memref<384x32xf32, #tpu.memory_space<vmem>>, vector<16xf32>,
      tpu.vector_store %arg12[%swap3A_411, %swap3A_412], %div3A_406 {strides = array<i32>} : memref<384x32xf32, #tpu.memory_space<vmem>>, vector<16xf32>,
      %slice3A_414 = vector.extract_strided_slice %get3A_343 {offsets = [6], sizes = [1], strides = [1]} : vector<16xf32> to vector<1xf32>
      %squeeze3A_415 = vector.extract %slice3A_414[0] : f32 from vector<1xf32>
      %mul3A_416 = vector.broadcast %squeeze3A_415 : f32 to vector<16xf32>
      %mul3A_417 = arith.mulf %get3A_254, %mul3A_416 : vector<16xf32>
      %add3A_418 = arith.addf %mul3A_417, %get3A_278 : vector<16xf32>
      %neg3A_419 = arith.constant 0.000000e+00 : f32
      %neg3A_420 = vector.broadcast %neg3A_419 : f32 to vector<16xf32>
      %neg3A_421 = arith.subf %neg3A_420, %add3A_418 : vector<16xf32>
      %exp3A_422 = math.exp %neg3A_421 : vector<16xf32>
      %add3A_423 = arith.constant 1.000000e+00 : f32
      %add3A_424 = vector.broadcast %add3A_423 : f32 to vector<16xf32>
      %add3A_425 = arith.addf %add3A_424, %exp3A_422 : vector<16xf32>
      %div3A_426 = arith.divf %add3A_418, %add3A_425 : vector<16xf32>
      %mul3A_427 = arith.constant 6 : i32
      %mul3A_428 = arith.muli %scan3A_339, %mul3A_427 : i32
      %add3A_429 = arith.constant 2 : i32
      %add3A_430 = arith.addi %mul3A_428, %add3A_429 : i32
      %swap3A_431 = arith.index_cast %add3A_430 : i32 to index
      %swap3A_432 = arith.constant 0 : index
      %swap3A_433 = tpu.vector_load %arg12[%swap3A_431, %swap3A_432] {strides = array<i32>} : memref<384x32xf32, #tpu.memory_space<vmem>>, vector<16xf32>,
      tpu.vector_store %arg12[%swap3A_431, %swap3A_432], %div3A_426 {strides = array<i32>} : memref<384x32xf32, #tpu.memory_space<vmem>>, vector<16xf32>,
      %mul3A_434 = vector.broadcast %squeeze3A_415 : f32 to vector<16xf32>
      %mul3A_435 = arith.mulf %get3A_256, %mul3A_434 : vector<16xf32>
      %add3A_436 = arith.addf %mul3A_435, %get3A_280 : vector<16xf32>
      %neg3A_437 = arith.constant 0.000000e+00 : f32
      %neg3A_438 = vector.broadcast %neg3A_437 : f32 to vector<16xf32>
      %neg3A_439 = arith.subf %neg3A_438, %add3A_436 : vector<16xf32>
      %exp3A_440 = math.exp %neg3A_439 : vector<16xf32>
      %add3A_441 = arith.constant 1.000000e+00 : f32
      %add3A_442 = vector.broadcast %add3A_441 : f32 to vector<16xf32>
      %add3A_443 = arith.addf %add3A_442, %exp3A_440 : vector<16xf32>
      %div3A_444 = arith.divf %add3A_436, %add3A_443 : vector<16xf32>
      %mul3A_445 = arith.constant 6 : i32
      %mul3A_446 = arith.muli %scan3A_339, %mul3A_445 : i32
      %add3A_447 = arith.constant 2 : i32
      %add3A_448 = arith.addi %mul3A_446, %add3A_447 : i32
      %swap3A_449 = arith.index_cast %add3A_448 : i32 to index
      %swap3A_450 = arith.constant 16 : index
      %swap3A_451 = tpu.vector_load %arg12[%swap3A_449, %swap3A_450] {strides = array<i32>} : memref<384x32xf32, #tpu.memory_space<vmem>>, vector<16xf32>,
      tpu.vector_store %arg12[%swap3A_449, %swap3A_450], %div3A_444 {strides = array<i32>} : memref<384x32xf32, #tpu.memory_space<vmem>>, vector<16xf32>,
      %slice3A_452 = vector.extract_strided_slice %get3A_343 {offsets = [7], sizes = [1], strides = [1]} : vector<16xf32> to vector<1xf32>
      %squeeze3A_453 = vector.extract %slice3A_452[0] : f32 from vector<1xf32>
      %mul3A_454 = vector.broadcast %squeeze3A_453 : f32 to vector<16xf32>
      %mul3A_455 = arith.mulf %get3A_258, %mul3A_454 : vector<16xf32>
      %add3A_456 = arith.addf %mul3A_455, %get3A_282 : vector<16xf32>
      %neg3A_457 = arith.constant 0.000000e+00 : f32
      %neg3A_458 = vector.broadcast %neg3A_457 : f32 to vector<16xf32>
      %neg3A_459 = arith.subf %neg3A_458, %add3A_456 : vector<16xf32>
      %exp3A_460 = math.exp %neg3A_459 : vector<16xf32>
      %add3A_461 = arith.constant 1.000000e+00 : f32
      %add3A_462 = vector.broadcast %add3A_461 : f32 to vector<16xf32>
      %add3A_463 = arith.addf %add3A_462, %exp3A_460 : vector<16xf32>
      %div3A_464 = arith.divf %add3A_456, %add3A_463 : vector<16xf32>
      %mul3A_465 = arith.constant 6 : i32
      %mul3A_466 = arith.muli %scan3A_339, %mul3A_465 : i32
      %add3A_467 = arith.constant 3 : i32
      %add3A_468 = arith.addi %mul3A_466, %add3A_467 : i32
      %swap3A_469 = arith.index_cast %add3A_468 : i32 to index
      %swap3A_470 = arith.constant 0 : index
      %swap3A_471 = tpu.vector_load %arg12[%swap3A_469, %swap3A_470] {strides = array<i32>} : memref<384x32xf32, #tpu.memory_space<vmem>>, vector<16xf32>,
      tpu.vector_store %arg12[%swap3A_469, %swap3A_470], %div3A_464 {strides = array<i32>} : memref<384x32xf32, #tpu.memory_space<vmem>>, vector<16xf32>,
      %mul3A_472 = vector.broadcast %squeeze3A_453 : f32 to vector<16xf32>
      %mul3A_473 = arith.mulf %get3A_260, %mul3A_472 : vector<16xf32>
      %add3A_474 = arith.addf %mul3A_473, %get3A_284 : vector<16xf32>
      %neg3A_475 = arith.constant 0.000000e+00 : f32
      %neg3A_476 = vector.broadcast %neg3A_475 : f32 to vector<16xf32>
      %neg3A_477 = arith.subf %neg3A_476, %add3A_474 : vector<16xf32>
      %exp3A_478 = math.exp %neg3A_477 : vector<16xf32>
      %add3A_479 = arith.constant 1.000000e+00 : f32
      %add3A_480 = vector.broadcast %add3A_479 : f32 to vector<16xf32>
      %add3A_481 = arith.addf %add3A_480, %exp3A_478 : vector<16xf32>
      %div3A_482 = arith.divf %add3A_474, %add3A_481 : vector<16xf32>
      %mul3A_483 = arith.constant 6 : i32
      %mul3A_484 = arith.muli %scan3A_339, %mul3A_483 : i32
      %add3A_485 = arith.constant 3 : i32
      %add3A_486 = arith.addi %mul3A_484, %add3A_485 : i32
      %swap3A_487 = arith.index_cast %add3A_486 : i32 to index
      %swap3A_488 = arith.constant 16 : index
      %swap3A_489 = tpu.vector_load %arg12[%swap3A_487, %swap3A_488] {strides = array<i32>} : memref<384x32xf32, #tpu.memory_space<vmem>>, vector<16xf32>,
      tpu.vector_store %arg12[%swap3A_487, %swap3A_488], %div3A_482 {strides = array<i32>} : memref<384x32xf32, #tpu.memory_space<vmem>>, vector<16xf32>,
      %slice3A_490 = vector.extract_strided_slice %get3A_343 {offsets = [8], sizes = [1], strides = [1]} : vector<16xf32> to vector<1xf32>
      %squeeze3A_491 = vector.extract %slice3A_490[0] : f32 from vector<1xf32>
      %mul3A_492 = vector.broadcast %squeeze3A_491 : f32 to vector<16xf32>
      %mul3A_493 = arith.mulf %get3A_262, %mul3A_492 : vector<16xf32>
      %add3A_494 = arith.addf %mul3A_493, %get3A_286 : vector<16xf32>
      %neg3A_495 = arith.constant 0.000000e+00 : f32
      %neg3A_496 = vector.broadcast %neg3A_495 : f32 to vector<16xf32>
      %neg3A_497 = arith.subf %neg3A_496, %add3A_494 : vector<16xf32>
      %exp3A_498 = math.exp %neg3A_497 : vector<16xf32>
      %add3A_499 = arith.constant 1.000000e+00 : f32
      %add3A_500 = vector.broadcast %add3A_499 : f32 to vector<16xf32>
      %add3A_501 = arith.addf %add3A_500, %exp3A_498 : vector<16xf32>
      %div3A_502 = arith.divf %add3A_494, %add3A_501 : vector<16xf32>
      %mul3A_503 = arith.constant 6 : i32
      %mul3A_504 = arith.muli %scan3A_339, %mul3A_503 : i32
      %add3A_505 = arith.constant 4 : i32
      %add3A_506 = arith.addi %mul3A_504, %add3A_505 : i32
      %swap3A_507 = arith.index_cast %add3A_506 : i32 to index
      %swap3A_508 = arith.constant 0 : index
      %swap3A_509 = tpu.vector_load %arg12[%swap3A_507, %swap3A_508] {strides = array<i32>} : memref<384x32xf32, #tpu.memory_space<vmem>>, vector<16xf32>,
      tpu.vector_store %arg12[%swap3A_507, %swap3A_508], %div3A_502 {strides = array<i32>} : memref<384x32xf32, #tpu.memory_space<vmem>>, vector<16xf32>,
      %mul3A_510 = vector.broadcast %squeeze3A_491 : f32 to vector<16xf32>
      %mul3A_511 = arith.mulf %get3A_264, %mul3A_510 : vector<16xf32>
      %add3A_512 = arith.addf %mul3A_511, %get3A_288 : vector<16xf32>
      %neg3A_513 = arith.constant 0.000000e+00 : f32
      %neg3A_514 = vector.broadcast %neg3A_513 : f32 to vector<16xf32>
      %neg3A_515 = arith.subf %neg3A_514, %add3A_512 : vector<16xf32>
      %exp3A_516 = math.exp %neg3A_515 : vector<16xf32>
      %add3A_517 = arith.constant 1.000000e+00 : f32
      %add3A_518 = vector.broadcast %add3A_517 : f32 to vector<16xf32>
      %add3A_519 = arith.addf %add3A_518, %exp3A_516 : vector<16xf32>
      %div3A_520 = arith.divf %add3A_512, %add3A_519 : vector<16xf32>
      %mul3A_521 = arith.constant 6 : i32
      %mul3A_522 = arith.muli %scan3A_339, %mul3A_521 : i32
      %add3A_523 = arith.constant 4 : i32
      %add3A_524 = arith.addi %mul3A_522, %add3A_523 : i32
      %swap3A_525 = arith.index_cast %add3A_524 : i32 to index
      %swap3A_526 = arith.constant 16 : index
      %swap3A_527 = tpu.vector_load %arg12[%swap3A_525, %swap3A_526] {strides = array<i32>} : memref<384x32xf32, #tpu.memory_space<vmem>>, vector<16xf32>,
      tpu.vector_store %arg12[%swap3A_525, %swap3A_526], %div3A_520 {strides = array<i32>} : memref<384x32xf32, #tpu.memory_space<vmem>>, vector<16xf32>,
      %slice3A_528 = vector.extract_strided_slice %get3A_343 {offsets = [9], sizes = [1], strides = [1]} : vector<16xf32> to vector<1xf32>
      %squeeze3A_529 = vector.extract %slice3A_528[0] : f32 from vector<1xf32>
      %mul3A_530 = vector.broadcast %squeeze3A_529 : f32 to vector<16xf32>
      %mul3A_531 = arith.mulf %get3A_266, %mul3A_530 : vector<16xf32>
      %add3A_532 = arith.addf %mul3A_531, %get3A_290 : vector<16xf32>
      %neg3A_533 = arith.constant 0.000000e+00 : f32
      %neg3A_534 = vector.broadcast %neg3A_533 : f32 to vector<16xf32>
      %neg3A_535 = arith.subf %neg3A_534, %add3A_532 : vector<16xf32>
      %exp3A_536 = math.exp %neg3A_535 : vector<16xf32>
      %add3A_537 = arith.constant 1.000000e+00 : f32
      %add3A_538 = vector.broadcast %add3A_537 : f32 to vector<16xf32>
      %add3A_539 = arith.addf %add3A_538, %exp3A_536 : vector<16xf32>
      %div3A_540 = arith.divf %add3A_532, %add3A_539 : vector<16xf32>
      %mul3A_541 = arith.constant 6 : i32
      %mul3A_542 = arith.muli %scan3A_339, %mul3A_541 : i32
      %add3A_543 = arith.constant 5 : i32
      %add3A_544 = arith.addi %mul3A_542, %add3A_543 : i32
      %swap3A_545 = arith.index_cast %add3A_544 : i32 to index
      %swap3A_546 = arith.constant 0 : index
      %swap3A_547 = tpu.vector_load %arg12[%swap3A_545, %swap3A_546] {strides = array<i32>} : memref<384x32xf32, #tpu.memory_space<vmem>>, vector<16xf32>,
      tpu.vector_store %arg12[%swap3A_545, %swap3A_546], %div3A_540 {strides = array<i32>} : memref<384x32xf32, #tpu.memory_space<vmem>>, vector<16xf32>,
      %mul3A_548 = vector.broadcast %squeeze3A_529 : f32 to vector<16xf32>
      %mul3A_549 = arith.mulf %get3A_268, %mul3A_548 : vector<16xf32>
      %add3A_550 = arith.addf %mul3A_549, %get3A_292 : vector<16xf32>
      %neg3A_551 = arith.constant 0.000000e+00 : f32
      %neg3A_552 = vector.broadcast %neg3A_551 : f32 to vector<16xf32>
      %neg3A_553 = arith.subf %neg3A_552, %add3A_550 : vector<16xf32>
      %exp3A_554 = math.exp %neg3A_553 : vector<16xf32>
      %add3A_555 = arith.constant 1.000000e+00 : f32
      %add3A_556 = vector.broadcast %add3A_555 : f32 to vector<16xf32>
      %add3A_557 = arith.addf %add3A_556, %exp3A_554 : vector<16xf32>
      %div3A_558 = arith.divf %add3A_550, %add3A_557 : vector<16xf32>
      %mul3A_559 = arith.constant 6 : i32
      %mul3A_560 = arith.muli %scan3A_339, %mul3A_559 : i32
      %add3A_561 = arith.constant 5 : i32
      %add3A_562 = arith.addi %mul3A_560, %add3A_561 : i32
      %swap3A_563 = arith.index_cast %add3A_562 : i32 to index
      %swap3A_564 = arith.constant 16 : index
      %swap3A_565 = tpu.vector_load %arg12[%swap3A_563, %swap3A_564] {strides = array<i32>} : memref<384x32xf32, #tpu.memory_space<vmem>>, vector<16xf32>,
      tpu.vector_store %arg12[%swap3A_563, %swap3A_564], %div3A_558 {strides = array<i32>} : memref<384x32xf32, #tpu.memory_space<vmem>>, vector<16xf32>,
      %scan3A_566 = arith.constant 0 : i32
      scf.yield %scan3A_566 : i32
    }
    %scan3A_299 = arith.constant 64 : i32
    %dma_wait3A_300 = arith.constant 0 : i32
    %dma_wait3A_301 = arith.constant 0 : i32
    %dma_wait3A_302 = tpu.memref_slice %arg3[%dma_wait3A_300, %dma_wait3A_301] : memref<2000000x32xf32, #tpu.memory_space<hbm>> -> memref<2000000x32xf32, #tpu.memory_space<hbm>>
    tpu.wait_indirect_dma semaphore(%arg25 : memref<!tpu.dma_semaphore, #tpu.memory_space<semaphore_mem>>) src(%dma_wait3A_302 : memref<2000000x32xf32, #tpu.memory_space<hbm>>) dst(%arg11 : memref<1280x32xf32, #tpu.memory_space<vmem>>)
    %dma_start3A_303 = arith.constant 0 : i32
    %dma_start3A_304 = arith.constant 0 : i32
    %dma_start3A_305 = tpu.memref_slice %arg6[%dma_start3A_303, %dma_start3A_304] : memref<1331200x32xf32, #tpu.memory_space<hbm>> -> memref<1331200x32xf32, #tpu.memory_space<hbm>>
    tpu.enqueue_indirect_dma source(%arg11 : memref<1280x32xf32, #tpu.memory_space<vmem>>) target(%dma_start3A_305 : memref<1331200x32xf32, #tpu.memory_space<hbm>>) offsets(%arg9 : memref<1280xi32, #tpu.memory_space<vmem>>) semaphore(%arg13 : memref<!tpu.dma_semaphore, #tpu.memory_space<semaphore_mem>>)
    %dma_start3A_306 = arith.constant 0 : i32
    %dma_start3A_307 = arith.constant 0 : i32
    %dma_start3A_308 = tpu.memref_slice %arg6[%dma_start3A_306, %dma_start3A_307] : memref<1331200x32xf32, #tpu.memory_space<hbm>> -> memref<1331200x32xf32, #tpu.memory_space<hbm>>
    tpu.enqueue_indirect_dma source(%arg12 : memref<384x32xf32, #tpu.memory_space<vmem>>) target(%dma_start3A_308 : memref<1331200x32xf32, #tpu.memory_space<hbm>>) offsets(%arg10 : memref<384xi32, #tpu.memory_space<vmem>>) semaphore(%arg13 : memref<!tpu.dma_semaphore, #tpu.memory_space<semaphore_mem>>)
    %min3A_309 = arith.constant 26 : i32
    %min3A_310 = arith.constant 24 : i32
    %min3A_311 = arith.minsi %min3A_309, %min3A_310 : i32
    %mul3A_312 = arith.constant 64 : i32
    %mul3A_313 = arith.muli %min3A_311, %mul3A_312 : i32
    %add3A_314 = arith.addi %mul3A_2, %mul3A_313 : i32
    %dma_start3A_315 = arith.constant 0 : i32
    %dma_start3A_316 = tpu.memref_slice %arg2[%add3A_314, %dma_start3A_315] : memref<51200x32xf32, #tpu.memory_space<hbm>> -> memref<64x32xf32, #tpu.memory_space<hbm>>
    %dma_start3A_317 = arith.constant 0 : i32
    %dma_start3A_318 = tpu.memref_slice %arg2[%add3A_314, %dma_start3A_317] : memref<51200x32xf32, #tpu.memory_space<hbm>> -> memref<64x32xf32, #tpu.memory_space<hbm>>
    tpu.enqueue_dma source(%dma_start3A_318 : memref<64x32xf32, #tpu.memory_space<hbm>>) target(%arg7 : memref<64x32xf32, #tpu.memory_space<vmem>>) target_semaphore(%arg14 : memref<!tpu.dma_semaphore, #tpu.memory_space<semaphore_mem>>)
    %dma_wait3A_319 = arith.constant 0 : i32
    %dma_wait3A_320 = arith.constant 0 : i32
    %dma_wait3A_321 = tpu.memref_slice %arg6[%dma_wait3A_319, %dma_wait3A_320] : memref<1331200x32xf32, #tpu.memory_space<hbm>> -> memref<1331200x32xf32, #tpu.memory_space<hbm>>
    tpu.wait_indirect_dma semaphore(%arg13 : memref<!tpu.dma_semaphore, #tpu.memory_space<semaphore_mem>>) src(%arg11 : memref<1280x32xf32, #tpu.memory_space<vmem>>) dst(%dma_wait3A_321 : memref<1331200x32xf32, #tpu.memory_space<hbm>>)
    %dma_wait3A_322 = arith.constant 0 : i32
    %dma_wait3A_323 = arith.constant 0 : i32
    %dma_wait3A_324 = tpu.memref_slice %arg6[%dma_wait3A_322, %dma_wait3A_323] : memref<1331200x32xf32, #tpu.memory_space<hbm>> -> memref<1331200x32xf32, #tpu.memory_space<hbm>>
    tpu.wait_indirect_dma semaphore(%arg13 : memref<!tpu.dma_semaphore, #tpu.memory_space<semaphore_mem>>) src(%arg12 : memref<384x32xf32, #tpu.memory_space<vmem>>) dst(%dma_wait3A_324 : memref<1331200x32xf32, #tpu.memory_space<hbm>>)
    %dma_wait3A_325 = arith.constant 0 : i32
    %dma_wait3A_326 = tpu.memref_slice %arg2[%mul3A_2, %dma_wait3A_325] : memref<51200x32xf32, #tpu.memory_space<hbm>> -> memref<64x32xf32, #tpu.memory_space<hbm>>
    %dma_wait3A_327 = arith.constant 0 : i32
    %dma_wait3A_328 = tpu.memref_slice %arg2[%mul3A_2, %dma_wait3A_327] : memref<51200x32xf32, #tpu.memory_space<hbm>> -> memref<64x32xf32, #tpu.memory_space<hbm>>
    tpu.wait_dma2 semaphore(%arg14 : memref<!tpu.dma_semaphore, #tpu.memory_space<semaphore_mem>>) src(%dma_wait3A_328 : memref<64x32xf32, #tpu.memory_space<hbm>>) dst(%arg7 : memref<64x32xf32, #tpu.memory_space<vmem>>)
    %dma_wait3A_329 = arith.constant 0 : i32
    %dma_wait3A_330 = arith.constant 0 : i32
    %dma_wait3A_331 = tpu.memref_slice %arg6[%dma_wait3A_329, %dma_wait3A_330] : memref<1331200x32xf32, #tpu.memory_space<hbm>> -> memref<1331200x32xf32, #tpu.memory_space<hbm>>
    tpu.wait_indirect_dma semaphore(%arg21 : memref<!tpu.dma_semaphore, #tpu.memory_space<semaphore_mem>>) src(%arg19 : memref<1280x32xf32, #tpu.memory_space<vmem>>) dst(%dma_wait3A_331 : memref<1331200x32xf32, #tpu.memory_space<hbm>>)
    %dma_wait3A_332 = arith.constant 0 : i32
    %dma_wait3A_333 = arith.constant 0 : i32
    %dma_wait3A_334 = tpu.memref_slice %arg6[%dma_wait3A_332, %dma_wait3A_333] : memref<1331200x32xf32, #tpu.memory_space<hbm>> -> memref<1331200x32xf32, #tpu.memory_space<hbm>>
    tpu.wait_indirect_dma semaphore(%arg21 : memref<!tpu.dma_semaphore, #tpu.memory_space<semaphore_mem>>) src(%arg20 : memref<384x32xf32, #tpu.memory_space<vmem>>) dst(%dma_wait3A_334 : memref<1331200x32xf32, #tpu.memory_space<hbm>>)
    %dma_wait3A_335 = arith.constant 0 : i32
    %dma_wait3A_336 = tpu.memref_slice %arg2[%mul3A_2, %dma_wait3A_335] : memref<51200x32xf32, #tpu.memory_space<hbm>> -> memref<64x32xf32, #tpu.memory_space<hbm>>
    %dma_wait3A_337 = arith.constant 0 : i32
    %dma_wait3A_338 = tpu.memref_slice %arg2[%mul3A_2, %dma_wait3A_337] : memref<51200x32xf32, #tpu.memory_space<hbm>> -> memref<64x32xf32, #tpu.memory_space<hbm>>
    tpu.wait_dma2 semaphore(%arg22 : memref<!tpu.dma_semaphore, #tpu.memory_space<semaphore_mem>>) src(%dma_wait3A_338 : memref<64x32xf32, #tpu.memory_space<hbm>>) dst(%arg15 : memref<64x32xf32, #tpu.memory_space<vmem>>)
    return
  }
}

module attributes {stable_mosaic.version = 14 : i64} {
  func.func @_prep_body(%arg0: i32, %arg1: memref<32x50x26xf32, #tpu.memory_space<vmem>>, %arg2: memref<1600x32xf32, #tpu.memory_space<vmem>>) attributes {dimension_semantics = [#tpu.dimension_semantics<arbitrary>], iteration_bounds = array<i64: 32>, scalar_prefetch = 0 : i64, scratch_operands = 0 : i64, tpu.core_type = #tpu.core_type<tc>, window_params = [{transform_indices = @transform_0, window_bounds = array<i64: 32, 50, 26>}, {transform_indices = @transform_1, window_bounds = array<i64: 1600, 32>}]} {
    %iota3A = tpu.iota {dimensions = array<i32: 1>} : vector<50x20xi32>
    %mul3A = arith.constant 100000 : i32
    %mul3A_0 = vector.broadcast %mul3A : i32 to vector<50x20xi32>
    %mul3A_1 = arith.muli %iota3A, %mul3A_0 : vector<50x20xi32>
    %get3A = arith.constant 0 : index
    %get3A_2 = arith.constant 0 : index
    %get3A_3 = arith.constant 0 : index
    %get3A_4 = vector.load %arg1[%get3A, %get3A_2, %get3A_3] : memref<32x50x26xf32, #tpu.memory_space<vmem>>, vector<1x50x20xf32>
    %get3A_5 = vector.shape_cast %get3A_4 : vector<1x50x20xf32> to vector<50x20xf32>
    %convert_element_type3A = arith.fptosi %get3A_5 : vector<50x20xf32> to vector<50x20xi32>
    %add3A = arith.addi %convert_element_type3A, %mul3A_1 : vector<50x20xi32>
    %bitcast_convert_type3A = tpu.bitcast %add3A : vector<50x20xi32> -> vector<50x20xf32>
    %swap3A = arith.constant 0 : index
    %swap3A_6 = arith.constant 0 : index
    %swap3A_7 = vector.load %arg2[%swap3A, %swap3A_6] : memref<1600x32xf32, #tpu.memory_space<vmem>>, vector<50x20xf32>
    tpu.vector_store %arg2[%swap3A, %swap3A_6], %bitcast_convert_type3A {strides = array<i32>} : memref<1600x32xf32, #tpu.memory_space<vmem>>, vector<50x20xf32>,
    %get3A_8 = arith.constant 0 : index
    %get3A_9 = arith.constant 0 : index
    %get3A_10 = arith.constant 20 : index
    %get3A_11 = vector.load %arg1[%get3A_8, %get3A_9, %get3A_10] : memref<32x50x26xf32, #tpu.memory_space<vmem>>, vector<1x50x6xf32>
    %get3A_12 = vector.shape_cast %get3A_11 : vector<1x50x6xf32> to vector<50x6xf32>
    %swap3A_13 = arith.constant 0 : index
    %swap3A_14 = arith.constant 20 : index
    %swap3A_15 = vector.load %arg2[%swap3A_13, %swap3A_14] : memref<1600x32xf32, #tpu.memory_space<vmem>>, vector<50x6xf32>
    tpu.vector_store %arg2[%swap3A_13, %swap3A_14], %get3A_12 {strides = array<i32>} : memref<1600x32xf32, #tpu.memory_space<vmem>>, vector<50x6xf32>,
    %get3A_16 = arith.constant 1 : index
    %get3A_17 = arith.constant 0 : index
    %get3A_18 = arith.constant 0 : index
    %get3A_19 = vector.load %arg1[%get3A_16, %get3A_17, %get3A_18] : memref<32x50x26xf32, #tpu.memory_space<vmem>>, vector<1x50x20xf32>
    %get3A_20 = vector.shape_cast %get3A_19 : vector<1x50x20xf32> to vector<50x20xf32>
    %convert_element_type3A_21 = arith.fptosi %get3A_20 : vector<50x20xf32> to vector<50x20xi32>
    %add3A_22 = arith.addi %convert_element_type3A_21, %mul3A_1 : vector<50x20xi32>
    %bitcast_convert_type3A_23 = tpu.bitcast %add3A_22 : vector<50x20xi32> -> vector<50x20xf32>
    %swap3A_24 = arith.constant 50 : index
    %swap3A_25 = arith.constant 0 : index
    %swap3A_26 = vector.load %arg2[%swap3A_24, %swap3A_25] : memref<1600x32xf32, #tpu.memory_space<vmem>>, vector<50x20xf32>
    tpu.vector_store %arg2[%swap3A_24, %swap3A_25], %bitcast_convert_type3A_23 {strides = array<i32>} : memref<1600x32xf32, #tpu.memory_space<vmem>>, vector<50x20xf32>,
    %get3A_27 = arith.constant 1 : index
    %get3A_28 = arith.constant 0 : index
    %get3A_29 = arith.constant 20 : index
    %get3A_30 = vector.load %arg1[%get3A_27, %get3A_28, %get3A_29] : memref<32x50x26xf32, #tpu.memory_space<vmem>>, vector<1x50x6xf32>
    %get3A_31 = vector.shape_cast %get3A_30 : vector<1x50x6xf32> to vector<50x6xf32>
    %swap3A_32 = arith.constant 50 : index
    %swap3A_33 = arith.constant 20 : index
    %swap3A_34 = vector.load %arg2[%swap3A_32, %swap3A_33] : memref<1600x32xf32, #tpu.memory_space<vmem>>, vector<50x6xf32>
    tpu.vector_store %arg2[%swap3A_32, %swap3A_33], %get3A_31 {strides = array<i32>} : memref<1600x32xf32, #tpu.memory_space<vmem>>, vector<50x6xf32>,
    %get3A_35 = arith.constant 2 : index
    %get3A_36 = arith.constant 0 : index
    %get3A_37 = arith.constant 0 : index
    %get3A_38 = vector.load %arg1[%get3A_35, %get3A_36, %get3A_37] : memref<32x50x26xf32, #tpu.memory_space<vmem>>, vector<1x50x20xf32>
    %get3A_39 = vector.shape_cast %get3A_38 : vector<1x50x20xf32> to vector<50x20xf32>
    %convert_element_type3A_40 = arith.fptosi %get3A_39 : vector<50x20xf32> to vector<50x20xi32>
    %add3A_41 = arith.addi %convert_element_type3A_40, %mul3A_1 : vector<50x20xi32>
    %bitcast_convert_type3A_42 = tpu.bitcast %add3A_41 : vector<50x20xi32> -> vector<50x20xf32>
    %swap3A_43 = arith.constant 100 : index
    %swap3A_44 = arith.constant 0 : index
    %swap3A_45 = vector.load %arg2[%swap3A_43, %swap3A_44] : memref<1600x32xf32, #tpu.memory_space<vmem>>, vector<50x20xf32>
    tpu.vector_store %arg2[%swap3A_43, %swap3A_44], %bitcast_convert_type3A_42 {strides = array<i32>} : memref<1600x32xf32, #tpu.memory_space<vmem>>, vector<50x20xf32>,
    %get3A_46 = arith.constant 2 : index
    %get3A_47 = arith.constant 0 : index
    %get3A_48 = arith.constant 20 : index
    %get3A_49 = vector.load %arg1[%get3A_46, %get3A_47, %get3A_48] : memref<32x50x26xf32, #tpu.memory_space<vmem>>, vector<1x50x6xf32>
    %get3A_50 = vector.shape_cast %get3A_49 : vector<1x50x6xf32> to vector<50x6xf32>
    %swap3A_51 = arith.constant 100 : index
    %swap3A_52 = arith.constant 20 : index
    %swap3A_53 = vector.load %arg2[%swap3A_51, %swap3A_52] : memref<1600x32xf32, #tpu.memory_space<vmem>>, vector<50x6xf32>
    tpu.vector_store %arg2[%swap3A_51, %swap3A_52], %get3A_50 {strides = array<i32>} : memref<1600x32xf32, #tpu.memory_space<vmem>>, vector<50x6xf32>,
    %get3A_54 = arith.constant 3 : index
    %get3A_55 = arith.constant 0 : index
    %get3A_56 = arith.constant 0 : index
    %get3A_57 = vector.load %arg1[%get3A_54, %get3A_55, %get3A_56] : memref<32x50x26xf32, #tpu.memory_space<vmem>>, vector<1x50x20xf32>
    %get3A_58 = vector.shape_cast %get3A_57 : vector<1x50x20xf32> to vector<50x20xf32>
    %convert_element_type3A_59 = arith.fptosi %get3A_58 : vector<50x20xf32> to vector<50x20xi32>
    %add3A_60 = arith.addi %convert_element_type3A_59, %mul3A_1 : vector<50x20xi32>
    %bitcast_convert_type3A_61 = tpu.bitcast %add3A_60 : vector<50x20xi32> -> vector<50x20xf32>
    %swap3A_62 = arith.constant 150 : index
    %swap3A_63 = arith.constant 0 : index
    %swap3A_64 = vector.load %arg2[%swap3A_62, %swap3A_63] : memref<1600x32xf32, #tpu.memory_space<vmem>>, vector<50x20xf32>
    tpu.vector_store %arg2[%swap3A_62, %swap3A_63], %bitcast_convert_type3A_61 {strides = array<i32>} : memref<1600x32xf32, #tpu.memory_space<vmem>>, vector<50x20xf32>,
    %get3A_65 = arith.constant 3 : index
    %get3A_66 = arith.constant 0 : index
    %get3A_67 = arith.constant 20 : index
    %get3A_68 = vector.load %arg1[%get3A_65, %get3A_66, %get3A_67] : memref<32x50x26xf32, #tpu.memory_space<vmem>>, vector<1x50x6xf32>
    %get3A_69 = vector.shape_cast %get3A_68 : vector<1x50x6xf32> to vector<50x6xf32>
    %swap3A_70 = arith.constant 150 : index
    %swap3A_71 = arith.constant 20 : index
    %swap3A_72 = vector.load %arg2[%swap3A_70, %swap3A_71] : memref<1600x32xf32, #tpu.memory_space<vmem>>, vector<50x6xf32>
    tpu.vector_store %arg2[%swap3A_70, %swap3A_71], %get3A_69 {strides = array<i32>} : memref<1600x32xf32, #tpu.memory_space<vmem>>, vector<50x6xf32>,
    %get3A_73 = arith.constant 4 : index
    %get3A_74 = arith.constant 0 : index
    %get3A_75 = arith.constant 0 : index
    %get3A_76 = vector.load %arg1[%get3A_73, %get3A_74, %get3A_75] : memref<32x50x26xf32, #tpu.memory_space<vmem>>, vector<1x50x20xf32>
    %get3A_77 = vector.shape_cast %get3A_76 : vector<1x50x20xf32> to vector<50x20xf32>
    %convert_element_type3A_78 = arith.fptosi %get3A_77 : vector<50x20xf32> to vector<50x20xi32>
    %add3A_79 = arith.addi %convert_element_type3A_78, %mul3A_1 : vector<50x20xi32>
    %bitcast_convert_type3A_80 = tpu.bitcast %add3A_79 : vector<50x20xi32> -> vector<50x20xf32>
    %swap3A_81 = arith.constant 200 : index
    %swap3A_82 = arith.constant 0 : index
    %swap3A_83 = vector.load %arg2[%swap3A_81, %swap3A_82] : memref<1600x32xf32, #tpu.memory_space<vmem>>, vector<50x20xf32>
    tpu.vector_store %arg2[%swap3A_81, %swap3A_82], %bitcast_convert_type3A_80 {strides = array<i32>} : memref<1600x32xf32, #tpu.memory_space<vmem>>, vector<50x20xf32>,
    %get3A_84 = arith.constant 4 : index
    %get3A_85 = arith.constant 0 : index
    %get3A_86 = arith.constant 20 : index
    %get3A_87 = vector.load %arg1[%get3A_84, %get3A_85, %get3A_86] : memref<32x50x26xf32, #tpu.memory_space<vmem>>, vector<1x50x6xf32>
    %get3A_88 = vector.shape_cast %get3A_87 : vector<1x50x6xf32> to vector<50x6xf32>
    %swap3A_89 = arith.constant 200 : index
    %swap3A_90 = arith.constant 20 : index
    %swap3A_91 = vector.load %arg2[%swap3A_89, %swap3A_90] : memref<1600x32xf32, #tpu.memory_space<vmem>>, vector<50x6xf32>
    tpu.vector_store %arg2[%swap3A_89, %swap3A_90], %get3A_88 {strides = array<i32>} : memref<1600x32xf32, #tpu.memory_space<vmem>>, vector<50x6xf32>,
    %get3A_92 = arith.constant 5 : index
    %get3A_93 = arith.constant 0 : index
    %get3A_94 = arith.constant 0 : index
    %get3A_95 = vector.load %arg1[%get3A_92, %get3A_93, %get3A_94] : memref<32x50x26xf32, #tpu.memory_space<vmem>>, vector<1x50x20xf32>
    %get3A_96 = vector.shape_cast %get3A_95 : vector<1x50x20xf32> to vector<50x20xf32>
    %convert_element_type3A_97 = arith.fptosi %get3A_96 : vector<50x20xf32> to vector<50x20xi32>
    %add3A_98 = arith.addi %convert_element_type3A_97, %mul3A_1 : vector<50x20xi32>
    %bitcast_convert_type3A_99 = tpu.bitcast %add3A_98 : vector<50x20xi32> -> vector<50x20xf32>
    %swap3A_100 = arith.constant 250 : index
    %swap3A_101 = arith.constant 0 : index
    %swap3A_102 = vector.load %arg2[%swap3A_100, %swap3A_101] : memref<1600x32xf32, #tpu.memory_space<vmem>>, vector<50x20xf32>
    tpu.vector_store %arg2[%swap3A_100, %swap3A_101], %bitcast_convert_type3A_99 {strides = array<i32>} : memref<1600x32xf32, #tpu.memory_space<vmem>>, vector<50x20xf32>,
    %get3A_103 = arith.constant 5 : index
    %get3A_104 = arith.constant 0 : index
    %get3A_105 = arith.constant 20 : index
    %get3A_106 = vector.load %arg1[%get3A_103, %get3A_104, %get3A_105] : memref<32x50x26xf32, #tpu.memory_space<vmem>>, vector<1x50x6xf32>
    %get3A_107 = vector.shape_cast %get3A_106 : vector<1x50x6xf32> to vector<50x6xf32>
    %swap3A_108 = arith.constant 250 : index
    %swap3A_109 = arith.constant 20 : index
    %swap3A_110 = vector.load %arg2[%swap3A_108, %swap3A_109] : memref<1600x32xf32, #tpu.memory_space<vmem>>, vector<50x6xf32>
    tpu.vector_store %arg2[%swap3A_108, %swap3A_109], %get3A_107 {strides = array<i32>} : memref<1600x32xf32, #tpu.memory_space<vmem>>, vector<50x6xf32>,
    %get3A_111 = arith.constant 6 : index
    %get3A_112 = arith.constant 0 : index
    %get3A_113 = arith.constant 0 : index
    %get3A_114 = vector.load %arg1[%get3A_111, %get3A_112, %get3A_113] : memref<32x50x26xf32, #tpu.memory_space<vmem>>, vector<1x50x20xf32>
    %get3A_115 = vector.shape_cast %get3A_114 : vector<1x50x20xf32> to vector<50x20xf32>
    %convert_element_type3A_116 = arith.fptosi %get3A_115 : vector<50x20xf32> to vector<50x20xi32>
    %add3A_117 = arith.addi %convert_element_type3A_116, %mul3A_1 : vector<50x20xi32>
    %bitcast_convert_type3A_118 = tpu.bitcast %add3A_117 : vector<50x20xi32> -> vector<50x20xf32>
    %swap3A_119 = arith.constant 300 : index
    %swap3A_120 = arith.constant 0 : index
    %swap3A_121 = vector.load %arg2[%swap3A_119, %swap3A_120] : memref<1600x32xf32, #tpu.memory_space<vmem>>, vector<50x20xf32>
    tpu.vector_store %arg2[%swap3A_119, %swap3A_120], %bitcast_convert_type3A_118 {strides = array<i32>} : memref<1600x32xf32, #tpu.memory_space<vmem>>, vector<50x20xf32>,
    %get3A_122 = arith.constant 6 : index
    %get3A_123 = arith.constant 0 : index
    %get3A_124 = arith.constant 20 : index
    %get3A_125 = vector.load %arg1[%get3A_122, %get3A_123, %get3A_124] : memref<32x50x26xf32, #tpu.memory_space<vmem>>, vector<1x50x6xf32>
    %get3A_126 = vector.shape_cast %get3A_125 : vector<1x50x6xf32> to vector<50x6xf32>
    %swap3A_127 = arith.constant 300 : index
    %swap3A_128 = arith.constant 20 : index
    %swap3A_129 = vector.load %arg2[%swap3A_127, %swap3A_128] : memref<1600x32xf32, #tpu.memory_space<vmem>>, vector<50x6xf32>
    tpu.vector_store %arg2[%swap3A_127, %swap3A_128], %get3A_126 {strides = array<i32>} : memref<1600x32xf32, #tpu.memory_space<vmem>>, vector<50x6xf32>,
    %get3A_130 = arith.constant 7 : index
    %get3A_131 = arith.constant 0 : index
    %get3A_132 = arith.constant 0 : index
    %get3A_133 = vector.load %arg1[%get3A_130, %get3A_131, %get3A_132] : memref<32x50x26xf32, #tpu.memory_space<vmem>>, vector<1x50x20xf32>
    %get3A_134 = vector.shape_cast %get3A_133 : vector<1x50x20xf32> to vector<50x20xf32>
    %convert_element_type3A_135 = arith.fptosi %get3A_134 : vector<50x20xf32> to vector<50x20xi32>
    %add3A_136 = arith.addi %convert_element_type3A_135, %mul3A_1 : vector<50x20xi32>
    %bitcast_convert_type3A_137 = tpu.bitcast %add3A_136 : vector<50x20xi32> -> vector<50x20xf32>
    %swap3A_138 = arith.constant 350 : index
    %swap3A_139 = arith.constant 0 : index
    %swap3A_140 = vector.load %arg2[%swap3A_138, %swap3A_139] : memref<1600x32xf32, #tpu.memory_space<vmem>>, vector<50x20xf32>
    tpu.vector_store %arg2[%swap3A_138, %swap3A_139], %bitcast_convert_type3A_137 {strides = array<i32>} : memref<1600x32xf32, #tpu.memory_space<vmem>>, vector<50x20xf32>,
    %get3A_141 = arith.constant 7 : index
    %get3A_142 = arith.constant 0 : index
    %get3A_143 = arith.constant 20 : index
    %get3A_144 = vector.load %arg1[%get3A_141, %get3A_142, %get3A_143] : memref<32x50x26xf32, #tpu.memory_space<vmem>>, vector<1x50x6xf32>
    %get3A_145 = vector.shape_cast %get3A_144 : vector<1x50x6xf32> to vector<50x6xf32>
    %swap3A_146 = arith.constant 350 : index
    %swap3A_147 = arith.constant 20 : index
    %swap3A_148 = vector.load %arg2[%swap3A_146, %swap3A_147] : memref<1600x32xf32, #tpu.memory_space<vmem>>, vector<50x6xf32>
    tpu.vector_store %arg2[%swap3A_146, %swap3A_147], %get3A_145 {strides = array<i32>} : memref<1600x32xf32, #tpu.memory_space<vmem>>, vector<50x6xf32>,
    %get3A_149 = arith.constant 8 : index
    %get3A_150 = arith.constant 0 : index
    %get3A_151 = arith.constant 0 : index
    %get3A_152 = vector.load %arg1[%get3A_149, %get3A_150, %get3A_151] : memref<32x50x26xf32, #tpu.memory_space<vmem>>, vector<1x50x20xf32>
    %get3A_153 = vector.shape_cast %get3A_152 : vector<1x50x20xf32> to vector<50x20xf32>
    %convert_element_type3A_154 = arith.fptosi %get3A_153 : vector<50x20xf32> to vector<50x20xi32>
    %add3A_155 = arith.addi %convert_element_type3A_154, %mul3A_1 : vector<50x20xi32>
    %bitcast_convert_type3A_156 = tpu.bitcast %add3A_155 : vector<50x20xi32> -> vector<50x20xf32>
    %swap3A_157 = arith.constant 400 : index
    %swap3A_158 = arith.constant 0 : index
    %swap3A_159 = vector.load %arg2[%swap3A_157, %swap3A_158] : memref<1600x32xf32, #tpu.memory_space<vmem>>, vector<50x20xf32>
    tpu.vector_store %arg2[%swap3A_157, %swap3A_158], %bitcast_convert_type3A_156 {strides = array<i32>} : memref<1600x32xf32, #tpu.memory_space<vmem>>, vector<50x20xf32>,
    %get3A_160 = arith.constant 8 : index
    %get3A_161 = arith.constant 0 : index
    %get3A_162 = arith.constant 20 : index
    %get3A_163 = vector.load %arg1[%get3A_160, %get3A_161, %get3A_162] : memref<32x50x26xf32, #tpu.memory_space<vmem>>, vector<1x50x6xf32>
    %get3A_164 = vector.shape_cast %get3A_163 : vector<1x50x6xf32> to vector<50x6xf32>
    %swap3A_165 = arith.constant 400 : index
    %swap3A_166 = arith.constant 20 : index
    %swap3A_167 = vector.load %arg2[%swap3A_165, %swap3A_166] : memref<1600x32xf32, #tpu.memory_space<vmem>>, vector<50x6xf32>
    tpu.vector_store %arg2[%swap3A_165, %swap3A_166], %get3A_164 {strides = array<i32>} : memref<1600x32xf32, #tpu.memory_space<vmem>>, vector<50x6xf32>,
    %get3A_168 = arith.constant 9 : index
    %get3A_169 = arith.constant 0 : index
    %get3A_170 = arith.constant 0 : index
    %get3A_171 = vector.load %arg1[%get3A_168, %get3A_169, %get3A_170] : memref<32x50x26xf32, #tpu.memory_space<vmem>>, vector<1x50x20xf32>
    %get3A_172 = vector.shape_cast %get3A_171 : vector<1x50x20xf32> to vector<50x20xf32>
    %convert_element_type3A_173 = arith.fptosi %get3A_172 : vector<50x20xf32> to vector<50x20xi32>
    %add3A_174 = arith.addi %convert_element_type3A_173, %mul3A_1 : vector<50x20xi32>
    %bitcast_convert_type3A_175 = tpu.bitcast %add3A_174 : vector<50x20xi32> -> vector<50x20xf32>
    %swap3A_176 = arith.constant 450 : index
    %swap3A_177 = arith.constant 0 : index
    %swap3A_178 = vector.load %arg2[%swap3A_176, %swap3A_177] : memref<1600x32xf32, #tpu.memory_space<vmem>>, vector<50x20xf32>
    tpu.vector_store %arg2[%swap3A_176, %swap3A_177], %bitcast_convert_type3A_175 {strides = array<i32>} : memref<1600x32xf32, #tpu.memory_space<vmem>>, vector<50x20xf32>,
    %get3A_179 = arith.constant 9 : index
    %get3A_180 = arith.constant 0 : index
    %get3A_181 = arith.constant 20 : index
    %get3A_182 = vector.load %arg1[%get3A_179, %get3A_180, %get3A_181] : memref<32x50x26xf32, #tpu.memory_space<vmem>>, vector<1x50x6xf32>
    %get3A_183 = vector.shape_cast %get3A_182 : vector<1x50x6xf32> to vector<50x6xf32>
    %swap3A_184 = arith.constant 450 : index
    %swap3A_185 = arith.constant 20 : index
    %swap3A_186 = vector.load %arg2[%swap3A_184, %swap3A_185] : memref<1600x32xf32, #tpu.memory_space<vmem>>, vector<50x6xf32>
    tpu.vector_store %arg2[%swap3A_184, %swap3A_185], %get3A_183 {strides = array<i32>} : memref<1600x32xf32, #tpu.memory_space<vmem>>, vector<50x6xf32>,
    %get3A_187 = arith.constant 10 : index
    %get3A_188 = arith.constant 0 : index
    %get3A_189 = arith.constant 0 : index
    %get3A_190 = vector.load %arg1[%get3A_187, %get3A_188, %get3A_189] : memref<32x50x26xf32, #tpu.memory_space<vmem>>, vector<1x50x20xf32>
    %get3A_191 = vector.shape_cast %get3A_190 : vector<1x50x20xf32> to vector<50x20xf32>
    %convert_element_type3A_192 = arith.fptosi %get3A_191 : vector<50x20xf32> to vector<50x20xi32>
    %add3A_193 = arith.addi %convert_element_type3A_192, %mul3A_1 : vector<50x20xi32>
    %bitcast_convert_type3A_194 = tpu.bitcast %add3A_193 : vector<50x20xi32> -> vector<50x20xf32>
    %swap3A_195 = arith.constant 500 : index
    %swap3A_196 = arith.constant 0 : index
    %swap3A_197 = vector.load %arg2[%swap3A_195, %swap3A_196] : memref<1600x32xf32, #tpu.memory_space<vmem>>, vector<50x20xf32>
    tpu.vector_store %arg2[%swap3A_195, %swap3A_196], %bitcast_convert_type3A_194 {strides = array<i32>} : memref<1600x32xf32, #tpu.memory_space<vmem>>, vector<50x20xf32>,
    %get3A_198 = arith.constant 10 : index
    %get3A_199 = arith.constant 0 : index
    %get3A_200 = arith.constant 20 : index
    %get3A_201 = vector.load %arg1[%get3A_198, %get3A_199, %get3A_200] : memref<32x50x26xf32, #tpu.memory_space<vmem>>, vector<1x50x6xf32>
    %get3A_202 = vector.shape_cast %get3A_201 : vector<1x50x6xf32> to vector<50x6xf32>
    %swap3A_203 = arith.constant 500 : index
    %swap3A_204 = arith.constant 20 : index
    %swap3A_205 = vector.load %arg2[%swap3A_203, %swap3A_204] : memref<1600x32xf32, #tpu.memory_space<vmem>>, vector<50x6xf32>
    tpu.vector_store %arg2[%swap3A_203, %swap3A_204], %get3A_202 {strides = array<i32>} : memref<1600x32xf32, #tpu.memory_space<vmem>>, vector<50x6xf32>,
    %get3A_206 = arith.constant 11 : index
    %get3A_207 = arith.constant 0 : index
    %get3A_208 = arith.constant 0 : index
    %get3A_209 = vector.load %arg1[%get3A_206, %get3A_207, %get3A_208] : memref<32x50x26xf32, #tpu.memory_space<vmem>>, vector<1x50x20xf32>
    %get3A_210 = vector.shape_cast %get3A_209 : vector<1x50x20xf32> to vector<50x20xf32>
    %convert_element_type3A_211 = arith.fptosi %get3A_210 : vector<50x20xf32> to vector<50x20xi32>
    %add3A_212 = arith.addi %convert_element_type3A_211, %mul3A_1 : vector<50x20xi32>
    %bitcast_convert_type3A_213 = tpu.bitcast %add3A_212 : vector<50x20xi32> -> vector<50x20xf32>
    %swap3A_214 = arith.constant 550 : index
    %swap3A_215 = arith.constant 0 : index
    %swap3A_216 = vector.load %arg2[%swap3A_214, %swap3A_215] : memref<1600x32xf32, #tpu.memory_space<vmem>>, vector<50x20xf32>
    tpu.vector_store %arg2[%swap3A_214, %swap3A_215], %bitcast_convert_type3A_213 {strides = array<i32>} : memref<1600x32xf32, #tpu.memory_space<vmem>>, vector<50x20xf32>,
    %get3A_217 = arith.constant 11 : index
    %get3A_218 = arith.constant 0 : index
    %get3A_219 = arith.constant 20 : index
    %get3A_220 = vector.load %arg1[%get3A_217, %get3A_218, %get3A_219] : memref<32x50x26xf32, #tpu.memory_space<vmem>>, vector<1x50x6xf32>
    %get3A_221 = vector.shape_cast %get3A_220 : vector<1x50x6xf32> to vector<50x6xf32>
    %swap3A_222 = arith.constant 550 : index
    %swap3A_223 = arith.constant 20 : index
    %swap3A_224 = vector.load %arg2[%swap3A_222, %swap3A_223] : memref<1600x32xf32, #tpu.memory_space<vmem>>, vector<50x6xf32>
    tpu.vector_store %arg2[%swap3A_222, %swap3A_223], %get3A_221 {strides = array<i32>} : memref<1600x32xf32, #tpu.memory_space<vmem>>, vector<50x6xf32>,
    %get3A_225 = arith.constant 12 : index
    %get3A_226 = arith.constant 0 : index
    %get3A_227 = arith.constant 0 : index
    %get3A_228 = vector.load %arg1[%get3A_225, %get3A_226, %get3A_227] : memref<32x50x26xf32, #tpu.memory_space<vmem>>, vector<1x50x20xf32>
    %get3A_229 = vector.shape_cast %get3A_228 : vector<1x50x20xf32> to vector<50x20xf32>
    %convert_element_type3A_230 = arith.fptosi %get3A_229 : vector<50x20xf32> to vector<50x20xi32>
    %add3A_231 = arith.addi %convert_element_type3A_230, %mul3A_1 : vector<50x20xi32>
    %bitcast_convert_type3A_232 = tpu.bitcast %add3A_231 : vector<50x20xi32> -> vector<50x20xf32>
    %swap3A_233 = arith.constant 600 : index
    %swap3A_234 = arith.constant 0 : index
    %swap3A_235 = vector.load %arg2[%swap3A_233, %swap3A_234] : memref<1600x32xf32, #tpu.memory_space<vmem>>, vector<50x20xf32>
    tpu.vector_store %arg2[%swap3A_233, %swap3A_234], %bitcast_convert_type3A_232 {strides = array<i32>} : memref<1600x32xf32, #tpu.memory_space<vmem>>, vector<50x20xf32>,
    %get3A_236 = arith.constant 12 : index
    %get3A_237 = arith.constant 0 : index
    %get3A_238 = arith.constant 20 : index
    %get3A_239 = vector.load %arg1[%get3A_236, %get3A_237, %get3A_238] : memref<32x50x26xf32, #tpu.memory_space<vmem>>, vector<1x50x6xf32>
    %get3A_240 = vector.shape_cast %get3A_239 : vector<1x50x6xf32> to vector<50x6xf32>
    %swap3A_241 = arith.constant 600 : index
    %swap3A_242 = arith.constant 20 : index
    %swap3A_243 = vector.load %arg2[%swap3A_241, %swap3A_242] : memref<1600x32xf32, #tpu.memory_space<vmem>>, vector<50x6xf32>
    tpu.vector_store %arg2[%swap3A_241, %swap3A_242], %get3A_240 {strides = array<i32>} : memref<1600x32xf32, #tpu.memory_space<vmem>>, vector<50x6xf32>,
    %get3A_244 = arith.constant 13 : index
    %get3A_245 = arith.constant 0 : index
    %get3A_246 = arith.constant 0 : index
    %get3A_247 = vector.load %arg1[%get3A_244, %get3A_245, %get3A_246] : memref<32x50x26xf32, #tpu.memory_space<vmem>>, vector<1x50x20xf32>
    %get3A_248 = vector.shape_cast %get3A_247 : vector<1x50x20xf32> to vector<50x20xf32>
    %convert_element_type3A_249 = arith.fptosi %get3A_248 : vector<50x20xf32> to vector<50x20xi32>
    %add3A_250 = arith.addi %convert_element_type3A_249, %mul3A_1 : vector<50x20xi32>
    %bitcast_convert_type3A_251 = tpu.bitcast %add3A_250 : vector<50x20xi32> -> vector<50x20xf32>
    %swap3A_252 = arith.constant 650 : index
    %swap3A_253 = arith.constant 0 : index
    %swap3A_254 = vector.load %arg2[%swap3A_252, %swap3A_253] : memref<1600x32xf32, #tpu.memory_space<vmem>>, vector<50x20xf32>
    tpu.vector_store %arg2[%swap3A_252, %swap3A_253], %bitcast_convert_type3A_251 {strides = array<i32>} : memref<1600x32xf32, #tpu.memory_space<vmem>>, vector<50x20xf32>,
    %get3A_255 = arith.constant 13 : index
    %get3A_256 = arith.constant 0 : index
    %get3A_257 = arith.constant 20 : index
    %get3A_258 = vector.load %arg1[%get3A_255, %get3A_256, %get3A_257] : memref<32x50x26xf32, #tpu.memory_space<vmem>>, vector<1x50x6xf32>
    %get3A_259 = vector.shape_cast %get3A_258 : vector<1x50x6xf32> to vector<50x6xf32>
    %swap3A_260 = arith.constant 650 : index
    %swap3A_261 = arith.constant 20 : index
    %swap3A_262 = vector.load %arg2[%swap3A_260, %swap3A_261] : memref<1600x32xf32, #tpu.memory_space<vmem>>, vector<50x6xf32>
    tpu.vector_store %arg2[%swap3A_260, %swap3A_261], %get3A_259 {strides = array<i32>} : memref<1600x32xf32, #tpu.memory_space<vmem>>, vector<50x6xf32>,
    %get3A_263 = arith.constant 14 : index
    %get3A_264 = arith.constant 0 : index
    %get3A_265 = arith.constant 0 : index
    %get3A_266 = vector.load %arg1[%get3A_263, %get3A_264, %get3A_265] : memref<32x50x26xf32, #tpu.memory_space<vmem>>, vector<1x50x20xf32>
    %get3A_267 = vector.shape_cast %get3A_266 : vector<1x50x20xf32> to vector<50x20xf32>
    %convert_element_type3A_268 = arith.fptosi %get3A_267 : vector<50x20xf32> to vector<50x20xi32>
    %add3A_269 = arith.addi %convert_element_type3A_268, %mul3A_1 : vector<50x20xi32>
    %bitcast_convert_type3A_270 = tpu.bitcast %add3A_269 : vector<50x20xi32> -> vector<50x20xf32>
    %swap3A_271 = arith.constant 700 : index
    %swap3A_272 = arith.constant 0 : index
    %swap3A_273 = vector.load %arg2[%swap3A_271, %swap3A_272] : memref<1600x32xf32, #tpu.memory_space<vmem>>, vector<50x20xf32>
    tpu.vector_store %arg2[%swap3A_271, %swap3A_272], %bitcast_convert_type3A_270 {strides = array<i32>} : memref<1600x32xf32, #tpu.memory_space<vmem>>, vector<50x20xf32>,
    %get3A_274 = arith.constant 14 : index
    %get3A_275 = arith.constant 0 : index
    %get3A_276 = arith.constant 20 : index
    %get3A_277 = vector.load %arg1[%get3A_274, %get3A_275, %get3A_276] : memref<32x50x26xf32, #tpu.memory_space<vmem>>, vector<1x50x6xf32>
    %get3A_278 = vector.shape_cast %get3A_277 : vector<1x50x6xf32> to vector<50x6xf32>
    %swap3A_279 = arith.constant 700 : index
    %swap3A_280 = arith.constant 20 : index
    %swap3A_281 = vector.load %arg2[%swap3A_279, %swap3A_280] : memref<1600x32xf32, #tpu.memory_space<vmem>>, vector<50x6xf32>
    tpu.vector_store %arg2[%swap3A_279, %swap3A_280], %get3A_278 {strides = array<i32>} : memref<1600x32xf32, #tpu.memory_space<vmem>>, vector<50x6xf32>,
    %get3A_282 = arith.constant 15 : index
    %get3A_283 = arith.constant 0 : index
    %get3A_284 = arith.constant 0 : index
    %get3A_285 = vector.load %arg1[%get3A_282, %get3A_283, %get3A_284] : memref<32x50x26xf32, #tpu.memory_space<vmem>>, vector<1x50x20xf32>
    %get3A_286 = vector.shape_cast %get3A_285 : vector<1x50x20xf32> to vector<50x20xf32>
    %convert_element_type3A_287 = arith.fptosi %get3A_286 : vector<50x20xf32> to vector<50x20xi32>
    %add3A_288 = arith.addi %convert_element_type3A_287, %mul3A_1 : vector<50x20xi32>
    %bitcast_convert_type3A_289 = tpu.bitcast %add3A_288 : vector<50x20xi32> -> vector<50x20xf32>
    %swap3A_290 = arith.constant 750 : index
    %swap3A_291 = arith.constant 0 : index
    %swap3A_292 = vector.load %arg2[%swap3A_290, %swap3A_291] : memref<1600x32xf32, #tpu.memory_space<vmem>>, vector<50x20xf32>
    tpu.vector_store %arg2[%swap3A_290, %swap3A_291], %bitcast_convert_type3A_289 {strides = array<i32>} : memref<1600x32xf32, #tpu.memory_space<vmem>>, vector<50x20xf32>,
    %get3A_293 = arith.constant 15 : index
    %get3A_294 = arith.constant 0 : index
    %get3A_295 = arith.constant 20 : index
    %get3A_296 = vector.load %arg1[%get3A_293, %get3A_294, %get3A_295] : memref<32x50x26xf32, #tpu.memory_space<vmem>>, vector<1x50x6xf32>
    %get3A_297 = vector.shape_cast %get3A_296 : vector<1x50x6xf32> to vector<50x6xf32>
    %swap3A_298 = arith.constant 750 : index
    %swap3A_299 = arith.constant 20 : index
    %swap3A_300 = vector.load %arg2[%swap3A_298, %swap3A_299] : memref<1600x32xf32, #tpu.memory_space<vmem>>, vector<50x6xf32>
    tpu.vector_store %arg2[%swap3A_298, %swap3A_299], %get3A_297 {strides = array<i32>} : memref<1600x32xf32, #tpu.memory_space<vmem>>, vector<50x6xf32>,
    %get3A_301 = arith.constant 16 : index
    %get3A_302 = arith.constant 0 : index
    %get3A_303 = arith.constant 0 : index
    %get3A_304 = vector.load %arg1[%get3A_301, %get3A_302, %get3A_303] : memref<32x50x26xf32, #tpu.memory_space<vmem>>, vector<1x50x20xf32>
    %get3A_305 = vector.shape_cast %get3A_304 : vector<1x50x20xf32> to vector<50x20xf32>
    %convert_element_type3A_306 = arith.fptosi %get3A_305 : vector<50x20xf32> to vector<50x20xi32>
    %add3A_307 = arith.addi %convert_element_type3A_306, %mul3A_1 : vector<50x20xi32>
    %bitcast_convert_type3A_308 = tpu.bitcast %add3A_307 : vector<50x20xi32> -> vector<50x20xf32>
    %swap3A_309 = arith.constant 800 : index
    %swap3A_310 = arith.constant 0 : index
    %swap3A_311 = vector.load %arg2[%swap3A_309, %swap3A_310] : memref<1600x32xf32, #tpu.memory_space<vmem>>, vector<50x20xf32>
    tpu.vector_store %arg2[%swap3A_309, %swap3A_310], %bitcast_convert_type3A_308 {strides = array<i32>} : memref<1600x32xf32, #tpu.memory_space<vmem>>, vector<50x20xf32>,
    %get3A_312 = arith.constant 16 : index
    %get3A_313 = arith.constant 0 : index
    %get3A_314 = arith.constant 20 : index
    %get3A_315 = vector.load %arg1[%get3A_312, %get3A_313, %get3A_314] : memref<32x50x26xf32, #tpu.memory_space<vmem>>, vector<1x50x6xf32>
    %get3A_316 = vector.shape_cast %get3A_315 : vector<1x50x6xf32> to vector<50x6xf32>
    %swap3A_317 = arith.constant 800 : index
    %swap3A_318 = arith.constant 20 : index
    %swap3A_319 = vector.load %arg2[%swap3A_317, %swap3A_318] : memref<1600x32xf32, #tpu.memory_space<vmem>>, vector<50x6xf32>
    tpu.vector_store %arg2[%swap3A_317, %swap3A_318], %get3A_316 {strides = array<i32>} : memref<1600x32xf32, #tpu.memory_space<vmem>>, vector<50x6xf32>,
    %get3A_320 = arith.constant 17 : index
    %get3A_321 = arith.constant 0 : index
    %get3A_322 = arith.constant 0 : index
    %get3A_323 = vector.load %arg1[%get3A_320, %get3A_321, %get3A_322] : memref<32x50x26xf32, #tpu.memory_space<vmem>>, vector<1x50x20xf32>
    %get3A_324 = vector.shape_cast %get3A_323 : vector<1x50x20xf32> to vector<50x20xf32>
    %convert_element_type3A_325 = arith.fptosi %get3A_324 : vector<50x20xf32> to vector<50x20xi32>
    %add3A_326 = arith.addi %convert_element_type3A_325, %mul3A_1 : vector<50x20xi32>
    %bitcast_convert_type3A_327 = tpu.bitcast %add3A_326 : vector<50x20xi32> -> vector<50x20xf32>
    %swap3A_328 = arith.constant 850 : index
    %swap3A_329 = arith.constant 0 : index
    %swap3A_330 = vector.load %arg2[%swap3A_328, %swap3A_329] : memref<1600x32xf32, #tpu.memory_space<vmem>>, vector<50x20xf32>
    tpu.vector_store %arg2[%swap3A_328, %swap3A_329], %bitcast_convert_type3A_327 {strides = array<i32>} : memref<1600x32xf32, #tpu.memory_space<vmem>>, vector<50x20xf32>,
    %get3A_331 = arith.constant 17 : index
    %get3A_332 = arith.constant 0 : index
    %get3A_333 = arith.constant 20 : index
    %get3A_334 = vector.load %arg1[%get3A_331, %get3A_332, %get3A_333] : memref<32x50x26xf32, #tpu.memory_space<vmem>>, vector<1x50x6xf32>
    %get3A_335 = vector.shape_cast %get3A_334 : vector<1x50x6xf32> to vector<50x6xf32>
    %swap3A_336 = arith.constant 850 : index
    %swap3A_337 = arith.constant 20 : index
    %swap3A_338 = vector.load %arg2[%swap3A_336, %swap3A_337] : memref<1600x32xf32, #tpu.memory_space<vmem>>, vector<50x6xf32>
    tpu.vector_store %arg2[%swap3A_336, %swap3A_337], %get3A_335 {strides = array<i32>} : memref<1600x32xf32, #tpu.memory_space<vmem>>, vector<50x6xf32>,
    %get3A_339 = arith.constant 18 : index
    %get3A_340 = arith.constant 0 : index
    %get3A_341 = arith.constant 0 : index
    %get3A_342 = vector.load %arg1[%get3A_339, %get3A_340, %get3A_341] : memref<32x50x26xf32, #tpu.memory_space<vmem>>, vector<1x50x20xf32>
    %get3A_343 = vector.shape_cast %get3A_342 : vector<1x50x20xf32> to vector<50x20xf32>
    %convert_element_type3A_344 = arith.fptosi %get3A_343 : vector<50x20xf32> to vector<50x20xi32>
    %add3A_345 = arith.addi %convert_element_type3A_344, %mul3A_1 : vector<50x20xi32>
    %bitcast_convert_type3A_346 = tpu.bitcast %add3A_345 : vector<50x20xi32> -> vector<50x20xf32>
    %swap3A_347 = arith.constant 900 : index
    %swap3A_348 = arith.constant 0 : index
    %swap3A_349 = vector.load %arg2[%swap3A_347, %swap3A_348] : memref<1600x32xf32, #tpu.memory_space<vmem>>, vector<50x20xf32>
    tpu.vector_store %arg2[%swap3A_347, %swap3A_348], %bitcast_convert_type3A_346 {strides = array<i32>} : memref<1600x32xf32, #tpu.memory_space<vmem>>, vector<50x20xf32>,
    %get3A_350 = arith.constant 18 : index
    %get3A_351 = arith.constant 0 : index
    %get3A_352 = arith.constant 20 : index
    %get3A_353 = vector.load %arg1[%get3A_350, %get3A_351, %get3A_352] : memref<32x50x26xf32, #tpu.memory_space<vmem>>, vector<1x50x6xf32>
    %get3A_354 = vector.shape_cast %get3A_353 : vector<1x50x6xf32> to vector<50x6xf32>
    %swap3A_355 = arith.constant 900 : index
    %swap3A_356 = arith.constant 20 : index
    %swap3A_357 = vector.load %arg2[%swap3A_355, %swap3A_356] : memref<1600x32xf32, #tpu.memory_space<vmem>>, vector<50x6xf32>
    tpu.vector_store %arg2[%swap3A_355, %swap3A_356], %get3A_354 {strides = array<i32>} : memref<1600x32xf32, #tpu.memory_space<vmem>>, vector<50x6xf32>,
    %get3A_358 = arith.constant 19 : index
    %get3A_359 = arith.constant 0 : index
    %get3A_360 = arith.constant 0 : index
    %get3A_361 = vector.load %arg1[%get3A_358, %get3A_359, %get3A_360] : memref<32x50x26xf32, #tpu.memory_space<vmem>>, vector<1x50x20xf32>
    %get3A_362 = vector.shape_cast %get3A_361 : vector<1x50x20xf32> to vector<50x20xf32>
    %convert_element_type3A_363 = arith.fptosi %get3A_362 : vector<50x20xf32> to vector<50x20xi32>
    %add3A_364 = arith.addi %convert_element_type3A_363, %mul3A_1 : vector<50x20xi32>
    %bitcast_convert_type3A_365 = tpu.bitcast %add3A_364 : vector<50x20xi32> -> vector<50x20xf32>
    %swap3A_366 = arith.constant 950 : index
    %swap3A_367 = arith.constant 0 : index
    %swap3A_368 = vector.load %arg2[%swap3A_366, %swap3A_367] : memref<1600x32xf32, #tpu.memory_space<vmem>>, vector<50x20xf32>
    tpu.vector_store %arg2[%swap3A_366, %swap3A_367], %bitcast_convert_type3A_365 {strides = array<i32>} : memref<1600x32xf32, #tpu.memory_space<vmem>>, vector<50x20xf32>,
    %get3A_369 = arith.constant 19 : index
    %get3A_370 = arith.constant 0 : index
    %get3A_371 = arith.constant 20 : index
    %get3A_372 = vector.load %arg1[%get3A_369, %get3A_370, %get3A_371] : memref<32x50x26xf32, #tpu.memory_space<vmem>>, vector<1x50x6xf32>
    %get3A_373 = vector.shape_cast %get3A_372 : vector<1x50x6xf32> to vector<50x6xf32>
    %swap3A_374 = arith.constant 950 : index
    %swap3A_375 = arith.constant 20 : index
    %swap3A_376 = vector.load %arg2[%swap3A_374, %swap3A_375] : memref<1600x32xf32, #tpu.memory_space<vmem>>, vector<50x6xf32>
    tpu.vector_store %arg2[%swap3A_374, %swap3A_375], %get3A_373 {strides = array<i32>} : memref<1600x32xf32, #tpu.memory_space<vmem>>, vector<50x6xf32>,
    %get3A_377 = arith.constant 20 : index
    %get3A_378 = arith.constant 0 : index
    %get3A_379 = arith.constant 0 : index
    %get3A_380 = vector.load %arg1[%get3A_377, %get3A_378, %get3A_379] : memref<32x50x26xf32, #tpu.memory_space<vmem>>, vector<1x50x20xf32>
    %get3A_381 = vector.shape_cast %get3A_380 : vector<1x50x20xf32> to vector<50x20xf32>
    %convert_element_type3A_382 = arith.fptosi %get3A_381 : vector<50x20xf32> to vector<50x20xi32>
    %add3A_383 = arith.addi %convert_element_type3A_382, %mul3A_1 : vector<50x20xi32>
    %bitcast_convert_type3A_384 = tpu.bitcast %add3A_383 : vector<50x20xi32> -> vector<50x20xf32>
    %swap3A_385 = arith.constant 1000 : index
    %swap3A_386 = arith.constant 0 : index
    %swap3A_387 = vector.load %arg2[%swap3A_385, %swap3A_386] : memref<1600x32xf32, #tpu.memory_space<vmem>>, vector<50x20xf32>
    tpu.vector_store %arg2[%swap3A_385, %swap3A_386], %bitcast_convert_type3A_384 {strides = array<i32>} : memref<1600x32xf32, #tpu.memory_space<vmem>>, vector<50x20xf32>,
    %get3A_388 = arith.constant 20 : index
    %get3A_389 = arith.constant 0 : index
    %get3A_390 = arith.constant 20 : index
    %get3A_391 = vector.load %arg1[%get3A_388, %get3A_389, %get3A_390] : memref<32x50x26xf32, #tpu.memory_space<vmem>>, vector<1x50x6xf32>
    %get3A_392 = vector.shape_cast %get3A_391 : vector<1x50x6xf32> to vector<50x6xf32>
    %swap3A_393 = arith.constant 1000 : index
    %swap3A_394 = arith.constant 20 : index
    %swap3A_395 = vector.load %arg2[%swap3A_393, %swap3A_394] : memref<1600x32xf32, #tpu.memory_space<vmem>>, vector<50x6xf32>
    tpu.vector_store %arg2[%swap3A_393, %swap3A_394], %get3A_392 {strides = array<i32>} : memref<1600x32xf32, #tpu.memory_space<vmem>>, vector<50x6xf32>,
    %get3A_396 = arith.constant 21 : index
    %get3A_397 = arith.constant 0 : index
    %get3A_398 = arith.constant 0 : index
    %get3A_399 = vector.load %arg1[%get3A_396, %get3A_397, %get3A_398] : memref<32x50x26xf32, #tpu.memory_space<vmem>>, vector<1x50x20xf32>
    %get3A_400 = vector.shape_cast %get3A_399 : vector<1x50x20xf32> to vector<50x20xf32>
    %convert_element_type3A_401 = arith.fptosi %get3A_400 : vector<50x20xf32> to vector<50x20xi32>
    %add3A_402 = arith.addi %convert_element_type3A_401, %mul3A_1 : vector<50x20xi32>
    %bitcast_convert_type3A_403 = tpu.bitcast %add3A_402 : vector<50x20xi32> -> vector<50x20xf32>
    %swap3A_404 = arith.constant 1050 : index
    %swap3A_405 = arith.constant 0 : index
    %swap3A_406 = vector.load %arg2[%swap3A_404, %swap3A_405] : memref<1600x32xf32, #tpu.memory_space<vmem>>, vector<50x20xf32>
    tpu.vector_store %arg2[%swap3A_404, %swap3A_405], %bitcast_convert_type3A_403 {strides = array<i32>} : memref<1600x32xf32, #tpu.memory_space<vmem>>, vector<50x20xf32>,
    %get3A_407 = arith.constant 21 : index
    %get3A_408 = arith.constant 0 : index
    %get3A_409 = arith.constant 20 : index
    %get3A_410 = vector.load %arg1[%get3A_407, %get3A_408, %get3A_409] : memref<32x50x26xf32, #tpu.memory_space<vmem>>, vector<1x50x6xf32>
    %get3A_411 = vector.shape_cast %get3A_410 : vector<1x50x6xf32> to vector<50x6xf32>
    %swap3A_412 = arith.constant 1050 : index
    %swap3A_413 = arith.constant 20 : index
    %swap3A_414 = vector.load %arg2[%swap3A_412, %swap3A_413] : memref<1600x32xf32, #tpu.memory_space<vmem>>, vector<50x6xf32>
    tpu.vector_store %arg2[%swap3A_412, %swap3A_413], %get3A_411 {strides = array<i32>} : memref<1600x32xf32, #tpu.memory_space<vmem>>, vector<50x6xf32>,
    %get3A_415 = arith.constant 22 : index
    %get3A_416 = arith.constant 0 : index
    %get3A_417 = arith.constant 0 : index
    %get3A_418 = vector.load %arg1[%get3A_415, %get3A_416, %get3A_417] : memref<32x50x26xf32, #tpu.memory_space<vmem>>, vector<1x50x20xf32>
    %get3A_419 = vector.shape_cast %get3A_418 : vector<1x50x20xf32> to vector<50x20xf32>
    %convert_element_type3A_420 = arith.fptosi %get3A_419 : vector<50x20xf32> to vector<50x20xi32>
    %add3A_421 = arith.addi %convert_element_type3A_420, %mul3A_1 : vector<50x20xi32>
    %bitcast_convert_type3A_422 = tpu.bitcast %add3A_421 : vector<50x20xi32> -> vector<50x20xf32>
    %swap3A_423 = arith.constant 1100 : index
    %swap3A_424 = arith.constant 0 : index
    %swap3A_425 = vector.load %arg2[%swap3A_423, %swap3A_424] : memref<1600x32xf32, #tpu.memory_space<vmem>>, vector<50x20xf32>
    tpu.vector_store %arg2[%swap3A_423, %swap3A_424], %bitcast_convert_type3A_422 {strides = array<i32>} : memref<1600x32xf32, #tpu.memory_space<vmem>>, vector<50x20xf32>,
    %get3A_426 = arith.constant 22 : index
    %get3A_427 = arith.constant 0 : index
    %get3A_428 = arith.constant 20 : index
    %get3A_429 = vector.load %arg1[%get3A_426, %get3A_427, %get3A_428] : memref<32x50x26xf32, #tpu.memory_space<vmem>>, vector<1x50x6xf32>
    %get3A_430 = vector.shape_cast %get3A_429 : vector<1x50x6xf32> to vector<50x6xf32>
    %swap3A_431 = arith.constant 1100 : index
    %swap3A_432 = arith.constant 20 : index
    %swap3A_433 = vector.load %arg2[%swap3A_431, %swap3A_432] : memref<1600x32xf32, #tpu.memory_space<vmem>>, vector<50x6xf32>
    tpu.vector_store %arg2[%swap3A_431, %swap3A_432], %get3A_430 {strides = array<i32>} : memref<1600x32xf32, #tpu.memory_space<vmem>>, vector<50x6xf32>,
    %get3A_434 = arith.constant 23 : index
    %get3A_435 = arith.constant 0 : index
    %get3A_436 = arith.constant 0 : index
    %get3A_437 = vector.load %arg1[%get3A_434, %get3A_435, %get3A_436] : memref<32x50x26xf32, #tpu.memory_space<vmem>>, vector<1x50x20xf32>
    %get3A_438 = vector.shape_cast %get3A_437 : vector<1x50x20xf32> to vector<50x20xf32>
    %convert_element_type3A_439 = arith.fptosi %get3A_438 : vector<50x20xf32> to vector<50x20xi32>
    %add3A_440 = arith.addi %convert_element_type3A_439, %mul3A_1 : vector<50x20xi32>
    %bitcast_convert_type3A_441 = tpu.bitcast %add3A_440 : vector<50x20xi32> -> vector<50x20xf32>
    %swap3A_442 = arith.constant 1150 : index
    %swap3A_443 = arith.constant 0 : index
    %swap3A_444 = vector.load %arg2[%swap3A_442, %swap3A_443] : memref<1600x32xf32, #tpu.memory_space<vmem>>, vector<50x20xf32>
    tpu.vector_store %arg2[%swap3A_442, %swap3A_443], %bitcast_convert_type3A_441 {strides = array<i32>} : memref<1600x32xf32, #tpu.memory_space<vmem>>, vector<50x20xf32>,
    %get3A_445 = arith.constant 23 : index
    %get3A_446 = arith.constant 0 : index
    %get3A_447 = arith.constant 20 : index
    %get3A_448 = vector.load %arg1[%get3A_445, %get3A_446, %get3A_447] : memref<32x50x26xf32, #tpu.memory_space<vmem>>, vector<1x50x6xf32>
    %get3A_449 = vector.shape_cast %get3A_448 : vector<1x50x6xf32> to vector<50x6xf32>
    %swap3A_450 = arith.constant 1150 : index
    %swap3A_451 = arith.constant 20 : index
    %swap3A_452 = vector.load %arg2[%swap3A_450, %swap3A_451] : memref<1600x32xf32, #tpu.memory_space<vmem>>, vector<50x6xf32>
    tpu.vector_store %arg2[%swap3A_450, %swap3A_451], %get3A_449 {strides = array<i32>} : memref<1600x32xf32, #tpu.memory_space<vmem>>, vector<50x6xf32>,
    %get3A_453 = arith.constant 24 : index
    %get3A_454 = arith.constant 0 : index
    %get3A_455 = arith.constant 0 : index
    %get3A_456 = vector.load %arg1[%get3A_453, %get3A_454, %get3A_455] : memref<32x50x26xf32, #tpu.memory_space<vmem>>, vector<1x50x20xf32>
    %get3A_457 = vector.shape_cast %get3A_456 : vector<1x50x20xf32> to vector<50x20xf32>
    %convert_element_type3A_458 = arith.fptosi %get3A_457 : vector<50x20xf32> to vector<50x20xi32>
    %add3A_459 = arith.addi %convert_element_type3A_458, %mul3A_1 : vector<50x20xi32>
    %bitcast_convert_type3A_460 = tpu.bitcast %add3A_459 : vector<50x20xi32> -> vector<50x20xf32>
    %swap3A_461 = arith.constant 1200 : index
    %swap3A_462 = arith.constant 0 : index
    %swap3A_463 = vector.load %arg2[%swap3A_461, %swap3A_462] : memref<1600x32xf32, #tpu.memory_space<vmem>>, vector<50x20xf32>
    tpu.vector_store %arg2[%swap3A_461, %swap3A_462], %bitcast_convert_type3A_460 {strides = array<i32>} : memref<1600x32xf32, #tpu.memory_space<vmem>>, vector<50x20xf32>,
    %get3A_464 = arith.constant 24 : index
    %get3A_465 = arith.constant 0 : index
    %get3A_466 = arith.constant 20 : index
    %get3A_467 = vector.load %arg1[%get3A_464, %get3A_465, %get3A_466] : memref<32x50x26xf32, #tpu.memory_space<vmem>>, vector<1x50x6xf32>
    %get3A_468 = vector.shape_cast %get3A_467 : vector<1x50x6xf32> to vector<50x6xf32>
    %swap3A_469 = arith.constant 1200 : index
    %swap3A_470 = arith.constant 20 : index
    %swap3A_471 = vector.load %arg2[%swap3A_469, %swap3A_470] : memref<1600x32xf32, #tpu.memory_space<vmem>>, vector<50x6xf32>
    tpu.vector_store %arg2[%swap3A_469, %swap3A_470], %get3A_468 {strides = array<i32>} : memref<1600x32xf32, #tpu.memory_space<vmem>>, vector<50x6xf32>,
    %get3A_472 = arith.constant 25 : index
    %get3A_473 = arith.constant 0 : index
    %get3A_474 = arith.constant 0 : index
    %get3A_475 = vector.load %arg1[%get3A_472, %get3A_473, %get3A_474] : memref<32x50x26xf32, #tpu.memory_space<vmem>>, vector<1x50x20xf32>
    %get3A_476 = vector.shape_cast %get3A_475 : vector<1x50x20xf32> to vector<50x20xf32>
    %convert_element_type3A_477 = arith.fptosi %get3A_476 : vector<50x20xf32> to vector<50x20xi32>
    %add3A_478 = arith.addi %convert_element_type3A_477, %mul3A_1 : vector<50x20xi32>
    %bitcast_convert_type3A_479 = tpu.bitcast %add3A_478 : vector<50x20xi32> -> vector<50x20xf32>
    %swap3A_480 = arith.constant 1250 : index
    %swap3A_481 = arith.constant 0 : index
    %swap3A_482 = vector.load %arg2[%swap3A_480, %swap3A_481] : memref<1600x32xf32, #tpu.memory_space<vmem>>, vector<50x20xf32>
    tpu.vector_store %arg2[%swap3A_480, %swap3A_481], %bitcast_convert_type3A_479 {strides = array<i32>} : memref<1600x32xf32, #tpu.memory_space<vmem>>, vector<50x20xf32>,
    %get3A_483 = arith.constant 25 : index
    %get3A_484 = arith.constant 0 : index
    %get3A_485 = arith.constant 20 : index
    %get3A_486 = vector.load %arg1[%get3A_483, %get3A_484, %get3A_485] : memref<32x50x26xf32, #tpu.memory_space<vmem>>, vector<1x50x6xf32>
    %get3A_487 = vector.shape_cast %get3A_486 : vector<1x50x6xf32> to vector<50x6xf32>
    %swap3A_488 = arith.constant 1250 : index
    %swap3A_489 = arith.constant 20 : index
    %swap3A_490 = vector.load %arg2[%swap3A_488, %swap3A_489] : memref<1600x32xf32, #tpu.memory_space<vmem>>, vector<50x6xf32>
    tpu.vector_store %arg2[%swap3A_488, %swap3A_489], %get3A_487 {strides = array<i32>} : memref<1600x32xf32, #tpu.memory_space<vmem>>, vector<50x6xf32>,
    %get3A_491 = arith.constant 26 : index
    %get3A_492 = arith.constant 0 : index
    %get3A_493 = arith.constant 0 : index
    %get3A_494 = vector.load %arg1[%get3A_491, %get3A_492, %get3A_493] : memref<32x50x26xf32, #tpu.memory_space<vmem>>, vector<1x50x20xf32>
    %get3A_495 = vector.shape_cast %get3A_494 : vector<1x50x20xf32> to vector<50x20xf32>
    %convert_element_type3A_496 = arith.fptosi %get3A_495 : vector<50x20xf32> to vector<50x20xi32>
    %add3A_497 = arith.addi %convert_element_type3A_496, %mul3A_1 : vector<50x20xi32>
    %bitcast_convert_type3A_498 = tpu.bitcast %add3A_497 : vector<50x20xi32> -> vector<50x20xf32>
    %swap3A_499 = arith.constant 1300 : index
    %swap3A_500 = arith.constant 0 : index
    %swap3A_501 = vector.load %arg2[%swap3A_499, %swap3A_500] : memref<1600x32xf32, #tpu.memory_space<vmem>>, vector<50x20xf32>
    tpu.vector_store %arg2[%swap3A_499, %swap3A_500], %bitcast_convert_type3A_498 {strides = array<i32>} : memref<1600x32xf32, #tpu.memory_space<vmem>>, vector<50x20xf32>,
    %get3A_502 = arith.constant 26 : index
    %get3A_503 = arith.constant 0 : index
    %get3A_504 = arith.constant 20 : index
    %get3A_505 = vector.load %arg1[%get3A_502, %get3A_503, %get3A_504] : memref<32x50x26xf32, #tpu.memory_space<vmem>>, vector<1x50x6xf32>
    %get3A_506 = vector.shape_cast %get3A_505 : vector<1x50x6xf32> to vector<50x6xf32>
    %swap3A_507 = arith.constant 1300 : index
    %swap3A_508 = arith.constant 20 : index
    %swap3A_509 = vector.load %arg2[%swap3A_507, %swap3A_508] : memref<1600x32xf32, #tpu.memory_space<vmem>>, vector<50x6xf32>
    tpu.vector_store %arg2[%swap3A_507, %swap3A_508], %get3A_506 {strides = array<i32>} : memref<1600x32xf32, #tpu.memory_space<vmem>>, vector<50x6xf32>,
    %get3A_510 = arith.constant 27 : index
    %get3A_511 = arith.constant 0 : index
    %get3A_512 = arith.constant 0 : index
    %get3A_513 = vector.load %arg1[%get3A_510, %get3A_511, %get3A_512] : memref<32x50x26xf32, #tpu.memory_space<vmem>>, vector<1x50x20xf32>
    %get3A_514 = vector.shape_cast %get3A_513 : vector<1x50x20xf32> to vector<50x20xf32>
    %convert_element_type3A_515 = arith.fptosi %get3A_514 : vector<50x20xf32> to vector<50x20xi32>
    %add3A_516 = arith.addi %convert_element_type3A_515, %mul3A_1 : vector<50x20xi32>
    %bitcast_convert_type3A_517 = tpu.bitcast %add3A_516 : vector<50x20xi32> -> vector<50x20xf32>
    %swap3A_518 = arith.constant 1350 : index
    %swap3A_519 = arith.constant 0 : index
    %swap3A_520 = vector.load %arg2[%swap3A_518, %swap3A_519] : memref<1600x32xf32, #tpu.memory_space<vmem>>, vector<50x20xf32>
    tpu.vector_store %arg2[%swap3A_518, %swap3A_519], %bitcast_convert_type3A_517 {strides = array<i32>} : memref<1600x32xf32, #tpu.memory_space<vmem>>, vector<50x20xf32>,
    %get3A_521 = arith.constant 27 : index
    %get3A_522 = arith.constant 0 : index
    %get3A_523 = arith.constant 20 : index
    %get3A_524 = vector.load %arg1[%get3A_521, %get3A_522, %get3A_523] : memref<32x50x26xf32, #tpu.memory_space<vmem>>, vector<1x50x6xf32>
    %get3A_525 = vector.shape_cast %get3A_524 : vector<1x50x6xf32> to vector<50x6xf32>
    %swap3A_526 = arith.constant 1350 : index
    %swap3A_527 = arith.constant 20 : index
    %swap3A_528 = vector.load %arg2[%swap3A_526, %swap3A_527] : memref<1600x32xf32, #tpu.memory_space<vmem>>, vector<50x6xf32>
    tpu.vector_store %arg2[%swap3A_526, %swap3A_527], %get3A_525 {strides = array<i32>} : memref<1600x32xf32, #tpu.memory_space<vmem>>, vector<50x6xf32>,
    %get3A_529 = arith.constant 28 : index
    %get3A_530 = arith.constant 0 : index
    %get3A_531 = arith.constant 0 : index
    %get3A_532 = vector.load %arg1[%get3A_529, %get3A_530, %get3A_531] : memref<32x50x26xf32, #tpu.memory_space<vmem>>, vector<1x50x20xf32>
    %get3A_533 = vector.shape_cast %get3A_532 : vector<1x50x20xf32> to vector<50x20xf32>
    %convert_element_type3A_534 = arith.fptosi %get3A_533 : vector<50x20xf32> to vector<50x20xi32>
    %add3A_535 = arith.addi %convert_element_type3A_534, %mul3A_1 : vector<50x20xi32>
    %bitcast_convert_type3A_536 = tpu.bitcast %add3A_535 : vector<50x20xi32> -> vector<50x20xf32>
    %swap3A_537 = arith.constant 1400 : index
    %swap3A_538 = arith.constant 0 : index
    %swap3A_539 = vector.load %arg2[%swap3A_537, %swap3A_538] : memref<1600x32xf32, #tpu.memory_space<vmem>>, vector<50x20xf32>
    tpu.vector_store %arg2[%swap3A_537, %swap3A_538], %bitcast_convert_type3A_536 {strides = array<i32>} : memref<1600x32xf32, #tpu.memory_space<vmem>>, vector<50x20xf32>,
    %get3A_540 = arith.constant 28 : index
    %get3A_541 = arith.constant 0 : index
    %get3A_542 = arith.constant 20 : index
    %get3A_543 = vector.load %arg1[%get3A_540, %get3A_541, %get3A_542] : memref<32x50x26xf32, #tpu.memory_space<vmem>>, vector<1x50x6xf32>
    %get3A_544 = vector.shape_cast %get3A_543 : vector<1x50x6xf32> to vector<50x6xf32>
    %swap3A_545 = arith.constant 1400 : index
    %swap3A_546 = arith.constant 20 : index
    %swap3A_547 = vector.load %arg2[%swap3A_545, %swap3A_546] : memref<1600x32xf32, #tpu.memory_space<vmem>>, vector<50x6xf32>
    tpu.vector_store %arg2[%swap3A_545, %swap3A_546], %get3A_544 {strides = array<i32>} : memref<1600x32xf32, #tpu.memory_space<vmem>>, vector<50x6xf32>,
    %get3A_548 = arith.constant 29 : index
    %get3A_549 = arith.constant 0 : index
    %get3A_550 = arith.constant 0 : index
    %get3A_551 = vector.load %arg1[%get3A_548, %get3A_549, %get3A_550] : memref<32x50x26xf32, #tpu.memory_space<vmem>>, vector<1x50x20xf32>
    %get3A_552 = vector.shape_cast %get3A_551 : vector<1x50x20xf32> to vector<50x20xf32>
    %convert_element_type3A_553 = arith.fptosi %get3A_552 : vector<50x20xf32> to vector<50x20xi32>
    %add3A_554 = arith.addi %convert_element_type3A_553, %mul3A_1 : vector<50x20xi32>
    %bitcast_convert_type3A_555 = tpu.bitcast %add3A_554 : vector<50x20xi32> -> vector<50x20xf32>
    %swap3A_556 = arith.constant 1450 : index
    %swap3A_557 = arith.constant 0 : index
    %swap3A_558 = vector.load %arg2[%swap3A_556, %swap3A_557] : memref<1600x32xf32, #tpu.memory_space<vmem>>, vector<50x20xf32>
    tpu.vector_store %arg2[%swap3A_556, %swap3A_557], %bitcast_convert_type3A_555 {strides = array<i32>} : memref<1600x32xf32, #tpu.memory_space<vmem>>, vector<50x20xf32>,
    %get3A_559 = arith.constant 29 : index
    %get3A_560 = arith.constant 0 : index
    %get3A_561 = arith.constant 20 : index
    %get3A_562 = vector.load %arg1[%get3A_559, %get3A_560, %get3A_561] : memref<32x50x26xf32, #tpu.memory_space<vmem>>, vector<1x50x6xf32>
    %get3A_563 = vector.shape_cast %get3A_562 : vector<1x50x6xf32> to vector<50x6xf32>
    %swap3A_564 = arith.constant 1450 : index
    %swap3A_565 = arith.constant 20 : index
    %swap3A_566 = vector.load %arg2[%swap3A_564, %swap3A_565] : memref<1600x32xf32, #tpu.memory_space<vmem>>, vector<50x6xf32>
    tpu.vector_store %arg2[%swap3A_564, %swap3A_565], %get3A_563 {strides = array<i32>} : memref<1600x32xf32, #tpu.memory_space<vmem>>, vector<50x6xf32>,
    %get3A_567 = arith.constant 30 : index
    %get3A_568 = arith.constant 0 : index
    %get3A_569 = arith.constant 0 : index
    %get3A_570 = vector.load %arg1[%get3A_567, %get3A_568, %get3A_569] : memref<32x50x26xf32, #tpu.memory_space<vmem>>, vector<1x50x20xf32>
    %get3A_571 = vector.shape_cast %get3A_570 : vector<1x50x20xf32> to vector<50x20xf32>
    %convert_element_type3A_572 = arith.fptosi %get3A_571 : vector<50x20xf32> to vector<50x20xi32>
    %add3A_573 = arith.addi %convert_element_type3A_572, %mul3A_1 : vector<50x20xi32>
    %bitcast_convert_type3A_574 = tpu.bitcast %add3A_573 : vector<50x20xi32> -> vector<50x20xf32>
    %swap3A_575 = arith.constant 1500 : index
    %swap3A_576 = arith.constant 0 : index
    %swap3A_577 = vector.load %arg2[%swap3A_575, %swap3A_576] : memref<1600x32xf32, #tpu.memory_space<vmem>>, vector<50x20xf32>
    tpu.vector_store %arg2[%swap3A_575, %swap3A_576], %bitcast_convert_type3A_574 {strides = array<i32>} : memref<1600x32xf32, #tpu.memory_space<vmem>>, vector<50x20xf32>,
    %get3A_578 = arith.constant 30 : index
    %get3A_579 = arith.constant 0 : index
    %get3A_580 = arith.constant 20 : index
    %get3A_581 = vector.load %arg1[%get3A_578, %get3A_579, %get3A_580] : memref<32x50x26xf32, #tpu.memory_space<vmem>>, vector<1x50x6xf32>
    %get3A_582 = vector.shape_cast %get3A_581 : vector<1x50x6xf32> to vector<50x6xf32>
    %swap3A_583 = arith.constant 1500 : index
    %swap3A_584 = arith.constant 20 : index
    %swap3A_585 = vector.load %arg2[%swap3A_583, %swap3A_584] : memref<1600x32xf32, #tpu.memory_space<vmem>>, vector<50x6xf32>
    tpu.vector_store %arg2[%swap3A_583, %swap3A_584], %get3A_582 {strides = array<i32>} : memref<1600x32xf32, #tpu.memory_space<vmem>>, vector<50x6xf32>,
    %get3A_586 = arith.constant 31 : index
    %get3A_587 = arith.constant 0 : index
    %get3A_588 = arith.constant 0 : index
    %get3A_589 = vector.load %arg1[%get3A_586, %get3A_587, %get3A_588] : memref<32x50x26xf32, #tpu.memory_space<vmem>>, vector<1x50x20xf32>
    %get3A_590 = vector.shape_cast %get3A_589 : vector<1x50x20xf32> to vector<50x20xf32>
    %convert_element_type3A_591 = arith.fptosi %get3A_590 : vector<50x20xf32> to vector<50x20xi32>
    %add3A_592 = arith.addi %convert_element_type3A_591, %mul3A_1 : vector<50x20xi32>
    %bitcast_convert_type3A_593 = tpu.bitcast %add3A_592 : vector<50x20xi32> -> vector<50x20xf32>
    %swap3A_594 = arith.constant 1550 : index
    %swap3A_595 = arith.constant 0 : index
    %swap3A_596 = vector.load %arg2[%swap3A_594, %swap3A_595] : memref<1600x32xf32, #tpu.memory_space<vmem>>, vector<50x20xf32>
    tpu.vector_store %arg2[%swap3A_594, %swap3A_595], %bitcast_convert_type3A_593 {strides = array<i32>} : memref<1600x32xf32, #tpu.memory_space<vmem>>, vector<50x20xf32>,
    %get3A_597 = arith.constant 31 : index
    %get3A_598 = arith.constant 0 : index
    %get3A_599 = arith.constant 20 : index
    %get3A_600 = vector.load %arg1[%get3A_597, %get3A_598, %get3A_599] : memref<32x50x26xf32, #tpu.memory_space<vmem>>, vector<1x50x6xf32>
    %get3A_601 = vector.shape_cast %get3A_600 : vector<1x50x6xf32> to vector<50x6xf32>
    %swap3A_602 = arith.constant 1550 : index
    %swap3A_603 = arith.constant 20 : index
    %swap3A_604 = vector.load %arg2[%swap3A_602, %swap3A_603] : memref<1600x32xf32, #tpu.memory_space<vmem>>, vector<50x6xf32>
    tpu.vector_store %arg2[%swap3A_602, %swap3A_603], %get3A_601 {strides = array<i32>} : memref<1600x32xf32, #tpu.memory_space<vmem>>, vector<50x6xf32>,
    return
  }
  func.func @transform_0(%arg0: i32) -> (i32, i32, i32) {
    %c0_i32 = arith.constant 0 : i32
    %c0_i32_0 = arith.constant 0 : i32
    %c0_i32_1 = arith.constant 0 : i32
    return %arg0, %c0_i32, %c0_i32_0 : i32, i32, i32
  }
  func.func @transform_1(%arg0: i32) -> (i32, i32) {
    %c0_i32 = arith.constant 0 : i32
    %c0_i32_0 = arith.constant 0 : i32
    return %arg0, %c0_i32 : i32, i32
  }
}

</mosaic_0001>

<sc_bundles>
// kernel: kernel.4.cloned.1.call-start
scs
__scs_entry_jumppad:
0x0: {  	(pc) =	sbr.rel $0x88, $3  }
0x1: {  	(tag) =	ssettag $0x0;
	lr =	simm.s32 $0x1  }
0x2: {  	[smem:$0x3F9D] =	sst lr;
	_ =	strace $0xD0000000  }
0x3: {  	_ = 	snop  }
0x4: {  	_ = 	snop  }
0x5: {  	_ = 	snop  }
0x6: {  	_ = 	snop  }
0x7: {  	_ = 	snop  }
__scs_overlays_trampoline_lowered:
0x8: {  	[smem:$0x3FAC] =	sst s0  }
0x9: {  	[smem:$0x3FAD] =	sst s1  }
0xa: {  	[smem:$0x3FAE] =	sst s2  }
0xb: {  	[smem:$0x3FAF] =	sst s3  }
0xc: {  	[smem:$0x3FB0] =	sst s4  }
0xd: {  	[smem:$0x3FB1] =	sst s5  }
0xe: {  	[smem:$0x3FB2] =	sst s6  }
0xf: {  	[smem:$0x3FB3] =	sst s7  }
0x10: {  	[smem:$0x3FB4] =	sst s8  }
0x11: {  	[smem:$0x3FB5] =	sst s9;
	s0 =	simm.s32 @!p0 $0x0  }
0x12: {  	s1 =	sld [smem:$0x3F9B];
	s0 =	simm.s32 @p0 $0x1  }
0x13: {  	[smem:$0x3FB6] =	sst s0;
	s0 =	simm.s32 @!p1 $0x0  }
0x14: {  	s2 =	sld [smem:$0x3F9A];
	s0 =	simm.s32 @p1 $0x1  }
0x15: {  	[smem:$0x3FB7] =	sst s0;
	s0 =	simm.s32 @!p2 $0x0  }
0x16: {  	s3 =	sld [smem:$0x3FDB];
	s0 =	simm.s32 @p2 $0x1  }
0x17: {  	s4 =	simm.s32 $0x1BF5;
	[smem:$0x3FB9] =	sst s0  }
0x18: {  	s0 =	sld [smem:$0x3F9C];
	_ =	swait.ge [sflag:s4], $0x0  }
0x19: {  	s7 =	sld [smem:$0x3F9D]  }
0x1a: {  	s8 =	sadd.s32 $0xFFFFE003, lr  }
0x1b: {  	s9 =	sadd.s32 $0xFFFFFEF7, lr;
	s5 =	simm.s32 $0xFFFFFFFF;
	p2 =	slt.u32 s8, $0xFFFFF086  }
0x1c: {  	p1 =	slt.u32 s9, $0xF7A;
	s5 =	simm.s32 @!p2 $0x0  }
0x1d: {  	s5 =	simm.s32 @p1 $0x1;
	p0 =	seq.s32 s7, s2  }
0x1e: {  	s7 =	smul.u32 @!p0 $0xF7A, s2;
	p2 =	seq.s32 @!p0 s5, $0x0  }
0x1f: {  	s9 =	smul.u32 $0xF7A, s1;
	s8 =	simm.s32 @!p0 $0x1BF5;
	p2 =	por !p2, p0  }
0x20: {  	[sflag:s8] =	ssyncset.s32 @!p0 $0xFFFFF086;
	s6 =	sadd.s32 @!p0 s3, s7;
	s7 =	simm.s32 @!p0 $0x108  }
0x21: {  	s3 =	sadd.s32 s3, s9;
	s6 =	sadd.s32 @!p0 $0x88, s6;
	s7 =	simm.s32 @p2 $0x1082  }
0x22: {  	[simem:s7], [sflag:s8] =	dma.local @!p0 [hbm:s6], $0xF7A  }
0x23: {  	s9 =	sor.u32 $0xD0000000, s2;
	s6 =	simm.s32 $0x108;
	_ =	swait.ge @!p0 [sflag:s8], $0x0  }
0x24: {  	s3 =	sadd.s32 $0x88, s3;
	s6 =	simm.s32 @!p1 $0x1082;
	[sflag:s4] =	ssyncset.s32 $0xFFFFF086  }
0x25: {  	[simem:s6], [sflag:s4] =	dma.local [hbm:s3], $0xF7A  }
0x26: {  	[smem:$0x3F9D] =	sst s1;
	(tag) =	ssettag s2;
	_ =	strace s9  }
0x27: {  	s1 =	sld [smem:$0x3FAD]  }
0x28: {  	s2 =	sld [smem:$0x3FAE]  }
0x29: {  	s4 =	sld [smem:$0x3FB0]  }
0x2a: {  	p0 =	seq.s32 s5, $0x0;
	s5 =	sld [smem:$0x3FB1]  }
0x2b: {  	s6 =	sld [smem:$0x3FB2]  }
0x2c: {  	s7 =	sld [smem:$0x3FB3]  }
0x2d: {  	s3 =	simm.s32 $0x108;
	s8 =	sld [smem:$0x3FB4]  }
0x2e: {  	s3 =	simm.s32 @!p0 $0x1082;
	s9 =	sld [smem:$0x3FB5]  }
0x2f: {  	lr =	sadd.s32 s0, s3;
	s0 =	sld [smem:$0x3FAC]  }
0x30: {  	s3 =	sld [smem:$0x3FAF]  }
0x31: {  	[smem:$0x3FB8] =	sst s10  }
0x32: {  	s10 =	sld [smem:$0x3FB6];
	_ =	sdelay $0x3  }
0x33: {  	p0 =	seq.s32 s10, $0x1;
	s10 =	sld [smem:$0x3FB8];
	_ =	sdelay $0x3  }
0x34: {  	[smem:$0x3FB8] =	sst s10  }
0x35: {  	s10 =	sld [smem:$0x3FB7];
	_ =	sdelay $0x3  }
0x36: {  	p1 =	seq.s32 s10, $0x1;
	s10 =	sld [smem:$0x3FB8];
	_ =	sdelay $0x3  }
0x37: {  	[smem:$0x3FB8] =	sst s10  }
0x38: {  	s10 =	sld [smem:$0x3FB9]  }
0x39: {  	_ = 	snop;
	(pc) =	sbr.ind lr, $3  }
0x3a: {  	_ = 	snop  }
0x3b: {  	_ = 	snop  }
0x3c: {  	p2 =	seq.s32 s10, $0x1;
	s10 =	sld [smem:$0x3FB8]  }
0x3d: {  	_ =	shalt  }
0x3e: {  	_ =	shalt  }
0x3f: {  	_ =	shalt  }
0x40: {  	_ =	shalt  }
0x41: {  	_ =	shalt  }
0x42: {  	_ =	shalt  }
0x43: {  	_ =	shalt  }
0x44: {  	_ =	shalt  }
0x45: {  	_ =	shalt  }
0x46: {  	_ =	shalt  }
0x47: {  	_ =	shalt  }
0x48: {  	_ =	shalt  }
0x49: {  	_ =	shalt  }
0x4a: {  	_ =	shalt  }
0x4b: {  	_ =	shalt  }
0x4c: {  	_ =	shalt  }
0x4d: {  	_ =	shalt  }
0x4e: {  	_ =	shalt  }
0x4f: {  	_ =	shalt  }
0x50: {  	_ =	shalt  }
0x51: {  	_ =	shalt  }
0x52: {  	_ =	shalt  }
0x53: {  	_ =	shalt  }
0x54: {  	_ =	shalt  }
0x55: {  	_ =	shalt  }
0x56: {  	_ =	shalt  }
0x57: {  	_ =	shalt  }
0x58: {  	_ =	shalt  }
0x59: {  	_ =	shalt  }
0x5a: {  	_ =	shalt  }
0x5b: {  	_ =	shalt  }
0x5c: {  	_ =	shalt  }
0x5d: {  	_ =	shalt  }
0x5e: {  	_ =	shalt  }
0x5f: {  	_ =	shalt  }
0x60: {  	_ =	shalt  }
0x61: {  	_ =	shalt  }
0x62: {  	_ =	shalt  }
0x63: {  	_ =	shalt  }
0x64: {  	_ =	shalt  }
0x65: {  	_ =	shalt  }
0x66: {  	_ =	shalt  }
0x67: {  	_ =	shalt  }
0x68: {  	_ =	shalt  }
0x69: {  	_ =	shalt  }
0x6a: {  	_ =	shalt  }
0x6b: {  	_ =	shalt  }
0x6c: {  	_ =	shalt  }
0x6d: {  	_ =	shalt  }
0x6e: {  	_ =	shalt  }
0x6f: {  	_ =	shalt  }
0x70: {  	_ =	shalt  }
0x71: {  	_ =	shalt  }
0x72: {  	_ =	shalt  }
0x73: {  	_ =	shalt  }
0x74: {  	_ =	shalt  }
0x75: {  	_ =	shalt  }
0x76: {  	_ =	shalt  }
0x77: {  	_ =	shalt  }
0x78: {  	_ =	shalt  }
0x79: {  	_ =	shalt  }
0x7a: {  	_ =	shalt  }
0x7b: {  	_ =	shalt  }
0x7c: {  	_ =	shalt  }
0x7d: {  	_ =	shalt  }
0x7e: {  	_ =	shalt  }
0x7f: {  	_ =	shalt  }
0x80: {  	_ =	shalt  }
0x81: {  	_ =	shalt  }
0x82: {  	_ =	shalt  }
0x83: {  	_ =	shalt  }
0x84: {  	_ =	shalt  }
0x85: {  	_ =	shalt  }
0x86: {  	_ =	shalt  }
0x87: {  	_ =	shalt  }
.Lfunc_end0:
.L_simem_size_0:
called_computation.1_lowered:
.L_overlay_start_0:
0x88: {  	s2 =	sld [smem:$0x3FD9]  }
0x89: {  	s3 =	sld [smem:$0x3FFE];
	_ =	sdelay $0x1  }
0x8a: {  	s1 =	srdreg.scid  }
0x8b: {  	s0 =	sand.u32 $0x1, s1  }
0x8c: {  	s17 =	sshll.u32 s0, $0xA;
	s2 =	sadd.s32 s3, s2  }
0x8d: {  	s2 =	sadd.s32 s2, s17  }
0x8e: {  	[smem:$0x3FC4] =	sst s2  }
0x8f: {  	_ = 	snop  }
0x90: {  	s2 =	sld [smem:$0x3FD0];
	(tm) =	ssettm $0x1  }
0x91: {  	s18 =	sld [smem:$0x3FFB];
	_ =	sdelay $0x3  }
0x92: {  	_ =	strace s18  }
0x93: {  	s3 =	sld [smem:$0x3FFC];
	_ =	sdelay $0x3  }
0x94: {  	_ =	strace s3  }
0x95: {  	s3 =	sld [smem:$0x3FFD];
	_ =	sdelay $0x3  }
0x96: {  	_ =	strace s3  }
0x97: {  	_ =	strace $0x8FFFFFFF  }
0x98: {  	s19 =	sld [smem:$0x3FDB];
	_ =	sdelay $0x1  }
0x99: {  	s4 =	simm.s32 $_scs_section_size  }
0x9a: {  	s5 =	simm.s32 $_size__tile_overlayer_lowered;
	s6 =	simm.s32 $_tile_overlayer_lowered  }
0x9b: {  	s22 =	simm.s32 $0x1BFF;
	s21 =	sshll.u32 s6, $0x1;
	s3 =	sadd.s32 s4, s19  }
0x9c: {  	s7 =	simm.s32 $0x0;
	s20 =	sshll.u32 s5, $0x1;
	s5 =	sadd.s32 s21, s3  }
0x9d: {  	[timem:s7], [sflag:s22] =	dma.local [hbm:s5], s20  }
0x9e: {  	_ =	swait.ge [sflag:s22], s20  }
0x9f: {  	s4 =	ssub.s32 $0x0, s20;
	[sflag:s22] =	ssyncset.done $0x0  }
0xa0: {  	[sflag:s22] =	ssyncadd.s32 s4;
	_ =	sdelay $0x1  }
0xa1: {  	s23 =	simm.s32 $0x1B8B  }
0xa2: {  	_ =	swait.ge [sflag:s23], $0x1  }
0xa3: {  	[sflag:s23] =	ssyncset.done $0x0  }
0xa4: {  	s25 =	simm.s32 $0x1B8E;
	s24 =	sld [smem:$0x3FFE];
	[sflag:s23] =	ssyncadd.s32 $0xFFFFFFFF  }
0xa5: {  	s26 =	simm.s32 $execute0_lowered;
	[smem:$0x3FD2] =	sst s25  }
0xa6: {  	s5 =	sshll.u32 s26, $0x1;
	_ =	strace $0x80000046;
	[dreg:$0x1] =	wrdreg $0xFFFFFFFF  }
0xa7: {  	s28 =	simm.s32 $_size_execute0_lowered;
	s3 =	sadd.s32 s3, s5;
	[dreg:$0x0] =	wrdreg $0x0  }
0xa8: {  	s5 =	sshll.u32 s28, $0x1;
	[dreg:$0x2] =	wrdreg s3  }
0xa9: {  	[dreg:$0x3] =	wrdreg s5  }
0xaa: {  	[dreg:$0x4] =	wrdreg $0xC0  }
0xab: {  	_ =	task [dreg:s7], $0x5FFFF  }
0xac: {  	[dreg:$0x1] =	wrdreg $0xFFFFFFFF  }
0xad: {  	[dreg:$0x0] =	wrdreg $0x60  }
0xae: {  	[dreg:$0x2] =	wrdreg s24  }
0xaf: {  	[dreg:$0x3] =	wrdreg s2  }
0xb0: {  	[dreg:$0x4] =	wrdreg $0x9  }
0xb1: {  	_ =	task.clear_ibuf [dreg:s7], $0x5FFFF;
	_ =	strace $0x90000046  }
0xb2: {  	s29 =	simm.s32 $0x9;
	_ =	strace $0x80000048  }
0xb3: {  	_ =	swait.ge [sflag:s29], $0x1  }
0xb4: {  	[sflag:s29] =	ssyncadd.s32 $0xFFFFFFFF  }
0xb5: {  	_ =	strace $0x90000048  }
0xb6: {  	_ =	sfence  }
0xb7: {  	s30 =	sld [smem:$0x0];
	_ =	sdelay $0x2  }
0xb8: {  	s31 =	sshll.u32 s1, $0xD;
	s1 =	sshrl.u32 s1, $0x2  }
0xb9: {  	s3 =	sand.u32 $0x4000, s31;
	s1 =	sadd.s32 s1, s30  }
0xba: {  	s0 =	sor.u32 s3, s0;
	s1 =	sshll.u32 s1, $0x11  }
0xbb: {  	s0 =	sor.u32 s1, s0  }
0xbc: {  	s0 =	sadd.s32 $0x8F2B, s0  }
0xbd: {  	[sflag:s0] =	ssyncadd.remote.s32 $0x1  }
0xbe: {  	_ =	sfence.sel $0xFFFF  }
0xbf: {  	[dreg:$0x0] =	wrdreg $0xFFFFFFFF;
	(pc) =	sbr.abs _section_cstart, $3  }
0xc0: {  	[dreg:$0x1] =	wrdreg $0xFFFFFFFF  }
0xc1: {  	_ =	task.clear_ibuf [dreg:s7], $0x2FFFF;
	_ =	strace $0x9FFFFFFF  }
0xc2: {  	(tm) =	ssettm $0x7FFFFFFF  }
0xc3: {  	_ =	shalt  }
tec
execute0_lowered:
.L_overlay_start_1:
0x0: {  	(tag) =	ssettag $0x1  }
0x1: {  	s0 =	rddreg [dreg:$0x0]  }
0x2: {  	s2 =	rddreg [dreg:$0x1];
	s3 =	simm.s32 $0x0  }
0x3: {  	s1 =	srdreg.scid;
	s4 =	stileid.u32;
	s21 =	simm.s32 $0xE380  }
0x4: {  	s22 =	simm.s32 $0x2;
	s23 =	simm.s32 $0x500;
	s24 =	simm.s32 $0x800  }
0x5: {  	s25 =	simm.s32 $0x1380;
	s26 =	simm.s32 $0x5;
	s28 =	simm.s32 $0xD00  }
0x6: {  	s29 =	simm.s32 $0x180;
	s30 =	simm.s32 $0x1200;
	s31 =	simm.s32 $0xB380  }
0x7: {  	[smem:$0x7FF] =	sst s3;
	s1 =	sand.u32 $0x1, s1;
	s5 =	sshll.u32 s4, $0x1  }
0x8: {  	s4 =	sadd.s32 $0xC8E00, s0;
	s7 =	sadd.s32 $0x1000, s0;
	s6 =	sor.u32 s1, s5  }
0x9: {  	_ =	strace $0x80000047;
	[dreg:$0x3] =	wrdreg s7;
	s7 =	smul.u32 $0x640, s6  }
0xa: {  	s5 =	sadd.s32 $0x1E85600, s0;
	s16 =	ssub.s32 $0x2, s1;
	s17 =	smul.u32 $0x1900, s6  }
0xb: {  	s0 =	sadd.s32 $0xE00, s0;
	s8 =	sshrl.u32 s16, $0x1;
	s10 =	smul.u32 $0xC800, s6  }
0xc: {  	[dreg:$0x4] =	wrdreg s0;
	s6 =	smul.u32 $0xA280, s6;
	s0 =	ssub.s32 s16, s8  }
0xd: {  	s9 =	sadd.s32 $0x40, s7;
	s1 =	sadd.s32 s4, s17;
	s12 =	sadd.s32 $0x1000, s10  }
0xe: {  	s20 =	sor.u32 $0x14, s6;
	s14 =	sadd.s32 $0x1800, s10;
	s16 =	sshll.u32 s7, $0x2  }
0xf: {  	s0 =	smax.u32 s0, $0x1;
	s10 =	simm.s32 $0x1;
	s18 =	sshll.u32 s9, $0x2  }
0x10: {  	[dreg:$0x5] =	wrdreg s1;
	s15 =	sshrl.u32 s12, $0x3;
	s11 =	smul.u32 $0x1A, s9  }
0x11: {  	s13 =	sshrl.u32 s14, $0x3;
	[dreg:$0xa] =	wrdreg s0;
	s0 =	simm.s32 $0x4  }
0x12: {  	v1 =	vmov s20;
	s20 =	simm.s32 $0xF080;
	s19 =	sadd.s32 s4, s18;
	s8 =	sadd.s32 s4, s15  }
0x13: {  	s13 =	sadd.s32 s4, s13;
	s15 =	sadd.s32 $0x9C14, s6;
	[dreg:$0x6] =	wrdreg s19  }
0x14: {  	s18 =	simm.s32 $0xF700;
	[dreg:$0x7] =	wrdreg s8;
	s17 =	sor.u32 $0x14, s11  }
0x15: {  	s8 =	sadd.s32 s4, s16;
	[dreg:$0x8] =	wrdreg s13;
	s19 =	sadd.s32 $0x9C00, s6  }
0x16: {  	v6 =	vlaneseq.u32;
	v0 =	vmov s6;
	v2 =	vmov s11;
	s6 =	simm.s32 $0xF580;
	s11 =	simm.s32 $0x3;
	s8 =	sadd.s32 $0x1800, s8  }
0x17: {  	v5 =	vmov s15;
	v3 =	vmov s17;
	v4 =	vmov s19;
	s17 =	simm.s32 $0x0;
	[dreg:$0x9] =	wrdreg s8;
	s8 =	simm.s32 $0x19700  }
.LBB2_1:
0x18: {  	v9 =	vor.u32 s3, v6  }
0x19: {  	v7 =	vcvt.s32.f32 v9  }
0x1a: {  	s1 =	rddreg [dreg:$0x3];
	s13 =	simm.s32 $0x1C700  }
0x1b: {  	[tilespmem:s13], [sflag:$0x6] =	stream.linear.gather [hbm4b:s1+s3], $0xC0, $0x38;
	v7 =	vmul.f32 $5.000000070e-02, v7;
	[tilespmem:$0x1C880] =	vst v63  }
0x1c: {  	s13 =	simm.s32 $0x6  }
0x1d: {  	_ =	swait.ge [sflag:s13], $0xC0;
	v7 =	vtrunc.f32 v7  }
0x1e: {  	[sflag:s13] =	ssyncset.done $0x0;
	v10 =	vcvt.f32.s32 v7  }
0x1f: {  	s15 =	simm.s32 $0x1C7C0;
	s16 =	rddreg [dreg:$0x4];
	[sflag:s13] =	ssyncadd.s32 $0xFFFFFF40  }
0x20: {  	[tilespmem:s15], [sflag:$0x6] =	stream.linear.gather [hbm4b:s16+s3], $0xC0, $0x38;
	v8 =	vmul.u32 $0xFFFFFFEC, v10;
	[tilespmem:$0x1C880] =	vst v63  }
0x21: {  	s19 =	simm.s32 $0x10;
	_ =	swait.ge [sflag:s13], $0xC0  }
0x22: {  	v7 =	vor.u32 s19, v6;
	[sflag:s13] =	ssyncset.done $0x0;
	v8 =	vadd.s32 v9, v8  }
0x23: {  	v11 =	vcvt.s32.f32 v7;
	[sflag:s13] =	ssyncadd.s32 $0xFFFFFF40;
	v13 =	vshll.u32 v10, $0x5;
	s13 =	rddreg [dreg:$0x5];
	v12 =	vand.u32 $0xFFFFFFF8, v8  }
0x24: {  	[tilespmem:s3], [sflag:$0x2] =	stream.linear.gather [hbm4b:s13+s3], $0x800, $0x38;
	v8 =	vand.u32 $0x7, v8;
	v12 =	vadd.s32 v13, v12;
	[tilespmem:$0x1C880] =	vst v63  }
0x25: {  	s15 =	rddreg [dreg:$0x6];
	v11 =	vmul.f32 $5.000000070e-02, v11;
	v12 =	vor.u32 v8, v12  }
0x26: {  	[tilespmem:s21], [sflag:$0x4] =	stream.linear.gather [hbm4b:s15+s3], $0x800, $0x38;
	[tilespmem:$0x1C880] =	vst v63  }
0x27: {  	_ =	swait.ge [sflag:s22], $0x800;
	v8 =	vtrunc.f32 v11  }
0x28: {  	[sflag:s22] =	ssyncset.done $0x0;
	v11 =	vcvt.f32.s32 v8  }
0x29: {  	s16 =	simm.s32 $0x20;
	[sflag:s22] =	ssyncadd.s32 $0xFFFFF800  }
0x2a: {  	v8 =	vor.u32 s16, v6;
	v13 =	vmul.u32 $0xFFFFFFEC, v11;
	v12 =	vld.idx.msk [tilespmem:v12+s3+$0x0], $0xffff  }
0x2b: {  	v14 =	vcvt.s32.f32 v8  }
0x2c: {  	v13 =	vadd.s32 v7, v13  }
0x2d: {  	v16 =	vshll.u32 v11, $0x5;
	v14 =	vmul.f32 $5.000000070e-02, v14;
	v15 =	vand.u32 $0xFFFFFFF8, v13  }
0x2e: {  	v13 =	vand.u32 $0x7, v13;
	v15 =	vadd.s32 v16, v15  }
0x2f: {  	v14 =	vtrunc.f32 v14;
	[tilespmem:s24+$0x0] =	vst v12;
	v12 =	vor.u32 v13, v15  }
0x30: {  	v17 =	vmul.u32 $0x6, v10;
	v10 =	vcvt.f32.s32 v14  }
0x31: {  	s19 =	simm.s32 $0x30;
	v14 =	vadd.s32 v0, v9  }
0x32: {  	s1 =	simm.s32 $0xD00;
	v9 =	vor.u32 s19, v6;
	v63 =	vadd.s32 v17, v14;
	v13 =	vmul.u32 $0xFFFFFFEC, v10  }
0x33: {  	s13 =	simm.s32 $0x800;
	s15 =	simm.s32 $0x40;
	s16 =	simm.s32 $0x0;
	v14 =	vcvt.s32.f32 v9;
	[tilespmem:s28+$0x0] =	vst v63  }
.LBB2_2:
0x34: {  	p0 =	sne.s32 s15, $0x4F0;
	v13 =	vadd.s32 v8, v13;
	v15 =	vld.idx.msk [tilespmem:v12+s16+$0x0], $0xffff  }
0x35: {  	v16 =	vshll.u32 v10, $0x5;
	v12 =	vmul.f32 $5.000000070e-02, v14;
	v14 =	vand.u32 $0xFFFFFFF8, v13  }
0x36: {  	v13 =	vand.u32 $0x7, v13;
	v14 =	vadd.s32 v16, v14  }
.Ltmp0:
0x37: {  	v16 =	vtrunc.f32 v12;
	v12 =	vor.u32 v13, v14;
	(pc) =	sbr.rel @p0 .LBB2_2-.Ltmp0, $4  }
0x38: {  	v14 =	vmul.u32 $0x6, v11;
	v11 =	vmov v10;
	v10 =	vcvt.f32.s32 v16  }
0x39: {  	s13 =	sadd.s32 $0x10, s13;
	v16 =	vadd.s32 v0, v7;
	v7 =	vmov v8;
	v8 =	vmov v9  }
0x3a: {  	s1 =	sadd.s32 $0x10, s1;
	v9 =	vor.u32 s15, v6;
	v13 =	vmul.u32 $0xFFFFFFEC, v10;
	[tilespmem:s13+$0x0] =	vst v15;
	v15 =	vadd.s32 v14, v16  }
0x3b: {  	s16 =	simm.s32 $0x0;
	s15 =	sadd.s32 $0x10, s15;
	v14 =	vcvt.s32.f32 v9;
	[tilespmem:s1+$0x0] =	vst v15  }
0x3c: {  	_ =	sdelay $0x2  }
0x3d: {  	v13 =	vadd.s32 v8, v13;
	v14 =	vmul.f32 $5.000000070e-02, v14  }
0x3e: {  	v12 =	vld.idx.msk [tilespmem:v12+s16+$0x0], $0xffff;
	v16 =	vshll.u32 v10, $0x5;
	v15 =	vand.u32 $0xFFFFFFF8, v13  }
0x3f: {  	v13 =	vand.u32 $0x7, v13;
	v15 =	vadd.s32 v16, v15;
	v14 =	vtrunc.f32 v14  }
0x40: {  	v13 =	vor.u32 v13, v15;
	v14 =	vcvt.f32.s32 v14  }
0x41: {  	v11 =	vmul.u32 $0x6, v11  }
0x42: {  	v7 =	vadd.s32 v0, v7;
	s13 =	sadd.s32 $0x10, s13;
	v61 =	vmul.u32 $0xFFFFFFEC, v14  }
0x43: {  	s1 =	sadd.s32 $0x10, s1;
	v7 =	vadd.s32 v11, v7;
	[tilespmem:s13+$0x0] =	vst v12  }
0x44: {  	s15 =	simm.s32 $0x0;
	[tilespmem:s1+$0x0] =	vst v7;
	v7 =	vadd.s32 v9, v61  }
0x45: {  	v63 =	vshll.u32 v14, $0x5;
	v11 =	vld.idx.msk [tilespmem:v13+s15+$0x0], $0xffff;
	v62 =	vand.u32 $0xFFFFFFF8, v7  }
0x46: {  	v7 =	vand.u32 $0x7, v7;
	v12 =	vadd.s32 v63, v62  }
0x47: {  	v7 =	vor.u32 v7, v12  }
0x48: {  	v10 =	vmul.u32 $0x6, v10  }
0x49: {  	v8 =	vadd.s32 v0, v8;
	s13 =	sadd.s32 $0x10, s13  }
0x4a: {  	v8 =	vadd.s32 v10, v8;
	s1 =	sadd.s32 $0x10, s1;
	[tilespmem:s13+$0x0] =	vst v11  }
0x4b: {  	s19 =	simm.s32 $0x0;
	[tilespmem:s1+$0x0] =	vst v8  }
0x4c: {  	v7 =	vld.idx.msk [tilespmem:v7+s19+$0x0], $0xffff  }
0x4d: {  	p1 =	por $0x1, $0x1;
	v8 =	vor.u32 s19, v6  }
.Ltmp1:
0x4e: {  	v10 =	vcvt.s32.f32 v8;
	(pc) =	sbr.rel @!p1 .LBB2_4-.Ltmp1, $4  }
0x4f: {  	v11 =	vmul.u32 $0x6, v14  }
0x50: {  	v9 =	vadd.s32 v0, v9;
	s13 =	sadd.s32 $0x10, s13;
	v10 =	vmul.f32 $1.666666720e-01, v10  }
0x51: {  	p0 =	por $0x0, $0x0;
	s1 =	sadd.s32 $0x10, s1;
	[tilespmem:s13+$0x0] =	vst v7;
	v7 =	vadd.s32 v11, v9  }
0x52: {  	[dreg:$0xb] =	wrdreg s17;
	s13 =	simm.s32 $0x10;
	v9 =	vtrunc.f32 v10;
	[tilespmem:s1+$0x0] =	vst v7;
	s1 =	simm.s32 $0x1200  }
0x53: {  	v7 =	vor.u32 s13, v6;
	v9 =	vcvt.f32.s32 v9;
	p1 =	por $0x1, $0x1  }
.Ltmp2:
0x54: {  	v10 =	vcvt.s32.f32 v7;
	(pc) =	sbr.rel @!p1 .LBB2_6-.Ltmp2, $4  }
0x55: {  	v9 =	vmul.u32 $0x14, v9  }
0x56: {  	v8 =	vadd.s32 v1, v8;
	v10 =	vmul.f32 $1.666666720e-01, v10  }
0x57: {  	v8 =	vadd.s32 v9, v8  }
0x58: {  	s15 =	simm.s32 $0x20;
	p0 =	por $0x1, $0x1;
	s13 =	simm.s32 $0x1200;
	v9 =	vtrunc.f32 v10;
	[tilespmem:s1+$0x0] =	vst v8  }
.LBB2_7:
0x59: {  	v8 =	vor.u32 s15, v6;
	p1 =	sne.s32 s15, $0x170;
	s15 =	sadd.s32 $0x10, s15;
	v9 =	vcvt.f32.s32 v9  }
.Ltmp3:
0x5a: {  	v10 =	vcvt.s32.f32 v8;
	(pc) =	sbr.rel @p1 .LBB2_7-.Ltmp3, $4  }
0x5b: {  	v9 =	vmul.u32 $0x14, v9  }
0x5c: {  	v11 =	vadd.s32 v1, v7;
	v7 =	vmov v8;
	v10 =	vmul.f32 $1.666666720e-01, v10  }
0x5d: {  	s13 =	sadd.s32 $0x10, s13;
	v8 =	vadd.s32 v9, v11  }
0x5e: {  	v9 =	vtrunc.f32 v10;
	[tilespmem:s13+$0x0] =	vst v8  }
0x5f: {  	v8 =	vmov v7  }
.LBB2_9:
0x60: {  	v7 =	vcvt.f32.s32 v9;
	_ =	sdelay $0x1  }
0x61: {  	v7 =	vmul.u32 $0x14, v7  }
0x62: {  	v8 =	vadd.s32 v1, v8;
	s13 =	sadd.s32 @p0 $0x10, s13  }
0x63: {  	s1 =	smov.u32 @p0 s13;
	v7 =	vadd.s32 v7, v8  }
0x64: {  	[tilespmem:s1+$0x0] =	vst v7  }
0x65: {  	[tilespmem:s25], [sflag:$0x5] =	stream.indirect.gather [hbm4b:s5+s23], $0x20, s24, s23, $0xb8;
	[tilespmem:$0x1C880] =	vst v63  }
0x66: {  	v7 =	vld [tilespmem:$0x1C700]  }
0x67: {  	v8 =	vld [tilespmem:$0x1C710]  }
0x68: {  	v9 =	vld [tilespmem:$0x1C720]  }
0x69: {  	v10 =	vld [tilespmem:$0x1C730]  }
0x6a: {  	v11 =	vld [tilespmem:$0x1C740]  }
0x6b: {  	v12 =	vld [tilespmem:$0x1C750]  }
0x6c: {  	v13 =	vld [tilespmem:$0x1C760]  }
0x6d: {  	s19 =	simm.s32 $0x0;
	v14 =	vld [tilespmem:$0x1C770]  }
0x6e: {  	v22 =	vld [tilespmem:s19+$0x10]  }
0x6f: {  	v15 =	vld [tilespmem:$0x1C780]  }
0x70: {  	v16 =	vld [tilespmem:$0x1C790]  }
0x71: {  	v17 =	vld [tilespmem:$0x1C7A0]  }
0x72: {  	v18 =	vld [tilespmem:$0x1C7B0]  }
0x73: {  	v19 =	vld [tilespmem:$0x1C860];
	v31 =	vbroadcast v22, $0x4  }
0x74: {  	v20 =	vld [tilespmem:$0x1C820];
	v25 =	vbroadcast v22, $0x9;
	v41 =	vbroadcast v22, $0x6  }
0x75: {  	v21 =	vld [tilespmem:$0x1C7C0];
	v26 =	vbroadcast v22, $0x7;
	v33 =	vbroadcast v22, $0x8  }
0x76: {  	v23 =	vld [tilespmem:$0x1C830];
	v35 =	vbroadcast v22, $0x5;
	v28 =	vmul.f32 v25, v17  }
0x77: {  	v24 =	vld [tilespmem:$0x1C7D0];
	v27 =	vmul.f32 v31, v7;
	v29 =	vmul.f32 v26, v13  }
0x78: {  	v32 =	vld [tilespmem:$0x1C7E0];
	v40 =	vmul.f32 v26, v14;
	v39 =	vmul.f32 v41, v11;
	v26 =	vadd.f32 v28, v19  }
0x79: {  	v30 =	vld [tilespmem:$0x1C810];
	v37 =	vmul.f32 v25, v18;
	v38 =	vmul.f32 v33, v15  }
0x7a: {  	v45 =	vmul.f32 v35, v9;
	v36 =	vmul.f32 v35, v10;
	v25 =	vld [tilespmem:$0x1C840];
	v43 =	vsub.f32 $0.0e+00, v26  }
0x7b: {  	v44 =	vmul.f32 v31, v8;
	v31 =	vld [tilespmem:$0x1C870];
	v41 =	vmul.f32 v41, v12;
	v22 =	vadd.f32 v27, v21  }
0x7c: {  	v28 =	vld [tilespmem:$0x1C7F0];
	v34 =	vadd.f32 v29, v20;
	v27 =	vadd.f32 v40, v23;
	v46 =	vmul.f32 $1.442695020e+00, v43  }
0x7d: {  	v29 =	vld [tilespmem:$0x1C800];
	v40 =	vmul.f32 v33, v16;
	v35 =	vadd.f32 v45, v32;
	v42 =	vsub.f32 $0.0e+00, v22  }
0x7e: {  	s16 =	simm.s32 $0xB3E0;
	s17 =	simm.s32 $0x80;
	s15 =	simm.s32 $0xB3E0;
	v33 =	vld [tilespmem:$0x1C850];
	v45 =	vsub.f32 $0.0e+00, v34;
	v43 =	vsub.f32 $0.0e+00, v27;
	(erf) = vpow2.f32 v46  }
.LBB2_10:
0x7f: {  	p0 =	sne.s32 s17, $0x1F80  }
0x80: {  	v42 =	vmul.f32 $1.442695020e+00, v42;
	v44 =	vadd.f32 v44, v24;
	v43 =	vmul.f32 $1.442695020e+00, v43;
	s16 =	sadd.s32 $0xC0, s16;
	s1 =	smov.u32 s17;
	s17 =	sadd.s32 $0x80, s17  }
0x81: {  	v46 =	vsub.f32 $0.0e+00, v35;
	v36 =	vadd.f32 v36, v28;
	v45 =	vmul.f32 $1.442695020e+00, v45  }
0x82: {  	v39 =	vadd.f32 v39, v29;
	v47 =	vsub.f32 $0.0e+00, v44;
	(erf) = vpow2.f32 v42  }
0x83: {  	v41 =	vadd.f32 v41, v30;
	v42 =	vmul.f32 $1.442695020e+00, v46;
	(erf) = vpow2.f32 v45  }
0x84: {  	v40 =	vadd.f32 v40, v33;
	v45 =	vsub.f32 $0.0e+00, v39  }
0x85: {  	v48 =	vsub.f32 $0.0e+00, v41;
	v46 =	vmul.f32 $1.442695020e+00, v47;
	(erf) = vpow2.f32 v42  }
0x86: {  	v42 =	vmul.f32 $1.442695020e+00, v45;
	v45 =	vsub.f32 $0.0e+00, v40;
	(erf) = vpow2.f32 v43  }
0x87: {  	v38 =	vadd.f32 v38, v25;
	v43 =	vmul.f32 $1.442695020e+00, v48;
	(erf) = vpow2.f32 v46  }
0x88: {  	v37 =	vadd.f32 v37, v31;
	v46 =	vsub.f32 $0.0e+00, v36;
	v45 =	vmul.f32 $1.442695020e+00, v45;
	v47 =	vpop (erf)  }
0x89: {  	v49 =	vsub.f32 $0.0e+00, v38;
	v47 =	vadd.f32 $1.000000000e+00, v47;
	(erf) = vpow2.f32 v42  }
0x8a: {  	v50 =	vmul.f32 $1.442695020e+00, v46;
	v46 =	vsub.f32 $0.0e+00, v37;
	(erf) = vpow2.f32 v45  }
0x8b: {  	v49 =	vmul.f32 $1.442695020e+00, v49;
	v48 =	vpop (erf);
	(erf) = vpow2.f32 v43  }
0x8c: {  	v46 =	vmul.f32 $1.442695020e+00, v46;
	v43 =	vadd.f32 $1.000000000e+00, v48;
	(erf) = vpow2.f32 v50;
	v42 =	vpop (erf)  }
0x8d: {  	v48 =	vadd.f32 $1.000000000e+00, v42;
	(erf) = vpow2.f32 v49  }
0x8e: {  	v45 =	vpop (erf);
	(erf) = vpow2.f32 v46  }
0x8f: {  	s13 =	sshra.s32 s1, $0x2;
	v45 =	vadd.f32 $1.000000000e+00, v45;
	(erf) = vrcp.f32 v48;
	v42 =	vpop (erf)  }
0x90: {  	v48 =	vadd.f32 $1.000000000e+00, v42;
	v46 =	vpop (erf);
	(erf) = vrcp.f32 v47  }
0x91: {  	v46 =	vadd.f32 $1.000000000e+00, v46;
	(erf) = vrcp.f32 v45  }
0x92: {  	(erf) = vrcp.f32 v43;
	v43 =	vpop (erf)  }
0x93: {  	v43 =	vadd.f32 $1.000000000e+00, v43;
	(erf) = vrcp.f32 v48;
	v42 =	vpop (erf)  }
0x94: {  	v42 =	vadd.f32 $1.000000000e+00, v42;
	(erf) = vrcp.f32 v46;
	v45 =	vpop (erf)  }
0x95: {  	v47 =	vadd.f32 $1.000000000e+00, v45;
	v46 =	vpop (erf);
	(erf) = vrcp.f32 v43  }
0x96: {  	v48 =	vadd.f32 $1.000000000e+00, v46;
	v46 =	vpop (erf);
	(erf) = vrcp.f32 v42  }
0x97: {  	v46 =	vadd.f32 $1.000000000e+00, v46;
	(erf) = vrcp.f32 v47;
	v45 =	vpop (erf)  }
0x98: {  	v45 =	vadd.f32 $1.000000000e+00, v45;
	(erf) = vrcp.f32 v48;
	v43 =	vpop (erf)  }
0x99: {  	v43 =	vmul.f32 v43, v34;
	(erf) = vrcp.f32 v46;
	v42 =	vpop (erf)  }
0x9a: {  	v46 =	vmul.f32 v42, v26;
	v42 =	vpop (erf);
	(erf) = vrcp.f32 v45  }
0x9b: {  	v35 =	vmul.f32 v42, v35;
	[tilespmem:s15+$0x0] =	vst v43;
	v34 =	vpop (erf)  }
0x9c: {  	v22 =	vmul.f32 v34, v22;
	[tilespmem:s15+$0x40] =	vst v46;
	v26 =	vpop (erf)  }
0x9d: {  	[tilespmem:s15+$0xFFFFFFC0] =	vst v35;
	v34 =	vmul.f32 v26, v27;
	v27 =	vpop (erf)  }
0x9e: {  	[tilespmem:s15+$0xFFFFFFA0] =	vst v22;
	v22 =	vmul.f32 v27, v44;
	v27 =	vpop (erf)  }
0x9f: {  	v35 =	vmul.f32 v27, v39;
	[tilespmem:s15+$0x10] =	vst v34;
	v26 =	vpop (erf)  }
0xa0: {  	[tilespmem:s15+$0xFFFFFFB0] =	vst v22;
	v34 =	vmul.f32 v26, v40;
	v26 =	vpop (erf)  }
0xa1: {  	[tilespmem:s15+$0xFFFFFFE0] =	vst v35;
	v35 =	vmul.f32 v26, v41;
	v27 =	vpop (erf)  }
0xa2: {  	v27 =	vmul.f32 v27, v36;
	[tilespmem:s15+$0x30] =	vst v34;
	v22 =	vpop (erf)  }
0xa3: {  	[tilespmem:s15+$0xFFFFFFF0] =	vst v35;
	v22 =	vmul.f32 v22, v38;
	v26 =	vpop (erf)  }
0xa4: {  	[tilespmem:s15+$0xFFFFFFD0] =	vst v27;
	v26 =	vmul.f32 v26, v37  }
0xa5: {  	[tilespmem:s15+$0x20] =	vst v22  }
0xa6: {  	[tilespmem:s15+$0x50] =	vst v26;
	s15 =	smov.u32 s16  }
0xa7: {  	v22 =	vld [tilespmem:s13+$0x10];
	_ =	sdelay $0x4  }
0xa8: {  	v35 =	vbroadcast v22, $0x4;
	v27 =	vbroadcast v22, $0x9  }
0xa9: {  	v41 =	vbroadcast v22, $0x6;
	v26 =	vbroadcast v22, $0x7  }
0xaa: {  	v36 =	vmul.f32 v35, v7;
	v34 =	vmul.f32 v27, v17  }
0xab: {  	v40 =	vbroadcast v22, $0x8;
	v37 =	vmul.f32 v26, v13  }
0xac: {  	v42 =	vbroadcast v22, $0x5;
	v43 =	vmul.f32 v26, v14;
	v26 =	vadd.f32 v34, v19  }
0xad: {  	v39 =	vmul.f32 v41, v11;
	v34 =	vadd.f32 v37, v20;
	v37 =	vmul.f32 v27, v18  }
.Ltmp4:
0xae: {  	v38 =	vmul.f32 v40, v15;
	v22 =	vadd.f32 v36, v21;
	v44 =	vsub.f32 $0.0e+00, v26;
	(pc) =	sbr.rel @p0 .LBB2_10-.Ltmp4, $4  }
0xaf: {  	v45 =	vmul.f32 v42, v9;
	v36 =	vmul.f32 v42, v10;
	v27 =	vadd.f32 v43, v23  }
0xb0: {  	v40 =	vmul.f32 v40, v16;
	v42 =	vsub.f32 $0.0e+00, v22;
	v46 =	vmul.f32 $1.442695020e+00, v44  }
0xb1: {  	v43 =	vsub.f32 $0.0e+00, v27;
	v44 =	vmul.f32 v35, v8;
	v35 =	vadd.f32 v45, v32  }
0xb2: {  	v41 =	vmul.f32 v41, v12;
	v45 =	vsub.f32 $0.0e+00, v34;
	(erf) = vpow2.f32 v46  }
0xb3: {  	v7 =	vmul.f32 $1.442695020e+00, v42;
	v8 =	vadd.f32 v44, v24  }
0xb4: {  	v9 =	vsub.f32 $0.0e+00, v35;
	v11 =	vadd.f32 v36, v28  }
0xb5: {  	v10 =	vmul.f32 $1.442695020e+00, v45;
	(erf) = vpow2.f32 v7;
	v7 =	vadd.f32 v39, v29  }
0xb6: {  	v14 =	vadd.f32 v40, v33;
	v12 =	vsub.f32 $0.0e+00, v8;
	v9 =	vmul.f32 $1.442695020e+00, v9  }
0xb7: {  	(erf) = vpow2.f32 v10;
	v10 =	vmul.f32 $1.442695020e+00, v43;
	v15 =	vsub.f32 $0.0e+00, v7  }
0xb8: {  	v13 =	vadd.f32 v41, v30;
	v12 =	vmul.f32 $1.442695020e+00, v12;
	(erf) = vpow2.f32 v9  }
0xb9: {  	(erf) = vpow2.f32 v10;
	v10 =	vmul.f32 $1.442695020e+00, v15;
	v15 =	vadd.f32 v38, v25  }
0xba: {  	v16 =	vsub.f32 $0.0e+00, v14;
	(erf) = vpow2.f32 v12;
	v12 =	vsub.f32 $0.0e+00, v11  }
0xbb: {  	v9 =	vsub.f32 $0.0e+00, v13;
	v18 =	vsub.f32 $0.0e+00, v15  }
0xbc: {  	v17 =	vadd.f32 v37, v31;
	v16 =	vmul.f32 $1.442695020e+00, v16;
	v12 =	vmul.f32 $1.442695020e+00, v12  }
0xbd: {  	v9 =	vmul.f32 $1.442695020e+00, v9;
	(erf) = vpow2.f32 v10  }
0xbe: {  	v19 =	vsub.f32 $0.0e+00, v17;
	v10 =	vpop (erf);
	(erf) = vpow2.f32 v16;
	v16 =	vmul.f32 $1.442695020e+00, v18  }
0xbf: {  	v18 =	vpop (erf);
	(erf) = vpow2.f32 v9  }
0xc0: {  	v9 =	vmul.f32 $1.442695020e+00, v19;
	(erf) = vpow2.f32 v12;
	v12 =	vpop (erf)  }
0xc1: {  	v12 =	vadd.f32 $1.000000000e+00, v12;
	(erf) = vpow2.f32 v16  }
0xc2: {  	v10 =	vadd.f32 $1.000000000e+00, v10;
	v16 =	vpop (erf);
	(erf) = vpow2.f32 v9  }
0xc3: {  	v9 =	vadd.f32 $1.000000000e+00, v16;
	v16 =	vpop (erf);
	(erf) = vrcp.f32 v12;
	v12 =	vadd.f32 $1.000000000e+00, v18  }
0xc4: {  	(erf) = vrcp.f32 v10;
	v10 =	vadd.f32 $1.000000000e+00, v16;
	v16 =	vpop (erf)  }
0xc5: {  	(erf) = vrcp.f32 v9;
	v9 =	vadd.f32 $1.000000000e+00, v16;
	_ =	sdelay $0x1  }
0xc6: {  	(erf) = vrcp.f32 v12;
	v12 =	vpop (erf)  }
0xc7: {  	(erf) = vrcp.f32 v10;
	v10 =	vpop (erf)  }
0xc8: {  	v12 =	vadd.f32 $1.000000000e+00, v12;
	(erf) = vrcp.f32 v9;
	v9 =	vpop (erf)  }
0xc9: {  	v10 =	vadd.f32 $1.000000000e+00, v10;
	v9 =	vadd.f32 $1.000000000e+00, v9;
	v16 =	vpop (erf)  }
0xca: {  	(erf) = vrcp.f32 v12;
	v12 =	vadd.f32 $1.000000000e+00, v16;
	v16 =	vpop (erf)  }
0xcb: {  	(erf) = vrcp.f32 v10;
	v10 =	vadd.f32 $1.000000000e+00, v16;
	_ =	sdelay $0x1  }
0xcc: {  	(erf) = vrcp.f32 v9;
	v9 =	vpop (erf)  }
0xcd: {  	(erf) = vrcp.f32 v12;
	v12 =	vpop (erf)  }
0xce: {  	(erf) = vrcp.f32 v10;
	v12 =	vmul.f32 v12, v34;
	v10 =	vpop (erf)  }
0xcf: {  	v10 =	vmul.f32 v10, v26  }
0xd0: {  	v9 =	vadd.f32 $1.000000000e+00, v9  }
0xd1: {  	v16 =	vpop (erf)  }
0xd2: {  	(erf) = vrcp.f32 v9;
	v9 =	vmul.f32 v16, v35;
	[tilespmem:s15+$0x0] =	vst v12;
	v12 =	vpop (erf)  }
0xd3: {  	[tilespmem:s15+$0x40] =	vst v10;
	v10 =	vpop (erf)  }
0xd4: {  	[tilespmem:s15+$0xFFFFFFC0] =	vst v9;
	v9 =	vmul.f32 v10, v27;
	_ =	sdelay $0x1  }
0xd5: {  	v10 =	vpop (erf)  }
0xd6: {  	v8 =	vmul.f32 v10, v8;
	v10 =	vpop (erf)  }
0xd7: {  	v12 =	vmul.f32 v12, v22;
	[tilespmem:s15+$0x10] =	vst v9;
	v9 =	vpop (erf)  }
0xd8: {  	v7 =	vmul.f32 v10, v7;
	v10 =	vmul.f32 v9, v14  }
0xd9: {  	s1 =	simm.s32 $0x0;
	[tilespmem:s15+$0xFFFFFFA0] =	vst v12  }
0xda: {  	[tilespmem:s15+$0xFFFFFFB0] =	vst v8;
	v8 =	vor.u32 s1, v6;
	v9 =	vpop (erf)  }
0xdb: {  	[tilespmem:s15+$0xFFFFFFE0] =	vst v7;
	v7 =	vmul.f32 v9, v13;
	v12 =	vpop (erf);
	v9 =	vcvt.s32.f32 v8  }
0xdc: {  	v11 =	vmul.f32 v12, v11;
	[tilespmem:s15+$0x30] =	vst v10;
	v10 =	vpop (erf)  }
0xdd: {  	[tilespmem:s15+$0xFFFFFFF0] =	vst v7;
	v12 =	vmul.f32 $5.000000070e-02, v9;
	v7 =	vmul.f32 v10, v15;
	v10 =	vpop (erf)  }
0xde: {  	[tilespmem:s15+$0xFFFFFFD0] =	vst v11;
	v10 =	vmul.f32 v10, v17  }
0xdf: {  	[tilespmem:s15+$0x20] =	vst v7;
	v7 =	vtrunc.f32 v12  }
0xe0: {  	[tilespmem:s15+$0x50] =	vst v10;
	v12 =	vcvt.f32.s32 v7  }
0xe1: {  	s13 =	simm.s32 $0x10;
	_ =	swait.ge [sflag:s26], $0xA000  }
0xe2: {  	v7 =	vor.u32 s13, v6;
	[sflag:s26] =	ssyncset.done $0x0;
	v11 =	vmul.u32 $0xFFFFFFEC, v12  }
0xe3: {  	v10 =	vcvt.s32.f32 v7;
	[sflag:s26] =	ssyncadd.s32 $0xFFFF6000  }
0xe4: {  	[hbm4b:s2+s23] =	stream.indirect.scatter [tilespmem:s25], [sflag:$0x1], $0x20, s28, s23, $0xb8;
	v11 =	vadd.s32 v8, v11;
	[tilespmem:$0x1C880] =	vst v63  }
0xe5: {  	v14 =	vshll.u32 v12, $0x5;
	v15 =	vmul.f32 $5.000000070e-02, v10;
	v13 =	vand.u32 $0xFFFFFFF8, v11  }
0xe6: {  	v11 =	vand.u32 $0x7, v11;
	[hbm4b:s2+s29] =	stream.indirect.scatter [tilespmem:s31], [sflag:$0x1], $0x20, s30, s29, $0xb8;
	v13 =	vadd.s32 v14, v13;
	[tilespmem:$0x1C880] =	vst v63  }
0xe7: {  	s13 =	simm.s32 $0x20;
	s19 =	rddreg [dreg:$0x7];
	v14 =	vor.u32 v11, v13;
	v11 =	vtrunc.f32 v15  }
0xe8: {  	[tilespmem:s1], [sflag:$0x2] =	stream.linear.gather [hbm4b:s19+s1], $0x800, $0x38;
	v13 =	vcvt.f32.s32 v11;
	[tilespmem:$0x1C880] =	vst v63  }
0xe9: {  	v11 =	vor.u32 s13, v6;
	_ =	swait.ge [sflag:s0], $0x800  }
0xea: {  	v16 =	vcvt.s32.f32 v11;
	[sflag:s0] =	ssyncset.done $0x0;
	v15 =	vmul.u32 $0xFFFFFFEC, v13  }
0xeb: {  	[sflag:s0] =	ssyncadd.s32 $0xFFFFF800  }
0xec: {  	v17 =	vld.idx.msk [tilespmem:v14+s21+$0x0], $0xffff;
	v14 =	vadd.s32 v7, v15;
	v15 =	vmul.f32 $5.000000070e-02, v16  }
0xed: {  	v19 =	vmul.u32 $0x6, v12;
	v18 =	vshll.u32 v13, $0x5;
	v16 =	vand.u32 $0xFFFFFFF8, v14  }
0xee: {  	v20 =	vand.u32 $0x7, v14;
	v15 =	vtrunc.f32 v15;
	v16 =	vadd.s32 v18, v16  }
0xef: {  	v14 =	vcvt.f32.s32 v15;
	v15 =	vadd.s32 v2, v8;
	v16 =	vor.u32 v20, v16  }
0xf0: {  	v15 =	vadd.s32 v19, v15  }
0xf1: {  	s16 =	simm.s32 $0x30;
	s1 =	simm.s32 $0xEB80  }
0xf2: {  	s15 =	simm.s32 $0xF080;
	v12 =	vor.u32 s16, v6;
	[tilespmem:s1+$0x0] =	vst v17;
	v17 =	vmul.u32 $0xFFFFFFEC, v14  }
0xf3: {  	s16 =	simm.s32 $0x40;
	v18 =	vcvt.s32.f32 v12;
	[tilespmem:s15+$0x0] =	vst v15;
	v15 =	vmov v7  }
.LBB2_12:
0xf4: {  	p0 =	sne.s32 s16, $0x4F0;
	v17 =	vadd.s32 v11, v17;
	v19 =	vld.idx.msk [tilespmem:v16+s21+$0x0], $0xffff  }
0xf5: {  	v20 =	vshll.u32 v14, $0x5;
	v16 =	vmul.f32 $5.000000070e-02, v18;
	v18 =	vand.u32 $0xFFFFFFF8, v17  }
0xf6: {  	v17 =	vand.u32 $0x7, v17;
	v18 =	vadd.s32 v20, v18  }
.Ltmp5:
0xf7: {  	v20 =	vtrunc.f32 v16;
	v16 =	vor.u32 v17, v18;
	(pc) =	sbr.rel @p0 .LBB2_12-.Ltmp5, $4  }
0xf8: {  	v18 =	vmul.u32 $0x6, v13;
	v13 =	vmov v14;
	v14 =	vcvt.f32.s32 v20  }
0xf9: {  	s1 =	sadd.s32 $0x10, s1;
	v20 =	vadd.s32 v2, v15;
	v15 =	vmov v11;
	v11 =	vmov v12  }
0xfa: {  	s15 =	sadd.s32 $0x10, s15;
	v12 =	vor.u32 s16, v6;
	v17 =	vmul.u32 $0xFFFFFFEC, v14;
	[tilespmem:s1+$0x0] =	vst v19;
	v19 =	vadd.s32 v18, v20  }
0xfb: {  	s16 =	sadd.s32 $0x10, s16;
	v18 =	vcvt.s32.f32 v12;
	[tilespmem:s15+$0x0] =	vst v19  }
0xfc: {  	_ =	sdelay $0x2  }
0xfd: {  	v17 =	vadd.s32 v11, v17;
	v18 =	vmul.f32 $5.000000070e-02, v18  }
0xfe: {  	v16 =	vld.idx.msk [tilespmem:v16+s21+$0x0], $0xffff;
	v20 =	vshll.u32 v14, $0x5;
	v19 =	vand.u32 $0xFFFFFFF8, v17  }
0xff: {  	v17 =	vand.u32 $0x7, v17;
	v19 =	vadd.s32 v20, v19;
	v18 =	vtrunc.f32 v18  }
0x100: {  	v17 =	vor.u32 v17, v19;
	v18 =	vcvt.f32.s32 v18  }
0x101: {  	v13 =	vmul.u32 $0x6, v13  }
0x102: {  	v15 =	vadd.s32 v2, v15;
	s1 =	sadd.s32 $0x10, s1;
	v56 =	vmul.u32 $0xFFFFFFEC, v18  }
0x103: {  	s15 =	sadd.s32 $0x10, s15;
	v13 =	vadd.s32 v13, v15;
	[tilespmem:s1+$0x0] =	vst v16  }
0x104: {  	[tilespmem:s15+$0x0] =	vst v13;
	v57 =	vadd.s32 v12, v56  }
0x105: {  	v60 =	vshll.u32 v18, $0x5;
	v58 =	vld.idx.msk [tilespmem:v17+s21+$0x0], $0xffff;
	v59 =	vand.u32 $0xFFFFFFF8, v57  }
0x106: {  	v13 =	vand.u32 $0x7, v57;
	v16 =	vadd.s32 v60, v59  }
0x107: {  	v13 =	vor.u32 v13, v16  }
0x108: {  	v61 =	vmul.u32 $0x6, v14  }
0x109: {  	v11 =	vadd.s32 v2, v11;
	s1 =	sadd.s32 $0x10, s1  }
0x10a: {  	v11 =	vadd.s32 v61, v11;
	s15 =	sadd.s32 $0x10, s15;
	[tilespmem:s1+$0x0] =	vst v58  }
0x10b: {  	v9 =	vmul.f32 $1.666666720e-01, v9;
	[tilespmem:s15+$0x0] =	vst v11  }
0x10c: {  	v11 =	vld.idx.msk [tilespmem:v13+s21+$0x0], $0xffff  }
0x10d: {  	v9 =	vtrunc.f32 v9  }
0x10e: {  	v9 =	vcvt.f32.s32 v9  }
0x10f: {  	v62 =	vmul.u32 $0x6, v18  }
0x110: {  	v63 =	vadd.s32 v2, v12;
	v9 =	vmul.u32 $0x14, v9;
	s1 =	sadd.s32 $0x10, s1  }
0x111: {  	v10 =	vmul.f32 $1.666666720e-01, v10;
	v8 =	vadd.s32 v3, v8;
	s19 =	sadd.s32 $0x10, s15;
	[tilespmem:s1+$0x0] =	vst v11;
	v11 =	vadd.s32 v62, v63  }
0x112: {  	v9 =	vadd.s32 v9, v8;
	s1 =	simm.s32 $0xF580;
	[tilespmem:s19+$0x0] =	vst v11  }
0x113: {  	v8 =	vtrunc.f32 v10;
	[tilespmem:s1+$0x0] =	vst v9  }
.LBB2_14:
0x114: {  	v9 =	vor.u32 s13, v6;
	p0 =	sne.s32 s13, $0x170;
	s13 =	sadd.s32 $0x10, s13;
	v8 =	vcvt.f32.s32 v8  }
.Ltmp6:
0x115: {  	v10 =	vcvt.s32.f32 v9;
	(pc) =	sbr.rel @p0 .LBB2_14-.Ltmp6, $4  }
0x116: {  	v8 =	vmul.u32 $0x14, v8  }
0x117: {  	v11 =	vadd.s32 v3, v7;
	v7 =	vmov v9;
	v10 =	vmul.f32 $1.666666720e-01, v10  }
0x118: {  	s1 =	sadd.s32 $0x10, s1;
	v9 =	vadd.s32 v8, v11  }
0x119: {  	v8 =	vtrunc.f32 v10;
	[tilespmem:s1+$0x0] =	vst v9  }
0x11a: {  	v8 =	vcvt.f32.s32 v8;
	_ =	sdelay $0x1  }
0x11b: {  	v8 =	vmul.u32 $0x14, v8  }
0x11c: {  	v7 =	vadd.s32 v3, v7  }
0x11d: {  	s1 =	sadd.s32 $0x10, s1;
	v7 =	vadd.s32 v8, v7  }
0x11e: {  	s17 =	simm.s32 $0xEB80;
	[tilespmem:s1+$0x0] =	vst v7  }
0x11f: {  	[tilespmem:s18], [sflag:$0x5] =	stream.indirect.gather [hbm4b:s5+s23], $0x20, s17, s23, $0xb8;
	[tilespmem:$0x1C880] =	vst v63  }
0x120: {  	v7 =	vld [tilespmem:$0x1C700]  }
0x121: {  	v8 =	vld [tilespmem:$0x1C710]  }
0x122: {  	v9 =	vld [tilespmem:$0x1C720]  }
0x123: {  	v10 =	vld [tilespmem:$0x1C730]  }
0x124: {  	v11 =	vld [tilespmem:$0x1C740]  }
0x125: {  	v12 =	vld [tilespmem:$0x1C750]  }
0x126: {  	v13 =	vld [tilespmem:$0x1C760]  }
0x127: {  	s19 =	simm.s32 $0x0;
	v14 =	vld [tilespmem:$0x1C770]  }
0x128: {  	v22 =	vld [tilespmem:s19+$0xE390]  }
0x129: {  	v15 =	vld [tilespmem:$0x1C780]  }
0x12a: {  	v16 =	vld [tilespmem:$0x1C790]  }
0x12b: {  	v17 =	vld [tilespmem:$0x1C7A0]  }
0x12c: {  	v18 =	vld [tilespmem:$0x1C7B0]  }
0x12d: {  	v19 =	vld [tilespmem:$0x1C860];
	v31 =	vbroadcast v22, $0x4  }
0x12e: {  	v20 =	vld [tilespmem:$0x1C820];
	v25 =	vbroadcast v22, $0x9;
	v41 =	vbroadcast v22, $0x6  }
0x12f: {  	v21 =	vld [tilespmem:$0x1C7C0];
	v26 =	vbroadcast v22, $0x7;
	v33 =	vbroadcast v22, $0x8  }
0x130: {  	v23 =	vld [tilespmem:$0x1C830];
	v35 =	vbroadcast v22, $0x5;
	v28 =	vmul.f32 v25, v17  }
0x131: {  	v24 =	vld [tilespmem:$0x1C7D0];
	v27 =	vmul.f32 v31, v7;
	v29 =	vmul.f32 v26, v13  }
0x132: {  	v32 =	vld [tilespmem:$0x1C7E0];
	v40 =	vmul.f32 v26, v14;
	v39 =	vmul.f32 v41, v11;
	v26 =	vadd.f32 v28, v19  }
0x133: {  	v30 =	vld [tilespmem:$0x1C810];
	v37 =	vmul.f32 v25, v18;
	v38 =	vmul.f32 v33, v15  }
0x134: {  	v45 =	vmul.f32 v35, v9;
	v36 =	vmul.f32 v35, v10;
	v25 =	vld [tilespmem:$0x1C840];
	v43 =	vsub.f32 $0.0e+00, v26  }
0x135: {  	v44 =	vmul.f32 v31, v8;
	v31 =	vld [tilespmem:$0x1C870];
	v41 =	vmul.f32 v41, v12;
	v22 =	vadd.f32 v27, v21  }
0x136: {  	v28 =	vld [tilespmem:$0x1C7F0];
	v34 =	vadd.f32 v29, v20;
	v27 =	vadd.f32 v40, v23;
	v46 =	vmul.f32 $1.442695020e+00, v43  }
0x137: {  	v29 =	vld [tilespmem:$0x1C800];
	v40 =	vmul.f32 v33, v16;
	v35 =	vadd.f32 v45, v32;
	v42 =	vsub.f32 $0.0e+00, v22  }
0x138: {  	s16 =	simm.s32 $0x19760;
	s15 =	simm.s32 $0x19760;
	s17 =	simm.s32 $0x80;
	v33 =	vld [tilespmem:$0x1C850];
	v45 =	vsub.f32 $0.0e+00, v34;
	v43 =	vsub.f32 $0.0e+00, v27;
	(erf) = vpow2.f32 v46  }
.LBB2_16:
0x139: {  	p0 =	sne.s32 s17, $0x1F80  }
0x13a: {  	v42 =	vmul.f32 $1.442695020e+00, v42;
	v44 =	vadd.f32 v44, v24;
	v43 =	vmul.f32 $1.442695020e+00, v43;
	s16 =	sadd.s32 $0xC0, s16;
	s1 =	smov.u32 s17;
	s17 =	sadd.s32 $0x80, s17  }
0x13b: {  	v46 =	vsub.f32 $0.0e+00, v35;
	v36 =	vadd.f32 v36, v28;
	v45 =	vmul.f32 $1.442695020e+00, v45  }
0x13c: {  	v39 =	vadd.f32 v39, v29;
	v47 =	vsub.f32 $0.0e+00, v44;
	(erf) = vpow2.f32 v42  }
0x13d: {  	v41 =	vadd.f32 v41, v30;
	v42 =	vmul.f32 $1.442695020e+00, v46;
	(erf) = vpow2.f32 v45  }
0x13e: {  	v40 =	vadd.f32 v40, v33;
	v45 =	vsub.f32 $0.0e+00, v39  }
0x13f: {  	v48 =	vsub.f32 $0.0e+00, v41;
	v46 =	vmul.f32 $1.442695020e+00, v47;
	(erf) = vpow2.f32 v42  }
0x140: {  	v42 =	vmul.f32 $1.442695020e+00, v45;
	v45 =	vsub.f32 $0.0e+00, v40;
	(erf) = vpow2.f32 v43  }
0x141: {  	v38 =	vadd.f32 v38, v25;
	v43 =	vmul.f32 $1.442695020e+00, v48;
	(erf) = vpow2.f32 v46  }
0x142: {  	v37 =	vadd.f32 v37, v31;
	v46 =	vsub.f32 $0.0e+00, v36;
	v45 =	vmul.f32 $1.442695020e+00, v45;
	v47 =	vpop (erf)  }
0x143: {  	v49 =	vsub.f32 $0.0e+00, v38;
	v47 =	vadd.f32 $1.000000000e+00, v47;
	(erf) = vpow2.f32 v42  }
0x144: {  	v50 =	vmul.f32 $1.442695020e+00, v46;
	v46 =	vsub.f32 $0.0e+00, v37;
	(erf) = vpow2.f32 v45  }
0x145: {  	v49 =	vmul.f32 $1.442695020e+00, v49;
	v48 =	vpop (erf);
	(erf) = vpow2.f32 v43  }
0x146: {  	v46 =	vmul.f32 $1.442695020e+00, v46;
	v43 =	vadd.f32 $1.000000000e+00, v48;
	(erf) = vpow2.f32 v50;
	v42 =	vpop (erf)  }
0x147: {  	v48 =	vadd.f32 $1.000000000e+00, v42;
	(erf) = vpow2.f32 v49  }
0x148: {  	v45 =	vpop (erf);
	(erf) = vpow2.f32 v46  }
0x149: {  	s13 =	sshra.s32 s1, $0x2;
	v45 =	vadd.f32 $1.000000000e+00, v45;
	(erf) = vrcp.f32 v48;
	v42 =	vpop (erf)  }
0x14a: {  	v48 =	vadd.f32 $1.000000000e+00, v42;
	v46 =	vpop (erf);
	(erf) = vrcp.f32 v47  }
0x14b: {  	v46 =	vadd.f32 $1.000000000e+00, v46;
	(erf) = vrcp.f32 v45  }
0x14c: {  	(erf) = vrcp.f32 v43;
	v43 =	vpop (erf)  }
0x14d: {  	v43 =	vadd.f32 $1.000000000e+00, v43;
	(erf) = vrcp.f32 v48;
	v42 =	vpop (erf)  }
0x14e: {  	v42 =	vadd.f32 $1.000000000e+00, v42;
	(erf) = vrcp.f32 v46;
	v45 =	vpop (erf)  }
0x14f: {  	v47 =	vadd.f32 $1.000000000e+00, v45;
	v46 =	vpop (erf);
	(erf) = vrcp.f32 v43  }
0x150: {  	v48 =	vadd.f32 $1.000000000e+00, v46;
	v46 =	vpop (erf);
	(erf) = vrcp.f32 v42  }
0x151: {  	v46 =	vadd.f32 $1.000000000e+00, v46;
	(erf) = vrcp.f32 v47;
	v45 =	vpop (erf)  }
0x152: {  	v45 =	vadd.f32 $1.000000000e+00, v45;
	(erf) = vrcp.f32 v48;
	v43 =	vpop (erf)  }
0x153: {  	v43 =	vmul.f32 v43, v34;
	(erf) = vrcp.f32 v46;
	v42 =	vpop (erf)  }
0x154: {  	v46 =	vmul.f32 v42, v26;
	v42 =	vpop (erf);
	(erf) = vrcp.f32 v45  }
0x155: {  	v35 =	vmul.f32 v42, v35;
	[tilespmem:s15+$0x0] =	vst v43;
	v34 =	vpop (erf)  }
0x156: {  	v22 =	vmul.f32 v34, v22;
	[tilespmem:s15+$0x40] =	vst v46;
	v26 =	vpop (erf)  }
0x157: {  	[tilespmem:s15+$0xFFFFFFC0] =	vst v35;
	v34 =	vmul.f32 v26, v27;
	v27 =	vpop (erf)  }
0x158: {  	[tilespmem:s15+$0xFFFFFFA0] =	vst v22;
	v22 =	vmul.f32 v27, v44;
	v27 =	vpop (erf)  }
0x159: {  	v35 =	vmul.f32 v27, v39;
	[tilespmem:s15+$0x10] =	vst v34;
	v26 =	vpop (erf)  }
0x15a: {  	[tilespmem:s15+$0xFFFFFFB0] =	vst v22;
	v34 =	vmul.f32 v26, v40;
	v26 =	vpop (erf)  }
0x15b: {  	[tilespmem:s15+$0xFFFFFFE0] =	vst v35;
	v35 =	vmul.f32 v26, v41;
	v27 =	vpop (erf)  }
0x15c: {  	v27 =	vmul.f32 v27, v36;
	[tilespmem:s15+$0x30] =	vst v34;
	v22 =	vpop (erf)  }
0x15d: {  	[tilespmem:s15+$0xFFFFFFF0] =	vst v35;
	v22 =	vmul.f32 v22, v38;
	v26 =	vpop (erf)  }
0x15e: {  	[tilespmem:s15+$0xFFFFFFD0] =	vst v27;
	v26 =	vmul.f32 v26, v37  }
0x15f: {  	[tilespmem:s15+$0x20] =	vst v22  }
0x160: {  	[tilespmem:s15+$0x50] =	vst v26;
	s15 =	smov.u32 s16  }
0x161: {  	v22 =	vld [tilespmem:s13+$0xE390];
	_ =	sdelay $0x4  }
0x162: {  	v35 =	vbroadcast v22, $0x4;
	v27 =	vbroadcast v22, $0x9  }
0x163: {  	v41 =	vbroadcast v22, $0x6;
	v26 =	vbroadcast v22, $0x7  }
0x164: {  	v36 =	vmul.f32 v35, v7;
	v34 =	vmul.f32 v27, v17  }
0x165: {  	v40 =	vbroadcast v22, $0x8;
	v37 =	vmul.f32 v26, v13  }
0x166: {  	v42 =	vbroadcast v22, $0x5;
	v43 =	vmul.f32 v26, v14;
	v26 =	vadd.f32 v34, v19  }
0x167: {  	v39 =	vmul.f32 v41, v11;
	v34 =	vadd.f32 v37, v20;
	v37 =	vmul.f32 v27, v18  }
.Ltmp7:
0x168: {  	v38 =	vmul.f32 v40, v15;
	v22 =	vadd.f32 v36, v21;
	v44 =	vsub.f32 $0.0e+00, v26;
	(pc) =	sbr.rel @p0 .LBB2_16-.Ltmp7, $4  }
0x169: {  	v45 =	vmul.f32 v42, v9;
	v36 =	vmul.f32 v42, v10;
	v27 =	vadd.f32 v43, v23  }
0x16a: {  	v40 =	vmul.f32 v40, v16;
	v42 =	vsub.f32 $0.0e+00, v22;
	v46 =	vmul.f32 $1.442695020e+00, v44  }
0x16b: {  	v43 =	vsub.f32 $0.0e+00, v27;
	v44 =	vmul.f32 v35, v8;
	v35 =	vadd.f32 v45, v32  }
0x16c: {  	v41 =	vmul.f32 v41, v12;
	v45 =	vsub.f32 $0.0e+00, v34;
	(erf) = vpow2.f32 v46  }
0x16d: {  	v7 =	vmul.f32 $1.442695020e+00, v42  }
0x16e: {  	v8 =	vadd.f32 v44, v24;
	v9 =	vsub.f32 $0.0e+00, v35;
	v10 =	vmul.f32 $1.442695020e+00, v45  }
0x16f: {  	v11 =	vadd.f32 v36, v28;
	v14 =	vadd.f32 v40, v33;
	(erf) = vpow2.f32 v7  }
0x170: {  	v7 =	vadd.f32 v39, v29;
	v9 =	vmul.f32 $1.442695020e+00, v9;
	(erf) = vpow2.f32 v10  }
0x171: {  	v21 =	vmul.f32 $1.442695020e+00, v43;
	v28 =	vadd.f32 v38, v25;
	v12 =	vsub.f32 $0.0e+00, v8  }
0x172: {  	v13 =	vadd.f32 v41, v30;
	v15 =	vsub.f32 $0.0e+00, v7;
	(erf) = vpow2.f32 v9  }
0x173: {  	v17 =	vadd.f32 v37, v31;
	v16 =	vsub.f32 $0.0e+00, v14;
	v12 =	vmul.f32 $1.442695020e+00, v12  }
0x174: {  	v23 =	vsub.f32 $0.0e+00, v13;
	(erf) = vpow2.f32 v21;
	v24 =	vmul.f32 $1.442695020e+00, v15  }
0x175: {  	v29 =	vsub.f32 $0.0e+00, v11;
	v16 =	vmul.f32 $1.442695020e+00, v16;
	(erf) = vpow2.f32 v12  }
0x176: {  	v18 =	vsub.f32 $0.0e+00, v28;
	v9 =	vmul.f32 $1.442695020e+00, v23;
	(erf) = vpow2.f32 v24  }
0x177: {  	v19 =	vsub.f32 $0.0e+00, v17;
	v12 =	vmul.f32 $1.442695020e+00, v29;
	v30 =	vpop (erf);
	(erf) = vpow2.f32 v16  }
0x178: {  	v31 =	vmul.f32 $1.442695020e+00, v18;
	v32 =	vpop (erf);
	(erf) = vpow2.f32 v9  }
0x179: {  	v33 =	vmul.f32 $1.442695020e+00, v19;
	(erf) = vpow2.f32 v12;
	v36 =	vpop (erf)  }
0x17a: {  	v12 =	vadd.f32 $1.000000000e+00, v36;
	(erf) = vpow2.f32 v31  }
0x17b: {  	v10 =	vadd.f32 $1.000000000e+00, v30;
	v37 =	vpop (erf);
	(erf) = vpow2.f32 v33  }
0x17c: {  	v38 =	vadd.f32 $1.000000000e+00, v37;
	(erf) = vrcp.f32 v12  }
0x17d: {  	v39 =	vadd.f32 $1.000000000e+00, v32;
	v40 =	vpop (erf);
	(erf) = vrcp.f32 v10  }
0x17e: {  	v41 =	vadd.f32 $1.000000000e+00, v40;
	v42 =	vpop (erf);
	(erf) = vrcp.f32 v38  }
0x17f: {  	v43 =	vadd.f32 $1.000000000e+00, v42;
	v44 =	vpop (erf);
	(erf) = vrcp.f32 v39  }
0x180: {  	v12 =	vadd.f32 $1.000000000e+00, v44;
	v45 =	vpop (erf);
	(erf) = vrcp.f32 v41  }
0x181: {  	v10 =	vadd.f32 $1.000000000e+00, v45;
	(erf) = vrcp.f32 v43;
	v46 =	vpop (erf)  }
0x182: {  	v47 =	vpop (erf);
	(erf) = vrcp.f32 v12  }
0x183: {  	v49 =	vpop (erf);
	(erf) = vrcp.f32 v10  }
0x184: {  	v9 =	vadd.f32 $1.000000000e+00, v46;
	v51 =	vpop (erf)  }
0x185: {  	v48 =	vadd.f32 $1.000000000e+00, v47;
	v52 =	vpop (erf)  }
0x186: {  	v50 =	vadd.f32 $1.000000000e+00, v49;
	(erf) = vrcp.f32 v9;
	v53 =	vpop (erf)  }
0x187: {  	v9 =	vadd.f32 $1.000000000e+00, v51;
	(erf) = vrcp.f32 v48;
	v54 =	vpop (erf)  }
0x188: {  	v12 =	vmul.f32 v52, v34;
	(erf) = vrcp.f32 v50;
	v56 =	vpop (erf)  }
0x189: {  	v10 =	vmul.f32 v53, v26;
	(erf) = vrcp.f32 v9;
	v57 =	vpop (erf)  }
0x18a: {  	v55 =	vmul.f32 v54, v35;
	[tilespmem:s15+$0x0] =	vst v12;
	v59 =	vpop (erf)  }
0x18b: {  	[tilespmem:s15+$0x40] =	vst v10;
	v8 =	vmul.f32 v59, v8;
	v60 =	vpop (erf)  }
0x18c: {  	v12 =	vmul.f32 v56, v22;
	[tilespmem:s15+$0xFFFFFFC0] =	vst v55;
	v61 =	vpop (erf)  }
0x18d: {  	v58 =	vmul.f32 v57, v27;
	[tilespmem:s15+$0xFFFFFFB0] =	vst v8;
	v8 =	vmul.f32 v61, v14  }
0x18e: {  	[tilespmem:s15+$0xFFFFFFA0] =	vst v12;
	v7 =	vmul.f32 v60, v7  }
0x18f: {  	[tilespmem:s15+$0x10] =	vst v58;
	v62 =	vpop (erf)  }
0x190: {  	[tilespmem:s15+$0xFFFFFFE0] =	vst v7;
	v7 =	vmul.f32 v62, v13;
	v63 =	vpop (erf)  }
0x191: {  	v9 =	vmul.f32 v63, v11;
	[tilespmem:s15+$0x30] =	vst v8;
	v8 =	vpop (erf)  }
0x192: {  	[tilespmem:s15+$0xFFFFFFF0] =	vst v7;
	v7 =	vmul.f32 v8, v28;
	v8 =	vpop (erf)  }
0x193: {  	[tilespmem:s15+$0xFFFFFFD0] =	vst v9;
	v8 =	vmul.f32 v8, v17  }
0x194: {  	[tilespmem:s15+$0x20] =	vst v7  }
0x195: {  	[tilespmem:s15+$0x50] =	vst v8  }
0x196: {  	_ =	swait.ge [sflag:s26], $0xA000  }
0x197: {  	[sflag:s26] =	ssyncset.done $0x0  }
0x198: {  	[sflag:s26] =	ssyncadd.s32 $0xFFFF6000  }
0x199: {  	[hbm4b:s2+s23] =	stream.indirect.scatter [tilespmem:s18], [sflag:$0x3], $0x20, s20, s23, $0xb8;
	[tilespmem:$0x1C880] =	vst v63  }
0x19a: {  	_ = 	snop  }
0x19b: {  	[hbm4b:s2+s29] =	stream.indirect.scatter [tilespmem:s8], [sflag:$0x3], $0x20, s6, s29, $0xb8;
	[tilespmem:$0x1C880] =	vst v63  }
0x19c: {  	s15 =	simm.s32 $0x1;
	s1 =	rddreg [dreg:$0x8]  }
0x19d: {  	[tilespmem:s21], [sflag:$0x4] =	stream.linear.gather [hbm4b:s1+s3], $0x800, $0x38;
	[tilespmem:$0x1C880] =	vst v63  }
.LBB2_18:
0x19e: {  	s16 =	sshll.u32 s15, $0x7  }
0x19f: {  	s1 =	sadd.s32 s7, s16  }
0x1a0: {  	s13 =	smul.u32 $0x1A, s1;
	s1 =	simm.s32 $0x0  }
0x1a1: {  	v10 =	vor.u32 s1, v6  }
0x1a2: {  	v8 =	vcvt.s32.f32 v10;
	_ =	sdelay $0x1  }
0x1a3: {  	v8 =	vmul.f32 $5.000000070e-02, v8;
	_ =	sdelay $0x1  }
0x1a4: {  	v8 =	vtrunc.f32 v8  }
0x1a5: {  	v11 =	vcvt.f32.s32 v8;
	_ =	sdelay $0x1  }
0x1a6: {  	v8 =	vmul.u32 $0xFFFFFFEC, v11  }
0x1a7: {  	_ =	swait.ge [sflag:s22], $0x800;
	s1 =	simm.s32 $0x10  }
0x1a8: {  	[sflag:s22] =	ssyncset.done $0x0;
	v9 =	vor.u32 s1, v6;
	v8 =	vadd.s32 v10, v8  }
0x1a9: {  	[sflag:s22] =	ssyncadd.s32 $0xFFFFF800;
	v12 =	vcvt.s32.f32 v9;
	v14 =	vshll.u32 v11, $0x5;
	v13 =	vand.u32 $0xFFFFFFF8, v8  }
0x1aa: {  	_ =	swait.ge [sflag:s10], $0xA000;
	v8 =	vand.u32 $0x7, v8;
	v13 =	vadd.s32 v14, v13  }
0x1ab: {  	[sflag:s10] =	ssyncset.done $0x0;
	v12 =	vmul.f32 $5.000000070e-02, v12;
	v13 =	vor.u32 v8, v13  }
0x1ac: {  	[sflag:s10] =	ssyncadd.s32 $0xFFFF6000  }
0x1ad: {  	_ =	swait.ge [sflag:s10], $0x3000;
	v8 =	vtrunc.f32 v12  }
0x1ae: {  	[sflag:s10] =	ssyncset.done $0x0;
	v12 =	vcvt.f32.s32 v8  }
0x1af: {  	s1 =	simm.s32 $0x20;
	[sflag:s10] =	ssyncadd.s32 $0xFFFFD000  }
0x1b0: {  	v8 =	vor.u32 s1, v6;
	v14 =	vmul.u32 $0xFFFFFFEC, v12;
	v13 =	vld.idx.msk [tilespmem:v13+s3+$0x0], $0xffff  }
0x1b1: {  	v15 =	vcvt.s32.f32 v8  }
0x1b2: {  	v14 =	vadd.s32 v9, v14  }
0x1b3: {  	v17 =	vshll.u32 v12, $0x5;
	v15 =	vmul.f32 $5.000000070e-02, v15;
	v16 =	vand.u32 $0xFFFFFFF8, v14  }
0x1b4: {  	s19 =	simm.s32 $0x800;
	v14 =	vand.u32 $0x7, v14;
	v16 =	vadd.s32 v17, v16  }
0x1b5: {  	v15 =	vtrunc.f32 v15;
	[tilespmem:s19+$0x0] =	vst v13;
	v13 =	vor.u32 v14, v16  }
0x1b6: {  	v7 =	vmov s13;
	v18 =	vmul.u32 $0x6, v11;
	v11 =	vcvt.f32.s32 v15  }
0x1b7: {  	s1 =	simm.s32 $0x30;
	v15 =	vadd.s32 v7, v10  }
0x1b8: {  	s17 =	simm.s32 $0xD00;
	v10 =	vor.u32 s1, v6;
	v17 =	vadd.s32 v18, v15;
	v14 =	vmul.u32 $0xFFFFFFEC, v11  }
0x1b9: {  	s1 =	simm.s32 $0x40;
	v15 =	vcvt.s32.f32 v10;
	[tilespmem:s17+$0x0] =	vst v17  }
.LBB2_19:
0x1ba: {  	p0 =	seq.s32 s1, $0x4F0;
	v14 =	vadd.s32 v8, v14;
	v16 =	vld.idx.msk [tilespmem:v13+s3+$0x0], $0xffff  }
0x1bb: {  	v17 =	vshll.u32 v11, $0x5;
	v13 =	vmul.f32 $5.000000070e-02, v15;
	v15 =	vand.u32 $0xFFFFFFF8, v14  }
0x1bc: {  	v14 =	vand.u32 $0x7, v14;
	v15 =	vadd.s32 v17, v15  }
.Ltmp8:
0x1bd: {  	v17 =	vtrunc.f32 v13;
	v13 =	vor.u32 v14, v15;
	(pc) =	sbr.rel @!p0 .LBB2_19-.Ltmp8, $4  }
0x1be: {  	v15 =	vmul.u32 $0x6, v12;
	v12 =	vmov v11;
	v11 =	vcvt.f32.s32 v17  }
0x1bf: {  	s19 =	sadd.s32 $0x10, s19;
	v17 =	vadd.s32 v7, v9;
	v9 =	vmov v8;
	v8 =	vmov v10  }
0x1c0: {  	s17 =	sadd.s32 $0x10, s17;
	v10 =	vor.u32 s1, v6;
	v14 =	vmul.u32 $0xFFFFFFEC, v11;
	[tilespmem:s19+$0x0] =	vst v16;
	v16 =	vadd.s32 v15, v17  }
0x1c1: {  	s1 =	sadd.s32 $0x10, s1;
	v15 =	vcvt.s32.f32 v10;
	[tilespmem:s17+$0x0] =	vst v16  }
0x1c2: {  	_ =	sdelay $0x2  }
0x1c3: {  	v14 =	vadd.s32 v8, v14;
	v15 =	vmul.f32 $5.000000070e-02, v15  }
0x1c4: {  	v13 =	vld.idx.msk [tilespmem:v13+s3+$0x0], $0xffff;
	v17 =	vshll.u32 v11, $0x5;
	v16 =	vand.u32 $0xFFFFFFF8, v14  }
0x1c5: {  	v14 =	vand.u32 $0x7, v14;
	v16 =	vadd.s32 v17, v16;
	v15 =	vtrunc.f32 v15  }
0x1c6: {  	v14 =	vor.u32 v14, v16;
	v15 =	vcvt.f32.s32 v15  }
0x1c7: {  	v12 =	vmul.u32 $0x6, v12  }
0x1c8: {  	v9 =	vadd.s32 v7, v9;
	s1 =	sadd.s32 $0x10, s19;
	v60 =	vmul.u32 $0xFFFFFFEC, v15  }
0x1c9: {  	s17 =	sadd.s32 $0x10, s17;
	v9 =	vadd.s32 v12, v9;
	[tilespmem:s1+$0x0] =	vst v13  }
0x1ca: {  	[tilespmem:s17+$0x0] =	vst v9;
	v9 =	vadd.s32 v10, v60  }
0x1cb: {  	v63 =	vshll.u32 v15, $0x5;
	v61 =	vld.idx.msk [tilespmem:v14+s3+$0x0], $0xffff;
	v62 =	vand.u32 $0xFFFFFFF8, v9  }
0x1cc: {  	v9 =	vand.u32 $0x7, v9;
	v13 =	vadd.s32 v63, v62  }
0x1cd: {  	v9 =	vor.u32 v9, v13  }
0x1ce: {  	v11 =	vmul.u32 $0x6, v11  }
0x1cf: {  	v8 =	vadd.s32 v7, v8;
	s1 =	sadd.s32 $0x10, s1  }
0x1d0: {  	v8 =	vadd.s32 v11, v8;
	s17 =	sadd.s32 $0x10, s17;
	[tilespmem:s1+$0x0] =	vst v61  }
0x1d1: {  	[tilespmem:s17+$0x0] =	vst v8  }
0x1d2: {  	v8 =	vld.idx.msk [tilespmem:v9+s3+$0x0], $0xffff;
	_ =	sdelay $0x1  }
0x1d3: {  	v9 =	vmul.u32 $0x6, v15  }
0x1d4: {  	v7 =	vadd.s32 v7, v10;
	s19 =	sadd.s32 $0x10, s17;
	s17 =	simm.s32 $0x0  }
0x1d5: {  	s1 =	sadd.s32 $0x10, s1;
	v7 =	vadd.s32 v9, v7;
	v9 =	vor.u32 s17, v6  }
0x1d6: {  	[tilespmem:s1+$0x0] =	vst v8;
	v8 =	vcvt.s32.f32 v9;
	_ =	sdelay $0x1  }
0x1d7: {  	v8 =	vmul.f32 $1.666666720e-01, v8;
	_ =	sdelay $0x1  }
0x1d8: {  	[tilespmem:s19+$0x0] =	vst v7;
	s19 =	simm.s32 $0x10;
	v10 =	vtrunc.f32 v8  }
0x1d9: {  	v8 =	vor.u32 s19, v6;
	v10 =	vcvt.f32.s32 v10  }
0x1da: {  	s13 =	sor.u32 $0x14, s13;
	v11 =	vcvt.s32.f32 v8  }
0x1db: {  	v7 =	vmov s13;
	v10 =	vmul.u32 $0x14, v10  }
0x1dc: {  	v9 =	vadd.s32 v7, v9;
	v11 =	vmul.f32 $1.666666720e-01, v11  }
0x1dd: {  	s1 =	simm.s32 $0x1200;
	v10 =	vadd.s32 v10, v9  }
0x1de: {  	s13 =	simm.s32 $0x20;
	v9 =	vtrunc.f32 v11;
	[tilespmem:s1+$0x0] =	vst v10  }
.LBB2_21:
0x1df: {  	v10 =	vor.u32 s13, v6;
	p0 =	sne.s32 s13, $0x170;
	s13 =	sadd.s32 $0x10, s13;
	v9 =	vcvt.f32.s32 v9  }
.Ltmp9:
0x1e0: {  	v11 =	vcvt.s32.f32 v10;
	(pc) =	sbr.rel @p0 .LBB2_21-.Ltmp9, $4  }
0x1e1: {  	v9 =	vmul.u32 $0x14, v9  }
0x1e2: {  	v12 =	vadd.s32 v7, v8;
	v8 =	vmov v10;
	v11 =	vmul.f32 $1.666666720e-01, v11  }
0x1e3: {  	s1 =	sadd.s32 $0x10, s1;
	v10 =	vadd.s32 v9, v12  }
0x1e4: {  	v9 =	vtrunc.f32 v11;
	[tilespmem:s1+$0x0] =	vst v10  }
0x1e5: {  	v9 =	vcvt.f32.s32 v9;
	_ =	sdelay $0x1  }
0x1e6: {  	v9 =	vmul.u32 $0x14, v9  }
0x1e7: {  	v7 =	vadd.s32 v7, v8  }
0x1e8: {  	s1 =	sadd.s32 $0x10, s1;
	v7 =	vadd.s32 v9, v7  }
0x1e9: {  	[tilespmem:s1+$0x0] =	vst v7  }
0x1ea: {  	[tilespmem:s25], [sflag:$0x5] =	stream.indirect.gather [hbm4b:s5+s23], $0x20, s24, s23, $0xb8;
	[tilespmem:$0x1C880] =	vst v63  }
0x1eb: {  	v7 =	vld [tilespmem:$0x1C700]  }
0x1ec: {  	v8 =	vld [tilespmem:$0x1C710]  }
0x1ed: {  	v9 =	vld [tilespmem:$0x1C720]  }
0x1ee: {  	v10 =	vld [tilespmem:$0x1C730]  }
0x1ef: {  	v11 =	vld [tilespmem:$0x1C740]  }
0x1f0: {  	v12 =	vld [tilespmem:$0x1C750]  }
0x1f1: {  	v13 =	vld [tilespmem:$0x1C760]  }
0x1f2: {  	s19 =	simm.s32 $0x0;
	v14 =	vld [tilespmem:$0x1C770]  }
0x1f3: {  	v22 =	vld [tilespmem:s19+$0x10]  }
0x1f4: {  	v15 =	vld [tilespmem:$0x1C780]  }
0x1f5: {  	v16 =	vld [tilespmem:$0x1C790]  }
0x1f6: {  	v17 =	vld [tilespmem:$0x1C7A0]  }
0x1f7: {  	v18 =	vld [tilespmem:$0x1C7B0]  }
0x1f8: {  	v19 =	vld [tilespmem:$0x1C860];
	v31 =	vbroadcast v22, $0x4  }
0x1f9: {  	v20 =	vld [tilespmem:$0x1C820];
	v25 =	vbroadcast v22, $0x9;
	v41 =	vbroadcast v22, $0x6  }
0x1fa: {  	v21 =	vld [tilespmem:$0x1C7C0];
	v26 =	vbroadcast v22, $0x7;
	v33 =	vbroadcast v22, $0x8  }
0x1fb: {  	v23 =	vld [tilespmem:$0x1C830];
	v35 =	vbroadcast v22, $0x5;
	v28 =	vmul.f32 v25, v17  }
0x1fc: {  	v24 =	vld [tilespmem:$0x1C7D0];
	v27 =	vmul.f32 v31, v7;
	v29 =	vmul.f32 v26, v13  }
0x1fd: {  	v32 =	vld [tilespmem:$0x1C7E0];
	v40 =	vmul.f32 v26, v14;
	v39 =	vmul.f32 v41, v11;
	v26 =	vadd.f32 v28, v19  }
0x1fe: {  	v30 =	vld [tilespmem:$0x1C810];
	v37 =	vmul.f32 v25, v18;
	v38 =	vmul.f32 v33, v15  }
0x1ff: {  	v45 =	vmul.f32 v35, v9;
	v36 =	vmul.f32 v35, v10;
	v25 =	vld [tilespmem:$0x1C840];
	v43 =	vsub.f32 $0.0e+00, v26  }
0x200: {  	v44 =	vmul.f32 v31, v8;
	v31 =	vld [tilespmem:$0x1C870];
	v41 =	vmul.f32 v41, v12;
	v22 =	vadd.f32 v27, v21  }
0x201: {  	v28 =	vld [tilespmem:$0x1C7F0];
	v34 =	vadd.f32 v29, v20;
	v27 =	vadd.f32 v40, v23;
	v46 =	vmul.f32 $1.442695020e+00, v43  }
0x202: {  	v29 =	vld [tilespmem:$0x1C800];
	v40 =	vmul.f32 v33, v16;
	v35 =	vadd.f32 v45, v32;
	v42 =	vsub.f32 $0.0e+00, v22  }
0x203: {  	s13 =	simm.s32 $0x80;
	s17 =	simm.s32 $0xB3E0;
	s19 =	simm.s32 $0xB3E0;
	v33 =	vld [tilespmem:$0x1C850];
	v45 =	vsub.f32 $0.0e+00, v34;
	v43 =	vsub.f32 $0.0e+00, v27;
	(erf) = vpow2.f32 v46  }
.LBB2_23:
0x204: {  	p0 =	sne.s32 s13, $0x1F80  }
0x205: {  	v42 =	vmul.f32 $1.442695020e+00, v42;
	v44 =	vadd.f32 v44, v24;
	v43 =	vmul.f32 $1.442695020e+00, v43;
	s19 =	sadd.s32 $0xC0, s19;
	s1 =	smov.u32 s13;
	s13 =	sadd.s32 $0x80, s13  }
0x206: {  	v46 =	vsub.f32 $0.0e+00, v35;
	v36 =	vadd.f32 v36, v28;
	v45 =	vmul.f32 $1.442695020e+00, v45  }
0x207: {  	v39 =	vadd.f32 v39, v29;
	v47 =	vsub.f32 $0.0e+00, v44;
	(erf) = vpow2.f32 v42  }
0x208: {  	v41 =	vadd.f32 v41, v30;
	v42 =	vmul.f32 $1.442695020e+00, v46;
	(erf) = vpow2.f32 v45  }
0x209: {  	v40 =	vadd.f32 v40, v33;
	v45 =	vsub.f32 $0.0e+00, v39  }
0x20a: {  	v48 =	vsub.f32 $0.0e+00, v41;
	v46 =	vmul.f32 $1.442695020e+00, v47;
	(erf) = vpow2.f32 v42  }
0x20b: {  	v42 =	vmul.f32 $1.442695020e+00, v45;
	v45 =	vsub.f32 $0.0e+00, v40;
	(erf) = vpow2.f32 v43  }
0x20c: {  	v38 =	vadd.f32 v38, v25;
	v43 =	vmul.f32 $1.442695020e+00, v48;
	(erf) = vpow2.f32 v46  }
0x20d: {  	v37 =	vadd.f32 v37, v31;
	v46 =	vsub.f32 $0.0e+00, v36;
	v45 =	vmul.f32 $1.442695020e+00, v45;
	v47 =	vpop (erf)  }
0x20e: {  	v49 =	vsub.f32 $0.0e+00, v38;
	v47 =	vadd.f32 $1.000000000e+00, v47;
	(erf) = vpow2.f32 v42  }
0x20f: {  	v50 =	vmul.f32 $1.442695020e+00, v46;
	v46 =	vsub.f32 $0.0e+00, v37;
	(erf) = vpow2.f32 v45  }
0x210: {  	v49 =	vmul.f32 $1.442695020e+00, v49;
	v48 =	vpop (erf);
	(erf) = vpow2.f32 v43  }
0x211: {  	v46 =	vmul.f32 $1.442695020e+00, v46;
	v43 =	vadd.f32 $1.000000000e+00, v48;
	(erf) = vpow2.f32 v50;
	v42 =	vpop (erf)  }
0x212: {  	v48 =	vadd.f32 $1.000000000e+00, v42;
	(erf) = vpow2.f32 v49  }
0x213: {  	v45 =	vpop (erf);
	(erf) = vpow2.f32 v46  }
0x214: {  	s1 =	sshra.s32 s1, $0x2;
	v45 =	vadd.f32 $1.000000000e+00, v45;
	(erf) = vrcp.f32 v48;
	v42 =	vpop (erf)  }
0x215: {  	v48 =	vadd.f32 $1.000000000e+00, v42;
	v46 =	vpop (erf);
	(erf) = vrcp.f32 v47  }
0x216: {  	v46 =	vadd.f32 $1.000000000e+00, v46;
	(erf) = vrcp.f32 v45  }
0x217: {  	(erf) = vrcp.f32 v43;
	v43 =	vpop (erf)  }
0x218: {  	v43 =	vadd.f32 $1.000000000e+00, v43;
	(erf) = vrcp.f32 v48;
	v42 =	vpop (erf)  }
0x219: {  	v42 =	vadd.f32 $1.000000000e+00, v42;
	(erf) = vrcp.f32 v46;
	v45 =	vpop (erf)  }
0x21a: {  	v47 =	vadd.f32 $1.000000000e+00, v45;
	v46 =	vpop (erf);
	(erf) = vrcp.f32 v43  }
0x21b: {  	v48 =	vadd.f32 $1.000000000e+00, v46;
	v46 =	vpop (erf);
	(erf) = vrcp.f32 v42  }
0x21c: {  	v46 =	vadd.f32 $1.000000000e+00, v46;
	(erf) = vrcp.f32 v47;
	v45 =	vpop (erf)  }
0x21d: {  	v45 =	vadd.f32 $1.000000000e+00, v45;
	(erf) = vrcp.f32 v48;
	v43 =	vpop (erf)  }
0x21e: {  	v43 =	vmul.f32 v43, v34;
	(erf) = vrcp.f32 v46;
	v42 =	vpop (erf)  }
0x21f: {  	v46 =	vmul.f32 v42, v26;
	v42 =	vpop (erf);
	(erf) = vrcp.f32 v45  }
0x220: {  	v35 =	vmul.f32 v42, v35;
	[tilespmem:s17+$0x0] =	vst v43;
	v34 =	vpop (erf)  }
0x221: {  	v22 =	vmul.f32 v34, v22;
	[tilespmem:s17+$0x40] =	vst v46;
	v26 =	vpop (erf)  }
0x222: {  	[tilespmem:s17+$0xFFFFFFC0] =	vst v35;
	v34 =	vmul.f32 v26, v27;
	v27 =	vpop (erf)  }
0x223: {  	[tilespmem:s17+$0xFFFFFFA0] =	vst v22;
	v22 =	vmul.f32 v27, v44;
	v27 =	vpop (erf)  }
0x224: {  	v35 =	vmul.f32 v27, v39;
	[tilespmem:s17+$0x10] =	vst v34;
	v26 =	vpop (erf)  }
0x225: {  	[tilespmem:s17+$0xFFFFFFB0] =	vst v22;
	v34 =	vmul.f32 v26, v40;
	v26 =	vpop (erf)  }
0x226: {  	[tilespmem:s17+$0xFFFFFFE0] =	vst v35;
	v35 =	vmul.f32 v26, v41;
	v27 =	vpop (erf)  }
0x227: {  	v27 =	vmul.f32 v27, v36;
	[tilespmem:s17+$0x30] =	vst v34;
	v22 =	vpop (erf)  }
0x228: {  	[tilespmem:s17+$0xFFFFFFF0] =	vst v35;
	v22 =	vmul.f32 v22, v38;
	v26 =	vpop (erf)  }
0x229: {  	[tilespmem:s17+$0xFFFFFFD0] =	vst v27;
	v26 =	vmul.f32 v26, v37  }
0x22a: {  	[tilespmem:s17+$0x20] =	vst v22  }
0x22b: {  	[tilespmem:s17+$0x50] =	vst v26;
	s17 =	smov.u32 s19  }
0x22c: {  	v22 =	vld [tilespmem:s1+$0x10];
	_ =	sdelay $0x4  }
0x22d: {  	v35 =	vbroadcast v22, $0x4;
	v27 =	vbroadcast v22, $0x9  }
0x22e: {  	v41 =	vbroadcast v22, $0x6;
	v26 =	vbroadcast v22, $0x7  }
0x22f: {  	v36 =	vmul.f32 v35, v7;
	v34 =	vmul.f32 v27, v17  }
0x230: {  	v40 =	vbroadcast v22, $0x8;
	v37 =	vmul.f32 v26, v13  }
0x231: {  	v42 =	vbroadcast v22, $0x5;
	v43 =	vmul.f32 v26, v14;
	v26 =	vadd.f32 v34, v19  }
0x232: {  	v39 =	vmul.f32 v41, v11;
	v34 =	vadd.f32 v37, v20;
	v37 =	vmul.f32 v27, v18  }
.Ltmp10:
0x233: {  	v38 =	vmul.f32 v40, v15;
	v22 =	vadd.f32 v36, v21;
	v44 =	vsub.f32 $0.0e+00, v26;
	(pc) =	sbr.rel @p0 .LBB2_23-.Ltmp10, $4  }
0x234: {  	v45 =	vmul.f32 v42, v9;
	v36 =	vmul.f32 v42, v10;
	v27 =	vadd.f32 v43, v23  }
0x235: {  	v40 =	vmul.f32 v40, v16;
	v42 =	vsub.f32 $0.0e+00, v22;
	v46 =	vmul.f32 $1.442695020e+00, v44  }
0x236: {  	v43 =	vsub.f32 $0.0e+00, v27;
	v44 =	vmul.f32 v35, v8;
	v35 =	vadd.f32 v45, v32  }
0x237: {  	v41 =	vmul.f32 v41, v12;
	v45 =	vsub.f32 $0.0e+00, v34;
	(erf) = vpow2.f32 v46  }
0x238: {  	v7 =	vmul.f32 $1.442695020e+00, v42;
	v8 =	vadd.f32 v44, v24  }
0x239: {  	v9 =	vsub.f32 $0.0e+00, v35;
	v11 =	vadd.f32 v36, v28  }
0x23a: {  	v10 =	vmul.f32 $1.442695020e+00, v45;
	(erf) = vpow2.f32 v7;
	v7 =	vadd.f32 v39, v29  }
0x23b: {  	v14 =	vadd.f32 v40, v33;
	v12 =	vsub.f32 $0.0e+00, v8;
	v9 =	vmul.f32 $1.442695020e+00, v9  }
0x23c: {  	(erf) = vpow2.f32 v10;
	v10 =	vmul.f32 $1.442695020e+00, v43;
	v15 =	vsub.f32 $0.0e+00, v7  }
0x23d: {  	v13 =	vadd.f32 v41, v30;
	v12 =	vmul.f32 $1.442695020e+00, v12;
	(erf) = vpow2.f32 v9  }
0x23e: {  	v16 =	vsub.f32 $0.0e+00, v14;
	(erf) = vpow2.f32 v10;
	v10 =	vmul.f32 $1.442695020e+00, v15  }
0x23f: {  	v15 =	vadd.f32 v38, v25;
	(erf) = vpow2.f32 v12;
	v12 =	vsub.f32 $0.0e+00, v11  }
0x240: {  	v17 =	vadd.f32 v37, v31;
	v9 =	vsub.f32 $0.0e+00, v13  }
0x241: {  	v16 =	vmul.f32 $1.442695020e+00, v16;
	v18 =	vsub.f32 $0.0e+00, v15;
	v12 =	vmul.f32 $1.442695020e+00, v12  }
0x242: {  	v9 =	vmul.f32 $1.442695020e+00, v9;
	(erf) = vpow2.f32 v10  }
0x243: {  	v19 =	vsub.f32 $0.0e+00, v17;
	v10 =	vpop (erf);
	(erf) = vpow2.f32 v16;
	v16 =	vmul.f32 $1.442695020e+00, v18  }
0x244: {  	v62 =	vpop (erf);
	(erf) = vpow2.f32 v9  }
0x245: {  	v9 =	vmul.f32 $1.442695020e+00, v19;
	(erf) = vpow2.f32 v12;
	v12 =	vpop (erf)  }
0x246: {  	v12 =	vadd.f32 $1.000000000e+00, v12;
	(erf) = vpow2.f32 v16  }
0x247: {  	v10 =	vadd.f32 $1.000000000e+00, v10;
	v16 =	vpop (erf);
	(erf) = vpow2.f32 v9  }
0x248: {  	v9 =	vadd.f32 $1.000000000e+00, v16;
	(erf) = vrcp.f32 v12;
	v12 =	vadd.f32 $1.000000000e+00, v62;
	v16 =	vpop (erf)  }
0x249: {  	(erf) = vrcp.f32 v10;
	v10 =	vadd.f32 $1.000000000e+00, v16;
	v16 =	vpop (erf)  }
0x24a: {  	(erf) = vrcp.f32 v9;
	v9 =	vadd.f32 $1.000000000e+00, v16;
	_ =	sdelay $0x1  }
0x24b: {  	(erf) = vrcp.f32 v12;
	v12 =	vpop (erf)  }
0x24c: {  	(erf) = vrcp.f32 v10;
	v10 =	vpop (erf)  }
0x24d: {  	v12 =	vadd.f32 $1.000000000e+00, v12;
	(erf) = vrcp.f32 v9;
	v9 =	vpop (erf)  }
0x24e: {  	v10 =	vadd.f32 $1.000000000e+00, v10;
	v9 =	vadd.f32 $1.000000000e+00, v9;
	v16 =	vpop (erf)  }
0x24f: {  	(erf) = vrcp.f32 v12;
	v12 =	vadd.f32 $1.000000000e+00, v16;
	v16 =	vpop (erf)  }
0x250: {  	(erf) = vrcp.f32 v10;
	v10 =	vadd.f32 $1.000000000e+00, v16;
	_ =	sdelay $0x1  }
0x251: {  	(erf) = vrcp.f32 v9;
	v9 =	vpop (erf)  }
0x252: {  	(erf) = vrcp.f32 v12;
	v12 =	vpop (erf)  }
0x253: {  	(erf) = vrcp.f32 v10;
	v12 =	vmul.f32 v12, v34;
	v10 =	vpop (erf)  }
0x254: {  	v10 =	vmul.f32 v10, v26  }
0x255: {  	v9 =	vadd.f32 $1.000000000e+00, v9  }
0x256: {  	v16 =	vpop (erf)  }
0x257: {  	(erf) = vrcp.f32 v9;
	v9 =	vmul.f32 v16, v35;
	[tilespmem:s17+$0x0] =	vst v12;
	v12 =	vpop (erf)  }
0x258: {  	[tilespmem:s17+$0x40] =	vst v10;
	v10 =	vpop (erf)  }
0x259: {  	[tilespmem:s17+$0xFFFFFFC0] =	vst v9;
	v9 =	vmul.f32 v10, v27;
	_ =	sdelay $0x1  }
0x25a: {  	v10 =	vpop (erf)  }
0x25b: {  	v8 =	vmul.f32 v10, v8;
	v10 =	vpop (erf)  }
0x25c: {  	[tilespmem:s17+$0x10] =	vst v9;
	v9 =	vpop (erf)  }
0x25d: {  	v12 =	vmul.f32 v12, v22;
	[tilespmem:s17+$0xFFFFFFB0] =	vst v8;
	v8 =	vmul.f32 v9, v14  }
0x25e: {  	v7 =	vmul.f32 v10, v7  }
0x25f: {  	[tilespmem:s17+$0xFFFFFFA0] =	vst v12;
	v9 =	vpop (erf)  }
0x260: {  	[tilespmem:s17+$0xFFFFFFE0] =	vst v7;
	v7 =	vmul.f32 v9, v13;
	v9 =	vpop (erf)  }
0x261: {  	v9 =	vmul.f32 v9, v11;
	[tilespmem:s17+$0x30] =	vst v8;
	v8 =	vpop (erf)  }
0x262: {  	[tilespmem:s17+$0xFFFFFFF0] =	vst v7;
	v7 =	vmul.f32 v8, v15;
	v8 =	vpop (erf)  }
0x263: {  	[tilespmem:s17+$0xFFFFFFD0] =	vst v9;
	v8 =	vmul.f32 v8, v17  }
0x264: {  	s19 =	simm.s32 $0x0;
	[tilespmem:s17+$0x20] =	vst v7  }
0x265: {  	v10 =	vor.u32 s19, v6;
	[tilespmem:s17+$0x50] =	vst v8  }
0x266: {  	v8 =	vcvt.s32.f32 v10;
	_ =	swait.ge [sflag:s26], $0xA000  }
0x267: {  	s1 =	sshll.u32 s15, $0xC;
	[sflag:s26] =	ssyncset.done $0x0  }
0x268: {  	s1 =	sadd.s32 s1, s12;
	v8 =	vmul.f32 $5.000000070e-02, v8;
	[sflag:s26] =	ssyncadd.s32 $0xFFFF6000  }
0x269: {  	[hbm4b:s2+s23] =	stream.indirect.scatter [tilespmem:s25], [sflag:$0x1], $0x20, s28, s23, $0xb8;
	[tilespmem:$0x1C880] =	vst v63  }
0x26a: {  	s1 =	sshrl.u32 s1, $0x3;
	v8 =	vtrunc.f32 v8  }
0x26b: {  	v11 =	vcvt.f32.s32 v8;
	[hbm4b:s2+s29] =	stream.indirect.scatter [tilespmem:s31], [sflag:$0x1], $0x20, s30, s29, $0xb8;
	[tilespmem:$0x1C880] =	vst v63  }
0x26c: {  	s13 =	sadd.s32 s4, s1  }
0x26d: {  	v8 =	vmul.u32 $0xFFFFFFEC, v11;
	[tilespmem:s19], [sflag:$0x2] =	stream.linear.gather [hbm4b:s13+s19], $0x800, $0x38;
	[tilespmem:$0x1C880] =	vst v63  }
0x26e: {  	s19 =	simm.s32 $0x10;
	_ =	swait.ge [sflag:s0], $0x800  }
0x26f: {  	v9 =	vor.u32 s19, v6;
	v8 =	vadd.s32 v10, v8;
	[sflag:s0] =	ssyncset.done $0x0  }
0x270: {  	v14 =	vshll.u32 v11, $0x5;
	v12 =	vcvt.s32.f32 v9;
	v13 =	vand.u32 $0xFFFFFFF8, v8;
	[sflag:s0] =	ssyncadd.s32 $0xFFFFF800  }
0x271: {  	v8 =	vand.u32 $0x7, v8;
	v13 =	vadd.s32 v14, v13;
	_ =	swait.ge [sflag:s11], $0xA000  }
0x272: {  	v12 =	vmul.f32 $5.000000070e-02, v12;
	v13 =	vor.u32 v8, v13;
	[sflag:s11] =	ssyncset.done $0x0  }
0x273: {  	[sflag:s11] =	ssyncadd.s32 $0xFFFF6000  }
0x274: {  	v8 =	vtrunc.f32 v12;
	_ =	swait.ge [sflag:s11], $0x3000  }
0x275: {  	v12 =	vcvt.f32.s32 v8;
	[sflag:s11] =	ssyncset.done $0x0  }
0x276: {  	s19 =	simm.s32 $0x20;
	[sflag:s11] =	ssyncadd.s32 $0xFFFFD000  }
0x277: {  	v8 =	vor.u32 s19, v6;
	v14 =	vmul.u32 $0xFFFFFFEC, v12;
	v13 =	vld.idx.msk [tilespmem:v13+s21+$0x0], $0xffff  }
0x278: {  	v15 =	vcvt.s32.f32 v8  }
0x279: {  	v14 =	vadd.s32 v9, v14  }
0x27a: {  	s17 =	sadd.s32 s16, s9;
	v17 =	vshll.u32 v12, $0x5;
	v15 =	vmul.f32 $5.000000070e-02, v15;
	v16 =	vand.u32 $0xFFFFFFF8, v14  }
0x27b: {  	s13 =	smul.u32 $0x1A, s17;
	s17 =	simm.s32 $0xEB80;
	v14 =	vand.u32 $0x7, v14;
	v16 =	vadd.s32 v17, v16  }
0x27c: {  	v15 =	vtrunc.f32 v15;
	[tilespmem:s17+$0x0] =	vst v13;
	v13 =	vor.u32 v14, v16  }
0x27d: {  	v63 =	vmul.u32 $0x6, v11;
	v7 =	vmov s13;
	v11 =	vcvt.f32.s32 v15  }
0x27e: {  	s19 =	simm.s32 $0x30;
	v15 =	vadd.s32 v7, v10  }
0x27f: {  	s16 =	simm.s32 $0xF080;
	v10 =	vor.u32 s19, v6;
	v17 =	vadd.s32 v63, v15;
	v14 =	vmul.u32 $0xFFFFFFEC, v11  }
0x280: {  	s1 =	simm.s32 $0x40;
	v15 =	vcvt.s32.f32 v10;
	[tilespmem:s16+$0x0] =	vst v17  }
.LBB2_25:
0x281: {  	p0 =	seq.s32 s1, $0x4F0;
	v14 =	vadd.s32 v8, v14;
	v16 =	vld.idx.msk [tilespmem:v13+s21+$0x0], $0xffff  }
0x282: {  	v17 =	vshll.u32 v11, $0x5;
	v13 =	vmul.f32 $5.000000070e-02, v15;
	v15 =	vand.u32 $0xFFFFFFF8, v14  }
0x283: {  	v14 =	vand.u32 $0x7, v14;
	v15 =	vadd.s32 v17, v15  }
.Ltmp11:
0x284: {  	v17 =	vtrunc.f32 v13;
	v13 =	vor.u32 v14, v15;
	(pc) =	sbr.rel @!p0 .LBB2_25-.Ltmp11, $4  }
0x285: {  	v15 =	vmul.u32 $0x6, v12;
	v12 =	vmov v11;
	v11 =	vcvt.f32.s32 v17  }
0x286: {  	s17 =	sadd.s32 $0x10, s17;
	v17 =	vadd.s32 v7, v9;
	v9 =	vmov v8;
	v8 =	vmov v10  }
0x287: {  	s16 =	sadd.s32 $0x10, s16;
	v10 =	vor.u32 s1, v6;
	v14 =	vmul.u32 $0xFFFFFFEC, v11;
	[tilespmem:s17+$0x0] =	vst v16;
	v16 =	vadd.s32 v15, v17  }
0x288: {  	s1 =	sadd.s32 $0x10, s1;
	v15 =	vcvt.s32.f32 v10;
	[tilespmem:s16+$0x0] =	vst v16  }
0x289: {  	_ =	sdelay $0x2  }
0x28a: {  	v14 =	vadd.s32 v8, v14;
	v15 =	vmul.f32 $5.000000070e-02, v15  }
0x28b: {  	v13 =	vld.idx.msk [tilespmem:v13+s21+$0x0], $0xffff;
	v17 =	vshll.u32 v11, $0x5;
	v16 =	vand.u32 $0xFFFFFFF8, v14  }
0x28c: {  	v14 =	vand.u32 $0x7, v14;
	v16 =	vadd.s32 v17, v16;
	v15 =	vtrunc.f32 v15  }
0x28d: {  	v14 =	vor.u32 v14, v16;
	v15 =	vcvt.f32.s32 v15  }
0x28e: {  	v12 =	vmul.u32 $0x6, v12  }
0x28f: {  	v9 =	vadd.s32 v7, v9;
	s1 =	sadd.s32 $0x10, s17;
	v60 =	vmul.u32 $0xFFFFFFEC, v15  }
0x290: {  	s16 =	sadd.s32 $0x10, s16;
	v9 =	vadd.s32 v12, v9;
	[tilespmem:s1+$0x0] =	vst v13  }
0x291: {  	[tilespmem:s16+$0x0] =	vst v9;
	v9 =	vadd.s32 v10, v60  }
0x292: {  	v63 =	vshll.u32 v15, $0x5;
	v61 =	vld.idx.msk [tilespmem:v14+s21+$0x0], $0xffff;
	v62 =	vand.u32 $0xFFFFFFF8, v9  }
0x293: {  	v9 =	vand.u32 $0x7, v9;
	v13 =	vadd.s32 v63, v62  }
0x294: {  	v9 =	vor.u32 v9, v13  }
0x295: {  	v11 =	vmul.u32 $0x6, v11  }
0x296: {  	v8 =	vadd.s32 v7, v8;
	s1 =	sadd.s32 $0x10, s1  }
0x297: {  	v8 =	vadd.s32 v11, v8;
	s16 =	sadd.s32 $0x10, s16;
	[tilespmem:s1+$0x0] =	vst v61  }
0x298: {  	[tilespmem:s16+$0x0] =	vst v8  }
0x299: {  	v8 =	vld.idx.msk [tilespmem:v9+s21+$0x0], $0xffff;
	_ =	sdelay $0x1  }
0x29a: {  	v9 =	vmul.u32 $0x6, v15  }
0x29b: {  	v7 =	vadd.s32 v7, v10;
	s17 =	simm.s32 $0x0  }
0x29c: {  	s1 =	sadd.s32 $0x10, s1;
	v7 =	vadd.s32 v9, v7;
	v9 =	vor.u32 s17, v6  }
0x29d: {  	[tilespmem:s1+$0x0] =	vst v8;
	v8 =	vcvt.s32.f32 v9;
	_ =	sdelay $0x1  }
0x29e: {  	v8 =	vmul.f32 $1.666666720e-01, v8  }
0x29f: {  	s19 =	sadd.s32 $0x10, s16  }
0x2a0: {  	[tilespmem:s19+$0x0] =	vst v7;
	s19 =	simm.s32 $0x10;
	v10 =	vtrunc.f32 v8  }
0x2a1: {  	v8 =	vor.u32 s19, v6;
	v10 =	vcvt.f32.s32 v10  }
0x2a2: {  	s16 =	sor.u32 $0x14, s13;
	v11 =	vcvt.s32.f32 v8  }
0x2a3: {  	v7 =	vmov s16;
	v10 =	vmul.u32 $0x14, v10  }
0x2a4: {  	v9 =	vadd.s32 v7, v9;
	v11 =	vmul.f32 $1.666666720e-01, v11  }
0x2a5: {  	s1 =	simm.s32 $0xF580;
	v10 =	vadd.s32 v10, v9  }
0x2a6: {  	s13 =	simm.s32 $0x20;
	v9 =	vtrunc.f32 v11;
	[tilespmem:s1+$0x0] =	vst v10  }
.LBB2_27:
0x2a7: {  	v10 =	vor.u32 s13, v6;
	p0 =	sne.s32 s13, $0x170;
	s13 =	sadd.s32 $0x10, s13;
	v9 =	vcvt.f32.s32 v9  }
.Ltmp12:
0x2a8: {  	v11 =	vcvt.s32.f32 v10;
	(pc) =	sbr.rel @p0 .LBB2_27-.Ltmp12, $4  }
0x2a9: {  	v9 =	vmul.u32 $0x14, v9  }
0x2aa: {  	v12 =	vadd.s32 v7, v8;
	v8 =	vmov v10;
	v11 =	vmul.f32 $1.666666720e-01, v11  }
0x2ab: {  	s1 =	sadd.s32 $0x10, s1;
	v10 =	vadd.s32 v9, v12  }
0x2ac: {  	v9 =	vtrunc.f32 v11;
	[tilespmem:s1+$0x0] =	vst v10  }
0x2ad: {  	v9 =	vcvt.f32.s32 v9;
	_ =	sdelay $0x1  }
0x2ae: {  	v9 =	vmul.u32 $0x14, v9  }
0x2af: {  	v7 =	vadd.s32 v7, v8  }
0x2b0: {  	s1 =	sadd.s32 $0x10, s1;
	v7 =	vadd.s32 v9, v7  }
0x2b1: {  	s17 =	simm.s32 $0xEB80;
	[tilespmem:s1+$0x0] =	vst v7  }
0x2b2: {  	[tilespmem:s18], [sflag:$0x5] =	stream.indirect.gather [hbm4b:s5+s23], $0x20, s17, s23, $0xb8;
	[tilespmem:$0x1C880] =	vst v63  }
0x2b3: {  	v7 =	vld [tilespmem:$0x1C700]  }
0x2b4: {  	v8 =	vld [tilespmem:$0x1C710]  }
0x2b5: {  	v9 =	vld [tilespmem:$0x1C720]  }
0x2b6: {  	v10 =	vld [tilespmem:$0x1C730]  }
0x2b7: {  	v11 =	vld [tilespmem:$0x1C740]  }
0x2b8: {  	v12 =	vld [tilespmem:$0x1C750]  }
0x2b9: {  	v13 =	vld [tilespmem:$0x1C760]  }
0x2ba: {  	s19 =	simm.s32 $0x0;
	v14 =	vld [tilespmem:$0x1C770]  }
0x2bb: {  	v22 =	vld [tilespmem:s19+$0xE390]  }
0x2bc: {  	v15 =	vld [tilespmem:$0x1C780]  }
0x2bd: {  	v16 =	vld [tilespmem:$0x1C790]  }
0x2be: {  	v17 =	vld [tilespmem:$0x1C7A0]  }
0x2bf: {  	v18 =	vld [tilespmem:$0x1C7B0]  }
0x2c0: {  	v19 =	vld [tilespmem:$0x1C860];
	v31 =	vbroadcast v22, $0x4  }
0x2c1: {  	v20 =	vld [tilespmem:$0x1C820];
	v25 =	vbroadcast v22, $0x9;
	v41 =	vbroadcast v22, $0x6  }
0x2c2: {  	v21 =	vld [tilespmem:$0x1C7C0];
	v26 =	vbroadcast v22, $0x7;
	v33 =	vbroadcast v22, $0x8  }
0x2c3: {  	v23 =	vld [tilespmem:$0x1C830];
	v35 =	vbroadcast v22, $0x5;
	v28 =	vmul.f32 v25, v17  }
0x2c4: {  	v24 =	vld [tilespmem:$0x1C7D0];
	v27 =	vmul.f32 v31, v7;
	v29 =	vmul.f32 v26, v13  }
0x2c5: {  	v32 =	vld [tilespmem:$0x1C7E0];
	v40 =	vmul.f32 v26, v14;
	v39 =	vmul.f32 v41, v11;
	v26 =	vadd.f32 v28, v19  }
0x2c6: {  	v30 =	vld [tilespmem:$0x1C810];
	v37 =	vmul.f32 v25, v18;
	v38 =	vmul.f32 v33, v15  }
0x2c7: {  	v45 =	vmul.f32 v35, v9;
	v36 =	vmul.f32 v35, v10;
	v25 =	vld [tilespmem:$0x1C840];
	v43 =	vsub.f32 $0.0e+00, v26  }
0x2c8: {  	v44 =	vmul.f32 v31, v8;
	v31 =	vld [tilespmem:$0x1C870];
	v41 =	vmul.f32 v41, v12;
	v22 =	vadd.f32 v27, v21  }
0x2c9: {  	v28 =	vld [tilespmem:$0x1C7F0];
	v34 =	vadd.f32 v29, v20;
	v27 =	vadd.f32 v40, v23;
	v46 =	vmul.f32 $1.442695020e+00, v43  }
0x2ca: {  	v29 =	vld [tilespmem:$0x1C800];
	v40 =	vmul.f32 v33, v16;
	v35 =	vadd.f32 v45, v32;
	v42 =	vsub.f32 $0.0e+00, v22  }
0x2cb: {  	s13 =	simm.s32 $0x80;
	s16 =	simm.s32 $0x19760;
	s17 =	simm.s32 $0x19760;
	v33 =	vld [tilespmem:$0x1C850];
	v45 =	vsub.f32 $0.0e+00, v34;
	v43 =	vsub.f32 $0.0e+00, v27;
	(erf) = vpow2.f32 v46  }
.LBB2_29:
0x2cc: {  	p0 =	sne.s32 s13, $0x1F80  }
0x2cd: {  	v42 =	vmul.f32 $1.442695020e+00, v42;
	v44 =	vadd.f32 v44, v24;
	v43 =	vmul.f32 $1.442695020e+00, v43;
	s17 =	sadd.s32 $0xC0, s17;
	s1 =	smov.u32 s13;
	s13 =	sadd.s32 $0x80, s13  }
0x2ce: {  	v46 =	vsub.f32 $0.0e+00, v35;
	v36 =	vadd.f32 v36, v28;
	v45 =	vmul.f32 $1.442695020e+00, v45  }
0x2cf: {  	v39 =	vadd.f32 v39, v29;
	v47 =	vsub.f32 $0.0e+00, v44;
	(erf) = vpow2.f32 v42  }
0x2d0: {  	v41 =	vadd.f32 v41, v30;
	v42 =	vmul.f32 $1.442695020e+00, v46;
	(erf) = vpow2.f32 v45  }
0x2d1: {  	v40 =	vadd.f32 v40, v33;
	v45 =	vsub.f32 $0.0e+00, v39  }
0x2d2: {  	v48 =	vsub.f32 $0.0e+00, v41;
	v46 =	vmul.f32 $1.442695020e+00, v47;
	(erf) = vpow2.f32 v42  }
0x2d3: {  	v42 =	vmul.f32 $1.442695020e+00, v45;
	v45 =	vsub.f32 $0.0e+00, v40;
	(erf) = vpow2.f32 v43  }
0x2d4: {  	v38 =	vadd.f32 v38, v25;
	v43 =	vmul.f32 $1.442695020e+00, v48;
	(erf) = vpow2.f32 v46  }
0x2d5: {  	v37 =	vadd.f32 v37, v31;
	v46 =	vsub.f32 $0.0e+00, v36;
	v45 =	vmul.f32 $1.442695020e+00, v45;
	v47 =	vpop (erf)  }
0x2d6: {  	v49 =	vsub.f32 $0.0e+00, v38;
	v47 =	vadd.f32 $1.000000000e+00, v47;
	(erf) = vpow2.f32 v42  }
0x2d7: {  	v50 =	vmul.f32 $1.442695020e+00, v46;
	v46 =	vsub.f32 $0.0e+00, v37;
	(erf) = vpow2.f32 v45  }
0x2d8: {  	v49 =	vmul.f32 $1.442695020e+00, v49;
	v48 =	vpop (erf);
	(erf) = vpow2.f32 v43  }
0x2d9: {  	v46 =	vmul.f32 $1.442695020e+00, v46;
	v43 =	vadd.f32 $1.000000000e+00, v48;
	(erf) = vpow2.f32 v50;
	v42 =	vpop (erf)  }
0x2da: {  	v48 =	vadd.f32 $1.000000000e+00, v42;
	(erf) = vpow2.f32 v49  }
0x2db: {  	v45 =	vpop (erf);
	(erf) = vpow2.f32 v46  }
0x2dc: {  	s1 =	sshra.s32 s1, $0x2;
	v45 =	vadd.f32 $1.000000000e+00, v45;
	(erf) = vrcp.f32 v48;
	v42 =	vpop (erf)  }
0x2dd: {  	v48 =	vadd.f32 $1.000000000e+00, v42;
	v46 =	vpop (erf);
	(erf) = vrcp.f32 v47  }
0x2de: {  	v46 =	vadd.f32 $1.000000000e+00, v46;
	(erf) = vrcp.f32 v45  }
0x2df: {  	(erf) = vrcp.f32 v43;
	v43 =	vpop (erf)  }
0x2e0: {  	v43 =	vadd.f32 $1.000000000e+00, v43;
	(erf) = vrcp.f32 v48;
	v42 =	vpop (erf)  }
0x2e1: {  	v42 =	vadd.f32 $1.000000000e+00, v42;
	(erf) = vrcp.f32 v46;
	v45 =	vpop (erf)  }
0x2e2: {  	v47 =	vadd.f32 $1.000000000e+00, v45;
	v46 =	vpop (erf);
	(erf) = vrcp.f32 v43  }
0x2e3: {  	v48 =	vadd.f32 $1.000000000e+00, v46;
	v46 =	vpop (erf);
	(erf) = vrcp.f32 v42  }
0x2e4: {  	v46 =	vadd.f32 $1.000000000e+00, v46;
	(erf) = vrcp.f32 v47;
	v45 =	vpop (erf)  }
0x2e5: {  	v45 =	vadd.f32 $1.000000000e+00, v45;
	(erf) = vrcp.f32 v48;
	v43 =	vpop (erf)  }
0x2e6: {  	v43 =	vmul.f32 v43, v34;
	(erf) = vrcp.f32 v46;
	v42 =	vpop (erf)  }
0x2e7: {  	v46 =	vmul.f32 v42, v26;
	v42 =	vpop (erf);
	(erf) = vrcp.f32 v45  }
0x2e8: {  	v35 =	vmul.f32 v42, v35;
	[tilespmem:s16+$0x0] =	vst v43;
	v34 =	vpop (erf)  }
0x2e9: {  	v22 =	vmul.f32 v34, v22;
	[tilespmem:s16+$0x40] =	vst v46;
	v26 =	vpop (erf)  }
0x2ea: {  	[tilespmem:s16+$0xFFFFFFC0] =	vst v35;
	v34 =	vmul.f32 v26, v27;
	v27 =	vpop (erf)  }
0x2eb: {  	[tilespmem:s16+$0xFFFFFFA0] =	vst v22;
	v22 =	vmul.f32 v27, v44;
	v27 =	vpop (erf)  }
0x2ec: {  	v35 =	vmul.f32 v27, v39;
	[tilespmem:s16+$0x10] =	vst v34;
	v26 =	vpop (erf)  }
0x2ed: {  	[tilespmem:s16+$0xFFFFFFB0] =	vst v22;
	v34 =	vmul.f32 v26, v40;
	v26 =	vpop (erf)  }
0x2ee: {  	[tilespmem:s16+$0xFFFFFFE0] =	vst v35;
	v35 =	vmul.f32 v26, v41;
	v27 =	vpop (erf)  }
0x2ef: {  	v27 =	vmul.f32 v27, v36;
	[tilespmem:s16+$0x30] =	vst v34;
	v22 =	vpop (erf)  }
0x2f0: {  	[tilespmem:s16+$0xFFFFFFF0] =	vst v35;
	v22 =	vmul.f32 v22, v38;
	v26 =	vpop (erf)  }
0x2f1: {  	[tilespmem:s16+$0xFFFFFFD0] =	vst v27;
	v26 =	vmul.f32 v26, v37  }
0x2f2: {  	[tilespmem:s16+$0x20] =	vst v22  }
0x2f3: {  	[tilespmem:s16+$0x50] =	vst v26;
	s16 =	smov.u32 s17  }
0x2f4: {  	v22 =	vld [tilespmem:s1+$0xE390];
	_ =	sdelay $0x4  }
0x2f5: {  	v35 =	vbroadcast v22, $0x4;
	v27 =	vbroadcast v22, $0x9  }
0x2f6: {  	v41 =	vbroadcast v22, $0x6;
	v26 =	vbroadcast v22, $0x7  }
0x2f7: {  	v36 =	vmul.f32 v35, v7;
	v34 =	vmul.f32 v27, v17  }
0x2f8: {  	v40 =	vbroadcast v22, $0x8;
	v37 =	vmul.f32 v26, v13  }
0x2f9: {  	v42 =	vbroadcast v22, $0x5;
	v43 =	vmul.f32 v26, v14;
	v26 =	vadd.f32 v34, v19  }
0x2fa: {  	v39 =	vmul.f32 v41, v11;
	v34 =	vadd.f32 v37, v20;
	v37 =	vmul.f32 v27, v18  }
.Ltmp13:
0x2fb: {  	v38 =	vmul.f32 v40, v15;
	v22 =	vadd.f32 v36, v21;
	v44 =	vsub.f32 $0.0e+00, v26;
	(pc) =	sbr.rel @p0 .LBB2_29-.Ltmp13, $4  }
0x2fc: {  	v45 =	vmul.f32 v42, v9;
	v36 =	vmul.f32 v42, v10;
	v27 =	vadd.f32 v43, v23  }
0x2fd: {  	v40 =	vmul.f32 v40, v16;
	v42 =	vsub.f32 $0.0e+00, v22;
	v46 =	vmul.f32 $1.442695020e+00, v44  }
0x2fe: {  	v43 =	vsub.f32 $0.0e+00, v27;
	v44 =	vmul.f32 v35, v8;
	v35 =	vadd.f32 v45, v32  }
0x2ff: {  	v41 =	vmul.f32 v41, v12;
	v45 =	vsub.f32 $0.0e+00, v34;
	(erf) = vpow2.f32 v46  }
0x300: {  	v7 =	vmul.f32 $1.442695020e+00, v42  }
0x301: {  	v8 =	vadd.f32 v44, v24;
	v9 =	vsub.f32 $0.0e+00, v35;
	v10 =	vmul.f32 $1.442695020e+00, v45  }
0x302: {  	v11 =	vadd.f32 v36, v28;
	v14 =	vadd.f32 v40, v33;
	(erf) = vpow2.f32 v7  }
0x303: {  	v7 =	vadd.f32 v39, v29;
	v9 =	vmul.f32 $1.442695020e+00, v9;
	(erf) = vpow2.f32 v10  }
0x304: {  	v21 =	vmul.f32 $1.442695020e+00, v43;
	v28 =	vadd.f32 v38, v25;
	v12 =	vsub.f32 $0.0e+00, v8  }
0x305: {  	v13 =	vadd.f32 v41, v30;
	v15 =	vsub.f32 $0.0e+00, v7;
	(erf) = vpow2.f32 v9  }
0x306: {  	v17 =	vadd.f32 v37, v31;
	v16 =	vsub.f32 $0.0e+00, v14;
	v12 =	vmul.f32 $1.442695020e+00, v12  }
0x307: {  	v23 =	vsub.f32 $0.0e+00, v13;
	(erf) = vpow2.f32 v21;
	v24 =	vmul.f32 $1.442695020e+00, v15  }
0x308: {  	v29 =	vsub.f32 $0.0e+00, v11;
	v16 =	vmul.f32 $1.442695020e+00, v16;
	(erf) = vpow2.f32 v12  }
0x309: {  	v18 =	vsub.f32 $0.0e+00, v28;
	v9 =	vmul.f32 $1.442695020e+00, v23;
	(erf) = vpow2.f32 v24  }
0x30a: {  	v19 =	vsub.f32 $0.0e+00, v17;
	v12 =	vmul.f32 $1.442695020e+00, v29;
	v30 =	vpop (erf);
	(erf) = vpow2.f32 v16  }
0x30b: {  	v31 =	vmul.f32 $1.442695020e+00, v18;
	v32 =	vpop (erf);
	(erf) = vpow2.f32 v9  }
0x30c: {  	v33 =	vmul.f32 $1.442695020e+00, v19;
	(erf) = vpow2.f32 v12;
	v36 =	vpop (erf)  }
0x30d: {  	v12 =	vadd.f32 $1.000000000e+00, v36;
	(erf) = vpow2.f32 v31  }
0x30e: {  	v10 =	vadd.f32 $1.000000000e+00, v30;
	v37 =	vpop (erf);
	(erf) = vpow2.f32 v33  }
0x30f: {  	v38 =	vadd.f32 $1.000000000e+00, v37;
	(erf) = vrcp.f32 v12  }
0x310: {  	v39 =	vadd.f32 $1.000000000e+00, v32;
	v40 =	vpop (erf);
	(erf) = vrcp.f32 v10  }
0x311: {  	v41 =	vadd.f32 $1.000000000e+00, v40;
	v42 =	vpop (erf);
	(erf) = vrcp.f32 v38  }
0x312: {  	v43 =	vadd.f32 $1.000000000e+00, v42;
	v44 =	vpop (erf);
	(erf) = vrcp.f32 v39  }
0x313: {  	v12 =	vadd.f32 $1.000000000e+00, v44;
	v45 =	vpop (erf);
	(erf) = vrcp.f32 v41  }
0x314: {  	v10 =	vadd.f32 $1.000000000e+00, v45;
	(erf) = vrcp.f32 v43;
	v46 =	vpop (erf)  }
0x315: {  	v47 =	vpop (erf);
	(erf) = vrcp.f32 v12  }
0x316: {  	v49 =	vpop (erf);
	(erf) = vrcp.f32 v10  }
0x317: {  	v9 =	vadd.f32 $1.000000000e+00, v46;
	v51 =	vpop (erf)  }
0x318: {  	v48 =	vadd.f32 $1.000000000e+00, v47;
	v52 =	vpop (erf)  }
0x319: {  	v50 =	vadd.f32 $1.000000000e+00, v49;
	(erf) = vrcp.f32 v9;
	v53 =	vpop (erf)  }
0x31a: {  	v9 =	vadd.f32 $1.000000000e+00, v51;
	(erf) = vrcp.f32 v48;
	v54 =	vpop (erf)  }
0x31b: {  	v12 =	vmul.f32 v52, v34;
	(erf) = vrcp.f32 v50;
	v56 =	vpop (erf)  }
0x31c: {  	v10 =	vmul.f32 v53, v26;
	(erf) = vrcp.f32 v9;
	v57 =	vpop (erf)  }
0x31d: {  	v55 =	vmul.f32 v54, v35;
	[tilespmem:s16+$0x0] =	vst v12;
	v59 =	vpop (erf)  }
0x31e: {  	[tilespmem:s16+$0x40] =	vst v10;
	v8 =	vmul.f32 v59, v8;
	v60 =	vpop (erf)  }
0x31f: {  	v12 =	vmul.f32 v56, v22;
	[tilespmem:s16+$0xFFFFFFC0] =	vst v55;
	v61 =	vpop (erf)  }
0x320: {  	v58 =	vmul.f32 v57, v27;
	[tilespmem:s16+$0xFFFFFFB0] =	vst v8;
	v8 =	vmul.f32 v61, v14  }
0x321: {  	[tilespmem:s16+$0xFFFFFFA0] =	vst v12;
	v7 =	vmul.f32 v60, v7  }
0x322: {  	[tilespmem:s16+$0x10] =	vst v58;
	v62 =	vpop (erf)  }
0x323: {  	[tilespmem:s16+$0xFFFFFFE0] =	vst v7;
	v7 =	vmul.f32 v62, v13;
	v63 =	vpop (erf)  }
0x324: {  	v9 =	vmul.f32 v63, v11;
	[tilespmem:s16+$0x30] =	vst v8;
	v8 =	vpop (erf)  }
0x325: {  	[tilespmem:s16+$0xFFFFFFF0] =	vst v7;
	v7 =	vmul.f32 v8, v28;
	v8 =	vpop (erf)  }
0x326: {  	[tilespmem:s16+$0xFFFFFFD0] =	vst v9;
	v8 =	vmul.f32 v8, v17  }
0x327: {  	[tilespmem:s16+$0x20] =	vst v7  }
0x328: {  	[tilespmem:s16+$0x50] =	vst v8  }
0x329: {  	s1 =	sshll.u32 s15, $0x1;
	_ =	swait.ge [sflag:s26], $0xA000  }
0x32a: {  	s15 =	sadd.s32 $0x1, s15;
	s1 =	smin.u32 s1, $0x15;
	[sflag:s26] =	ssyncset.done $0x0  }
0x32b: {  	p0 =	sne.s32 s15, $0xC;
	s1 =	sshll.u32 s1, $0xB;
	[sflag:s26] =	ssyncadd.s32 $0xFFFF6000  }
0x32c: {  	[hbm4b:s2+s23] =	stream.indirect.scatter [tilespmem:s18], [sflag:$0x3], $0x20, s20, s23, $0xb8;
	[tilespmem:$0x1C880] =	vst v63  }
.Ltmp14:
0x32d: {  	s1 =	sadd.s32 s1, s14;
	(pc) =	sbr.rel @p0 .LBB2_18-.Ltmp14, $4  }
0x32e: {  	s1 =	sshrl.u32 s1, $0x3  }
0x32f: {  	[hbm4b:s2+s29] =	stream.indirect.scatter [tilespmem:s8], [sflag:$0x3], $0x20, s6, s29, $0xb8;
	[tilespmem:$0x1C880] =	vst v63  }
0x330: {  	s1 =	sadd.s32 s4, s1  }
0x331: {  	[tilespmem:s21], [sflag:$0x4] =	stream.linear.gather [hbm4b:s1+s3], $0x800, $0x38;
	[tilespmem:$0x1C880] =	vst v63  }
0x332: {  	s15 =	simm.s32 $0x0  }
0x333: {  	v8 =	vor.u32 s15, v6  }
0x334: {  	v10 =	vcvt.s32.f32 v8;
	_ =	sdelay $0x1  }
0x335: {  	v7 =	vmul.f32 $5.000000070e-02, v10;
	_ =	sdelay $0x1  }
0x336: {  	v7 =	vtrunc.f32 v7  }
0x337: {  	v12 =	vcvt.f32.s32 v7  }
0x338: {  	s1 =	simm.s32 $0x10  }
0x339: {  	v7 =	vor.u32 s1, v6;
	v11 =	vmul.u32 $0xFFFFFFEC, v12  }
0x33a: {  	_ =	swait.ge [sflag:s22], $0x800;
	v9 =	vcvt.s32.f32 v7  }
0x33b: {  	[sflag:s22] =	ssyncset.done $0x0;
	v11 =	vadd.s32 v8, v11  }
0x33c: {  	[sflag:s22] =	ssyncadd.s32 $0xFFFFF800;
	v14 =	vshll.u32 v12, $0x5;
	v15 =	vmul.f32 $5.000000070e-02, v9;
	v13 =	vand.u32 $0xFFFFFFF8, v11  }
0x33d: {  	_ =	swait.ge [sflag:s10], $0xA000;
	v11 =	vand.u32 $0x7, v11;
	v13 =	vadd.s32 v14, v13  }
0x33e: {  	[sflag:s10] =	ssyncset.done $0x0;
	v14 =	vor.u32 v11, v13;
	v11 =	vtrunc.f32 v15  }
0x33f: {  	s13 =	simm.s32 $0x20;
	[sflag:s10] =	ssyncadd.s32 $0xFFFF6000;
	v13 =	vcvt.f32.s32 v11  }
0x340: {  	_ =	swait.ge [sflag:s10], $0x3000;
	v11 =	vor.u32 s13, v6  }
0x341: {  	[sflag:s10] =	ssyncset.done $0x0;
	v16 =	vcvt.s32.f32 v11;
	v15 =	vmul.u32 $0xFFFFFFEC, v13  }
0x342: {  	[sflag:s10] =	ssyncadd.s32 $0xFFFFD000  }
0x343: {  	v17 =	vld.idx.msk [tilespmem:v14+s15+$0x0], $0xffff;
	v14 =	vadd.s32 v7, v15;
	v15 =	vmul.f32 $5.000000070e-02, v16  }
0x344: {  	v19 =	vmul.u32 $0x6, v12;
	v18 =	vshll.u32 v13, $0x5;
	v16 =	vand.u32 $0xFFFFFFF8, v14  }
0x345: {  	v20 =	vand.u32 $0x7, v14;
	v15 =	vtrunc.f32 v15;
	v16 =	vadd.s32 v18, v16  }
0x346: {  	v14 =	vcvt.f32.s32 v15;
	v15 =	vadd.s32 v4, v8;
	v16 =	vor.u32 v20, v16  }
0x347: {  	v15 =	vadd.s32 v19, v15  }
0x348: {  	s17 =	simm.s32 $0x30;
	s1 =	simm.s32 $0x800  }
0x349: {  	s16 =	simm.s32 $0xD00;
	v12 =	vor.u32 s17, v6;
	[tilespmem:s1+$0x0] =	vst v17;
	v17 =	vmul.u32 $0xFFFFFFEC, v14  }
0x34a: {  	s17 =	simm.s32 $0x40;
	v18 =	vcvt.s32.f32 v12;
	[tilespmem:s16+$0x0] =	vst v15;
	v15 =	vmov v7  }
.LBB2_32:
0x34b: {  	p0 =	sne.s32 s17, $0x4F0;
	v17 =	vadd.s32 v11, v17;
	v19 =	vld.idx.msk [tilespmem:v16+s15+$0x0], $0xffff  }
0x34c: {  	v20 =	vshll.u32 v14, $0x5;
	v16 =	vmul.f32 $5.000000070e-02, v18;
	v18 =	vand.u32 $0xFFFFFFF8, v17  }
0x34d: {  	v17 =	vand.u32 $0x7, v17;
	v18 =	vadd.s32 v20, v18  }
.Ltmp15:
0x34e: {  	v20 =	vtrunc.f32 v16;
	v16 =	vor.u32 v17, v18;
	(pc) =	sbr.rel @p0 .LBB2_32-.Ltmp15, $4  }
0x34f: {  	v18 =	vmul.u32 $0x6, v13;
	v13 =	vmov v14;
	v14 =	vcvt.f32.s32 v20  }
0x350: {  	s1 =	sadd.s32 $0x10, s1;
	v20 =	vadd.s32 v4, v15;
	v15 =	vmov v11;
	v11 =	vmov v12  }
0x351: {  	s16 =	sadd.s32 $0x10, s16;
	v12 =	vor.u32 s17, v6;
	v17 =	vmul.u32 $0xFFFFFFEC, v14;
	[tilespmem:s1+$0x0] =	vst v19;
	v19 =	vadd.s32 v18, v20  }
0x352: {  	s17 =	sadd.s32 $0x10, s17;
	v18 =	vcvt.s32.f32 v12;
	[tilespmem:s16+$0x0] =	vst v19  }
0x353: {  	_ =	sdelay $0x2  }
0x354: {  	v17 =	vadd.s32 v11, v17;
	v18 =	vmul.f32 $5.000000070e-02, v18  }
0x355: {  	v16 =	vld.idx.msk [tilespmem:v16+s15+$0x0], $0xffff;
	v20 =	vshll.u32 v14, $0x5;
	v19 =	vand.u32 $0xFFFFFFF8, v17  }
0x356: {  	v17 =	vand.u32 $0x7, v17;
	v19 =	vadd.s32 v20, v19;
	v18 =	vtrunc.f32 v18  }
0x357: {  	v17 =	vor.u32 v17, v19;
	v18 =	vcvt.f32.s32 v18  }
0x358: {  	v13 =	vmul.u32 $0x6, v13  }
0x359: {  	v15 =	vadd.s32 v4, v15;
	s1 =	sadd.s32 $0x10, s1;
	v56 =	vmul.u32 $0xFFFFFFEC, v18  }
0x35a: {  	s16 =	sadd.s32 $0x10, s16;
	v13 =	vadd.s32 v13, v15;
	[tilespmem:s1+$0x0] =	vst v16  }
0x35b: {  	[tilespmem:s16+$0x0] =	vst v13;
	v57 =	vadd.s32 v12, v56  }
0x35c: {  	v60 =	vshll.u32 v18, $0x5;
	v58 =	vld.idx.msk [tilespmem:v17+s15+$0x0], $0xffff;
	v59 =	vand.u32 $0xFFFFFFF8, v57  }
0x35d: {  	v13 =	vand.u32 $0x7, v57;
	v16 =	vadd.s32 v60, v59  }
0x35e: {  	v13 =	vor.u32 v13, v16  }
0x35f: {  	v61 =	vmul.u32 $0x6, v14  }
0x360: {  	v11 =	vadd.s32 v4, v11;
	s1 =	sadd.s32 $0x10, s1  }
0x361: {  	v11 =	vadd.s32 v61, v11;
	s16 =	sadd.s32 $0x10, s16;
	[tilespmem:s1+$0x0] =	vst v58  }
0x362: {  	v10 =	vmul.f32 $1.666666720e-01, v10;
	[tilespmem:s16+$0x0] =	vst v11  }
0x363: {  	v11 =	vld.idx.msk [tilespmem:v13+s15+$0x0], $0xffff  }
0x364: {  	v10 =	vtrunc.f32 v10  }
0x365: {  	v10 =	vcvt.f32.s32 v10  }
0x366: {  	v62 =	vmul.u32 $0x6, v18  }
0x367: {  	v63 =	vadd.s32 v4, v12;
	v10 =	vmul.u32 $0x14, v10;
	s1 =	sadd.s32 $0x10, s1  }
0x368: {  	v9 =	vmul.f32 $1.666666720e-01, v9;
	v8 =	vadd.s32 v5, v8;
	s19 =	sadd.s32 $0x10, s16;
	[tilespmem:s1+$0x0] =	vst v11;
	v11 =	vadd.s32 v62, v63  }
0x369: {  	v10 =	vadd.s32 v10, v8;
	s1 =	simm.s32 $0x1200;
	[tilespmem:s19+$0x0] =	vst v11  }
0x36a: {  	v8 =	vtrunc.f32 v9;
	[tilespmem:s1+$0x0] =	vst v10  }
.LBB2_34:
0x36b: {  	v9 =	vor.u32 s13, v6;
	p0 =	sne.s32 s13, $0x170;
	s13 =	sadd.s32 $0x10, s13;
	v8 =	vcvt.f32.s32 v8  }
.Ltmp16:
0x36c: {  	v10 =	vcvt.s32.f32 v9;
	(pc) =	sbr.rel @p0 .LBB2_34-.Ltmp16, $4  }
0x36d: {  	v8 =	vmul.u32 $0x14, v8  }
0x36e: {  	v11 =	vadd.s32 v5, v7;
	v7 =	vmov v9;
	v10 =	vmul.f32 $1.666666720e-01, v10  }
0x36f: {  	s1 =	sadd.s32 $0x10, s1;
	v9 =	vadd.s32 v8, v11  }
0x370: {  	v8 =	vtrunc.f32 v10;
	[tilespmem:s1+$0x0] =	vst v9  }
0x371: {  	v8 =	vcvt.f32.s32 v8;
	_ =	sdelay $0x1  }
0x372: {  	v8 =	vmul.u32 $0x14, v8  }
0x373: {  	v7 =	vadd.s32 v5, v7  }
0x374: {  	s1 =	sadd.s32 $0x10, s1;
	v7 =	vadd.s32 v8, v7  }
0x375: {  	[tilespmem:s1+$0x0] =	vst v7  }
0x376: {  	[tilespmem:s25], [sflag:$0x5] =	stream.indirect.gather [hbm4b:s5+s23], $0x20, s24, s23, $0xb8;
	[tilespmem:$0x1C880] =	vst v63  }
0x377: {  	v7 =	vld [tilespmem:$0x1C700]  }
0x378: {  	v8 =	vld [tilespmem:$0x1C710]  }
0x379: {  	v9 =	vld [tilespmem:$0x1C720]  }
0x37a: {  	v10 =	vld [tilespmem:$0x1C730]  }
0x37b: {  	v11 =	vld [tilespmem:$0x1C740]  }
0x37c: {  	v12 =	vld [tilespmem:$0x1C750]  }
0x37d: {  	v13 =	vld [tilespmem:$0x1C760]  }
0x37e: {  	s19 =	simm.s32 $0x0;
	v14 =	vld [tilespmem:$0x1C770]  }
0x37f: {  	v22 =	vld [tilespmem:s19+$0x10]  }
0x380: {  	v15 =	vld [tilespmem:$0x1C780]  }
0x381: {  	v16 =	vld [tilespmem:$0x1C790]  }
0x382: {  	v17 =	vld [tilespmem:$0x1C7A0]  }
0x383: {  	v18 =	vld [tilespmem:$0x1C7B0]  }
0x384: {  	v19 =	vld [tilespmem:$0x1C860];
	v31 =	vbroadcast v22, $0x4  }
0x385: {  	v20 =	vld [tilespmem:$0x1C820];
	v25 =	vbroadcast v22, $0x9;
	v41 =	vbroadcast v22, $0x6  }
0x386: {  	v21 =	vld [tilespmem:$0x1C7C0];
	v26 =	vbroadcast v22, $0x7;
	v33 =	vbroadcast v22, $0x8  }
0x387: {  	v23 =	vld [tilespmem:$0x1C830];
	v35 =	vbroadcast v22, $0x5;
	v28 =	vmul.f32 v25, v17  }
0x388: {  	v24 =	vld [tilespmem:$0x1C7D0];
	v27 =	vmul.f32 v31, v7;
	v29 =	vmul.f32 v26, v13  }
0x389: {  	v32 =	vld [tilespmem:$0x1C7E0];
	v40 =	vmul.f32 v26, v14;
	v39 =	vmul.f32 v41, v11;
	v26 =	vadd.f32 v28, v19  }
0x38a: {  	v30 =	vld [tilespmem:$0x1C810];
	v37 =	vmul.f32 v25, v18;
	v38 =	vmul.f32 v33, v15  }
0x38b: {  	v45 =	vmul.f32 v35, v9;
	v36 =	vmul.f32 v35, v10;
	v25 =	vld [tilespmem:$0x1C840];
	v43 =	vsub.f32 $0.0e+00, v26  }
0x38c: {  	v44 =	vmul.f32 v31, v8;
	v31 =	vld [tilespmem:$0x1C870];
	v41 =	vmul.f32 v41, v12;
	v22 =	vadd.f32 v27, v21  }
0x38d: {  	v28 =	vld [tilespmem:$0x1C7F0];
	v34 =	vadd.f32 v29, v20;
	v27 =	vadd.f32 v40, v23;
	v46 =	vmul.f32 $1.442695020e+00, v43  }
0x38e: {  	s16 =	simm.s32 $0xB3E0;
	v29 =	vld [tilespmem:$0x1C800];
	v40 =	vmul.f32 v33, v16;
	v35 =	vadd.f32 v45, v32;
	v42 =	vsub.f32 $0.0e+00, v22  }
0x38f: {  	s13 =	simm.s32 $0x80;
	s15 =	simm.s32 $0xB3E0;
	s17 =	rddreg [dreg:$0xb];
	v33 =	vld [tilespmem:$0x1C850];
	v45 =	vsub.f32 $0.0e+00, v34;
	v43 =	vsub.f32 $0.0e+00, v27;
	(erf) = vpow2.f32 v46  }
.LBB2_36:
0x390: {  	p0 =	sne.s32 s13, $0x1F80  }
0x391: {  	v42 =	vmul.f32 $1.442695020e+00, v42;
	v44 =	vadd.f32 v44, v24;
	v43 =	vmul.f32 $1.442695020e+00, v43;
	s16 =	sadd.s32 $0xC0, s16;
	s1 =	smov.u32 s13;
	s13 =	sadd.s32 $0x80, s13  }
0x392: {  	v46 =	vsub.f32 $0.0e+00, v35;
	v36 =	vadd.f32 v36, v28;
	v45 =	vmul.f32 $1.442695020e+00, v45  }
0x393: {  	v39 =	vadd.f32 v39, v29;
	v47 =	vsub.f32 $0.0e+00, v44;
	(erf) = vpow2.f32 v42  }
0x394: {  	v41 =	vadd.f32 v41, v30;
	v42 =	vmul.f32 $1.442695020e+00, v46;
	(erf) = vpow2.f32 v45  }
0x395: {  	v40 =	vadd.f32 v40, v33;
	v45 =	vsub.f32 $0.0e+00, v39  }
0x396: {  	v48 =	vsub.f32 $0.0e+00, v41;
	v46 =	vmul.f32 $1.442695020e+00, v47;
	(erf) = vpow2.f32 v42  }
0x397: {  	v42 =	vmul.f32 $1.442695020e+00, v45;
	v45 =	vsub.f32 $0.0e+00, v40;
	(erf) = vpow2.f32 v43  }
0x398: {  	v38 =	vadd.f32 v38, v25;
	v43 =	vmul.f32 $1.442695020e+00, v48;
	(erf) = vpow2.f32 v46  }
0x399: {  	v37 =	vadd.f32 v37, v31;
	v46 =	vsub.f32 $0.0e+00, v36;
	v45 =	vmul.f32 $1.442695020e+00, v45;
	v47 =	vpop (erf)  }
0x39a: {  	v49 =	vsub.f32 $0.0e+00, v38;
	v47 =	vadd.f32 $1.000000000e+00, v47;
	(erf) = vpow2.f32 v42  }
0x39b: {  	v50 =	vmul.f32 $1.442695020e+00, v46;
	v46 =	vsub.f32 $0.0e+00, v37;
	(erf) = vpow2.f32 v45  }
0x39c: {  	v49 =	vmul.f32 $1.442695020e+00, v49;
	v48 =	vpop (erf);
	(erf) = vpow2.f32 v43  }
0x39d: {  	v46 =	vmul.f32 $1.442695020e+00, v46;
	v43 =	vadd.f32 $1.000000000e+00, v48;
	(erf) = vpow2.f32 v50;
	v42 =	vpop (erf)  }
0x39e: {  	v48 =	vadd.f32 $1.000000000e+00, v42;
	(erf) = vpow2.f32 v49  }
0x39f: {  	v45 =	vpop (erf);
	(erf) = vpow2.f32 v46  }
0x3a0: {  	s1 =	sshra.s32 s1, $0x2;
	v45 =	vadd.f32 $1.000000000e+00, v45;
	(erf) = vrcp.f32 v48;
	v42 =	vpop (erf)  }
0x3a1: {  	v48 =	vadd.f32 $1.000000000e+00, v42;
	v46 =	vpop (erf);
	(erf) = vrcp.f32 v47  }
0x3a2: {  	v46 =	vadd.f32 $1.000000000e+00, v46;
	(erf) = vrcp.f32 v45  }
0x3a3: {  	(erf) = vrcp.f32 v43;
	v43 =	vpop (erf)  }
0x3a4: {  	v43 =	vadd.f32 $1.000000000e+00, v43;
	(erf) = vrcp.f32 v48;
	v42 =	vpop (erf)  }
0x3a5: {  	v42 =	vadd.f32 $1.000000000e+00, v42;
	(erf) = vrcp.f32 v46;
	v45 =	vpop (erf)  }
0x3a6: {  	v47 =	vadd.f32 $1.000000000e+00, v45;
	v46 =	vpop (erf);
	(erf) = vrcp.f32 v43  }
0x3a7: {  	v48 =	vadd.f32 $1.000000000e+00, v46;
	v46 =	vpop (erf);
	(erf) = vrcp.f32 v42  }
0x3a8: {  	v46 =	vadd.f32 $1.000000000e+00, v46;
	(erf) = vrcp.f32 v47;
	v45 =	vpop (erf)  }
0x3a9: {  	v45 =	vadd.f32 $1.000000000e+00, v45;
	(erf) = vrcp.f32 v48;
	v43 =	vpop (erf)  }
0x3aa: {  	v43 =	vmul.f32 v43, v34;
	(erf) = vrcp.f32 v46;
	v42 =	vpop (erf)  }
0x3ab: {  	v46 =	vmul.f32 v42, v26;
	v42 =	vpop (erf);
	(erf) = vrcp.f32 v45  }
0x3ac: {  	v35 =	vmul.f32 v42, v35;
	[tilespmem:s15+$0x0] =	vst v43;
	v34 =	vpop (erf)  }
0x3ad: {  	v22 =	vmul.f32 v34, v22;
	[tilespmem:s15+$0x40] =	vst v46;
	v26 =	vpop (erf)  }
0x3ae: {  	[tilespmem:s15+$0xFFFFFFC0] =	vst v35;
	v34 =	vmul.f32 v26, v27;
	v27 =	vpop (erf)  }
0x3af: {  	[tilespmem:s15+$0xFFFFFFA0] =	vst v22;
	v22 =	vmul.f32 v27, v44;
	v27 =	vpop (erf)  }
0x3b0: {  	v35 =	vmul.f32 v27, v39;
	[tilespmem:s15+$0x10] =	vst v34;
	v26 =	vpop (erf)  }
0x3b1: {  	[tilespmem:s15+$0xFFFFFFB0] =	vst v22;
	v34 =	vmul.f32 v26, v40;
	v26 =	vpop (erf)  }
0x3b2: {  	[tilespmem:s15+$0xFFFFFFE0] =	vst v35;
	v35 =	vmul.f32 v26, v41;
	v27 =	vpop (erf)  }
0x3b3: {  	v27 =	vmul.f32 v27, v36;
	[tilespmem:s15+$0x30] =	vst v34;
	v22 =	vpop (erf)  }
0x3b4: {  	[tilespmem:s15+$0xFFFFFFF0] =	vst v35;
	v22 =	vmul.f32 v22, v38;
	v26 =	vpop (erf)  }
0x3b5: {  	[tilespmem:s15+$0xFFFFFFD0] =	vst v27;
	v26 =	vmul.f32 v26, v37  }
0x3b6: {  	[tilespmem:s15+$0x20] =	vst v22  }
0x3b7: {  	[tilespmem:s15+$0x50] =	vst v26;
	s15 =	smov.u32 s16  }
0x3b8: {  	v22 =	vld [tilespmem:s1+$0x10];
	_ =	sdelay $0x4  }
0x3b9: {  	v35 =	vbroadcast v22, $0x4;
	v27 =	vbroadcast v22, $0x9  }
0x3ba: {  	v41 =	vbroadcast v22, $0x6;
	v26 =	vbroadcast v22, $0x7  }
0x3bb: {  	v36 =	vmul.f32 v35, v7;
	v34 =	vmul.f32 v27, v17  }
0x3bc: {  	v40 =	vbroadcast v22, $0x8;
	v37 =	vmul.f32 v26, v13  }
0x3bd: {  	v42 =	vbroadcast v22, $0x5;
	v43 =	vmul.f32 v26, v14;
	v26 =	vadd.f32 v34, v19  }
0x3be: {  	v39 =	vmul.f32 v41, v11;
	v34 =	vadd.f32 v37, v20;
	v37 =	vmul.f32 v27, v18  }
.Ltmp17:
0x3bf: {  	v38 =	vmul.f32 v40, v15;
	v22 =	vadd.f32 v36, v21;
	v44 =	vsub.f32 $0.0e+00, v26;
	(pc) =	sbr.rel @p0 .LBB2_36-.Ltmp17, $4  }
0x3c0: {  	v45 =	vmul.f32 v42, v9;
	v36 =	vmul.f32 v42, v10;
	v27 =	vadd.f32 v43, v23  }
0x3c1: {  	v40 =	vmul.f32 v40, v16;
	v42 =	vsub.f32 $0.0e+00, v22;
	v46 =	vmul.f32 $1.442695020e+00, v44  }
0x3c2: {  	v43 =	vsub.f32 $0.0e+00, v27;
	v44 =	vmul.f32 v35, v8;
	v35 =	vadd.f32 v45, v32  }
0x3c3: {  	v41 =	vmul.f32 v41, v12;
	v45 =	vsub.f32 $0.0e+00, v34;
	(erf) = vpow2.f32 v46  }
0x3c4: {  	v7 =	vmul.f32 $1.442695020e+00, v42  }
0x3c5: {  	v8 =	vadd.f32 v44, v24;
	v9 =	vsub.f32 $0.0e+00, v35;
	v10 =	vmul.f32 $1.442695020e+00, v45  }
0x3c6: {  	v11 =	vadd.f32 v36, v28;
	v14 =	vadd.f32 v40, v33;
	(erf) = vpow2.f32 v7  }
0x3c7: {  	v7 =	vadd.f32 v39, v29;
	v9 =	vmul.f32 $1.442695020e+00, v9;
	(erf) = vpow2.f32 v10  }
0x3c8: {  	v21 =	vmul.f32 $1.442695020e+00, v43;
	v28 =	vadd.f32 v38, v25;
	v12 =	vsub.f32 $0.0e+00, v8  }
0x3c9: {  	v13 =	vadd.f32 v41, v30;
	v15 =	vsub.f32 $0.0e+00, v7;
	(erf) = vpow2.f32 v9  }
0x3ca: {  	v17 =	vadd.f32 v37, v31;
	v16 =	vsub.f32 $0.0e+00, v14;
	v12 =	vmul.f32 $1.442695020e+00, v12  }
0x3cb: {  	v23 =	vsub.f32 $0.0e+00, v13;
	(erf) = vpow2.f32 v21;
	v24 =	vmul.f32 $1.442695020e+00, v15  }
0x3cc: {  	v29 =	vsub.f32 $0.0e+00, v11;
	v16 =	vmul.f32 $1.442695020e+00, v16;
	(erf) = vpow2.f32 v12  }
0x3cd: {  	v18 =	vsub.f32 $0.0e+00, v28;
	v9 =	vmul.f32 $1.442695020e+00, v23;
	(erf) = vpow2.f32 v24  }
0x3ce: {  	v19 =	vsub.f32 $0.0e+00, v17;
	v12 =	vmul.f32 $1.442695020e+00, v29;
	v30 =	vpop (erf);
	(erf) = vpow2.f32 v16  }
0x3cf: {  	v31 =	vmul.f32 $1.442695020e+00, v18;
	v32 =	vpop (erf);
	(erf) = vpow2.f32 v9  }
0x3d0: {  	v33 =	vmul.f32 $1.442695020e+00, v19;
	(erf) = vpow2.f32 v12;
	v36 =	vpop (erf)  }
0x3d1: {  	v12 =	vadd.f32 $1.000000000e+00, v36;
	(erf) = vpow2.f32 v31  }
0x3d2: {  	v10 =	vadd.f32 $1.000000000e+00, v30;
	v37 =	vpop (erf);
	(erf) = vpow2.f32 v33  }
0x3d3: {  	v38 =	vadd.f32 $1.000000000e+00, v37;
	(erf) = vrcp.f32 v12  }
0x3d4: {  	v39 =	vadd.f32 $1.000000000e+00, v32;
	v40 =	vpop (erf);
	(erf) = vrcp.f32 v10  }
0x3d5: {  	v41 =	vadd.f32 $1.000000000e+00, v40;
	v42 =	vpop (erf);
	(erf) = vrcp.f32 v38  }
0x3d6: {  	v43 =	vadd.f32 $1.000000000e+00, v42;
	v44 =	vpop (erf);
	(erf) = vrcp.f32 v39  }
0x3d7: {  	v12 =	vadd.f32 $1.000000000e+00, v44;
	v45 =	vpop (erf);
	(erf) = vrcp.f32 v41  }
0x3d8: {  	v10 =	vadd.f32 $1.000000000e+00, v45;
	(erf) = vrcp.f32 v43;
	v46 =	vpop (erf)  }
0x3d9: {  	v47 =	vpop (erf);
	(erf) = vrcp.f32 v12  }
0x3da: {  	v49 =	vpop (erf);
	(erf) = vrcp.f32 v10  }
0x3db: {  	v9 =	vadd.f32 $1.000000000e+00, v46;
	v51 =	vpop (erf)  }
0x3dc: {  	v48 =	vadd.f32 $1.000000000e+00, v47;
	v52 =	vpop (erf)  }
0x3dd: {  	v50 =	vadd.f32 $1.000000000e+00, v49;
	(erf) = vrcp.f32 v9;
	v53 =	vpop (erf)  }
0x3de: {  	v9 =	vadd.f32 $1.000000000e+00, v51;
	(erf) = vrcp.f32 v48;
	v54 =	vpop (erf)  }
0x3df: {  	v12 =	vmul.f32 v52, v34;
	(erf) = vrcp.f32 v50;
	v56 =	vpop (erf)  }
0x3e0: {  	v10 =	vmul.f32 v53, v26;
	(erf) = vrcp.f32 v9;
	v57 =	vpop (erf)  }
0x3e1: {  	v55 =	vmul.f32 v54, v35;
	[tilespmem:s15+$0x0] =	vst v12;
	v59 =	vpop (erf)  }
0x3e2: {  	[tilespmem:s15+$0x40] =	vst v10;
	v8 =	vmul.f32 v59, v8;
	v60 =	vpop (erf)  }
0x3e3: {  	v12 =	vmul.f32 v56, v22;
	[tilespmem:s15+$0xFFFFFFC0] =	vst v55;
	v61 =	vpop (erf)  }
0x3e4: {  	v58 =	vmul.f32 v57, v27;
	[tilespmem:s15+$0xFFFFFFB0] =	vst v8;
	v8 =	vmul.f32 v61, v14  }
0x3e5: {  	[tilespmem:s15+$0xFFFFFFA0] =	vst v12;
	v7 =	vmul.f32 v60, v7  }
0x3e6: {  	[tilespmem:s15+$0x10] =	vst v58;
	v62 =	vpop (erf)  }
0x3e7: {  	[tilespmem:s15+$0xFFFFFFE0] =	vst v7;
	v7 =	vmul.f32 v62, v13;
	v63 =	vpop (erf)  }
0x3e8: {  	v9 =	vmul.f32 v63, v11;
	[tilespmem:s15+$0x30] =	vst v8;
	v8 =	vpop (erf)  }
0x3e9: {  	[tilespmem:s15+$0xFFFFFFF0] =	vst v7;
	v7 =	vmul.f32 v8, v28;
	v8 =	vpop (erf)  }
0x3ea: {  	[tilespmem:s15+$0xFFFFFFD0] =	vst v9;
	v8 =	vmul.f32 v8, v17  }
0x3eb: {  	[tilespmem:s15+$0x20] =	vst v7  }
0x3ec: {  	[tilespmem:s15+$0x50] =	vst v8  }
0x3ed: {  	_ =	swait.ge [sflag:s26], $0xA000  }
0x3ee: {  	[sflag:s26] =	ssyncset.done $0x0  }
0x3ef: {  	[sflag:s26] =	ssyncadd.s32 $0xFFFF6000  }
0x3f0: {  	[hbm4b:s2+s23] =	stream.indirect.scatter [tilespmem:s25], [sflag:$0x1], $0x20, s28, s23, $0xb8;
	[tilespmem:$0x1C880] =	vst v63  }
0x3f1: {  	_ = 	snop  }
0x3f2: {  	[hbm4b:s2+s29] =	stream.indirect.scatter [tilespmem:s31], [sflag:$0x1], $0x20, s30, s29, $0xb8;
	[tilespmem:$0x1C880] =	vst v63  }
0x3f3: {  	s1 =	rddreg [dreg:$0x9]  }
0x3f4: {  	[tilespmem:s3], [sflag:$0x2] =	stream.linear.gather [hbm4b:s1+s3], $0x800, $0x38;
	[tilespmem:$0x1C880] =	vst v63  }
0x3f5: {  	_ =	swait.ge [sflag:s10], $0xA000  }
0x3f6: {  	[sflag:s10] =	ssyncset.done $0x0  }
0x3f7: {  	[sflag:s10] =	ssyncadd.s32 $0xFFFF6000  }
0x3f8: {  	_ =	swait.ge [sflag:s10], $0x3000  }
0x3f9: {  	[sflag:s10] =	ssyncset.done $0x0  }
0x3fa: {  	[sflag:s10] =	ssyncadd.s32 $0xFFFFD000  }
0x3fb: {  	_ =	swait.ge [sflag:s22], $0x800  }
0x3fc: {  	[sflag:s22] =	ssyncset.done $0x0  }
0x3fd: {  	[sflag:s22] =	ssyncadd.s32 $0xFFFFF800  }
0x3fe: {  	_ =	swait.ge [sflag:s11], $0xA000  }
0x3ff: {  	[sflag:s11] =	ssyncset.done $0x0  }
0x400: {  	[sflag:s11] =	ssyncadd.s32 $0xFFFF6000  }
0x401: {  	_ =	swait.ge [sflag:s11], $0x3000  }
0x402: {  	[sflag:s11] =	ssyncset.done $0x0  }
0x403: {  	[sflag:s11] =	ssyncadd.s32 $0xFFFFD000  }
0x404: {  	_ =	swait.ge [sflag:s0], $0x800  }
0x405: {  	s17 =	sadd.s32 $0x1, s17;
	s19 =	rddreg [dreg:$0xa]  }
0x406: {  	p0 =	sne.s32 s17, s19  }
.Ltmp18:
0x407: {  	_ = 	snop;
	(pc) =	sbr.rel @p0 .LBB2_1-.Ltmp18, $4  }
.Ltmp19:
0x408: {  	_ = 	snop;
	(pc) =	sbr.rel @!p0 .LBB2_38-.Ltmp19, $4  }
0x409: {  	_ = 	snop  }
0x40a: {  	[sflag:s0] =	ssyncset.done $0x0  }
0x40b: {  	[sflag:s0] =	ssyncadd.s32 $0xFFFFF800  }
0x40c: {  	_ = 	snop  }
.LBB2_4:
.Ltmp20:
0x40d: {  	(pc) =	sbr.rel .LBB2_9-.Ltmp20, $2  }
0x40e: {  	_ =	sdelay $0x2  }
0x40f: {  	s13 =	simm.s32 $0x1200  }
.LBB2_6:
.Ltmp21:
0x410: {  	(pc) =	sbr.rel .LBB2_9-.Ltmp21, $2  }
0x411: {  	_ =	sdelay $0x2  }
0x412: {  	v8 =	vmov v7;
	s13 =	simm.s32 $0x1200  }
.LBB2_38:
0x413: {  	_ =	sfence.sel $0x180000  }
0x414: {  	[bflag:$0x0] =	sbarrier.arrive $0xFFFF  }
0x415: {  	_ =	strace $0x90000047  }
0x416: {  	s0 =	stileid.u32;
	[bflag:$0x2] =	sbarrier.arrive $0xFFFF  }
0x417: {  	p0 =	sne.s32 s0, $0x0;
	s0 =	rddreg [dreg:$0x2]  }
0x418: {  	s0 =	sadd.s32 @!p0 $0x100000, s0  }
0x419: {  	[sflag:s0] =	ssyncadd.tile.s32 @!p0 $0x1;
	_ =	shalt  }
.Lfunc_end2:
_tile_overlayer_lowered:
.L_overlay_start_2:
0x41a: {  	(tag) =	ssettag $0x2  }
0x41b: {  	s0 =	rddreg [dreg:$0x0];
	s2 =	stileid.u32  }
0x41c: {  	s1 =	rddreg [dreg:$0x1];
	p0 =	sne.s32 s2, $0x0  }
0x41d: {  	s3 =	rddreg [dreg:$0x2];
	[bflag:$0x3] =	sbarrier.arrive $0xFFFF;
	s2 =	simm.s32 @!p0 $0x1C06  }
0x41e: {  	[timem:s3], [sflag:s2] =	dma.local @!p0 [hbm:s0], s1  }
0x41f: {  	s0 =	simm.s32 @!p0 $0x6  }
0x420: {  	_ =	swait.ge @!p0 [sflag:s0], s1  }
0x421: {  	s1 =	ssub.s32 @!p0 $0x0, s1;
	[sflag:s0] =	ssyncset.done @!p0 $0x0  }
0x422: {  	[sflag:s0] =	ssyncadd.s32 @!p0 s1  }
0x423: {  	[bflag:$0x3] =	sbarrier.arrive $0xFFFF  }
0x424: {  	_ =	shalt  }

// kernel: sparse-core-data-format-call.cloned.1.call-start
scs
called_computation_lowered:
.L_overlay_start_0:
0x0: {  	s2 =	sld [smem:$0x3FD9]  }
0x1: {  	s3 =	sld [smem:$0x3FFE];
	_ =	sdelay $0x1  }
0x2: {  	s1 =	srdreg.scid  }
0x3: {  	s0 =	sand.u32 $0x1, s1  }
0x4: {  	s18 =	sshll.u32 s0, $0xA;
	s2 =	sadd.s32 s3, s2  }
0x5: {  	s2 =	sadd.s32 s2, s18  }
0x6: {  	[smem:$0x3FC4] =	sst s2  }
0x7: {  	_ = 	snop  }
0x8: {  	s2 =	sld [smem:$0x3FD0];
	(tm) =	ssettm $0x1  }
0x9: {  	s19 =	sld [smem:$0x3FFB];
	_ =	sdelay $0x3  }
0xa: {  	_ =	strace s19  }
0xb: {  	s3 =	sld [smem:$0x3FFC];
	_ =	sdelay $0x3  }
0xc: {  	_ =	strace s3  }
0xd: {  	s3 =	sld [smem:$0x3FFD];
	_ =	sdelay $0x3  }
0xe: {  	_ =	strace s3  }
0xf: {  	_ =	strace $0x8FFFFFFF  }
0x10: {  	s20 =	sld [smem:$0x3FDB];
	_ =	sdelay $0x1  }
0x11: {  	s4 =	simm.s32 $_scs_section_size  }
0x12: {  	s5 =	simm.s32 $_size__tile_overlayer_lowered;
	s6 =	simm.s32 $_tile_overlayer_lowered  }
0x13: {  	s23 =	simm.s32 $0x1BFF;
	s22 =	sshll.u32 s6, $0x1;
	s3 =	sadd.s32 s4, s20  }
0x14: {  	s7 =	simm.s32 $0x0;
	s21 =	sshll.u32 s5, $0x1;
	s5 =	sadd.s32 s22, s3  }
0x15: {  	[timem:s7], [sflag:s23] =	dma.local [hbm:s5], s21  }
0x16: {  	_ =	swait.ge [sflag:s23], s21  }
0x17: {  	s4 =	ssub.s32 $0x0, s21;
	[sflag:s23] =	ssyncset.done $0x0  }
0x18: {  	[sflag:s23] =	ssyncadd.s32 s4;
	_ =	sdelay $0x1  }
0x19: {  	s24 =	simm.s32 $0x1B8B  }
0x1a: {  	_ =	swait.ge [sflag:s24], $0x1  }
0x1b: {  	[sflag:s24] =	ssyncset.done $0x0  }
0x1c: {  	s26 =	simm.s32 $0x1B8E;
	s25 =	sld [smem:$0x3FFE];
	[sflag:s24] =	ssyncadd.s32 $0xFFFFFFFF  }
0x1d: {  	s27 =	simm.s32 $execute0_lowered;
	[smem:$0x3FD2] =	sst s26  }
0x1e: {  	s5 =	sshll.u32 s27, $0x1;
	_ =	strace $0x80000049;
	[dreg:$0x1] =	wrdreg $0xFFFFFFFF  }
0x1f: {  	s28 =	simm.s32 $_size_execute0_lowered;
	s3 =	sadd.s32 s3, s5;
	[dreg:$0x0] =	wrdreg $0x0  }
0x20: {  	s5 =	sshll.u32 s28, $0x1;
	[dreg:$0x2] =	wrdreg s3  }
0x21: {  	[dreg:$0x3] =	wrdreg s5  }
0x22: {  	[dreg:$0x4] =	wrdreg $0xC0  }
0x23: {  	_ =	task [dreg:s7], $0x5FFFF  }
0x24: {  	[dreg:$0x1] =	wrdreg $0xFFFFFFFF  }
0x25: {  	[dreg:$0x0] =	wrdreg $0x60  }
0x26: {  	[dreg:$0x2] =	wrdreg s25  }
0x27: {  	[dreg:$0x3] =	wrdreg s2  }
0x28: {  	[dreg:$0x4] =	wrdreg $0x9  }
0x29: {  	_ =	task.clear_ibuf [dreg:s7], $0x5FFFF;
	_ =	strace $0x90000049  }
0x2a: {  	s29 =	simm.s32 $0x9;
	_ =	strace $0x8000004B  }
0x2b: {  	_ =	swait.ge [sflag:s29], $0x1  }
0x2c: {  	[sflag:s29] =	ssyncadd.s32 $0xFFFFFFFF  }
0x2d: {  	_ =	strace $0x9000004B  }
0x2e: {  	_ =	sfence  }
0x2f: {  	s30 =	sld [smem:$0x0];
	_ =	sdelay $0x2  }
0x30: {  	s31 =	sshll.u32 s1, $0xD;
	s1 =	sshrl.u32 s1, $0x2  }
0x31: {  	s3 =	sand.u32 $0x4000, s31;
	s1 =	sadd.s32 s1, s30  }
0x32: {  	s0 =	sor.u32 s3, s0;
	s1 =	sshll.u32 s1, $0x11  }
0x33: {  	s0 =	sor.u32 s1, s0  }
0x34: {  	s0 =	sadd.s32 $0x8F2B, s0  }
0x35: {  	[sflag:s0] =	ssyncadd.remote.s32 $0x1  }
0x36: {  	_ =	sfence.sel $0xFFFF  }
0x37: {  	[dreg:$0x0] =	wrdreg $0xFFFFFFFF;
	(pc) =	sbr.abs _section_cstart, $3  }
0x38: {  	[dreg:$0x1] =	wrdreg $0xFFFFFFFF  }
0x39: {  	_ =	task.clear_ibuf [dreg:s7], $0x2FFFF;
	_ =	strace $0x9FFFFFFF  }
0x3a: {  	(tm) =	ssettm $0x7FFFFFFF  }
0x3b: {  	_ =	shalt  }
tec
execute0_lowered:
.L_overlay_start_1:
0x0: {  	(tag) =	ssettag $0x1  }
0x1: {  	s0 =	stileid.u32  }
0x2: {  	s1 =	srdreg.scid;
	s2 =	sshll.u32 s0, $0x7  }
0x3: {  	s7 =	rddreg [dreg:$0x0];
	s3 =	sshll.u32 s1, $0x4;
	s1 =	sand.u32 $0x380, s2  }
0x4: {  	s8 =	simm.s32 $0x2;
	s30 =	sand.u32 $0x10, s3;
	s31 =	ssub.s32 $0x400, s1  }
0x5: {  	s14 =	simm.s32 $0x0;
	s2 =	sor.u32 s0, s30;
	s4 =	sand.u32 $0x380, s31  }
0x6: {  	s2 =	sshrl.u32 s2, $0x3;
	p0 =	sne.s32 s4, $0x0;
	s4 =	simm.s32 $0x1  }
0x7: {  	s3 =	sshrl.u32 s31, $0xA;
	s5 =	ssub.s32 $0x1D, s2;
	s4 =	simm.s32 @!p0 $0x0  }
0x8: {  	s9 =	simm.s32 $0x2000;
	s5 =	sshrl.u32 s5, $0x2;
	s3 =	sadd.s32 s4, s3  }
0x9: {  	s16 =	simm.s32 $0x0;
	s15 =	simm.s32 $0x0;
	s6 =	smul.u32 s5, s3  }
.Ltmp0:
0xa: {  	s11 =	simm.s32 $0x0;
	s4 =	rddreg [dreg:$0x1];
	(pc) =	sbr.rel .LBB1_1-.Ltmp0, $4  }
0xb: {  	s13 =	simm.s32 $0x0;
	s7 =	sadd.s32 $0xE00, s7;
	s3 =	rddreg [dreg:$0x2]  }
0xc: {  	_ =	strace $0x8000004A;
	s5 =	simm.s32 $0x1;
	s6 =	smul.u32 $0x32, s6  }
0xd: {  	s12 =	smov.u32 s1;
	s10 =	smov.u32 s2;
	[sflag:s5] =	ssyncpa.u1 $0x0  }
0xe: {  	p0 =	por $0x0, $0x0;
	[sflag:s8] =	ssyncpa.u1 $0x0;
	s8 =	sor.u32 $0x1, s6  }
.LBB1_4:
0xf: {  	s19 =	sand.u32 $0xF80, s15;
	s16 =	smul.u32 $0x1A000, s16  }
0x10: {  	s20 =	sshrl.u32 s15, $0x3;
	s19 =	sadd.s32 s4, s19  }
0x11: {  	s31 =	sand.u32 $0x7, s15;
	s20 =	sand.u32 $0xF, s20;
	s16 =	sadd.s32 s16, s19  }
0x12: {  	s14 =	sshll.u32 s14, $0xC;
	s15 =	sshll.u32 s31, $0x12;
	s16 =	sadd.s32 s20, s16  }
0x13: {  	[tilespmem:s18+$0x0 ss:$0x81] =	vst.msk $0xffff, v0;
	s15 =	sor.u32 $0x400, s15;
	s14 =	sadd.s32 s14, s16  }
0x14: {  	[hbm4b:s14+s15] =	stream.strided.scatter [tilespmem:s17], [sflag:$0x2], $0x1000, s9, s15, $0x20;
	[tilespmem:$0x4040] =	vst v63  }
.LBB1_5:
0x15: {  	s17 =	sadd.s32 $0x4, s10  }
0x16: {  	s14 =	simm.s32 $0x1;
	p2 =	sgt.s32 s17, $0x19  }
0x17: {  	s14 =	simm.s32 @!p2 $0x0  }
0x18: {  	s18 =	sadd.s32 s14, s11  }
0x19: {  	s20 =	smov.u32 s12;
	s14 =	sadd.s32 $0x400, s12;
	p3 =	sgt.s32 s18, $0x31  }
0x1a: {  	s20 =	smov.u32 @p3 s14  }
0x1b: {  	p1 =	slt.u32 s13, $0x2;
	s17 =	smov.u32 @p2 s2;
	p2 =	sgt.s32 s20, $0x3FF  }
0x1c: {  	s19 =	simm.s32 @!p1 $0x2;
	s20 =	smov.u32 @p2 s1;
	p2 =	sne.s32 s13, s8  }
.Ltmp1:
0x1d: {  	_ =	swait.ge @!p1 [sflag:s19], $0x1000;
	(pc) =	sbr.rel @!p2 .LBB1_6-.Ltmp1, $4  }
0x1e: {  	s16 =	smov.u32 s11;
	[sflag:s19] =	ssyncset.done @!p1 $0x0  }
0x1f: {  	s15 =	smov.u32 s12;
	p0 =	por !p0, !p0;
	[sflag:s19] =	ssyncadd.s32 @!p1 $0xFFFFF000  }
0x20: {  	s18 =	simm.s32 @p3 $0x0;
	s14 =	smov.u32 s10;
	s10 =	smov.u32 s17  }
0x21: {  	s11 =	smov.u32 s18;
	s13 =	sadd.s32 $0x1, s13;
	s12 =	smov.u32 s20  }
.LBB1_1:
0x22: {  	p1 =	sge.u32 s13, s6  }
0x23: {  	s18 =	smul.u32 @!p1 $0x6400, s12  }
0x24: {  	s31 =	sadd.s32 $0xFFFFFFFF, s13;
	s17 =	sxor.u32 @!p1 $0xFFFFFFFF, s13;
	s19 =	sshll.u32 @!p1 s11, $0x9  }
0x25: {  	s20 =	sshll.u32 @!p1 s10, $0x4;
	s17 =	sshll.u32 @!p1 s17, $0xC;
	s18 =	sadd.s32 @!p1 s7, s18  }
0x26: {  	s20 =	sand.u32 @!p1 $0x1F0, s20;
	s17 =	sand.u32 @!p1 $0x1000, s17;
	s18 =	sadd.s32 @!p1 s19, s18  }
0x27: {  	s19 =	simm.s32 @!p1 $0x20;
	s18 =	sadd.s32 @!p1 s20, s18;
	s20 =	simm.s32 @!p1 $0x32000  }
0x28: {  	[tilespmem:s17], [sflag:$0x1] =	stream.strided.gather @!p1 [hbm4b:s18+s19], $0x1000, s20, s19, $0x38;
	[tilespmem:$0x4040] =	vst v63  }
0x29: {  	p1 =	sge.u32 s31, s6  }
.Ltmp2:
0x2a: {  	_ = 	snop;
	(pc) =	sbr.rel @p1 .LBB1_5-.Ltmp2, $1  }
0x2b: {  	_ =	sdelay $0x3  }
0x2c: {  	s17 =	simm.s32 $0x1  }
0x2d: {  	_ =	swait.ge [sflag:s5], $0x1000;
	s17 =	simm.s32 @!p0 $0x0  }
0x2e: {  	[sflag:s5] =	ssyncset.done $0x0;
	s18 =	sshll.u32 s17, $0xC  }
0x2f: {  	[sflag:s5] =	ssyncadd.s32 $0xFFFFF000;
	s21 =	sor.u32 $0x10, s18  }
0x30: {  	s17 =	smul.u32 $0x4080, s17;
	v1 =	vld [tilespmem:s21+$0x0]  }
0x31: {  	s30 =	sand.u32 $0x1, s13;
	v0 =	vld [tilespmem:s21+$0xFFFFFFF0]  }
0x32: {  	s18 =	smul.u32 $0x4080, s30;
	s17 =	sshrl.u32 s17, $0x2  }
0x33: {  	s19 =	sor.u32 $0x2000, s17  }
0x34: {  	s31 =	sshrl.u32 s18, $0x2;
	s18 =	sadd.s32 $0x0, s19  }
0x35: {  	s20 =	simm.s32 $0x4;
	s21 =	sadd.s32 $0x20, s21;
	s17 =	sor.u32 $0x2000, s31;
	[tilespmem:s18+$0x810 ss:$0x81] =	vst.msk $0xffff, v1  }
.LBB1_3:
0x36: {  	v1 =	vld [tilespmem:s21+$0x0];
	p1 =	sne.s32 s20, $0x1FC;
	[tilespmem:s18+$0x0 ss:$0x81] =	vst.msk $0xffff, v0;
	s18 =	smov.u32 s20;
	s20 =	sadd.s32 $0x4, s20  }
.Ltmp3:
0x37: {  	v0 =	vld [tilespmem:s21+$0xFFFFFFF0];
	(pc) =	sbr.rel @p1 .LBB1_3-.Ltmp3, $4  }
0x38: {  	_ = 	snop  }
0x39: {  	s18 =	sshra.s32 s18, $0x2  }
0x3a: {  	s18 =	sadd.s32 s18, s19  }
0x3b: {  	s21 =	sadd.s32 $0x20, s21;
	[tilespmem:s18+$0x810 ss:$0x81] =	vst.msk $0xffff, v1  }
.Ltmp4:
0x3c: {  	_ = 	snop;
	(pc) =	sbr.rel .LBB1_4-.Ltmp4, $1  }
0x3d: {  	_ =	sdelay $0x3  }
.LBB1_6:
0x3e: {  	_ =	sfence.sel $0x180000  }
0x3f: {  	s1 =	simm.s32 $0x1;
	[bflag:$0x0] =	sbarrier.arrive $0xFFFF  }
0x40: {  	s31 =	simm.s32 $0x2;
	[sflag:s1] =	ssyncpa.u1 $0x1  }
0x41: {  	[sflag:s31] =	ssyncpa.u1 $0x1  }
0x42: {  	p0 =	sne.s32 s0, $0x0;
	_ =	strace $0x9000004A  }
0x43: {  	s0 =	sadd.s32 @!p0 $0x100000, s3;
	[bflag:$0x2] =	sbarrier.arrive $0xFFFF  }
0x44: {  	[sflag:s0] =	ssyncadd.tile.s32 @!p0 $0x1;
	_ =	shalt  }
.Lfunc_end1:
_tile_overlayer_lowered:
.L_overlay_start_2:
0x45: {  	(tag) =	ssettag $0x2  }
0x46: {  	s0 =	rddreg [dreg:$0x0];
	s2 =	stileid.u32  }
0x47: {  	s1 =	rddreg [dreg:$0x1];
	p0 =	sne.s32 s2, $0x0  }
0x48: {  	s3 =	rddreg [dreg:$0x2];
	[bflag:$0x3] =	sbarrier.arrive $0xFFFF;
	s2 =	simm.s32 @!p0 $0x1C01  }
0x49: {  	[timem:s3], [sflag:s2] =	dma.local @!p0 [hbm:s0], s1  }
0x4a: {  	s0 =	simm.s32 @!p0 $0x1  }
0x4b: {  	_ =	swait.ge @!p0 [sflag:s0], s1  }
0x4c: {  	s1 =	ssub.s32 @!p0 $0x0, s1;
	[sflag:s0] =	ssyncset.done @!p0 $0x0  }
0x4d: {  	[sflag:s0] =	ssyncadd.s32 @!p0 s1  }
0x4e: {  	[bflag:$0x3] =	sbarrier.arrive $0xFFFF  }
0x4f: {  	_ =	shalt  }

</sc_bundles>
